<compile_context>
chip_gen: v7x
topology: tpu7x:2x2x1
jax: 0.10.2.dev20260603
libtpu: 0.0.44.dev20260713+nightly
codegen_flags: <defaults>
</compile_context>

<pallas_src>
import functools

import jax
import jax.numpy as jnp
from jax import lax
from jax.experimental import pallas as pl
from jax.experimental.pallas import tpu as pltpu
from jax.experimental.pallas import tpu_sc as plsc

NC = 2
NS = 16
LANES = 128


def _round_up(a, b):
    return (a + b - 1) // b * b


def _sc_deg(ei3, np_, cpw):
    rps = np_ // NS

    mesh = plsc.VectorSubcoreMesh(core_axis_name="c", subcore_axis_name="s")

    @functools.partial(
        pl.kernel,
        out_type=jax.ShapeDtypeStruct((NC * np_,), jnp.float32),
        mesh=mesh,
        scratch_types=[
            pltpu.VMEM((cpw, 2, LANES), jnp.int32),
            pltpu.VMEM((LANES,), jnp.float32),
            pltpu.VMEM((rps,), jnp.float32),
            pltpu.VMEM_SHARED((np_,), jnp.float32),
            pltpu.SemaphoreType.DMA,
        ],
    )
    def deg_kernel(ei_hbm, degp_hbm, eiv, onesv, zrow, degsh, sem):
        core = lax.axis_index("c")
        sub = lax.axis_index("s")
        wid = sub * NC + core
        pltpu.sync_copy(ei_hbm.at[wid], eiv)

        for k in range(LANES // 16):
            onesv[pl.ds(k * 16, 16)] = jnp.full((16,), 1.0, jnp.float32)

        def zbody(i, _):
            zrow[pl.ds(pl.multiple_of(i * 16, 16), 16)] = jnp.zeros(
                (16,), jnp.float32)
            return 0

        lax.fori_loop(0, rps // 16, zbody, 0)

        base = pl.multiple_of(sub * rps, 128)
        pltpu.sync_copy(zrow, degsh.at[pl.ds(base, rps)])
        plsc.subcore_barrier()

        def ebody(j, _):
            @pl.when(j >= 8)
            def _():
                pltpu.make_async_copy(
                    onesv, degsh.at[eiv.at[j, 1]], sem).wait()

            pltpu.make_async_copy(
                onesv, degsh.at[eiv.at[j, 1]], sem).start(add=True)
            return 0

        lax.fori_loop(0, cpw, ebody, 0)

        def dbody(j, _):
            pltpu.make_async_copy(onesv, degsh.at[eiv.at[j, 1]], sem).wait()
            return 0

        lax.fori_loop(0, min(8, cpw), dbody, 0)
        plsc.subcore_barrier()

        obase = pl.multiple_of(core * np_ + sub * rps, 128)
        pltpu.sync_copy(degsh.at[pl.ds(base, rps)], degp_hbm.at[pl.ds(obase, rps)])

    return deg_kernel(ei3)


def _sc_edges(ei3, xs, dis, np_, cpw, fin):
    rps = np_ // NS
    NR = 2
    ND = 4
    NI = 8
    assert cpw % NI == 0 and cpw >= NI

    mesh = plsc.VectorSubcoreMesh(core_axis_name="c", subcore_axis_name="s")

    @functools.partial(
        pl.kernel,
        out_type=(
            jax.ShapeDtypeStruct((NC * np_, fin), jnp.float32),
            jax.ShapeDtypeStruct((NC * np_,), jnp.float32),
        ),
        mesh=mesh,
        scratch_types=[
            pltpu.VMEM((NI, 2, LANES), jnp.int32),
            pltpu.VMEM((NR, LANES, fin), jnp.float32),
            pltpu.VMEM((ND, LANES), jnp.float32),
            pltpu.VMEM((rps,), jnp.float32),
            pltpu.VMEM_SHARED((np_, fin), jnp.float32),
            pltpu.VMEM_SHARED((np_,), jnp.float32),
        ]
        + [pltpu.SemaphoreType.DMA] * (NI + 2 * NR + 2 * ND),
    )
    def edge_kernel(ei_hbm, xs_hbm, dis_hbm, tp_hbm, cp_hbm,
                    idxv, rows, dvals, zrow, tsh, csh, *sems):
        isem = sems[:NI]
        gsem = sems[NI:NI + NR]
        ssem = sems[NI + NR:NI + 2 * NR]
        dsem = sems[NI + 2 * NR:NI + 2 * NR + ND]
        csem = sems[NI + 2 * NR + ND:]
        core = lax.axis_index("c")
        sub = lax.axis_index("s")
        wid = sub * NC + core

        def idx_start(j, slot):
            pltpu.async_copy(ei_hbm.at[wid, j], idxv.at[slot], isem[slot])

        def idx_wait(j, slot):
            pltpu.make_async_copy(
                ei_hbm.at[wid, j], idxv.at[slot], isem[slot]).wait()

        def rows_start(slot_i, slot_r):
            pltpu.async_copy(
                xs_hbm.at[idxv.at[slot_i, 0]], rows.at[slot_r], gsem[slot_r])

        def rows_wait(slot_i, slot_r):
            pltpu.make_async_copy(
                xs_hbm.at[idxv.at[slot_i, 0]], rows.at[slot_r],
                gsem[slot_r]).wait()

        def tsc_start(slot_i, slot_r):
            pltpu.make_async_copy(
                rows.at[slot_r], tsh.at[idxv.at[slot_i, 1]],
                ssem[slot_r]).start(add=True)

        def tsc_wait(slot_i, slot_r):
            pltpu.make_async_copy(
                rows.at[slot_r], tsh.at[idxv.at[slot_i, 1]],
                ssem[slot_r]).wait()

        def dis_start(slot_i, slot_d):
            pltpu.async_copy(
                dis_hbm.at[idxv.at[slot_i, 1]], dvals.at[slot_d],
                dsem[slot_d])

        def dis_wait(slot_i, slot_d):
            pltpu.make_async_copy(
                dis_hbm.at[idxv.at[slot_i, 1]], dvals.at[slot_d],
                dsem[slot_d]).wait()

        def csc_start(slot_i, slot_d):
            pltpu.make_async_copy(
                dvals.at[slot_d], csh.at[idxv.at[slot_i, 0]],
                csem[slot_d]).start(add=True)

        def csc_wait(slot_i, slot_d):
            pltpu.make_async_copy(
                dvals.at[slot_d], csh.at[idxv.at[slot_i, 0]],
                csem[slot_d]).wait()

        def zr(i, _):
            for k in range(fin // 16):
                rows[0, i, pl.ds(k * 16, 16)] = jnp.zeros((16,), jnp.float32)
            return 0

        lax.fori_loop(0, LANES, zr, 0)

        def zc(i, _):
            zrow[pl.ds(pl.multiple_of(i * 16, 16), 16)] = jnp.zeros(
                (16,), jnp.float32)
            return 0

        lax.fori_loop(0, rps // 16, zc, 0)

        base = pl.multiple_of(sub * rps, 128)
        for k in range(rps // LANES):
            pltpu.sync_copy(rows.at[0], tsh.at[pl.ds(base + k * LANES, LANES)])
        pltpu.sync_copy(zrow, csh.at[pl.ds(base, rps)])

        for j in range(4):
            idx_start(j, j)
        idx_wait(0, 0)
        idx_wait(1, 1)
        rows_start(0, 0)
        dis_start(0, 0)
        dis_start(1, 1)
        plsc.subcore_barrier()

        def ebody(i, _):
            for b in range(NI):
                j = i * NI + b

                @pl.when(j + 4 < cpw)
                def _():
                    idx_start(j + 4, (b + 4) % NI)

                @pl.when(j + 2 < cpw)
                def _():
                    idx_wait(j + 2, (b + 2) % NI)

                @pl.when(jnp.logical_and(j >= 1, j + 1 < cpw))
                def _():
                    tsc_wait((b + 1) % NI, (b + 1) % NR)

                @pl.when(j + 1 < cpw)
                def _():
                    rows_start((b + 1) % NI, (b + 1) % NR)

                rows_wait(b, b % NR)
                tsc_start(b, b % NR)

                dis_wait(b, b % ND)
                csc_start(b, b % ND)

                @pl.when(j >= 2)
                def _():
                    csc_wait(b, (b + 2) % ND)

                @pl.when(j + 2 < cpw)
                def _():
                    dis_start((b + 2) % NI, (b + 2) % ND)
            return 0

        lax.fori_loop(0, cpw // NI, ebody, 0)
        tsc_wait((cpw - 2) % NI, (cpw - 2) % NR)
        tsc_wait((cpw - 1) % NI, (cpw - 1) % NR)
        csc_wait((cpw - 2) % NI, (cpw - 2) % ND)
        csc_wait((cpw - 1) % NI, (cpw - 1) % ND)
        plsc.subcore_barrier()

        obase = pl.multiple_of(core * np_ + sub * rps, 128)
        for k in range(rps // LANES):
            pltpu.sync_copy(tsh.at[pl.ds(base + k * LANES, LANES)],
                            tp_hbm.at[pl.ds(obase + k * LANES, LANES)])
        pltpu.sync_copy(csh.at[pl.ds(base, rps)], cp_hbm.at[pl.ds(obase, rps)])

    return edge_kernel(ei3, xs, dis)


def _tc_prep(x_pad, w1, degp2d, n, np_, fin, bs):
    spb = bs // 128
    prows = np_ // 128

    def body(x_ref, w_ref, dp0_ref, dp1_ref, xs_ref, dis_ref):
        i = pl.program_id(0)
        degsum = 1.0 + dp0_ref[:] + dp1_ref[:]
        rows = (i * bs
                + lax.broadcasted_iota(jnp.int32, (spb, 128), 0) * 128
                + lax.broadcasted_iota(jnp.int32, (spb, 128), 1))
        dis = jnp.where(rows < n, lax.rsqrt(degsum), 0.0)
        xw = jnp.dot(x_ref[:], w_ref[:], preferred_element_type=jnp.float32)
        for s in range(spb):
            dcol = jnp.transpose(dis[s:s + 1, :])
            xs_ref[pl.ds(s * 128, 128), :] = \
                xw[s * 128:(s + 1) * 128, :] * dcol
        dis_ref[:] = dis

    return pl.pallas_call(
        body,
        grid=(np_ // bs,),
        in_specs=[
            pl.BlockSpec((bs, fin), lambda i: (i, 0)),
            pl.BlockSpec((fin, fin), lambda i: (0, 0)),
            pl.BlockSpec((spb, 128), lambda i: (i, 0)),
            pl.BlockSpec((spb, 128), lambda i, _p=prows // spb: (_p + i, 0)),
        ],
        out_specs=[
            pl.BlockSpec((bs, fin), lambda i: (i, 0)),
            pl.BlockSpec((spb, 128), lambda i: (i, 0)),
        ],
        out_shape=(
            jax.ShapeDtypeStruct((np_, fin), jnp.float32),
            jax.ShapeDtypeStruct((prows, 128), jnp.float32),
        ),
    )(x_pad, w1, degp2d, degp2d)


def _tc_gsum_heads(tp, xs, dis2d, cp2d, b1, wmu, bmu, wls, bls,
                   n, np_, fin, fout, bs):
    nblk = np_ // bs
    spb = bs // 128
    prows = (NC * np_) // 128
    inv_n = 1.0 / n

    def body(tp0_ref, tp1_ref, xs_ref, dis_ref, cp0_ref, cp1_ref, b1_ref,
             wmu_ref, bmu_ref, wls_ref, bls_ref, omu_ref, ols_ref, gacc):
        i = pl.program_id(0)
        t = tp0_ref[:] + tp1_ref[:]
        dis = dis_ref[:]
        wv = dis * (cp0_ref[:] + cp1_ref[:] + dis)
        xs = xs_ref[:]
        b1row = b1_ref[:]
        g = jnp.zeros((1, fin), jnp.float32)
        for s in range(spb):
            dcol = jnp.transpose(dis[s:s + 1, :])
            h_s = jnp.maximum(
                dcol * (t[s * 128:(s + 1) * 128, :]
                        + xs[s * 128:(s + 1) * 128, :]) + b1row, 0.0)
            g = g + lax.dot_general(
                wv[s:s + 1, :], h_s, (((1,), (0,)), ((), ())),
                preferred_element_type=jnp.float32)

        @pl.when(i == 0)
        def _():
            gacc[:] = g

        @pl.when(i > 0)
        def _():
            gacc[:] = gacc[:] + g

        @pl.when(i == nblk - 1)
        def _():
            gn = gacc[:] * inv_n
            omu_ref[:] = jnp.dot(gn, wmu_ref[:],
                                 preferred_element_type=jnp.float32) \
                + bmu_ref[:]
            ols_ref[:] = jnp.dot(gn, wls_ref[:],
                                 preferred_element_type=jnp.float32) \
                + bls_ref[:]

    return pl.pallas_call(
        body,
        grid=(nblk,),
        in_specs=[
            pl.BlockSpec((bs, fin), lambda i: (i, 0)),
            pl.BlockSpec((bs, fin), lambda i: (nblk + i, 0)),
            pl.BlockSpec((bs, fin), lambda i: (i, 0)),
            pl.BlockSpec((spb, 128), lambda i: (i, 0)),
            pl.BlockSpec((spb, 128), lambda i: (i, 0)),
            pl.BlockSpec((spb, 128), lambda i, _p=prows // (2 * spb):
                         (_p + i, 0)),
            pl.BlockSpec((1, fin), lambda i: (0, 0)),
            pl.BlockSpec((fin, fout), lambda i: (0, 0)),
            pl.BlockSpec((1, fout), lambda i: (0, 0)),
            pl.BlockSpec((fin, fout), lambda i: (0, 0)),
            pl.BlockSpec((1, fout), lambda i: (0, 0)),
        ],
        out_specs=[
            pl.BlockSpec((1, fout), lambda i: (0, 0)),
            pl.BlockSpec((1, fout), lambda i: (0, 0)),
        ],
        out_shape=(
            jax.ShapeDtypeStruct((1, fout), jnp.float32),
            jax.ShapeDtypeStruct((1, fout), jnp.float32),
        ),
        scratch_shapes=[pltpu.VMEM((1, fin), jnp.float32)],
    )(tp, tp, xs, dis2d, cp2d, cp2d, b1, wmu, bmu, wls, bls)


def kernel(x, edge_index, W1, b1, Wmu, bmu, Wls, bls):
    n, fin = x.shape
    e = edge_index.shape[1]
    fout = Wmu.shape[1]
    nw = NC * NS

    np_ = _round_up(n + 1, NS * LANES)
    ep = _round_up(e, nw * LANES * 8)
    cpw = ep // (nw * LANES)

    src = edge_index[0]
    dst = edge_index[1]
    pad_e = ep - e
    pad_i = lax.iota(jnp.int32, pad_e)
    src_p = jnp.concatenate([src, pad_i % n]).reshape(nw, cpw, LANES)
    dst_p = jnp.concatenate(
        [dst, n + pad_i % (np_ - n)]).reshape(nw, cpw, LANES)
    ei3 = jnp.stack([src_p, dst_p], axis=2)

    x_pad = jnp.pad(x, ((0, np_ - n), (0, 0)))

    degp = _sc_deg(ei3, np_, cpw)

    degp2d = degp.reshape((NC * np_) // 128, 128)
    xs, dis2d = _tc_prep(x_pad, W1, degp2d, n, np_, fin, 1024)

    tp, cp = _sc_edges(ei3, xs, dis2d.reshape(np_), np_, cpw, fin)

    mu1, ls1 = _tc_gsum_heads(tp, xs, dis2d,
                              cp.reshape((NC * np_) // 128, 128),
                              b1.reshape(1, fin), Wmu, bmu.reshape(1, fout),
                              Wls, bls.reshape(1, fout),
                              n, np_, fin, fout, 1024)
    return (jnp.broadcast_to(mu1, (n, fout)), jnp.broadcast_to(ls1, (n, fout)))

# --- scband reference (transcript-rebuilt; emitter-appended) ---
"""Pipeline reference for scband-avg-45286135169789 (READ-ONLY COPY).

The authoritative reference and input builder live on the scoring server;
editing this copy changes nothing except your own understanding.
"""

import jax, jax.numpy as jnp
import numpy as np


def gcn_conv(x, src, dst, W, b, n):
    # GCNConv with self-loops already appended to src/dst; edge_weight=1
    deg = jnp.zeros((n,), dtype=x.dtype).at[dst].add(1.0)
    dis = jnp.where(deg > 0, jax.lax.rsqrt(deg), 0.0)
    norm = dis[src] * dis[dst]
    h = x @ W
    msgs = h[src] * norm[:, None]
    out = jnp.zeros((n, h.shape[1]), dtype=x.dtype).at[dst].add(msgs)
    return out + b


def setup_inputs(seed: int = 0):
    key = jax.random.key(seed)
    ks = jax.random.split(key, 8)
    N, E, Fin, Fout = 10000, 320000, 128, 64
    x = jax.random.normal(ks[0], (N, Fin), dtype=jnp.float32)
    edge_index = jax.random.randint(ks[1], (2, E), 0, N, dtype=jnp.int32)
    # conv1: in=128 -> 2*out=128; conv_mu/conv_logstd: 128 -> 64
    s1 = 1.0 / np.sqrt(Fin)
    s2 = 1.0 / np.sqrt(2 * Fout)
    W1 = jax.random.normal(ks[2], (Fin, 2 * Fout), dtype=jnp.float32) * s1
    b1 = jnp.zeros((2 * Fout,), dtype=jnp.float32)
    Wmu = jax.random.normal(ks[3], (2 * Fout, Fout), dtype=jnp.float32) * s2
    bmu = jnp.zeros((Fout,), dtype=jnp.float32)
    Wls = jax.random.normal(ks[4], (2 * Fout, Fout), dtype=jnp.float32) * s2
    bls = jnp.zeros((Fout,), dtype=jnp.float32)
    return {"x": x, "edge_index": edge_index, "W1": W1, "b1": b1, "Wmu": Wmu, "bmu": bmu, "Wls": Wls, "bls": bls}


def reference(x, edge_index, W1, b1, Wmu, bmu, Wls, bls):
    N = x.shape[0]
    loop = jnp.arange(N, dtype=edge_index.dtype)
    src = jnp.concatenate([edge_index[0], loop])
    dst = jnp.concatenate([edge_index[1], loop])
    h = jax.nn.relu(gcn_conv(x, src, dst, W1, b1, N))
    mu = jnp.mean(gcn_conv(h, src, dst, Wmu, bmu, N), axis=0)
    logstd = jnp.mean(gcn_conv(h, src, dst, Wls, bls, N), axis=0)
    return (jnp.tile(mu, (N, 1)), jnp.tile(logstd, (N, 1)))

if __name__ == "__main__":
    import jax
    _d = setup_inputs()
    print(jax.jit(kernel)(*tuple(_d.values())))

</pallas_src>

<mosaic_0001>
#map = affine_map<(d0, d1) -> (0, 0, 0, 0)>
#map1 = affine_map<(d0, d1) -> (0)>
module attributes {stable_mosaic.version = 14 : i64} {
  func.func @deg_kernel(%arg0: i32, %arg1: i32, %arg2: memref<32x80x2x128xi32, #tpu.memory_space<hbm>>, %arg3: memref<20480xf32, #tpu.memory_space<hbm>>, %arg4: memref<80x2x128xi32, #tpu.memory_space<vmem>>, %arg5: memref<128xf32, #tpu.memory_space<vmem>>, %arg6: memref<640xf32, #tpu.memory_space<vmem>>, %arg7: memref<10240xf32, #tpu.memory_space<vmem_shared>>, %arg8: memref<!tpu.dma_semaphore, #tpu.memory_space<semaphore_mem>>) attributes {dimension_semantics = [#tpu.dimension_semantics<core_parallel>, #tpu.dimension_semantics<subcore_parallel>], iteration_bounds = array<i64: 2, 16>, scalar_prefetch = 0 : i64, scratch_operands = 5 : i64, tpu.core_type = #tpu.core_type<sc_vector_subcore>, window_params = [{transform_indices = #map}, {transform_indices = #map1}]} {
    %mul3A = arith.constant 2 : i32
    %mul3A_0 = arith.muli %arg1, %mul3A : i32
    %add3A = arith.addi %mul3A_0, %arg0 : i32
    "tpu.region"() ({
      %run_scoped3A = tpu.sem_alloc : memref<!tpu.dma_semaphore, #tpu.memory_space<semaphore_mem>>
      %dma_start3A = arith.constant 0 : i32
      %dma_start3A_76 = arith.constant 0 : i32
      %dma_start3A_77 = arith.constant 0 : i32
      %dma_start3A_78 = tpu.memref_slice %arg2[%add3A, %dma_start3A, %dma_start3A_76, %dma_start3A_77] : memref<32x80x2x128xi32, #tpu.memory_space<hbm>> -> memref<1x80x2x128xi32, #tpu.memory_space<hbm>>
      %dma_start3A_79 = tpu.memref_squeeze %dma_start3A_78 : memref<1x80x2x128xi32, #tpu.memory_space<hbm>> -> memref<80x2x128xi32, #tpu.memory_space<hbm>>
      %dma_start3A_80 = arith.constant 0 : i32
      %dma_start3A_81 = arith.constant 0 : i32
      %dma_start3A_82 = arith.constant 0 : i32
      %dma_start3A_83 = tpu.memref_slice %arg2[%add3A, %dma_start3A_80, %dma_start3A_81, %dma_start3A_82] : memref<32x80x2x128xi32, #tpu.memory_space<hbm>> -> memref<1x80x2x128xi32, #tpu.memory_space<hbm>>
      %dma_start3A_84 = tpu.memref_squeeze %dma_start3A_83 : memref<1x80x2x128xi32, #tpu.memory_space<hbm>> -> memref<80x2x128xi32, #tpu.memory_space<hbm>>
      tpu.enqueue_dma source(%dma_start3A_84 : memref<80x2x128xi32, #tpu.memory_space<hbm>>) target(%arg4 : memref<80x2x128xi32, #tpu.memory_space<vmem>>) target_semaphore(%run_scoped3A : memref<!tpu.dma_semaphore, #tpu.memory_space<semaphore_mem>>)
      %dma_wait3A = arith.constant 0 : i32
      %dma_wait3A_85 = arith.constant 0 : i32
      %dma_wait3A_86 = arith.constant 0 : i32
      %dma_wait3A_87 = tpu.memref_slice %arg2[%add3A, %dma_wait3A, %dma_wait3A_85, %dma_wait3A_86] : memref<32x80x2x128xi32, #tpu.memory_space<hbm>> -> memref<1x80x2x128xi32, #tpu.memory_space<hbm>>
      %dma_wait3A_88 = tpu.memref_squeeze %dma_wait3A_87 : memref<1x80x2x128xi32, #tpu.memory_space<hbm>> -> memref<80x2x128xi32, #tpu.memory_space<hbm>>
      %dma_wait3A_89 = arith.constant 0 : i32
      %dma_wait3A_90 = arith.constant 0 : i32
      %dma_wait3A_91 = arith.constant 0 : i32
      %dma_wait3A_92 = tpu.memref_slice %arg2[%add3A, %dma_wait3A_89, %dma_wait3A_90, %dma_wait3A_91] : memref<32x80x2x128xi32, #tpu.memory_space<hbm>> -> memref<1x80x2x128xi32, #tpu.memory_space<hbm>>
      %dma_wait3A_93 = tpu.memref_squeeze %dma_wait3A_92 : memref<1x80x2x128xi32, #tpu.memory_space<hbm>> -> memref<80x2x128xi32, #tpu.memory_space<hbm>>
      tpu.wait_dma2 semaphore(%run_scoped3A : memref<!tpu.dma_semaphore, #tpu.memory_space<semaphore_mem>>) src(%dma_wait3A_93 : memref<80x2x128xi32, #tpu.memory_space<hbm>>) dst(%arg4 : memref<80x2x128xi32, #tpu.memory_space<vmem>>)
      tpu.yield
    }) : () -> ()
    %broadcast_in_dim3A = arith.constant 1.000000e+00 : f32
    %broadcast_in_dim3A_1 = vector.broadcast %broadcast_in_dim3A : f32 to vector<16xf32>
    %swap3A = arith.constant 0 : index
    %swap3A_2 = tpu.vector_load %arg5[%swap3A] {strides = array<i32>} : memref<128xf32, #tpu.memory_space<vmem>>, vector<16xf32>,
    %swap3A_3 = vector.shape_cast %swap3A_2 : vector<16xf32> to vector<16xf32>
    %swap3A_4 = vector.shape_cast %broadcast_in_dim3A_1 : vector<16xf32> to vector<16xf32>
    tpu.vector_store %arg5[%swap3A], %swap3A_4 {strides = array<i32>} : memref<128xf32, #tpu.memory_space<vmem>>, vector<16xf32>,
    %broadcast_in_dim3A_5 = arith.constant 1.000000e+00 : f32
    %broadcast_in_dim3A_6 = vector.broadcast %broadcast_in_dim3A_5 : f32 to vector<16xf32>
    %swap3A_7 = arith.constant 16 : index
    %swap3A_8 = tpu.vector_load %arg5[%swap3A_7] {strides = array<i32>} : memref<128xf32, #tpu.memory_space<vmem>>, vector<16xf32>,
    %swap3A_9 = vector.shape_cast %swap3A_8 : vector<16xf32> to vector<16xf32>
    %swap3A_10 = vector.shape_cast %broadcast_in_dim3A_6 : vector<16xf32> to vector<16xf32>
    tpu.vector_store %arg5[%swap3A_7], %swap3A_10 {strides = array<i32>} : memref<128xf32, #tpu.memory_space<vmem>>, vector<16xf32>,
    %broadcast_in_dim3A_11 = arith.constant 1.000000e+00 : f32
    %broadcast_in_dim3A_12 = vector.broadcast %broadcast_in_dim3A_11 : f32 to vector<16xf32>
    %swap3A_13 = arith.constant 32 : index
    %swap3A_14 = tpu.vector_load %arg5[%swap3A_13] {strides = array<i32>} : memref<128xf32, #tpu.memory_space<vmem>>, vector<16xf32>,
    %swap3A_15 = vector.shape_cast %swap3A_14 : vector<16xf32> to vector<16xf32>
    %swap3A_16 = vector.shape_cast %broadcast_in_dim3A_12 : vector<16xf32> to vector<16xf32>
    tpu.vector_store %arg5[%swap3A_13], %swap3A_16 {strides = array<i32>} : memref<128xf32, #tpu.memory_space<vmem>>, vector<16xf32>,
    %broadcast_in_dim3A_17 = arith.constant 1.000000e+00 : f32
    %broadcast_in_dim3A_18 = vector.broadcast %broadcast_in_dim3A_17 : f32 to vector<16xf32>
    %swap3A_19 = arith.constant 48 : index
    %swap3A_20 = tpu.vector_load %arg5[%swap3A_19] {strides = array<i32>} : memref<128xf32, #tpu.memory_space<vmem>>, vector<16xf32>,
    %swap3A_21 = vector.shape_cast %swap3A_20 : vector<16xf32> to vector<16xf32>
    %swap3A_22 = vector.shape_cast %broadcast_in_dim3A_18 : vector<16xf32> to vector<16xf32>
    tpu.vector_store %arg5[%swap3A_19], %swap3A_22 {strides = array<i32>} : memref<128xf32, #tpu.memory_space<vmem>>, vector<16xf32>,
    %broadcast_in_dim3A_23 = arith.constant 1.000000e+00 : f32
    %broadcast_in_dim3A_24 = vector.broadcast %broadcast_in_dim3A_23 : f32 to vector<16xf32>
    %swap3A_25 = arith.constant 64 : index
    %swap3A_26 = tpu.vector_load %arg5[%swap3A_25] {strides = array<i32>} : memref<128xf32, #tpu.memory_space<vmem>>, vector<16xf32>,
    %swap3A_27 = vector.shape_cast %swap3A_26 : vector<16xf32> to vector<16xf32>
    %swap3A_28 = vector.shape_cast %broadcast_in_dim3A_24 : vector<16xf32> to vector<16xf32>
    tpu.vector_store %arg5[%swap3A_25], %swap3A_28 {strides = array<i32>} : memref<128xf32, #tpu.memory_space<vmem>>, vector<16xf32>,
    %broadcast_in_dim3A_29 = arith.constant 1.000000e+00 : f32
    %broadcast_in_dim3A_30 = vector.broadcast %broadcast_in_dim3A_29 : f32 to vector<16xf32>
    %swap3A_31 = arith.constant 80 : index
    %swap3A_32 = tpu.vector_load %arg5[%swap3A_31] {strides = array<i32>} : memref<128xf32, #tpu.memory_space<vmem>>, vector<16xf32>,
    %swap3A_33 = vector.shape_cast %swap3A_32 : vector<16xf32> to vector<16xf32>
    %swap3A_34 = vector.shape_cast %broadcast_in_dim3A_30 : vector<16xf32> to vector<16xf32>
    tpu.vector_store %arg5[%swap3A_31], %swap3A_34 {strides = array<i32>} : memref<128xf32, #tpu.memory_space<vmem>>, vector<16xf32>,
    %broadcast_in_dim3A_35 = arith.constant 1.000000e+00 : f32
    %broadcast_in_dim3A_36 = vector.broadcast %broadcast_in_dim3A_35 : f32 to vector<16xf32>
    %swap3A_37 = arith.constant 96 : index
    %swap3A_38 = tpu.vector_load %arg5[%swap3A_37] {strides = array<i32>} : memref<128xf32, #tpu.memory_space<vmem>>, vector<16xf32>,
    %swap3A_39 = vector.shape_cast %swap3A_38 : vector<16xf32> to vector<16xf32>
    %swap3A_40 = vector.shape_cast %broadcast_in_dim3A_36 : vector<16xf32> to vector<16xf32>
    tpu.vector_store %arg5[%swap3A_37], %swap3A_40 {strides = array<i32>} : memref<128xf32, #tpu.memory_space<vmem>>, vector<16xf32>,
    %broadcast_in_dim3A_41 = arith.constant 1.000000e+00 : f32
    %broadcast_in_dim3A_42 = vector.broadcast %broadcast_in_dim3A_41 : f32 to vector<16xf32>
    %swap3A_43 = arith.constant 112 : index
    %swap3A_44 = tpu.vector_load %arg5[%swap3A_43] {strides = array<i32>} : memref<128xf32, #tpu.memory_space<vmem>>, vector<16xf32>,
    %swap3A_45 = vector.shape_cast %swap3A_44 : vector<16xf32> to vector<16xf32>
    %swap3A_46 = vector.shape_cast %broadcast_in_dim3A_42 : vector<16xf32> to vector<16xf32>
    tpu.vector_store %arg5[%swap3A_43], %swap3A_46 {strides = array<i32>} : memref<128xf32, #tpu.memory_space<vmem>>, vector<16xf32>,
    %scan3A = arith.constant 0 : i32
    %scan3A_47 = arith.constant 0 : i32
    %scan3A_48 = arith.constant 40 : i32
    %scan3A_49 = arith.addi %scan3A_47, %scan3A_48 : i32
    %scan3A_50 = arith.constant 1 : i32
    %scan3A_51 = scf.for %scan3A_76 = %scan3A_47 to %scan3A_49 step %scan3A_50 iter_args(%scan3A_77 = %scan3A) -> (i32)  : i32 {
      %broadcast_in_dim3A_78 = arith.constant 0.000000e+00 : f32
      %broadcast_in_dim3A_79 = vector.broadcast %broadcast_in_dim3A_78 : f32 to vector<16xf32>
      %mul3A_80 = arith.constant 16 : i32
      %mul3A_81 = arith.muli %scan3A_76, %mul3A_80 : i32
      %multiple_of3A_82 = tpu.assume_multiple %mul3A_81, 16 : i32
      %swap3A_83 = arith.index_cast %multiple_of3A_82 : i32 to index
      %swap3A_84 = tpu.vector_load %arg6[%swap3A_83] {strides = array<i32>} : memref<640xf32, #tpu.memory_space<vmem>>, vector<16xf32>,
      %swap3A_85 = vector.shape_cast %swap3A_84 : vector<16xf32> to vector<16xf32>
      %swap3A_86 = vector.shape_cast %broadcast_in_dim3A_79 : vector<16xf32> to vector<16xf32>
      tpu.vector_store %arg6[%swap3A_83], %swap3A_86 {strides = array<i32>} : memref<640xf32, #tpu.memory_space<vmem>>, vector<16xf32>,
      %scan3A_87 = arith.constant 0 : i32
      scf.yield %scan3A_87 : i32
    }
    %scan3A_52 = arith.constant 40 : i32
    %mul3A_53 = arith.constant 640 : i32
    %mul3A_54 = arith.muli %arg1, %mul3A_53 : i32
    %multiple_of3A = tpu.assume_multiple %mul3A_54, 128 : i32
    "tpu.region"() ({
      %run_scoped3A = tpu.sem_alloc : memref<!tpu.dma_semaphore, #tpu.memory_space<semaphore_mem>>
      %dma_start3A = tpu.memref_slice %arg7[%multiple_of3A] : memref<10240xf32, #tpu.memory_space<vmem_shared>> -> memref<640xf32, #tpu.memory_space<vmem_shared>>
      %dma_start3A_76 = tpu.memref_slice %arg7[%multiple_of3A] : memref<10240xf32, #tpu.memory_space<vmem_shared>> -> memref<640xf32, #tpu.memory_space<vmem_shared>>
      tpu.enqueue_dma source(%arg6 : memref<640xf32, #tpu.memory_space<vmem>>) target(%dma_start3A_76 : memref<640xf32, #tpu.memory_space<vmem_shared>>) target_semaphore(%run_scoped3A : memref<!tpu.dma_semaphore, #tpu.memory_space<semaphore_mem>>)
      %dma_wait3A = tpu.memref_slice %arg7[%multiple_of3A] : memref<10240xf32, #tpu.memory_space<vmem_shared>> -> memref<640xf32, #tpu.memory_space<vmem_shared>>
      %dma_wait3A_77 = tpu.memref_slice %arg7[%multiple_of3A] : memref<10240xf32, #tpu.memory_space<vmem_shared>> -> memref<640xf32, #tpu.memory_space<vmem_shared>>
      tpu.wait_dma2 semaphore(%run_scoped3A : memref<!tpu.dma_semaphore, #tpu.memory_space<semaphore_mem>>) src(%arg6 : memref<640xf32, #tpu.memory_space<vmem>>) dst(%dma_wait3A_77 : memref<640xf32, #tpu.memory_space<vmem_shared>>)
      tpu.yield
    }) : () -> ()
    %barrier3A = arith.constant 0 : index
    tpu.barrier barrier_id(%barrier3A)
    %scan3A_55 = arith.constant 0 : i32
    %scan3A_56 = arith.constant 0 : i32
    %scan3A_57 = arith.constant 80 : i32
    %scan3A_58 = arith.addi %scan3A_56, %scan3A_57 : i32
    %scan3A_59 = arith.constant 1 : i32
    %scan3A_60 = scf.for %scan3A_76 = %scan3A_56 to %scan3A_58 step %scan3A_59 iter_args(%scan3A_77 = %scan3A_55) -> (i32)  : i32 {
      %ge3A = arith.constant 8 : i32
      %ge3A_78 = arith.cmpi sge, %scan3A_76, %ge3A : i32
      %convert_element_type3A = arith.extui %ge3A_78 : i1 to i32
      %cond3A = arith.constant 0 : i32
      %cond3A_79 = arith.cmpi ne, %convert_element_type3A, %cond3A : i32
      scf.if %cond3A_79 {
        %dma_wait3A = arith.constant 1 : i32
        %dma_wait3A_86 = arith.constant 0 : i32
        %dma_wait3A_87 = tpu.memref_slice %arg4[%scan3A_76, %dma_wait3A, %dma_wait3A_86] : memref<80x2x128xi32, #tpu.memory_space<vmem>> -> memref<1x1x128xi32, #tpu.memory_space<vmem>>
        %dma_wait3A_88 = tpu.memref_squeeze %dma_wait3A_87 : memref<1x1x128xi32, #tpu.memory_space<vmem>> -> memref<128xi32, #tpu.memory_space<vmem>>
        %dma_wait3A_89 = arith.constant 0 : i32
        %dma_wait3A_90 = tpu.memref_slice %arg7[%dma_wait3A_89] : memref<10240xf32, #tpu.memory_space<vmem_shared>> -> memref<10240xf32, #tpu.memory_space<vmem_shared>>
        tpu.wait_indirect_dma semaphore(%arg8 : memref<!tpu.dma_semaphore, #tpu.memory_space<semaphore_mem>>) src(%arg5 : memref<128xf32, #tpu.memory_space<vmem>>) dst(%dma_wait3A_90 : memref<10240xf32, #tpu.memory_space<vmem_shared>>)
      } else {
      }
      %dma_start3A = arith.constant 1 : i32
      %dma_start3A_80 = arith.constant 0 : i32
      %dma_start3A_81 = tpu.memref_slice %arg4[%scan3A_76, %dma_start3A, %dma_start3A_80] : memref<80x2x128xi32, #tpu.memory_space<vmem>> -> memref<1x1x128xi32, #tpu.memory_space<vmem>>
      %dma_start3A_82 = tpu.memref_squeeze %dma_start3A_81 : memref<1x1x128xi32, #tpu.memory_space<vmem>> -> memref<128xi32, #tpu.memory_space<vmem>>
      %dma_start3A_83 = arith.constant 0 : i32
      %dma_start3A_84 = tpu.memref_slice %arg7[%dma_start3A_83] : memref<10240xf32, #tpu.memory_space<vmem_shared>> -> memref<10240xf32, #tpu.memory_space<vmem_shared>>
      tpu.enqueue_indirect_dma source(%arg5 : memref<128xf32, #tpu.memory_space<vmem>>) target(%dma_start3A_84 : memref<10240xf32, #tpu.memory_space<vmem_shared>>) offsets(%dma_start3A_82 : memref<128xi32, #tpu.memory_space<vmem>>) semaphore(%arg8 : memref<!tpu.dma_semaphore, #tpu.memory_space<semaphore_mem>>) {add = true}
      %scan3A_85 = arith.constant 0 : i32
      scf.yield %scan3A_85 : i32
    }
    %scan3A_61 = arith.constant 80 : i32
    %scan3A_62 = arith.constant 0 : i32
    %scan3A_63 = arith.constant 0 : i32
    %scan3A_64 = arith.constant 8 : i32
    %scan3A_65 = arith.addi %scan3A_63, %scan3A_64 : i32
    %scan3A_66 = arith.constant 1 : i32
    %scan3A_67 = scf.for %scan3A_76 = %scan3A_63 to %scan3A_65 step %scan3A_66 iter_args(%scan3A_77 = %scan3A_62) -> (i32)  : i32 {
      %dma_wait3A = arith.constant 1 : i32
      %dma_wait3A_78 = arith.constant 0 : i32
      %dma_wait3A_79 = tpu.memref_slice %arg4[%scan3A_76, %dma_wait3A, %dma_wait3A_78] : memref<80x2x128xi32, #tpu.memory_space<vmem>> -> memref<1x1x128xi32, #tpu.memory_space<vmem>>
      %dma_wait3A_80 = tpu.memref_squeeze %dma_wait3A_79 : memref<1x1x128xi32, #tpu.memory_space<vmem>> -> memref<128xi32, #tpu.memory_space<vmem>>
      %dma_wait3A_81 = arith.constant 0 : i32
      %dma_wait3A_82 = tpu.memref_slice %arg7[%dma_wait3A_81] : memref<10240xf32, #tpu.memory_space<vmem_shared>> -> memref<10240xf32, #tpu.memory_space<vmem_shared>>
      tpu.wait_indirect_dma semaphore(%arg8 : memref<!tpu.dma_semaphore, #tpu.memory_space<semaphore_mem>>) src(%arg5 : memref<128xf32, #tpu.memory_space<vmem>>) dst(%dma_wait3A_82 : memref<10240xf32, #tpu.memory_space<vmem_shared>>)
      %scan3A_83 = arith.constant 0 : i32
      scf.yield %scan3A_83 : i32
    }
    %scan3A_68 = arith.constant 8 : i32
    %barrier3A_69 = arith.constant 0 : index
    tpu.barrier barrier_id(%barrier3A_69)
    %mul3A_70 = arith.constant 10240 : i32
    %mul3A_71 = arith.muli %arg0, %mul3A_70 : i32
    %mul3A_72 = arith.constant 640 : i32
    %mul3A_73 = arith.muli %arg1, %mul3A_72 : i32
    %add3A_74 = arith.addi %mul3A_71, %mul3A_73 : i32
    %multiple_of3A_75 = tpu.assume_multiple %add3A_74, 128 : i32
    "tpu.region"() ({
      %run_scoped3A = tpu.sem_alloc : memref<!tpu.dma_semaphore, #tpu.memory_space<semaphore_mem>>
      %dma_start3A = tpu.memref_slice %arg3[%multiple_of3A_75] : memref<20480xf32, #tpu.memory_space<hbm>> -> memref<640xf32, #tpu.memory_space<hbm>>
      %dma_start3A_76 = tpu.memref_slice %arg7[%multiple_of3A] : memref<10240xf32, #tpu.memory_space<vmem_shared>> -> memref<640xf32, #tpu.memory_space<vmem_shared>>
      tpu.enqueue_dma source(%dma_start3A_76 : memref<640xf32, #tpu.memory_space<vmem_shared>>) target(%dma_start3A : memref<640xf32, #tpu.memory_space<hbm>>) target_semaphore(%run_scoped3A : memref<!tpu.dma_semaphore, #tpu.memory_space<semaphore_mem>>)
      %dma_wait3A = tpu.memref_slice %arg3[%multiple_of3A_75] : memref<20480xf32, #tpu.memory_space<hbm>> -> memref<640xf32, #tpu.memory_space<hbm>>
      %dma_wait3A_77 = tpu.memref_slice %arg7[%multiple_of3A] : memref<10240xf32, #tpu.memory_space<vmem_shared>> -> memref<640xf32, #tpu.memory_space<vmem_shared>>
      tpu.wait_dma2 semaphore(%run_scoped3A : memref<!tpu.dma_semaphore, #tpu.memory_space<semaphore_mem>>) src(%dma_wait3A_77 : memref<640xf32, #tpu.memory_space<vmem_shared>>) dst(%dma_wait3A : memref<640xf32, #tpu.memory_space<hbm>>)
      tpu.yield
    }) : () -> ()
    return
  }
}

#map = affine_map<(d0, d1) -> (0, 0, 0, 0)>
#map1 = affine_map<(d0, d1) -> (0, 0)>
#map2 = affine_map<(d0, d1) -> (0)>
module attributes {stable_mosaic.version = 14 : i64} {
  func.func @edge_kernel(%arg0: i32, %arg1: i32, %arg2: memref<32x80x2x128xi32, #tpu.memory_space<hbm>>, %arg3: memref<10240x128xf32, #tpu.memory_space<hbm>>, %arg4: memref<10240xf32, #tpu.memory_space<hbm>>, %arg5: memref<20480x128xf32, #tpu.memory_space<hbm>>, %arg6: memref<20480xf32, #tpu.memory_space<hbm>>, %arg7: memref<8x2x128xi32, #tpu.memory_space<vmem>>, %arg8: memref<2x128x128xf32, #tpu.memory_space<vmem>>, %arg9: memref<4x128xf32, #tpu.memory_space<vmem>>, %arg10: memref<640xf32, #tpu.memory_space<vmem>>, %arg11: memref<10240x128xf32, #tpu.memory_space<vmem_shared>>, %arg12: memref<10240xf32, #tpu.memory_space<vmem_shared>>, %arg13: memref<!tpu.dma_semaphore, #tpu.memory_space<semaphore_mem>>, %arg14: memref<!tpu.dma_semaphore, #tpu.memory_space<semaphore_mem>>, %arg15: memref<!tpu.dma_semaphore, #tpu.memory_space<semaphore_mem>>, %arg16: memref<!tpu.dma_semaphore, #tpu.memory_space<semaphore_mem>>, %arg17: memref<!tpu.dma_semaphore, #tpu.memory_space<semaphore_mem>>, %arg18: memref<!tpu.dma_semaphore, #tpu.memory_space<semaphore_mem>>, %arg19: memref<!tpu.dma_semaphore, #tpu.memory_space<semaphore_mem>>, %arg20: memref<!tpu.dma_semaphore, #tpu.memory_space<semaphore_mem>>, %arg21: memref<!tpu.dma_semaphore, #tpu.memory_space<semaphore_mem>>, %arg22: memref<!tpu.dma_semaphore, #tpu.memory_space<semaphore_mem>>, %arg23: memref<!tpu.dma_semaphore, #tpu.memory_space<semaphore_mem>>, %arg24: memref<!tpu.dma_semaphore, #tpu.memory_space<semaphore_mem>>, %arg25: memref<!tpu.dma_semaphore, #tpu.memory_space<semaphore_mem>>, %arg26: memref<!tpu.dma_semaphore, #tpu.memory_space<semaphore_mem>>, %arg27: memref<!tpu.dma_semaphore, #tpu.memory_space<semaphore_mem>>, %arg28: memref<!tpu.dma_semaphore, #tpu.memory_space<semaphore_mem>>, %arg29: memref<!tpu.dma_semaphore, #tpu.memory_space<semaphore_mem>>, %arg30: memref<!tpu.dma_semaphore, #tpu.memory_space<semaphore_mem>>, %arg31: memref<!tpu.dma_semaphore, #tpu.memory_space<semaphore_mem>>, %arg32: memref<!tpu.dma_semaphore, #tpu.memory_space<semaphore_mem>>) attributes {dimension_semantics = [#tpu.dimension_semantics<core_parallel>, #tpu.dimension_semantics<subcore_parallel>], iteration_bounds = array<i64: 2, 16>, scalar_prefetch = 0 : i64, scratch_operands = 26 : i64, tpu.core_type = #tpu.core_type<sc_vector_subcore>, window_params = [{transform_indices = #map}, {transform_indices = #map1}, {transform_indices = #map2}, {transform_indices = #map1}, {transform_indices = #map2}]} {
    %mul3A = arith.constant 2 : i32
    %mul3A_0 = arith.muli %arg1, %mul3A : i32
    %add3A = arith.addi %mul3A_0, %arg0 : i32
    %scan3A = arith.constant 0 : i32
    %scan3A_1 = arith.constant 0 : i32
    %scan3A_2 = arith.constant 128 : i32
    %scan3A_3 = arith.addi %scan3A_1, %scan3A_2 : i32
    %scan3A_4 = arith.constant 1 : i32
    %scan3A_5 = scf.for %scan3A_253 = %scan3A_1 to %scan3A_3 step %scan3A_4 iter_args(%scan3A_254 = %scan3A) -> (i32)  : i32 {
      %broadcast_in_dim3A = arith.constant 0.000000e+00 : f32
      %broadcast_in_dim3A_255 = vector.broadcast %broadcast_in_dim3A : f32 to vector<16xf32>
      %swap3A = arith.constant 0 : i32
      %swap3A_256 = arith.index_cast %swap3A : i32 to index
      %swap3A_257 = arith.index_cast %scan3A_253 : i32 to index
      %swap3A_258 = arith.constant 0 : index
      %swap3A_259 = tpu.vector_load %arg8[%swap3A_256, %swap3A_257, %swap3A_258] {strides = array<i32>} : memref<2x128x128xf32, #tpu.memory_space<vmem>>, vector<1x1x16xf32>,
      %swap3A_260 = vector.shape_cast %swap3A_259 : vector<1x1x16xf32> to vector<16xf32>
      %swap3A_261 = vector.shape_cast %broadcast_in_dim3A_255 : vector<16xf32> to vector<1x1x16xf32>
      tpu.vector_store %arg8[%swap3A_256, %swap3A_257, %swap3A_258], %swap3A_261 {strides = array<i32>} : memref<2x128x128xf32, #tpu.memory_space<vmem>>, vector<1x1x16xf32>,
      %broadcast_in_dim3A_262 = arith.constant 0.000000e+00 : f32
      %broadcast_in_dim3A_263 = vector.broadcast %broadcast_in_dim3A_262 : f32 to vector<16xf32>
      %swap3A_264 = arith.constant 0 : i32
      %swap3A_265 = arith.index_cast %swap3A_264 : i32 to index
      %swap3A_266 = arith.index_cast %scan3A_253 : i32 to index
      %swap3A_267 = arith.constant 16 : index
      %swap3A_268 = tpu.vector_load %arg8[%swap3A_265, %swap3A_266, %swap3A_267] {strides = array<i32>} : memref<2x128x128xf32, #tpu.memory_space<vmem>>, vector<1x1x16xf32>,
      %swap3A_269 = vector.shape_cast %swap3A_268 : vector<1x1x16xf32> to vector<16xf32>
      %swap3A_270 = vector.shape_cast %broadcast_in_dim3A_263 : vector<16xf32> to vector<1x1x16xf32>
      tpu.vector_store %arg8[%swap3A_265, %swap3A_266, %swap3A_267], %swap3A_270 {strides = array<i32>} : memref<2x128x128xf32, #tpu.memory_space<vmem>>, vector<1x1x16xf32>,
      %broadcast_in_dim3A_271 = arith.constant 0.000000e+00 : f32
      %broadcast_in_dim3A_272 = vector.broadcast %broadcast_in_dim3A_271 : f32 to vector<16xf32>
      %swap3A_273 = arith.constant 0 : i32
      %swap3A_274 = arith.index_cast %swap3A_273 : i32 to index
      %swap3A_275 = arith.index_cast %scan3A_253 : i32 to index
      %swap3A_276 = arith.constant 32 : index
      %swap3A_277 = tpu.vector_load %arg8[%swap3A_274, %swap3A_275, %swap3A_276] {strides = array<i32>} : memref<2x128x128xf32, #tpu.memory_space<vmem>>, vector<1x1x16xf32>,
      %swap3A_278 = vector.shape_cast %swap3A_277 : vector<1x1x16xf32> to vector<16xf32>
      %swap3A_279 = vector.shape_cast %broadcast_in_dim3A_272 : vector<16xf32> to vector<1x1x16xf32>
      tpu.vector_store %arg8[%swap3A_274, %swap3A_275, %swap3A_276], %swap3A_279 {strides = array<i32>} : memref<2x128x128xf32, #tpu.memory_space<vmem>>, vector<1x1x16xf32>,
      %broadcast_in_dim3A_280 = arith.constant 0.000000e+00 : f32
      %broadcast_in_dim3A_281 = vector.broadcast %broadcast_in_dim3A_280 : f32 to vector<16xf32>
      %swap3A_282 = arith.constant 0 : i32
      %swap3A_283 = arith.index_cast %swap3A_282 : i32 to index
      %swap3A_284 = arith.index_cast %scan3A_253 : i32 to index
      %swap3A_285 = arith.constant 48 : index
      %swap3A_286 = tpu.vector_load %arg8[%swap3A_283, %swap3A_284, %swap3A_285] {strides = array<i32>} : memref<2x128x128xf32, #tpu.memory_space<vmem>>, vector<1x1x16xf32>,
      %swap3A_287 = vector.shape_cast %swap3A_286 : vector<1x1x16xf32> to vector<16xf32>
      %swap3A_288 = vector.shape_cast %broadcast_in_dim3A_281 : vector<16xf32> to vector<1x1x16xf32>
      tpu.vector_store %arg8[%swap3A_283, %swap3A_284, %swap3A_285], %swap3A_288 {strides = array<i32>} : memref<2x128x128xf32, #tpu.memory_space<vmem>>, vector<1x1x16xf32>,
      %broadcast_in_dim3A_289 = arith.constant 0.000000e+00 : f32
      %broadcast_in_dim3A_290 = vector.broadcast %broadcast_in_dim3A_289 : f32 to vector<16xf32>
      %swap3A_291 = arith.constant 0 : i32
      %swap3A_292 = arith.index_cast %swap3A_291 : i32 to index
      %swap3A_293 = arith.index_cast %scan3A_253 : i32 to index
      %swap3A_294 = arith.constant 64 : index
      %swap3A_295 = tpu.vector_load %arg8[%swap3A_292, %swap3A_293, %swap3A_294] {strides = array<i32>} : memref<2x128x128xf32, #tpu.memory_space<vmem>>, vector<1x1x16xf32>,
      %swap3A_296 = vector.shape_cast %swap3A_295 : vector<1x1x16xf32> to vector<16xf32>
      %swap3A_297 = vector.shape_cast %broadcast_in_dim3A_290 : vector<16xf32> to vector<1x1x16xf32>
      tpu.vector_store %arg8[%swap3A_292, %swap3A_293, %swap3A_294], %swap3A_297 {strides = array<i32>} : memref<2x128x128xf32, #tpu.memory_space<vmem>>, vector<1x1x16xf32>,
      %broadcast_in_dim3A_298 = arith.constant 0.000000e+00 : f32
      %broadcast_in_dim3A_299 = vector.broadcast %broadcast_in_dim3A_298 : f32 to vector<16xf32>
      %swap3A_300 = arith.constant 0 : i32
      %swap3A_301 = arith.index_cast %swap3A_300 : i32 to index
      %swap3A_302 = arith.index_cast %scan3A_253 : i32 to index
      %swap3A_303 = arith.constant 80 : index
      %swap3A_304 = tpu.vector_load %arg8[%swap3A_301, %swap3A_302, %swap3A_303] {strides = array<i32>} : memref<2x128x128xf32, #tpu.memory_space<vmem>>, vector<1x1x16xf32>,
      %swap3A_305 = vector.shape_cast %swap3A_304 : vector<1x1x16xf32> to vector<16xf32>
      %swap3A_306 = vector.shape_cast %broadcast_in_dim3A_299 : vector<16xf32> to vector<1x1x16xf32>
      tpu.vector_store %arg8[%swap3A_301, %swap3A_302, %swap3A_303], %swap3A_306 {strides = array<i32>} : memref<2x128x128xf32, #tpu.memory_space<vmem>>, vector<1x1x16xf32>,
      %broadcast_in_dim3A_307 = arith.constant 0.000000e+00 : f32
      %broadcast_in_dim3A_308 = vector.broadcast %broadcast_in_dim3A_307 : f32 to vector<16xf32>
      %swap3A_309 = arith.constant 0 : i32
      %swap3A_310 = arith.index_cast %swap3A_309 : i32 to index
      %swap3A_311 = arith.index_cast %scan3A_253 : i32 to index
      %swap3A_312 = arith.constant 96 : index
      %swap3A_313 = tpu.vector_load %arg8[%swap3A_310, %swap3A_311, %swap3A_312] {strides = array<i32>} : memref<2x128x128xf32, #tpu.memory_space<vmem>>, vector<1x1x16xf32>,
      %swap3A_314 = vector.shape_cast %swap3A_313 : vector<1x1x16xf32> to vector<16xf32>
      %swap3A_315 = vector.shape_cast %broadcast_in_dim3A_308 : vector<16xf32> to vector<1x1x16xf32>
      tpu.vector_store %arg8[%swap3A_310, %swap3A_311, %swap3A_312], %swap3A_315 {strides = array<i32>} : memref<2x128x128xf32, #tpu.memory_space<vmem>>, vector<1x1x16xf32>,
      %broadcast_in_dim3A_316 = arith.constant 0.000000e+00 : f32
      %broadcast_in_dim3A_317 = vector.broadcast %broadcast_in_dim3A_316 : f32 to vector<16xf32>
      %swap3A_318 = arith.constant 0 : i32
      %swap3A_319 = arith.index_cast %swap3A_318 : i32 to index
      %swap3A_320 = arith.index_cast %scan3A_253 : i32 to index
      %swap3A_321 = arith.constant 112 : index
      %swap3A_322 = tpu.vector_load %arg8[%swap3A_319, %swap3A_320, %swap3A_321] {strides = array<i32>} : memref<2x128x128xf32, #tpu.memory_space<vmem>>, vector<1x1x16xf32>,
      %swap3A_323 = vector.shape_cast %swap3A_322 : vector<1x1x16xf32> to vector<16xf32>
      %swap3A_324 = vector.shape_cast %broadcast_in_dim3A_317 : vector<16xf32> to vector<1x1x16xf32>
      tpu.vector_store %arg8[%swap3A_319, %swap3A_320, %swap3A_321], %swap3A_324 {strides = array<i32>} : memref<2x128x128xf32, #tpu.memory_space<vmem>>, vector<1x1x16xf32>,
      %scan3A_325 = arith.constant 0 : i32
      scf.yield %scan3A_325 : i32
    }
    %scan3A_6 = arith.constant 128 : i32
    %scan3A_7 = arith.constant 0 : i32
    %scan3A_8 = arith.constant 0 : i32
    %scan3A_9 = arith.constant 40 : i32
    %scan3A_10 = arith.addi %scan3A_8, %scan3A_9 : i32
    %scan3A_11 = arith.constant 1 : i32
    %scan3A_12 = scf.for %scan3A_253 = %scan3A_8 to %scan3A_10 step %scan3A_11 iter_args(%scan3A_254 = %scan3A_7) -> (i32)  : i32 {
      %broadcast_in_dim3A = arith.constant 0.000000e+00 : f32
      %broadcast_in_dim3A_255 = vector.broadcast %broadcast_in_dim3A : f32 to vector<16xf32>
      %mul3A_256 = arith.constant 16 : i32
      %mul3A_257 = arith.muli %scan3A_253, %mul3A_256 : i32
      %multiple_of3A_258 = tpu.assume_multiple %mul3A_257, 16 : i32
      %swap3A = arith.index_cast %multiple_of3A_258 : i32 to index
      %swap3A_259 = tpu.vector_load %arg10[%swap3A] {strides = array<i32>} : memref<640xf32, #tpu.memory_space<vmem>>, vector<16xf32>,
      %swap3A_260 = vector.shape_cast %swap3A_259 : vector<16xf32> to vector<16xf32>
      %swap3A_261 = vector.shape_cast %broadcast_in_dim3A_255 : vector<16xf32> to vector<16xf32>
      tpu.vector_store %arg10[%swap3A], %swap3A_261 {strides = array<i32>} : memref<640xf32, #tpu.memory_space<vmem>>, vector<16xf32>,
      %scan3A_262 = arith.constant 0 : i32
      scf.yield %scan3A_262 : i32
    }
    %scan3A_13 = arith.constant 40 : i32
    %mul3A_14 = arith.constant 640 : i32
    %mul3A_15 = arith.muli %arg1, %mul3A_14 : i32
    %multiple_of3A = tpu.assume_multiple %mul3A_15, 128 : i32
    %add3A_16 = arith.constant 0 : i32
    %add3A_17 = arith.addi %multiple_of3A, %add3A_16 : i32
    %run_scoped3A = arith.constant 0 : i32
    "tpu.region"() ({
      %run_scoped3A_253 = tpu.sem_alloc : memref<!tpu.dma_semaphore, #tpu.memory_space<semaphore_mem>>
      %dma_start3A_254 = arith.constant 0 : i32
      %dma_start3A_255 = arith.constant 0 : i32
      %dma_start3A_256 = tpu.memref_slice %arg8[%run_scoped3A, %dma_start3A_254, %dma_start3A_255] : memref<2x128x128xf32, #tpu.memory_space<vmem>> -> memref<1x128x128xf32, #tpu.memory_space<vmem>>
      %dma_start3A_257 = tpu.memref_squeeze %dma_start3A_256 : memref<1x128x128xf32, #tpu.memory_space<vmem>> -> memref<128x128xf32, #tpu.memory_space<vmem>>
      %dma_start3A_258 = arith.constant 0 : i32
      %dma_start3A_259 = tpu.memref_slice %arg11[%add3A_17, %dma_start3A_258] : memref<10240x128xf32, #tpu.memory_space<vmem_shared>> -> memref<128x128xf32, #tpu.memory_space<vmem_shared>>
      %dma_start3A_260 = arith.constant 0 : i32
      %dma_start3A_261 = tpu.memref_slice %arg11[%add3A_17, %dma_start3A_260] : memref<10240x128xf32, #tpu.memory_space<vmem_shared>> -> memref<128x128xf32, #tpu.memory_space<vmem_shared>>
      %dma_start3A_262 = arith.constant 0 : i32
      %dma_start3A_263 = arith.constant 0 : i32
      %dma_start3A_264 = tpu.memref_slice %arg8[%run_scoped3A, %dma_start3A_262, %dma_start3A_263] : memref<2x128x128xf32, #tpu.memory_space<vmem>> -> memref<1x128x128xf32, #tpu.memory_space<vmem>>
      %dma_start3A_265 = tpu.memref_squeeze %dma_start3A_264 : memref<1x128x128xf32, #tpu.memory_space<vmem>> -> memref<128x128xf32, #tpu.memory_space<vmem>>
      tpu.enqueue_dma source(%dma_start3A_265 : memref<128x128xf32, #tpu.memory_space<vmem>>) target(%dma_start3A_261 : memref<128x128xf32, #tpu.memory_space<vmem_shared>>) target_semaphore(%run_scoped3A_253 : memref<!tpu.dma_semaphore, #tpu.memory_space<semaphore_mem>>)
      %dma_wait3A_266 = arith.constant 0 : i32
      %dma_wait3A_267 = arith.constant 0 : i32
      %dma_wait3A_268 = tpu.memref_slice %arg8[%run_scoped3A, %dma_wait3A_266, %dma_wait3A_267] : memref<2x128x128xf32, #tpu.memory_space<vmem>> -> memref<1x128x128xf32, #tpu.memory_space<vmem>>
      %dma_wait3A_269 = tpu.memref_squeeze %dma_wait3A_268 : memref<1x128x128xf32, #tpu.memory_space<vmem>> -> memref<128x128xf32, #tpu.memory_space<vmem>>
      %dma_wait3A_270 = arith.constant 0 : i32
      %dma_wait3A_271 = tpu.memref_slice %arg11[%add3A_17, %dma_wait3A_270] : memref<10240x128xf32, #tpu.memory_space<vmem_shared>> -> memref<128x128xf32, #tpu.memory_space<vmem_shared>>
      %dma_wait3A_272 = arith.constant 0 : i32
      %dma_wait3A_273 = tpu.memref_slice %arg11[%add3A_17, %dma_wait3A_272] : memref<10240x128xf32, #tpu.memory_space<vmem_shared>> -> memref<128x128xf32, #tpu.memory_space<vmem_shared>>
      %dma_wait3A_274 = arith.constant 0 : i32
      %dma_wait3A_275 = arith.constant 0 : i32
      %dma_wait3A_276 = tpu.memref_slice %arg8[%run_scoped3A, %dma_wait3A_274, %dma_wait3A_275] : memref<2x128x128xf32, #tpu.memory_space<vmem>> -> memref<1x128x128xf32, #tpu.memory_space<vmem>>
      %dma_wait3A_277 = tpu.memref_squeeze %dma_wait3A_276 : memref<1x128x128xf32, #tpu.memory_space<vmem>> -> memref<128x128xf32, #tpu.memory_space<vmem>>
      tpu.wait_dma2 semaphore(%run_scoped3A_253 : memref<!tpu.dma_semaphore, #tpu.memory_space<semaphore_mem>>) src(%dma_wait3A_277 : memref<128x128xf32, #tpu.memory_space<vmem>>) dst(%dma_wait3A_273 : memref<128x128xf32, #tpu.memory_space<vmem_shared>>)
      tpu.yield
    }) : () -> ()
    %add3A_18 = arith.constant 128 : i32
    %add3A_19 = arith.addi %multiple_of3A, %add3A_18 : i32
    %run_scoped3A_20 = arith.constant 0 : i32
    "tpu.region"() ({
      %run_scoped3A_253 = tpu.sem_alloc : memref<!tpu.dma_semaphore, #tpu.memory_space<semaphore_mem>>
      %dma_start3A_254 = arith.constant 0 : i32
      %dma_start3A_255 = arith.constant 0 : i32
      %dma_start3A_256 = tpu.memref_slice %arg8[%run_scoped3A_20, %dma_start3A_254, %dma_start3A_255] : memref<2x128x128xf32, #tpu.memory_space<vmem>> -> memref<1x128x128xf32, #tpu.memory_space<vmem>>
      %dma_start3A_257 = tpu.memref_squeeze %dma_start3A_256 : memref<1x128x128xf32, #tpu.memory_space<vmem>> -> memref<128x128xf32, #tpu.memory_space<vmem>>
      %dma_start3A_258 = arith.constant 0 : i32
      %dma_start3A_259 = tpu.memref_slice %arg11[%add3A_19, %dma_start3A_258] : memref<10240x128xf32, #tpu.memory_space<vmem_shared>> -> memref<128x128xf32, #tpu.memory_space<vmem_shared>>
      %dma_start3A_260 = arith.constant 0 : i32
      %dma_start3A_261 = tpu.memref_slice %arg11[%add3A_19, %dma_start3A_260] : memref<10240x128xf32, #tpu.memory_space<vmem_shared>> -> memref<128x128xf32, #tpu.memory_space<vmem_shared>>
      %dma_start3A_262 = arith.constant 0 : i32
      %dma_start3A_263 = arith.constant 0 : i32
      %dma_start3A_264 = tpu.memref_slice %arg8[%run_scoped3A_20, %dma_start3A_262, %dma_start3A_263] : memref<2x128x128xf32, #tpu.memory_space<vmem>> -> memref<1x128x128xf32, #tpu.memory_space<vmem>>
      %dma_start3A_265 = tpu.memref_squeeze %dma_start3A_264 : memref<1x128x128xf32, #tpu.memory_space<vmem>> -> memref<128x128xf32, #tpu.memory_space<vmem>>
      tpu.enqueue_dma source(%dma_start3A_265 : memref<128x128xf32, #tpu.memory_space<vmem>>) target(%dma_start3A_261 : memref<128x128xf32, #tpu.memory_space<vmem_shared>>) target_semaphore(%run_scoped3A_253 : memref<!tpu.dma_semaphore, #tpu.memory_space<semaphore_mem>>)
      %dma_wait3A_266 = arith.constant 0 : i32
      %dma_wait3A_267 = arith.constant 0 : i32
      %dma_wait3A_268 = tpu.memref_slice %arg8[%run_scoped3A_20, %dma_wait3A_266, %dma_wait3A_267] : memref<2x128x128xf32, #tpu.memory_space<vmem>> -> memref<1x128x128xf32, #tpu.memory_space<vmem>>
      %dma_wait3A_269 = tpu.memref_squeeze %dma_wait3A_268 : memref<1x128x128xf32, #tpu.memory_space<vmem>> -> memref<128x128xf32, #tpu.memory_space<vmem>>
      %dma_wait3A_270 = arith.constant 0 : i32
      %dma_wait3A_271 = tpu.memref_slice %arg11[%add3A_19, %dma_wait3A_270] : memref<10240x128xf32, #tpu.memory_space<vmem_shared>> -> memref<128x128xf32, #tpu.memory_space<vmem_shared>>
      %dma_wait3A_272 = arith.constant 0 : i32
      %dma_wait3A_273 = tpu.memref_slice %arg11[%add3A_19, %dma_wait3A_272] : memref<10240x128xf32, #tpu.memory_space<vmem_shared>> -> memref<128x128xf32, #tpu.memory_space<vmem_shared>>
      %dma_wait3A_274 = arith.constant 0 : i32
      %dma_wait3A_275 = arith.constant 0 : i32
      %dma_wait3A_276 = tpu.memref_slice %arg8[%run_scoped3A_20, %dma_wait3A_274, %dma_wait3A_275] : memref<2x128x128xf32, #tpu.memory_space<vmem>> -> memref<1x128x128xf32, #tpu.memory_space<vmem>>
      %dma_wait3A_277 = tpu.memref_squeeze %dma_wait3A_276 : memref<1x128x128xf32, #tpu.memory_space<vmem>> -> memref<128x128xf32, #tpu.memory_space<vmem>>
      tpu.wait_dma2 semaphore(%run_scoped3A_253 : memref<!tpu.dma_semaphore, #tpu.memory_space<semaphore_mem>>) src(%dma_wait3A_277 : memref<128x128xf32, #tpu.memory_space<vmem>>) dst(%dma_wait3A_273 : memref<128x128xf32, #tpu.memory_space<vmem_shared>>)
      tpu.yield
    }) : () -> ()
    %add3A_21 = arith.constant 256 : i32
    %add3A_22 = arith.addi %multiple_of3A, %add3A_21 : i32
    %run_scoped3A_23 = arith.constant 0 : i32
    "tpu.region"() ({
      %run_scoped3A_253 = tpu.sem_alloc : memref<!tpu.dma_semaphore, #tpu.memory_space<semaphore_mem>>
      %dma_start3A_254 = arith.constant 0 : i32
      %dma_start3A_255 = arith.constant 0 : i32
      %dma_start3A_256 = tpu.memref_slice %arg8[%run_scoped3A_23, %dma_start3A_254, %dma_start3A_255] : memref<2x128x128xf32, #tpu.memory_space<vmem>> -> memref<1x128x128xf32, #tpu.memory_space<vmem>>
      %dma_start3A_257 = tpu.memref_squeeze %dma_start3A_256 : memref<1x128x128xf32, #tpu.memory_space<vmem>> -> memref<128x128xf32, #tpu.memory_space<vmem>>
      %dma_start3A_258 = arith.constant 0 : i32
      %dma_start3A_259 = tpu.memref_slice %arg11[%add3A_22, %dma_start3A_258] : memref<10240x128xf32, #tpu.memory_space<vmem_shared>> -> memref<128x128xf32, #tpu.memory_space<vmem_shared>>
      %dma_start3A_260 = arith.constant 0 : i32
      %dma_start3A_261 = tpu.memref_slice %arg11[%add3A_22, %dma_start3A_260] : memref<10240x128xf32, #tpu.memory_space<vmem_shared>> -> memref<128x128xf32, #tpu.memory_space<vmem_shared>>
      %dma_start3A_262 = arith.constant 0 : i32
      %dma_start3A_263 = arith.constant 0 : i32
      %dma_start3A_264 = tpu.memref_slice %arg8[%run_scoped3A_23, %dma_start3A_262, %dma_start3A_263] : memref<2x128x128xf32, #tpu.memory_space<vmem>> -> memref<1x128x128xf32, #tpu.memory_space<vmem>>
      %dma_start3A_265 = tpu.memref_squeeze %dma_start3A_264 : memref<1x128x128xf32, #tpu.memory_space<vmem>> -> memref<128x128xf32, #tpu.memory_space<vmem>>
      tpu.enqueue_dma source(%dma_start3A_265 : memref<128x128xf32, #tpu.memory_space<vmem>>) target(%dma_start3A_261 : memref<128x128xf32, #tpu.memory_space<vmem_shared>>) target_semaphore(%run_scoped3A_253 : memref<!tpu.dma_semaphore, #tpu.memory_space<semaphore_mem>>)
      %dma_wait3A_266 = arith.constant 0 : i32
      %dma_wait3A_267 = arith.constant 0 : i32
      %dma_wait3A_268 = tpu.memref_slice %arg8[%run_scoped3A_23, %dma_wait3A_266, %dma_wait3A_267] : memref<2x128x128xf32, #tpu.memory_space<vmem>> -> memref<1x128x128xf32, #tpu.memory_space<vmem>>
      %dma_wait3A_269 = tpu.memref_squeeze %dma_wait3A_268 : memref<1x128x128xf32, #tpu.memory_space<vmem>> -> memref<128x128xf32, #tpu.memory_space<vmem>>
      %dma_wait3A_270 = arith.constant 0 : i32
      %dma_wait3A_271 = tpu.memref_slice %arg11[%add3A_22, %dma_wait3A_270] : memref<10240x128xf32, #tpu.memory_space<vmem_shared>> -> memref<128x128xf32, #tpu.memory_space<vmem_shared>>
      %dma_wait3A_272 = arith.constant 0 : i32
      %dma_wait3A_273 = tpu.memref_slice %arg11[%add3A_22, %dma_wait3A_272] : memref<10240x128xf32, #tpu.memory_space<vmem_shared>> -> memref<128x128xf32, #tpu.memory_space<vmem_shared>>
      %dma_wait3A_274 = arith.constant 0 : i32
      %dma_wait3A_275 = arith.constant 0 : i32
      %dma_wait3A_276 = tpu.memref_slice %arg8[%run_scoped3A_23, %dma_wait3A_274, %dma_wait3A_275] : memref<2x128x128xf32, #tpu.memory_space<vmem>> -> memref<1x128x128xf32, #tpu.memory_space<vmem>>
      %dma_wait3A_277 = tpu.memref_squeeze %dma_wait3A_276 : memref<1x128x128xf32, #tpu.memory_space<vmem>> -> memref<128x128xf32, #tpu.memory_space<vmem>>
      tpu.wait_dma2 semaphore(%run_scoped3A_253 : memref<!tpu.dma_semaphore, #tpu.memory_space<semaphore_mem>>) src(%dma_wait3A_277 : memref<128x128xf32, #tpu.memory_space<vmem>>) dst(%dma_wait3A_273 : memref<128x128xf32, #tpu.memory_space<vmem_shared>>)
      tpu.yield
    }) : () -> ()
    %add3A_24 = arith.constant 384 : i32
    %add3A_25 = arith.addi %multiple_of3A, %add3A_24 : i32
    %run_scoped3A_26 = arith.constant 0 : i32
    "tpu.region"() ({
      %run_scoped3A_253 = tpu.sem_alloc : memref<!tpu.dma_semaphore, #tpu.memory_space<semaphore_mem>>
      %dma_start3A_254 = arith.constant 0 : i32
      %dma_start3A_255 = arith.constant 0 : i32
      %dma_start3A_256 = tpu.memref_slice %arg8[%run_scoped3A_26, %dma_start3A_254, %dma_start3A_255] : memref<2x128x128xf32, #tpu.memory_space<vmem>> -> memref<1x128x128xf32, #tpu.memory_space<vmem>>
      %dma_start3A_257 = tpu.memref_squeeze %dma_start3A_256 : memref<1x128x128xf32, #tpu.memory_space<vmem>> -> memref<128x128xf32, #tpu.memory_space<vmem>>
      %dma_start3A_258 = arith.constant 0 : i32
      %dma_start3A_259 = tpu.memref_slice %arg11[%add3A_25, %dma_start3A_258] : memref<10240x128xf32, #tpu.memory_space<vmem_shared>> -> memref<128x128xf32, #tpu.memory_space<vmem_shared>>
      %dma_start3A_260 = arith.constant 0 : i32
      %dma_start3A_261 = tpu.memref_slice %arg11[%add3A_25, %dma_start3A_260] : memref<10240x128xf32, #tpu.memory_space<vmem_shared>> -> memref<128x128xf32, #tpu.memory_space<vmem_shared>>
      %dma_start3A_262 = arith.constant 0 : i32
      %dma_start3A_263 = arith.constant 0 : i32
      %dma_start3A_264 = tpu.memref_slice %arg8[%run_scoped3A_26, %dma_start3A_262, %dma_start3A_263] : memref<2x128x128xf32, #tpu.memory_space<vmem>> -> memref<1x128x128xf32, #tpu.memory_space<vmem>>
      %dma_start3A_265 = tpu.memref_squeeze %dma_start3A_264 : memref<1x128x128xf32, #tpu.memory_space<vmem>> -> memref<128x128xf32, #tpu.memory_space<vmem>>
      tpu.enqueue_dma source(%dma_start3A_265 : memref<128x128xf32, #tpu.memory_space<vmem>>) target(%dma_start3A_261 : memref<128x128xf32, #tpu.memory_space<vmem_shared>>) target_semaphore(%run_scoped3A_253 : memref<!tpu.dma_semaphore, #tpu.memory_space<semaphore_mem>>)
      %dma_wait3A_266 = arith.constant 0 : i32
      %dma_wait3A_267 = arith.constant 0 : i32
      %dma_wait3A_268 = tpu.memref_slice %arg8[%run_scoped3A_26, %dma_wait3A_266, %dma_wait3A_267] : memref<2x128x128xf32, #tpu.memory_space<vmem>> -> memref<1x128x128xf32, #tpu.memory_space<vmem>>
      %dma_wait3A_269 = tpu.memref_squeeze %dma_wait3A_268 : memref<1x128x128xf32, #tpu.memory_space<vmem>> -> memref<128x128xf32, #tpu.memory_space<vmem>>
      %dma_wait3A_270 = arith.constant 0 : i32
      %dma_wait3A_271 = tpu.memref_slice %arg11[%add3A_25, %dma_wait3A_270] : memref<10240x128xf32, #tpu.memory_space<vmem_shared>> -> memref<128x128xf32, #tpu.memory_space<vmem_shared>>
      %dma_wait3A_272 = arith.constant 0 : i32
      %dma_wait3A_273 = tpu.memref_slice %arg11[%add3A_25, %dma_wait3A_272] : memref<10240x128xf32, #tpu.memory_space<vmem_shared>> -> memref<128x128xf32, #tpu.memory_space<vmem_shared>>
      %dma_wait3A_274 = arith.constant 0 : i32
      %dma_wait3A_275 = arith.constant 0 : i32
      %dma_wait3A_276 = tpu.memref_slice %arg8[%run_scoped3A_26, %dma_wait3A_274, %dma_wait3A_275] : memref<2x128x128xf32, #tpu.memory_space<vmem>> -> memref<1x128x128xf32, #tpu.memory_space<vmem>>
      %dma_wait3A_277 = tpu.memref_squeeze %dma_wait3A_276 : memref<1x128x128xf32, #tpu.memory_space<vmem>> -> memref<128x128xf32, #tpu.memory_space<vmem>>
      tpu.wait_dma2 semaphore(%run_scoped3A_253 : memref<!tpu.dma_semaphore, #tpu.memory_space<semaphore_mem>>) src(%dma_wait3A_277 : memref<128x128xf32, #tpu.memory_space<vmem>>) dst(%dma_wait3A_273 : memref<128x128xf32, #tpu.memory_space<vmem_shared>>)
      tpu.yield
    }) : () -> ()
    %add3A_27 = arith.constant 512 : i32
    %add3A_28 = arith.addi %multiple_of3A, %add3A_27 : i32
    %run_scoped3A_29 = arith.constant 0 : i32
    "tpu.region"() ({
      %run_scoped3A_253 = tpu.sem_alloc : memref<!tpu.dma_semaphore, #tpu.memory_space<semaphore_mem>>
      %dma_start3A_254 = arith.constant 0 : i32
      %dma_start3A_255 = arith.constant 0 : i32
      %dma_start3A_256 = tpu.memref_slice %arg8[%run_scoped3A_29, %dma_start3A_254, %dma_start3A_255] : memref<2x128x128xf32, #tpu.memory_space<vmem>> -> memref<1x128x128xf32, #tpu.memory_space<vmem>>
      %dma_start3A_257 = tpu.memref_squeeze %dma_start3A_256 : memref<1x128x128xf32, #tpu.memory_space<vmem>> -> memref<128x128xf32, #tpu.memory_space<vmem>>
      %dma_start3A_258 = arith.constant 0 : i32
      %dma_start3A_259 = tpu.memref_slice %arg11[%add3A_28, %dma_start3A_258] : memref<10240x128xf32, #tpu.memory_space<vmem_shared>> -> memref<128x128xf32, #tpu.memory_space<vmem_shared>>
      %dma_start3A_260 = arith.constant 0 : i32
      %dma_start3A_261 = tpu.memref_slice %arg11[%add3A_28, %dma_start3A_260] : memref<10240x128xf32, #tpu.memory_space<vmem_shared>> -> memref<128x128xf32, #tpu.memory_space<vmem_shared>>
      %dma_start3A_262 = arith.constant 0 : i32
      %dma_start3A_263 = arith.constant 0 : i32
      %dma_start3A_264 = tpu.memref_slice %arg8[%run_scoped3A_29, %dma_start3A_262, %dma_start3A_263] : memref<2x128x128xf32, #tpu.memory_space<vmem>> -> memref<1x128x128xf32, #tpu.memory_space<vmem>>
      %dma_start3A_265 = tpu.memref_squeeze %dma_start3A_264 : memref<1x128x128xf32, #tpu.memory_space<vmem>> -> memref<128x128xf32, #tpu.memory_space<vmem>>
      tpu.enqueue_dma source(%dma_start3A_265 : memref<128x128xf32, #tpu.memory_space<vmem>>) target(%dma_start3A_261 : memref<128x128xf32, #tpu.memory_space<vmem_shared>>) target_semaphore(%run_scoped3A_253 : memref<!tpu.dma_semaphore, #tpu.memory_space<semaphore_mem>>)
      %dma_wait3A_266 = arith.constant 0 : i32
      %dma_wait3A_267 = arith.constant 0 : i32
      %dma_wait3A_268 = tpu.memref_slice %arg8[%run_scoped3A_29, %dma_wait3A_266, %dma_wait3A_267] : memref<2x128x128xf32, #tpu.memory_space<vmem>> -> memref<1x128x128xf32, #tpu.memory_space<vmem>>
      %dma_wait3A_269 = tpu.memref_squeeze %dma_wait3A_268 : memref<1x128x128xf32, #tpu.memory_space<vmem>> -> memref<128x128xf32, #tpu.memory_space<vmem>>
      %dma_wait3A_270 = arith.constant 0 : i32
      %dma_wait3A_271 = tpu.memref_slice %arg11[%add3A_28, %dma_wait3A_270] : memref<10240x128xf32, #tpu.memory_space<vmem_shared>> -> memref<128x128xf32, #tpu.memory_space<vmem_shared>>
      %dma_wait3A_272 = arith.constant 0 : i32
      %dma_wait3A_273 = tpu.memref_slice %arg11[%add3A_28, %dma_wait3A_272] : memref<10240x128xf32, #tpu.memory_space<vmem_shared>> -> memref<128x128xf32, #tpu.memory_space<vmem_shared>>
      %dma_wait3A_274 = arith.constant 0 : i32
      %dma_wait3A_275 = arith.constant 0 : i32
      %dma_wait3A_276 = tpu.memref_slice %arg8[%run_scoped3A_29, %dma_wait3A_274, %dma_wait3A_275] : memref<2x128x128xf32, #tpu.memory_space<vmem>> -> memref<1x128x128xf32, #tpu.memory_space<vmem>>
      %dma_wait3A_277 = tpu.memref_squeeze %dma_wait3A_276 : memref<1x128x128xf32, #tpu.memory_space<vmem>> -> memref<128x128xf32, #tpu.memory_space<vmem>>
      tpu.wait_dma2 semaphore(%run_scoped3A_253 : memref<!tpu.dma_semaphore, #tpu.memory_space<semaphore_mem>>) src(%dma_wait3A_277 : memref<128x128xf32, #tpu.memory_space<vmem>>) dst(%dma_wait3A_273 : memref<128x128xf32, #tpu.memory_space<vmem_shared>>)
      tpu.yield
    }) : () -> ()
    "tpu.region"() ({
      %run_scoped3A_253 = tpu.sem_alloc : memref<!tpu.dma_semaphore, #tpu.memory_space<semaphore_mem>>
      %dma_start3A_254 = tpu.memref_slice %arg12[%multiple_of3A] : memref<10240xf32, #tpu.memory_space<vmem_shared>> -> memref<640xf32, #tpu.memory_space<vmem_shared>>
      %dma_start3A_255 = tpu.memref_slice %arg12[%multiple_of3A] : memref<10240xf32, #tpu.memory_space<vmem_shared>> -> memref<640xf32, #tpu.memory_space<vmem_shared>>
      tpu.enqueue_dma source(%arg10 : memref<640xf32, #tpu.memory_space<vmem>>) target(%dma_start3A_255 : memref<640xf32, #tpu.memory_space<vmem_shared>>) target_semaphore(%run_scoped3A_253 : memref<!tpu.dma_semaphore, #tpu.memory_space<semaphore_mem>>)
      %dma_wait3A_256 = tpu.memref_slice %arg12[%multiple_of3A] : memref<10240xf32, #tpu.memory_space<vmem_shared>> -> memref<640xf32, #tpu.memory_space<vmem_shared>>
      %dma_wait3A_257 = tpu.memref_slice %arg12[%multiple_of3A] : memref<10240xf32, #tpu.memory_space<vmem_shared>> -> memref<640xf32, #tpu.memory_space<vmem_shared>>
      tpu.wait_dma2 semaphore(%run_scoped3A_253 : memref<!tpu.dma_semaphore, #tpu.memory_space<semaphore_mem>>) src(%arg10 : memref<640xf32, #tpu.memory_space<vmem>>) dst(%dma_wait3A_257 : memref<640xf32, #tpu.memory_space<vmem_shared>>)
      tpu.yield
    }) : () -> ()
    %dma_start3A = arith.constant 0 : i32
    %dma_start3A_30 = arith.constant 0 : i32
    %dma_start3A_31 = arith.constant 0 : i32
    %dma_start3A_32 = arith.constant 0 : i32
    %dma_start3A_33 = tpu.memref_slice %arg7[%dma_start3A_30, %dma_start3A_31, %dma_start3A_32] : memref<8x2x128xi32, #tpu.memory_space<vmem>> -> memref<1x2x128xi32, #tpu.memory_space<vmem>>
    %dma_start3A_34 = tpu.memref_squeeze %dma_start3A_33 : memref<1x2x128xi32, #tpu.memory_space<vmem>> -> memref<2x128xi32, #tpu.memory_space<vmem>>
    %dma_start3A_35 = arith.constant 0 : i32
    %dma_start3A_36 = arith.constant 0 : i32
    %dma_start3A_37 = tpu.memref_slice %arg2[%add3A, %dma_start3A, %dma_start3A_35, %dma_start3A_36] : memref<32x80x2x128xi32, #tpu.memory_space<hbm>> -> memref<1x1x2x128xi32, #tpu.memory_space<hbm>>
    %dma_start3A_38 = tpu.memref_squeeze %dma_start3A_37 : memref<1x1x2x128xi32, #tpu.memory_space<hbm>> -> memref<2x128xi32, #tpu.memory_space<hbm>>
    %dma_start3A_39 = arith.constant 0 : i32
    %dma_start3A_40 = arith.constant 0 : i32
    %dma_start3A_41 = tpu.memref_slice %arg7[%dma_start3A_30, %dma_start3A_39, %dma_start3A_40] : memref<8x2x128xi32, #tpu.memory_space<vmem>> -> memref<1x2x128xi32, #tpu.memory_space<vmem>>
    %dma_start3A_42 = tpu.memref_squeeze %dma_start3A_41 : memref<1x2x128xi32, #tpu.memory_space<vmem>> -> memref<2x128xi32, #tpu.memory_space<vmem>>
    %dma_start3A_43 = arith.constant 0 : i32
    %dma_start3A_44 = arith.constant 0 : i32
    %dma_start3A_45 = tpu.memref_slice %arg2[%add3A, %dma_start3A, %dma_start3A_43, %dma_start3A_44] : memref<32x80x2x128xi32, #tpu.memory_space<hbm>> -> memref<1x1x2x128xi32, #tpu.memory_space<hbm>>
    %dma_start3A_46 = tpu.memref_squeeze %dma_start3A_45 : memref<1x1x2x128xi32, #tpu.memory_space<hbm>> -> memref<2x128xi32, #tpu.memory_space<hbm>>
    tpu.enqueue_dma source(%dma_start3A_46 : memref<2x128xi32, #tpu.memory_space<hbm>>) target(%dma_start3A_42 : memref<2x128xi32, #tpu.memory_space<vmem>>) target_semaphore(%arg13 : memref<!tpu.dma_semaphore, #tpu.memory_space<semaphore_mem>>)
    %dma_start3A_47 = arith.constant 1 : i32
    %dma_start3A_48 = arith.constant 1 : i32
    %dma_start3A_49 = arith.constant 0 : i32
    %dma_start3A_50 = arith.constant 0 : i32
    %dma_start3A_51 = tpu.memref_slice %arg7[%dma_start3A_48, %dma_start3A_49, %dma_start3A_50] : memref<8x2x128xi32, #tpu.memory_space<vmem>> -> memref<1x2x128xi32, #tpu.memory_space<vmem>>
    %dma_start3A_52 = tpu.memref_squeeze %dma_start3A_51 : memref<1x2x128xi32, #tpu.memory_space<vmem>> -> memref<2x128xi32, #tpu.memory_space<vmem>>
    %dma_start3A_53 = arith.constant 0 : i32
    %dma_start3A_54 = arith.constant 0 : i32
    %dma_start3A_55 = tpu.memref_slice %arg2[%add3A, %dma_start3A_47, %dma_start3A_53, %dma_start3A_54] : memref<32x80x2x128xi32, #tpu.memory_space<hbm>> -> memref<1x1x2x128xi32, #tpu.memory_space<hbm>>
    %dma_start3A_56 = tpu.memref_squeeze %dma_start3A_55 : memref<1x1x2x128xi32, #tpu.memory_space<hbm>> -> memref<2x128xi32, #tpu.memory_space<hbm>>
    %dma_start3A_57 = arith.constant 0 : i32
    %dma_start3A_58 = arith.constant 0 : i32
    %dma_start3A_59 = tpu.memref_slice %arg7[%dma_start3A_48, %dma_start3A_57, %dma_start3A_58] : memref<8x2x128xi32, #tpu.memory_space<vmem>> -> memref<1x2x128xi32, #tpu.memory_space<vmem>>
    %dma_start3A_60 = tpu.memref_squeeze %dma_start3A_59 : memref<1x2x128xi32, #tpu.memory_space<vmem>> -> memref<2x128xi32, #tpu.memory_space<vmem>>
    %dma_start3A_61 = arith.constant 0 : i32
    %dma_start3A_62 = arith.constant 0 : i32
    %dma_start3A_63 = tpu.memref_slice %arg2[%add3A, %dma_start3A_47, %dma_start3A_61, %dma_start3A_62] : memref<32x80x2x128xi32, #tpu.memory_space<hbm>> -> memref<1x1x2x128xi32, #tpu.memory_space<hbm>>
    %dma_start3A_64 = tpu.memref_squeeze %dma_start3A_63 : memref<1x1x2x128xi32, #tpu.memory_space<hbm>> -> memref<2x128xi32, #tpu.memory_space<hbm>>
    tpu.enqueue_dma source(%dma_start3A_64 : memref<2x128xi32, #tpu.memory_space<hbm>>) target(%dma_start3A_60 : memref<2x128xi32, #tpu.memory_space<vmem>>) target_semaphore(%arg14 : memref<!tpu.dma_semaphore, #tpu.memory_space<semaphore_mem>>)
    %dma_start3A_65 = arith.constant 2 : i32
    %dma_start3A_66 = arith.constant 2 : i32
    %dma_start3A_67 = arith.constant 0 : i32
    %dma_start3A_68 = arith.constant 0 : i32
    %dma_start3A_69 = tpu.memref_slice %arg7[%dma_start3A_66, %dma_start3A_67, %dma_start3A_68] : memref<8x2x128xi32, #tpu.memory_space<vmem>> -> memref<1x2x128xi32, #tpu.memory_space<vmem>>
    %dma_start3A_70 = tpu.memref_squeeze %dma_start3A_69 : memref<1x2x128xi32, #tpu.memory_space<vmem>> -> memref<2x128xi32, #tpu.memory_space<vmem>>
    %dma_start3A_71 = arith.constant 0 : i32
    %dma_start3A_72 = arith.constant 0 : i32
    %dma_start3A_73 = tpu.memref_slice %arg2[%add3A, %dma_start3A_65, %dma_start3A_71, %dma_start3A_72] : memref<32x80x2x128xi32, #tpu.memory_space<hbm>> -> memref<1x1x2x128xi32, #tpu.memory_space<hbm>>
    %dma_start3A_74 = tpu.memref_squeeze %dma_start3A_73 : memref<1x1x2x128xi32, #tpu.memory_space<hbm>> -> memref<2x128xi32, #tpu.memory_space<hbm>>
    %dma_start3A_75 = arith.constant 0 : i32
    %dma_start3A_76 = arith.constant 0 : i32
    %dma_start3A_77 = tpu.memref_slice %arg7[%dma_start3A_66, %dma_start3A_75, %dma_start3A_76] : memref<8x2x128xi32, #tpu.memory_space<vmem>> -> memref<1x2x128xi32, #tpu.memory_space<vmem>>
    %dma_start3A_78 = tpu.memref_squeeze %dma_start3A_77 : memref<1x2x128xi32, #tpu.memory_space<vmem>> -> memref<2x128xi32, #tpu.memory_space<vmem>>
    %dma_start3A_79 = arith.constant 0 : i32
    %dma_start3A_80 = arith.constant 0 : i32
    %dma_start3A_81 = tpu.memref_slice %arg2[%add3A, %dma_start3A_65, %dma_start3A_79, %dma_start3A_80] : memref<32x80x2x128xi32, #tpu.memory_space<hbm>> -> memref<1x1x2x128xi32, #tpu.memory_space<hbm>>
    %dma_start3A_82 = tpu.memref_squeeze %dma_start3A_81 : memref<1x1x2x128xi32, #tpu.memory_space<hbm>> -> memref<2x128xi32, #tpu.memory_space<hbm>>
    tpu.enqueue_dma source(%dma_start3A_82 : memref<2x128xi32, #tpu.memory_space<hbm>>) target(%dma_start3A_78 : memref<2x128xi32, #tpu.memory_space<vmem>>) target_semaphore(%arg15 : memref<!tpu.dma_semaphore, #tpu.memory_space<semaphore_mem>>)
    %dma_start3A_83 = arith.constant 3 : i32
    %dma_start3A_84 = arith.constant 3 : i32
    %dma_start3A_85 = arith.constant 0 : i32
    %dma_start3A_86 = arith.constant 0 : i32
    %dma_start3A_87 = tpu.memref_slice %arg7[%dma_start3A_84, %dma_start3A_85, %dma_start3A_86] : memref<8x2x128xi32, #tpu.memory_space<vmem>> -> memref<1x2x128xi32, #tpu.memory_space<vmem>>
    %dma_start3A_88 = tpu.memref_squeeze %dma_start3A_87 : memref<1x2x128xi32, #tpu.memory_space<vmem>> -> memref<2x128xi32, #tpu.memory_space<vmem>>
    %dma_start3A_89 = arith.constant 0 : i32
    %dma_start3A_90 = arith.constant 0 : i32
    %dma_start3A_91 = tpu.memref_slice %arg2[%add3A, %dma_start3A_83, %dma_start3A_89, %dma_start3A_90] : memref<32x80x2x128xi32, #tpu.memory_space<hbm>> -> memref<1x1x2x128xi32, #tpu.memory_space<hbm>>
    %dma_start3A_92 = tpu.memref_squeeze %dma_start3A_91 : memref<1x1x2x128xi32, #tpu.memory_space<hbm>> -> memref<2x128xi32, #tpu.memory_space<hbm>>
    %dma_start3A_93 = arith.constant 0 : i32
    %dma_start3A_94 = arith.constant 0 : i32
    %dma_start3A_95 = tpu.memref_slice %arg7[%dma_start3A_84, %dma_start3A_93, %dma_start3A_94] : memref<8x2x128xi32, #tpu.memory_space<vmem>> -> memref<1x2x128xi32, #tpu.memory_space<vmem>>
    %dma_start3A_96 = tpu.memref_squeeze %dma_start3A_95 : memref<1x2x128xi32, #tpu.memory_space<vmem>> -> memref<2x128xi32, #tpu.memory_space<vmem>>
    %dma_start3A_97 = arith.constant 0 : i32
    %dma_start3A_98 = arith.constant 0 : i32
    %dma_start3A_99 = tpu.memref_slice %arg2[%add3A, %dma_start3A_83, %dma_start3A_97, %dma_start3A_98] : memref<32x80x2x128xi32, #tpu.memory_space<hbm>> -> memref<1x1x2x128xi32, #tpu.memory_space<hbm>>
    %dma_start3A_100 = tpu.memref_squeeze %dma_start3A_99 : memref<1x1x2x128xi32, #tpu.memory_space<hbm>> -> memref<2x128xi32, #tpu.memory_space<hbm>>
    tpu.enqueue_dma source(%dma_start3A_100 : memref<2x128xi32, #tpu.memory_space<hbm>>) target(%dma_start3A_96 : memref<2x128xi32, #tpu.memory_space<vmem>>) target_semaphore(%arg16 : memref<!tpu.dma_semaphore, #tpu.memory_space<semaphore_mem>>)
    %dma_wait3A = arith.constant 0 : i32
    %dma_wait3A_101 = arith.constant 0 : i32
    %dma_wait3A_102 = arith.constant 0 : i32
    %dma_wait3A_103 = arith.constant 0 : i32
    %dma_wait3A_104 = tpu.memref_slice %arg7[%dma_wait3A_101, %dma_wait3A_102, %dma_wait3A_103] : memref<8x2x128xi32, #tpu.memory_space<vmem>> -> memref<1x2x128xi32, #tpu.memory_space<vmem>>
    %dma_wait3A_105 = tpu.memref_squeeze %dma_wait3A_104 : memref<1x2x128xi32, #tpu.memory_space<vmem>> -> memref<2x128xi32, #tpu.memory_space<vmem>>
    %dma_wait3A_106 = arith.constant 0 : i32
    %dma_wait3A_107 = arith.constant 0 : i32
    %dma_wait3A_108 = tpu.memref_slice %arg2[%add3A, %dma_wait3A, %dma_wait3A_106, %dma_wait3A_107] : memref<32x80x2x128xi32, #tpu.memory_space<hbm>> -> memref<1x1x2x128xi32, #tpu.memory_space<hbm>>
    %dma_wait3A_109 = tpu.memref_squeeze %dma_wait3A_108 : memref<1x1x2x128xi32, #tpu.memory_space<hbm>> -> memref<2x128xi32, #tpu.memory_space<hbm>>
    %dma_wait3A_110 = arith.constant 0 : i32
    %dma_wait3A_111 = arith.constant 0 : i32
    %dma_wait3A_112 = tpu.memref_slice %arg7[%dma_wait3A_101, %dma_wait3A_110, %dma_wait3A_111] : memref<8x2x128xi32, #tpu.memory_space<vmem>> -> memref<1x2x128xi32, #tpu.memory_space<vmem>>
    %dma_wait3A_113 = tpu.memref_squeeze %dma_wait3A_112 : memref<1x2x128xi32, #tpu.memory_space<vmem>> -> memref<2x128xi32, #tpu.memory_space<vmem>>
    %dma_wait3A_114 = arith.constant 0 : i32
    %dma_wait3A_115 = arith.constant 0 : i32
    %dma_wait3A_116 = tpu.memref_slice %arg2[%add3A, %dma_wait3A, %dma_wait3A_114, %dma_wait3A_115] : memref<32x80x2x128xi32, #tpu.memory_space<hbm>> -> memref<1x1x2x128xi32, #tpu.memory_space<hbm>>
    %dma_wait3A_117 = tpu.memref_squeeze %dma_wait3A_116 : memref<1x1x2x128xi32, #tpu.memory_space<hbm>> -> memref<2x128xi32, #tpu.memory_space<hbm>>
    tpu.wait_dma2 semaphore(%arg13 : memref<!tpu.dma_semaphore, #tpu.memory_space<semaphore_mem>>) src(%dma_wait3A_117 : memref<2x128xi32, #tpu.memory_space<hbm>>) dst(%dma_wait3A_113 : memref<2x128xi32, #tpu.memory_space<vmem>>)
    %dma_wait3A_118 = arith.constant 1 : i32
    %dma_wait3A_119 = arith.constant 1 : i32
    %dma_wait3A_120 = arith.constant 0 : i32
    %dma_wait3A_121 = arith.constant 0 : i32
    %dma_wait3A_122 = tpu.memref_slice %arg7[%dma_wait3A_119, %dma_wait3A_120, %dma_wait3A_121] : memref<8x2x128xi32, #tpu.memory_space<vmem>> -> memref<1x2x128xi32, #tpu.memory_space<vmem>>
    %dma_wait3A_123 = tpu.memref_squeeze %dma_wait3A_122 : memref<1x2x128xi32, #tpu.memory_space<vmem>> -> memref<2x128xi32, #tpu.memory_space<vmem>>
    %dma_wait3A_124 = arith.constant 0 : i32
    %dma_wait3A_125 = arith.constant 0 : i32
    %dma_wait3A_126 = tpu.memref_slice %arg2[%add3A, %dma_wait3A_118, %dma_wait3A_124, %dma_wait3A_125] : memref<32x80x2x128xi32, #tpu.memory_space<hbm>> -> memref<1x1x2x128xi32, #tpu.memory_space<hbm>>
    %dma_wait3A_127 = tpu.memref_squeeze %dma_wait3A_126 : memref<1x1x2x128xi32, #tpu.memory_space<hbm>> -> memref<2x128xi32, #tpu.memory_space<hbm>>
    %dma_wait3A_128 = arith.constant 0 : i32
    %dma_wait3A_129 = arith.constant 0 : i32
    %dma_wait3A_130 = tpu.memref_slice %arg7[%dma_wait3A_119, %dma_wait3A_128, %dma_wait3A_129] : memref<8x2x128xi32, #tpu.memory_space<vmem>> -> memref<1x2x128xi32, #tpu.memory_space<vmem>>
    %dma_wait3A_131 = tpu.memref_squeeze %dma_wait3A_130 : memref<1x2x128xi32, #tpu.memory_space<vmem>> -> memref<2x128xi32, #tpu.memory_space<vmem>>
    %dma_wait3A_132 = arith.constant 0 : i32
    %dma_wait3A_133 = arith.constant 0 : i32
    %dma_wait3A_134 = tpu.memref_slice %arg2[%add3A, %dma_wait3A_118, %dma_wait3A_132, %dma_wait3A_133] : memref<32x80x2x128xi32, #tpu.memory_space<hbm>> -> memref<1x1x2x128xi32, #tpu.memory_space<hbm>>
    %dma_wait3A_135 = tpu.memref_squeeze %dma_wait3A_134 : memref<1x1x2x128xi32, #tpu.memory_space<hbm>> -> memref<2x128xi32, #tpu.memory_space<hbm>>
    tpu.wait_dma2 semaphore(%arg14 : memref<!tpu.dma_semaphore, #tpu.memory_space<semaphore_mem>>) src(%dma_wait3A_135 : memref<2x128xi32, #tpu.memory_space<hbm>>) dst(%dma_wait3A_131 : memref<2x128xi32, #tpu.memory_space<vmem>>)
    %dma_start3A_136 = arith.constant 0 : i32
    %dma_start3A_137 = arith.constant 0 : i32
    %dma_start3A_138 = arith.constant 0 : i32
    %dma_start3A_139 = arith.constant 0 : i32
    %dma_start3A_140 = arith.constant 0 : i32
    %dma_start3A_141 = tpu.memref_slice %arg8[%dma_start3A_138, %dma_start3A_139, %dma_start3A_140] : memref<2x128x128xf32, #tpu.memory_space<vmem>> -> memref<1x128x128xf32, #tpu.memory_space<vmem>>
    %dma_start3A_142 = tpu.memref_squeeze %dma_start3A_141 : memref<1x128x128xf32, #tpu.memory_space<vmem>> -> memref<128x128xf32, #tpu.memory_space<vmem>>
    %dma_start3A_143 = arith.constant 0 : i32
    %dma_start3A_144 = tpu.memref_slice %arg7[%dma_start3A_136, %dma_start3A_137, %dma_start3A_143] : memref<8x2x128xi32, #tpu.memory_space<vmem>> -> memref<1x1x128xi32, #tpu.memory_space<vmem>>
    %dma_start3A_145 = tpu.memref_squeeze %dma_start3A_144 : memref<1x1x128xi32, #tpu.memory_space<vmem>> -> memref<128xi32, #tpu.memory_space<vmem>>
    %dma_start3A_146 = arith.constant 0 : i32
    %dma_start3A_147 = arith.constant 0 : i32
    %dma_start3A_148 = tpu.memref_slice %arg3[%dma_start3A_146, %dma_start3A_147] : memref<10240x128xf32, #tpu.memory_space<hbm>> -> memref<10240x128xf32, #tpu.memory_space<hbm>>
    tpu.enqueue_indirect_dma source(%dma_start3A_148 : memref<10240x128xf32, #tpu.memory_space<hbm>>) target(%dma_start3A_142 : memref<128x128xf32, #tpu.memory_space<vmem>>) offsets(%dma_start3A_145 : memref<128xi32, #tpu.memory_space<vmem>>) semaphore(%arg21 : memref<!tpu.dma_semaphore, #tpu.memory_space<semaphore_mem>>)
    %dma_start3A_149 = arith.constant 0 : i32
    %dma_start3A_150 = arith.constant 1 : i32
    %dma_start3A_151 = arith.constant 0 : i32
    %dma_start3A_152 = arith.constant 0 : i32
    %dma_start3A_153 = tpu.memref_slice %arg9[%dma_start3A_151, %dma_start3A_152] : memref<4x128xf32, #tpu.memory_space<vmem>> -> memref<1x128xf32, #tpu.memory_space<vmem>>
    %dma_start3A_154 = tpu.memref_squeeze %dma_start3A_153 : memref<1x128xf32, #tpu.memory_space<vmem>> -> memref<128xf32, #tpu.memory_space<vmem>>
    %dma_start3A_155 = arith.constant 0 : i32
    %dma_start3A_156 = tpu.memref_slice %arg7[%dma_start3A_149, %dma_start3A_150, %dma_start3A_155] : memref<8x2x128xi32, #tpu.memory_space<vmem>> -> memref<1x1x128xi32, #tpu.memory_space<vmem>>
    %dma_start3A_157 = tpu.memref_squeeze %dma_start3A_156 : memref<1x1x128xi32, #tpu.memory_space<vmem>> -> memref<128xi32, #tpu.memory_space<vmem>>
    %dma_start3A_158 = arith.constant 0 : i32
    %dma_start3A_159 = tpu.memref_slice %arg4[%dma_start3A_158] : memref<10240xf32, #tpu.memory_space<hbm>> -> memref<10240xf32, #tpu.memory_space<hbm>>
    tpu.enqueue_indirect_dma source(%dma_start3A_159 : memref<10240xf32, #tpu.memory_space<hbm>>) target(%dma_start3A_154 : memref<128xf32, #tpu.memory_space<vmem>>) offsets(%dma_start3A_157 : memref<128xi32, #tpu.memory_space<vmem>>) semaphore(%arg25 : memref<!tpu.dma_semaphore, #tpu.memory_space<semaphore_mem>>)
    %dma_start3A_160 = arith.constant 1 : i32
    %dma_start3A_161 = arith.constant 1 : i32
    %dma_start3A_162 = arith.constant 1 : i32
    %dma_start3A_163 = arith.constant 0 : i32
    %dma_start3A_164 = tpu.memref_slice %arg9[%dma_start3A_162, %dma_start3A_163] : memref<4x128xf32, #tpu.memory_space<vmem>> -> memref<1x128xf32, #tpu.memory_space<vmem>>
    %dma_start3A_165 = tpu.memref_squeeze %dma_start3A_164 : memref<1x128xf32, #tpu.memory_space<vmem>> -> memref<128xf32, #tpu.memory_space<vmem>>
    %dma_start3A_166 = arith.constant 0 : i32
    %dma_start3A_167 = tpu.memref_slice %arg7[%dma_start3A_160, %dma_start3A_161, %dma_start3A_166] : memref<8x2x128xi32, #tpu.memory_space<vmem>> -> memref<1x1x128xi32, #tpu.memory_space<vmem>>
    %dma_start3A_168 = tpu.memref_squeeze %dma_start3A_167 : memref<1x1x128xi32, #tpu.memory_space<vmem>> -> memref<128xi32, #tpu.memory_space<vmem>>
    %dma_start3A_169 = arith.constant 0 : i32
    %dma_start3A_170 = tpu.memref_slice %arg4[%dma_start3A_169] : memref<10240xf32, #tpu.memory_space<hbm>> -> memref<10240xf32, #tpu.memory_space<hbm>>
    tpu.enqueue_indirect_dma source(%dma_start3A_170 : memref<10240xf32, #tpu.memory_space<hbm>>) target(%dma_start3A_165 : memref<128xf32, #tpu.memory_space<vmem>>) offsets(%dma_start3A_168 : memref<128xi32, #tpu.memory_space<vmem>>) semaphore(%arg26 : memref<!tpu.dma_semaphore, #tpu.memory_space<semaphore_mem>>)
    %barrier3A = arith.constant 0 : index
    tpu.barrier barrier_id(%barrier3A)
    %scan3A_171 = arith.constant 0 : i32
    %scan3A_172 = arith.constant 0 : i32
    %scan3A_173 = arith.constant 10 : i32
    %scan3A_174 = arith.addi %scan3A_172, %scan3A_173 : i32
    %scan3A_175 = arith.constant 1 : i32
    %scan3A_176 = scf.for %scan3A_253 = %scan3A_172 to %scan3A_174 step %scan3A_175 iter_args(%scan3A_254 = %scan3A_171) -> (i32)  : i32 {
      %mul3A_255 = arith.constant 8 : i32
      %mul3A_256 = arith.muli %scan3A_253, %mul3A_255 : i32
      %add3A_257 = arith.constant 0 : i32
      %add3A_258 = arith.addi %mul3A_256, %add3A_257 : i32
      %add3A_259 = arith.constant 4 : i32
      %add3A_260 = arith.addi %add3A_258, %add3A_259 : i32
      %lt3A = arith.constant 80 : i32
      %lt3A_261 = arith.cmpi slt, %add3A_260, %lt3A : i32
      %convert_element_type3A = arith.extui %lt3A_261 : i1 to i32
      %cond3A = arith.constant 0 : i32
      %cond3A_262 = arith.cmpi ne, %convert_element_type3A, %cond3A : i32
      scf.if %cond3A_262 {
        %add3A_1011 = arith.constant 4 : i32
        %add3A_1012 = arith.addi %add3A_258, %add3A_1011 : i32
        %dma_start3A_1013 = arith.constant 4 : i32
        %dma_start3A_1014 = arith.constant 0 : i32
        %dma_start3A_1015 = arith.constant 0 : i32
        %dma_start3A_1016 = tpu.memref_slice %arg7[%dma_start3A_1013, %dma_start3A_1014, %dma_start3A_1015] : memref<8x2x128xi32, #tpu.memory_space<vmem>> -> memref<1x2x128xi32, #tpu.memory_space<vmem>>
        %dma_start3A_1017 = tpu.memref_squeeze %dma_start3A_1016 : memref<1x2x128xi32, #tpu.memory_space<vmem>> -> memref<2x128xi32, #tpu.memory_space<vmem>>
        %dma_start3A_1018 = arith.constant 0 : i32
        %dma_start3A_1019 = arith.constant 0 : i32
        %dma_start3A_1020 = tpu.memref_slice %arg2[%add3A, %add3A_1012, %dma_start3A_1018, %dma_start3A_1019] : memref<32x80x2x128xi32, #tpu.memory_space<hbm>> -> memref<1x1x2x128xi32, #tpu.memory_space<hbm>>
        %dma_start3A_1021 = tpu.memref_squeeze %dma_start3A_1020 : memref<1x1x2x128xi32, #tpu.memory_space<hbm>> -> memref<2x128xi32, #tpu.memory_space<hbm>>
        %dma_start3A_1022 = arith.constant 0 : i32
        %dma_start3A_1023 = arith.constant 0 : i32
        %dma_start3A_1024 = tpu.memref_slice %arg7[%dma_start3A_1013, %dma_start3A_1022, %dma_start3A_1023] : memref<8x2x128xi32, #tpu.memory_space<vmem>> -> memref<1x2x128xi32, #tpu.memory_space<vmem>>
        %dma_start3A_1025 = tpu.memref_squeeze %dma_start3A_1024 : memref<1x2x128xi32, #tpu.memory_space<vmem>> -> memref<2x128xi32, #tpu.memory_space<vmem>>
        %dma_start3A_1026 = arith.constant 0 : i32
        %dma_start3A_1027 = arith.constant 0 : i32
        %dma_start3A_1028 = tpu.memref_slice %arg2[%add3A, %add3A_1012, %dma_start3A_1026, %dma_start3A_1027] : memref<32x80x2x128xi32, #tpu.memory_space<hbm>> -> memref<1x1x2x128xi32, #tpu.memory_space<hbm>>
        %dma_start3A_1029 = tpu.memref_squeeze %dma_start3A_1028 : memref<1x1x2x128xi32, #tpu.memory_space<hbm>> -> memref<2x128xi32, #tpu.memory_space<hbm>>
        tpu.enqueue_dma source(%dma_start3A_1029 : memref<2x128xi32, #tpu.memory_space<hbm>>) target(%dma_start3A_1025 : memref<2x128xi32, #tpu.memory_space<vmem>>) target_semaphore(%arg17 : memref<!tpu.dma_semaphore, #tpu.memory_space<semaphore_mem>>)
      } else {
      }
      %add3A_263 = arith.constant 2 : i32
      %add3A_264 = arith.addi %add3A_258, %add3A_263 : i32
      %lt3A_265 = arith.constant 80 : i32
      %lt3A_266 = arith.cmpi slt, %add3A_264, %lt3A_265 : i32
      %convert_element_type3A_267 = arith.extui %lt3A_266 : i1 to i32
      %cond3A_268 = arith.constant 0 : i32
      %cond3A_269 = arith.cmpi ne, %convert_element_type3A_267, %cond3A_268 : i32
      scf.if %cond3A_269 {
        %add3A_1011 = arith.constant 2 : i32
        %add3A_1012 = arith.addi %add3A_258, %add3A_1011 : i32
        %dma_wait3A_1013 = arith.constant 2 : i32
        %dma_wait3A_1014 = arith.constant 0 : i32
        %dma_wait3A_1015 = arith.constant 0 : i32
        %dma_wait3A_1016 = tpu.memref_slice %arg7[%dma_wait3A_1013, %dma_wait3A_1014, %dma_wait3A_1015] : memref<8x2x128xi32, #tpu.memory_space<vmem>> -> memref<1x2x128xi32, #tpu.memory_space<vmem>>
        %dma_wait3A_1017 = tpu.memref_squeeze %dma_wait3A_1016 : memref<1x2x128xi32, #tpu.memory_space<vmem>> -> memref<2x128xi32, #tpu.memory_space<vmem>>
        %dma_wait3A_1018 = arith.constant 0 : i32
        %dma_wait3A_1019 = arith.constant 0 : i32
        %dma_wait3A_1020 = tpu.memref_slice %arg2[%add3A, %add3A_1012, %dma_wait3A_1018, %dma_wait3A_1019] : memref<32x80x2x128xi32, #tpu.memory_space<hbm>> -> memref<1x1x2x128xi32, #tpu.memory_space<hbm>>
        %dma_wait3A_1021 = tpu.memref_squeeze %dma_wait3A_1020 : memref<1x1x2x128xi32, #tpu.memory_space<hbm>> -> memref<2x128xi32, #tpu.memory_space<hbm>>
        %dma_wait3A_1022 = arith.constant 0 : i32
        %dma_wait3A_1023 = arith.constant 0 : i32
        %dma_wait3A_1024 = tpu.memref_slice %arg7[%dma_wait3A_1013, %dma_wait3A_1022, %dma_wait3A_1023] : memref<8x2x128xi32, #tpu.memory_space<vmem>> -> memref<1x2x128xi32, #tpu.memory_space<vmem>>
        %dma_wait3A_1025 = tpu.memref_squeeze %dma_wait3A_1024 : memref<1x2x128xi32, #tpu.memory_space<vmem>> -> memref<2x128xi32, #tpu.memory_space<vmem>>
        %dma_wait3A_1026 = arith.constant 0 : i32
        %dma_wait3A_1027 = arith.constant 0 : i32
        %dma_wait3A_1028 = tpu.memref_slice %arg2[%add3A, %add3A_1012, %dma_wait3A_1026, %dma_wait3A_1027] : memref<32x80x2x128xi32, #tpu.memory_space<hbm>> -> memref<1x1x2x128xi32, #tpu.memory_space<hbm>>
        %dma_wait3A_1029 = tpu.memref_squeeze %dma_wait3A_1028 : memref<1x1x2x128xi32, #tpu.memory_space<hbm>> -> memref<2x128xi32, #tpu.memory_space<hbm>>
        tpu.wait_dma2 semaphore(%arg15 : memref<!tpu.dma_semaphore, #tpu.memory_space<semaphore_mem>>) src(%dma_wait3A_1029 : memref<2x128xi32, #tpu.memory_space<hbm>>) dst(%dma_wait3A_1025 : memref<2x128xi32, #tpu.memory_space<vmem>>)
      } else {
      }
      %ge3A = arith.constant 1 : i32
      %ge3A_270 = arith.cmpi sge, %add3A_258, %ge3A : i32
      %add3A_271 = arith.constant 1 : i32
      %add3A_272 = arith.addi %add3A_258, %add3A_271 : i32
      %lt3A_273 = arith.constant 80 : i32
      %lt3A_274 = arith.cmpi slt, %add3A_272, %lt3A_273 : i32
      %and3A = arith.andi %ge3A_270, %lt3A_274 : i1
      %convert_element_type3A_275 = arith.extui %and3A : i1 to i32
      %cond3A_276 = arith.constant 0 : i32
      %cond3A_277 = arith.cmpi ne, %convert_element_type3A_275, %cond3A_276 : i32
      scf.if %cond3A_277 {
        %dma_wait3A_1011 = arith.constant 1 : i32
        %dma_wait3A_1012 = arith.constant 1 : i32
        %dma_wait3A_1013 = arith.constant 1 : i32
        %dma_wait3A_1014 = arith.constant 0 : i32
        %dma_wait3A_1015 = arith.constant 0 : i32
        %dma_wait3A_1016 = tpu.memref_slice %arg8[%dma_wait3A_1011, %dma_wait3A_1014, %dma_wait3A_1015] : memref<2x128x128xf32, #tpu.memory_space<vmem>> -> memref<1x128x128xf32, #tpu.memory_space<vmem>>
        %dma_wait3A_1017 = tpu.memref_squeeze %dma_wait3A_1016 : memref<1x128x128xf32, #tpu.memory_space<vmem>> -> memref<128x128xf32, #tpu.memory_space<vmem>>
        %dma_wait3A_1018 = arith.constant 0 : i32
        %dma_wait3A_1019 = tpu.memref_slice %arg7[%dma_wait3A_1012, %dma_wait3A_1013, %dma_wait3A_1018] : memref<8x2x128xi32, #tpu.memory_space<vmem>> -> memref<1x1x128xi32, #tpu.memory_space<vmem>>
        %dma_wait3A_1020 = tpu.memref_squeeze %dma_wait3A_1019 : memref<1x1x128xi32, #tpu.memory_space<vmem>> -> memref<128xi32, #tpu.memory_space<vmem>>
        %dma_wait3A_1021 = arith.constant 0 : i32
        %dma_wait3A_1022 = arith.constant 0 : i32
        %dma_wait3A_1023 = tpu.memref_slice %arg11[%dma_wait3A_1021, %dma_wait3A_1022] : memref<10240x128xf32, #tpu.memory_space<vmem_shared>> -> memref<10240x128xf32, #tpu.memory_space<vmem_shared>>
        tpu.wait_indirect_dma semaphore(%arg24 : memref<!tpu.dma_semaphore, #tpu.memory_space<semaphore_mem>>) src(%dma_wait3A_1017 : memref<128x128xf32, #tpu.memory_space<vmem>>) dst(%dma_wait3A_1023 : memref<10240x128xf32, #tpu.memory_space<vmem_shared>>)
      } else {
      }
      %add3A_278 = arith.constant 1 : i32
      %add3A_279 = arith.addi %add3A_258, %add3A_278 : i32
      %lt3A_280 = arith.constant 80 : i32
      %lt3A_281 = arith.cmpi slt, %add3A_279, %lt3A_280 : i32
      %convert_element_type3A_282 = arith.extui %lt3A_281 : i1 to i32
      %cond3A_283 = arith.constant 0 : i32
      %cond3A_284 = arith.cmpi ne, %convert_element_type3A_282, %cond3A_283 : i32
      scf.if %cond3A_284 {
        %dma_start3A_1011 = arith.constant 1 : i32
        %dma_start3A_1012 = arith.constant 0 : i32
        %dma_start3A_1013 = arith.constant 1 : i32
        %dma_start3A_1014 = arith.constant 0 : i32
        %dma_start3A_1015 = arith.constant 0 : i32
        %dma_start3A_1016 = tpu.memref_slice %arg8[%dma_start3A_1013, %dma_start3A_1014, %dma_start3A_1015] : memref<2x128x128xf32, #tpu.memory_space<vmem>> -> memref<1x128x128xf32, #tpu.memory_space<vmem>>
        %dma_start3A_1017 = tpu.memref_squeeze %dma_start3A_1016 : memref<1x128x128xf32, #tpu.memory_space<vmem>> -> memref<128x128xf32, #tpu.memory_space<vmem>>
        %dma_start3A_1018 = arith.constant 0 : i32
        %dma_start3A_1019 = tpu.memref_slice %arg7[%dma_start3A_1011, %dma_start3A_1012, %dma_start3A_1018] : memref<8x2x128xi32, #tpu.memory_space<vmem>> -> memref<1x1x128xi32, #tpu.memory_space<vmem>>
        %dma_start3A_1020 = tpu.memref_squeeze %dma_start3A_1019 : memref<1x1x128xi32, #tpu.memory_space<vmem>> -> memref<128xi32, #tpu.memory_space<vmem>>
        %dma_start3A_1021 = arith.constant 0 : i32
        %dma_start3A_1022 = arith.constant 0 : i32
        %dma_start3A_1023 = tpu.memref_slice %arg3[%dma_start3A_1021, %dma_start3A_1022] : memref<10240x128xf32, #tpu.memory_space<hbm>> -> memref<10240x128xf32, #tpu.memory_space<hbm>>
        tpu.enqueue_indirect_dma source(%dma_start3A_1023 : memref<10240x128xf32, #tpu.memory_space<hbm>>) target(%dma_start3A_1017 : memref<128x128xf32, #tpu.memory_space<vmem>>) offsets(%dma_start3A_1020 : memref<128xi32, #tpu.memory_space<vmem>>) semaphore(%arg22 : memref<!tpu.dma_semaphore, #tpu.memory_space<semaphore_mem>>)
      } else {
      }
      %dma_wait3A_285 = arith.constant 0 : i32
      %dma_wait3A_286 = arith.constant 0 : i32
      %dma_wait3A_287 = arith.constant 0 : i32
      %dma_wait3A_288 = arith.constant 0 : i32
      %dma_wait3A_289 = arith.constant 0 : i32
      %dma_wait3A_290 = tpu.memref_slice %arg8[%dma_wait3A_287, %dma_wait3A_288, %dma_wait3A_289] : memref<2x128x128xf32, #tpu.memory_space<vmem>> -> memref<1x128x128xf32, #tpu.memory_space<vmem>>
      %dma_wait3A_291 = tpu.memref_squeeze %dma_wait3A_290 : memref<1x128x128xf32, #tpu.memory_space<vmem>> -> memref<128x128xf32, #tpu.memory_space<vmem>>
      %dma_wait3A_292 = arith.constant 0 : i32
      %dma_wait3A_293 = tpu.memref_slice %arg7[%dma_wait3A_285, %dma_wait3A_286, %dma_wait3A_292] : memref<8x2x128xi32, #tpu.memory_space<vmem>> -> memref<1x1x128xi32, #tpu.memory_space<vmem>>
      %dma_wait3A_294 = tpu.memref_squeeze %dma_wait3A_293 : memref<1x1x128xi32, #tpu.memory_space<vmem>> -> memref<128xi32, #tpu.memory_space<vmem>>
      %dma_wait3A_295 = arith.constant 0 : i32
      %dma_wait3A_296 = arith.constant 0 : i32
      %dma_wait3A_297 = tpu.memref_slice %arg3[%dma_wait3A_295, %dma_wait3A_296] : memref<10240x128xf32, #tpu.memory_space<hbm>> -> memref<10240x128xf32, #tpu.memory_space<hbm>>
      tpu.wait_indirect_dma semaphore(%arg21 : memref<!tpu.dma_semaphore, #tpu.memory_space<semaphore_mem>>) src(%dma_wait3A_297 : memref<10240x128xf32, #tpu.memory_space<hbm>>) dst(%dma_wait3A_291 : memref<128x128xf32, #tpu.memory_space<vmem>>)
      %dma_start3A_298 = arith.constant 0 : i32
      %dma_start3A_299 = arith.constant 0 : i32
      %dma_start3A_300 = arith.constant 1 : i32
      %dma_start3A_301 = arith.constant 0 : i32
      %dma_start3A_302 = arith.constant 0 : i32
      %dma_start3A_303 = tpu.memref_slice %arg8[%dma_start3A_298, %dma_start3A_301, %dma_start3A_302] : memref<2x128x128xf32, #tpu.memory_space<vmem>> -> memref<1x128x128xf32, #tpu.memory_space<vmem>>
      %dma_start3A_304 = tpu.memref_squeeze %dma_start3A_303 : memref<1x128x128xf32, #tpu.memory_space<vmem>> -> memref<128x128xf32, #tpu.memory_space<vmem>>
      %dma_start3A_305 = arith.constant 0 : i32
      %dma_start3A_306 = tpu.memref_slice %arg7[%dma_start3A_299, %dma_start3A_300, %dma_start3A_305] : memref<8x2x128xi32, #tpu.memory_space<vmem>> -> memref<1x1x128xi32, #tpu.memory_space<vmem>>
      %dma_start3A_307 = tpu.memref_squeeze %dma_start3A_306 : memref<1x1x128xi32, #tpu.memory_space<vmem>> -> memref<128xi32, #tpu.memory_space<vmem>>
      %dma_start3A_308 = arith.constant 0 : i32
      %dma_start3A_309 = arith.constant 0 : i32
      %dma_start3A_310 = tpu.memref_slice %arg11[%dma_start3A_308, %dma_start3A_309] : memref<10240x128xf32, #tpu.memory_space<vmem_shared>> -> memref<10240x128xf32, #tpu.memory_space<vmem_shared>>
      tpu.enqueue_indirect_dma source(%dma_start3A_304 : memref<128x128xf32, #tpu.memory_space<vmem>>) target(%dma_start3A_310 : memref<10240x128xf32, #tpu.memory_space<vmem_shared>>) offsets(%dma_start3A_307 : memref<128xi32, #tpu.memory_space<vmem>>) semaphore(%arg23 : memref<!tpu.dma_semaphore, #tpu.memory_space<semaphore_mem>>) {add = true}
      %dma_wait3A_311 = arith.constant 0 : i32
      %dma_wait3A_312 = arith.constant 1 : i32
      %dma_wait3A_313 = arith.constant 0 : i32
      %dma_wait3A_314 = arith.constant 0 : i32
      %dma_wait3A_315 = tpu.memref_slice %arg9[%dma_wait3A_313, %dma_wait3A_314] : memref<4x128xf32, #tpu.memory_space<vmem>> -> memref<1x128xf32, #tpu.memory_space<vmem>>
      %dma_wait3A_316 = tpu.memref_squeeze %dma_wait3A_315 : memref<1x128xf32, #tpu.memory_space<vmem>> -> memref<128xf32, #tpu.memory_space<vmem>>
      %dma_wait3A_317 = arith.constant 0 : i32
      %dma_wait3A_318 = tpu.memref_slice %arg7[%dma_wait3A_311, %dma_wait3A_312, %dma_wait3A_317] : memref<8x2x128xi32, #tpu.memory_space<vmem>> -> memref<1x1x128xi32, #tpu.memory_space<vmem>>
      %dma_wait3A_319 = tpu.memref_squeeze %dma_wait3A_318 : memref<1x1x128xi32, #tpu.memory_space<vmem>> -> memref<128xi32, #tpu.memory_space<vmem>>
      %dma_wait3A_320 = arith.constant 0 : i32
      %dma_wait3A_321 = tpu.memref_slice %arg4[%dma_wait3A_320] : memref<10240xf32, #tpu.memory_space<hbm>> -> memref<10240xf32, #tpu.memory_space<hbm>>
      tpu.wait_indirect_dma semaphore(%arg25 : memref<!tpu.dma_semaphore, #tpu.memory_space<semaphore_mem>>) src(%dma_wait3A_321 : memref<10240xf32, #tpu.memory_space<hbm>>) dst(%dma_wait3A_316 : memref<128xf32, #tpu.memory_space<vmem>>)
      %dma_start3A_322 = arith.constant 0 : i32
      %dma_start3A_323 = arith.constant 0 : i32
      %dma_start3A_324 = arith.constant 0 : i32
      %dma_start3A_325 = arith.constant 0 : i32
      %dma_start3A_326 = tpu.memref_slice %arg9[%dma_start3A_322, %dma_start3A_325] : memref<4x128xf32, #tpu.memory_space<vmem>> -> memref<1x128xf32, #tpu.memory_space<vmem>>
      %dma_start3A_327 = tpu.memref_squeeze %dma_start3A_326 : memref<1x128xf32, #tpu.memory_space<vmem>> -> memref<128xf32, #tpu.memory_space<vmem>>
      %dma_start3A_328 = arith.constant 0 : i32
      %dma_start3A_329 = tpu.memref_slice %arg7[%dma_start3A_323, %dma_start3A_324, %dma_start3A_328] : memref<8x2x128xi32, #tpu.memory_space<vmem>> -> memref<1x1x128xi32, #tpu.memory_space<vmem>>
      %dma_start3A_330 = tpu.memref_squeeze %dma_start3A_329 : memref<1x1x128xi32, #tpu.memory_space<vmem>> -> memref<128xi32, #tpu.memory_space<vmem>>
      %dma_start3A_331 = arith.constant 0 : i32
      %dma_start3A_332 = tpu.memref_slice %arg12[%dma_start3A_331] : memref<10240xf32, #tpu.memory_space<vmem_shared>> -> memref<10240xf32, #tpu.memory_space<vmem_shared>>
      tpu.enqueue_indirect_dma source(%dma_start3A_327 : memref<128xf32, #tpu.memory_space<vmem>>) target(%dma_start3A_332 : memref<10240xf32, #tpu.memory_space<vmem_shared>>) offsets(%dma_start3A_330 : memref<128xi32, #tpu.memory_space<vmem>>) semaphore(%arg29 : memref<!tpu.dma_semaphore, #tpu.memory_space<semaphore_mem>>) {add = true}
      %ge3A_333 = arith.constant 2 : i32
      %ge3A_334 = arith.cmpi sge, %add3A_258, %ge3A_333 : i32
      %convert_element_type3A_335 = arith.extui %ge3A_334 : i1 to i32
      %cond3A_336 = arith.constant 0 : i32
      %cond3A_337 = arith.cmpi ne, %convert_element_type3A_335, %cond3A_336 : i32
      scf.if %cond3A_337 {
        %dma_wait3A_1011 = arith.constant 2 : i32
        %dma_wait3A_1012 = arith.constant 0 : i32
        %dma_wait3A_1013 = arith.constant 0 : i32
        %dma_wait3A_1014 = arith.constant 0 : i32
        %dma_wait3A_1015 = tpu.memref_slice %arg9[%dma_wait3A_1011, %dma_wait3A_1014] : memref<4x128xf32, #tpu.memory_space<vmem>> -> memref<1x128xf32, #tpu.memory_space<vmem>>
        %dma_wait3A_1016 = tpu.memref_squeeze %dma_wait3A_1015 : memref<1x128xf32, #tpu.memory_space<vmem>> -> memref<128xf32, #tpu.memory_space<vmem>>
        %dma_wait3A_1017 = arith.constant 0 : i32
        %dma_wait3A_1018 = tpu.memref_slice %arg7[%dma_wait3A_1012, %dma_wait3A_1013, %dma_wait3A_1017] : memref<8x2x128xi32, #tpu.memory_space<vmem>> -> memref<1x1x128xi32, #tpu.memory_space<vmem>>
        %dma_wait3A_1019 = tpu.memref_squeeze %dma_wait3A_1018 : memref<1x1x128xi32, #tpu.memory_space<vmem>> -> memref<128xi32, #tpu.memory_space<vmem>>
        %dma_wait3A_1020 = arith.constant 0 : i32
        %dma_wait3A_1021 = tpu.memref_slice %arg12[%dma_wait3A_1020] : memref<10240xf32, #tpu.memory_space<vmem_shared>> -> memref<10240xf32, #tpu.memory_space<vmem_shared>>
        tpu.wait_indirect_dma semaphore(%arg31 : memref<!tpu.dma_semaphore, #tpu.memory_space<semaphore_mem>>) src(%dma_wait3A_1016 : memref<128xf32, #tpu.memory_space<vmem>>) dst(%dma_wait3A_1021 : memref<10240xf32, #tpu.memory_space<vmem_shared>>)
      } else {
      }
      %add3A_338 = arith.constant 2 : i32
      %add3A_339 = arith.addi %add3A_258, %add3A_338 : i32
      %lt3A_340 = arith.constant 80 : i32
      %lt3A_341 = arith.cmpi slt, %add3A_339, %lt3A_340 : i32
      %convert_element_type3A_342 = arith.extui %lt3A_341 : i1 to i32
      %cond3A_343 = arith.constant 0 : i32
      %cond3A_344 = arith.cmpi ne, %convert_element_type3A_342, %cond3A_343 : i32
      scf.if %cond3A_344 {
        %dma_start3A_1011 = arith.constant 2 : i32
        %dma_start3A_1012 = arith.constant 1 : i32
        %dma_start3A_1013 = arith.constant 2 : i32
        %dma_start3A_1014 = arith.constant 0 : i32
        %dma_start3A_1015 = tpu.memref_slice %arg9[%dma_start3A_1013, %dma_start3A_1014] : memref<4x128xf32, #tpu.memory_space<vmem>> -> memref<1x128xf32, #tpu.memory_space<vmem>>
        %dma_start3A_1016 = tpu.memref_squeeze %dma_start3A_1015 : memref<1x128xf32, #tpu.memory_space<vmem>> -> memref<128xf32, #tpu.memory_space<vmem>>
        %dma_start3A_1017 = arith.constant 0 : i32
        %dma_start3A_1018 = tpu.memref_slice %arg7[%dma_start3A_1011, %dma_start3A_1012, %dma_start3A_1017] : memref<8x2x128xi32, #tpu.memory_space<vmem>> -> memref<1x1x128xi32, #tpu.memory_space<vmem>>
        %dma_start3A_1019 = tpu.memref_squeeze %dma_start3A_1018 : memref<1x1x128xi32, #tpu.memory_space<vmem>> -> memref<128xi32, #tpu.memory_space<vmem>>
        %dma_start3A_1020 = arith.constant 0 : i32
        %dma_start3A_1021 = tpu.memref_slice %arg4[%dma_start3A_1020] : memref<10240xf32, #tpu.memory_space<hbm>> -> memref<10240xf32, #tpu.memory_space<hbm>>
        tpu.enqueue_indirect_dma source(%dma_start3A_1021 : memref<10240xf32, #tpu.memory_space<hbm>>) target(%dma_start3A_1016 : memref<128xf32, #tpu.memory_space<vmem>>) offsets(%dma_start3A_1019 : memref<128xi32, #tpu.memory_space<vmem>>) semaphore(%arg27 : memref<!tpu.dma_semaphore, #tpu.memory_space<semaphore_mem>>)
      } else {
      }
      %mul3A_345 = arith.constant 8 : i32
      %mul3A_346 = arith.muli %scan3A_253, %mul3A_345 : i32
      %add3A_347 = arith.constant 1 : i32
      %add3A_348 = arith.addi %mul3A_346, %add3A_347 : i32
      %add3A_349 = arith.constant 4 : i32
      %add3A_350 = arith.addi %add3A_348, %add3A_349 : i32
      %lt3A_351 = arith.constant 80 : i32
      %lt3A_352 = arith.cmpi slt, %add3A_350, %lt3A_351 : i32
      %convert_element_type3A_353 = arith.extui %lt3A_352 : i1 to i32
      %cond3A_354 = arith.constant 0 : i32
      %cond3A_355 = arith.cmpi ne, %convert_element_type3A_353, %cond3A_354 : i32
      scf.if %cond3A_355 {
        %add3A_1011 = arith.constant 4 : i32
        %add3A_1012 = arith.addi %add3A_348, %add3A_1011 : i32
        %dma_start3A_1013 = arith.constant 5 : i32
        %dma_start3A_1014 = arith.constant 0 : i32
        %dma_start3A_1015 = arith.constant 0 : i32
        %dma_start3A_1016 = tpu.memref_slice %arg7[%dma_start3A_1013, %dma_start3A_1014, %dma_start3A_1015] : memref<8x2x128xi32, #tpu.memory_space<vmem>> -> memref<1x2x128xi32, #tpu.memory_space<vmem>>
        %dma_start3A_1017 = tpu.memref_squeeze %dma_start3A_1016 : memref<1x2x128xi32, #tpu.memory_space<vmem>> -> memref<2x128xi32, #tpu.memory_space<vmem>>
        %dma_start3A_1018 = arith.constant 0 : i32
        %dma_start3A_1019 = arith.constant 0 : i32
        %dma_start3A_1020 = tpu.memref_slice %arg2[%add3A, %add3A_1012, %dma_start3A_1018, %dma_start3A_1019] : memref<32x80x2x128xi32, #tpu.memory_space<hbm>> -> memref<1x1x2x128xi32, #tpu.memory_space<hbm>>
        %dma_start3A_1021 = tpu.memref_squeeze %dma_start3A_1020 : memref<1x1x2x128xi32, #tpu.memory_space<hbm>> -> memref<2x128xi32, #tpu.memory_space<hbm>>
        %dma_start3A_1022 = arith.constant 0 : i32
        %dma_start3A_1023 = arith.constant 0 : i32
        %dma_start3A_1024 = tpu.memref_slice %arg7[%dma_start3A_1013, %dma_start3A_1022, %dma_start3A_1023] : memref<8x2x128xi32, #tpu.memory_space<vmem>> -> memref<1x2x128xi32, #tpu.memory_space<vmem>>
        %dma_start3A_1025 = tpu.memref_squeeze %dma_start3A_1024 : memref<1x2x128xi32, #tpu.memory_space<vmem>> -> memref<2x128xi32, #tpu.memory_space<vmem>>
        %dma_start3A_1026 = arith.constant 0 : i32
        %dma_start3A_1027 = arith.constant 0 : i32
        %dma_start3A_1028 = tpu.memref_slice %arg2[%add3A, %add3A_1012, %dma_start3A_1026, %dma_start3A_1027] : memref<32x80x2x128xi32, #tpu.memory_space<hbm>> -> memref<1x1x2x128xi32, #tpu.memory_space<hbm>>
        %dma_start3A_1029 = tpu.memref_squeeze %dma_start3A_1028 : memref<1x1x2x128xi32, #tpu.memory_space<hbm>> -> memref<2x128xi32, #tpu.memory_space<hbm>>
        tpu.enqueue_dma source(%dma_start3A_1029 : memref<2x128xi32, #tpu.memory_space<hbm>>) target(%dma_start3A_1025 : memref<2x128xi32, #tpu.memory_space<vmem>>) target_semaphore(%arg18 : memref<!tpu.dma_semaphore, #tpu.memory_space<semaphore_mem>>)
      } else {
      }
      %add3A_356 = arith.constant 2 : i32
      %add3A_357 = arith.addi %add3A_348, %add3A_356 : i32
      %lt3A_358 = arith.constant 80 : i32
      %lt3A_359 = arith.cmpi slt, %add3A_357, %lt3A_358 : i32
      %convert_element_type3A_360 = arith.extui %lt3A_359 : i1 to i32
      %cond3A_361 = arith.constant 0 : i32
      %cond3A_362 = arith.cmpi ne, %convert_element_type3A_360, %cond3A_361 : i32
      scf.if %cond3A_362 {
        %add3A_1011 = arith.constant 2 : i32
        %add3A_1012 = arith.addi %add3A_348, %add3A_1011 : i32
        %dma_wait3A_1013 = arith.constant 3 : i32
        %dma_wait3A_1014 = arith.constant 0 : i32
        %dma_wait3A_1015 = arith.constant 0 : i32
        %dma_wait3A_1016 = tpu.memref_slice %arg7[%dma_wait3A_1013, %dma_wait3A_1014, %dma_wait3A_1015] : memref<8x2x128xi32, #tpu.memory_space<vmem>> -> memref<1x2x128xi32, #tpu.memory_space<vmem>>
        %dma_wait3A_1017 = tpu.memref_squeeze %dma_wait3A_1016 : memref<1x2x128xi32, #tpu.memory_space<vmem>> -> memref<2x128xi32, #tpu.memory_space<vmem>>
        %dma_wait3A_1018 = arith.constant 0 : i32
        %dma_wait3A_1019 = arith.constant 0 : i32
        %dma_wait3A_1020 = tpu.memref_slice %arg2[%add3A, %add3A_1012, %dma_wait3A_1018, %dma_wait3A_1019] : memref<32x80x2x128xi32, #tpu.memory_space<hbm>> -> memref<1x1x2x128xi32, #tpu.memory_space<hbm>>
        %dma_wait3A_1021 = tpu.memref_squeeze %dma_wait3A_1020 : memref<1x1x2x128xi32, #tpu.memory_space<hbm>> -> memref<2x128xi32, #tpu.memory_space<hbm>>
        %dma_wait3A_1022 = arith.constant 0 : i32
        %dma_wait3A_1023 = arith.constant 0 : i32
        %dma_wait3A_1024 = tpu.memref_slice %arg7[%dma_wait3A_1013, %dma_wait3A_1022, %dma_wait3A_1023] : memref<8x2x128xi32, #tpu.memory_space<vmem>> -> memref<1x2x128xi32, #tpu.memory_space<vmem>>
        %dma_wait3A_1025 = tpu.memref_squeeze %dma_wait3A_1024 : memref<1x2x128xi32, #tpu.memory_space<vmem>> -> memref<2x128xi32, #tpu.memory_space<vmem>>
        %dma_wait3A_1026 = arith.constant 0 : i32
        %dma_wait3A_1027 = arith.constant 0 : i32
        %dma_wait3A_1028 = tpu.memref_slice %arg2[%add3A, %add3A_1012, %dma_wait3A_1026, %dma_wait3A_1027] : memref<32x80x2x128xi32, #tpu.memory_space<hbm>> -> memref<1x1x2x128xi32, #tpu.memory_space<hbm>>
        %dma_wait3A_1029 = tpu.memref_squeeze %dma_wait3A_1028 : memref<1x1x2x128xi32, #tpu.memory_space<hbm>> -> memref<2x128xi32, #tpu.memory_space<hbm>>
        tpu.wait_dma2 semaphore(%arg16 : memref<!tpu.dma_semaphore, #tpu.memory_space<semaphore_mem>>) src(%dma_wait3A_1029 : memref<2x128xi32, #tpu.memory_space<hbm>>) dst(%dma_wait3A_1025 : memref<2x128xi32, #tpu.memory_space<vmem>>)
      } else {
      }
      %ge3A_363 = arith.constant 1 : i32
      %ge3A_364 = arith.cmpi sge, %add3A_348, %ge3A_363 : i32
      %add3A_365 = arith.constant 1 : i32
      %add3A_366 = arith.addi %add3A_348, %add3A_365 : i32
      %lt3A_367 = arith.constant 80 : i32
      %lt3A_368 = arith.cmpi slt, %add3A_366, %lt3A_367 : i32
      %and3A_369 = arith.andi %ge3A_364, %lt3A_368 : i1
      %convert_element_type3A_370 = arith.extui %and3A_369 : i1 to i32
      %cond3A_371 = arith.constant 0 : i32
      %cond3A_372 = arith.cmpi ne, %convert_element_type3A_370, %cond3A_371 : i32
      scf.if %cond3A_372 {
        %dma_wait3A_1011 = arith.constant 0 : i32
        %dma_wait3A_1012 = arith.constant 2 : i32
        %dma_wait3A_1013 = arith.constant 1 : i32
        %dma_wait3A_1014 = arith.constant 0 : i32
        %dma_wait3A_1015 = arith.constant 0 : i32
        %dma_wait3A_1016 = tpu.memref_slice %arg8[%dma_wait3A_1011, %dma_wait3A_1014, %dma_wait3A_1015] : memref<2x128x128xf32, #tpu.memory_space<vmem>> -> memref<1x128x128xf32, #tpu.memory_space<vmem>>
        %dma_wait3A_1017 = tpu.memref_squeeze %dma_wait3A_1016 : memref<1x128x128xf32, #tpu.memory_space<vmem>> -> memref<128x128xf32, #tpu.memory_space<vmem>>
        %dma_wait3A_1018 = arith.constant 0 : i32
        %dma_wait3A_1019 = tpu.memref_slice %arg7[%dma_wait3A_1012, %dma_wait3A_1013, %dma_wait3A_1018] : memref<8x2x128xi32, #tpu.memory_space<vmem>> -> memref<1x1x128xi32, #tpu.memory_space<vmem>>
        %dma_wait3A_1020 = tpu.memref_squeeze %dma_wait3A_1019 : memref<1x1x128xi32, #tpu.memory_space<vmem>> -> memref<128xi32, #tpu.memory_space<vmem>>
        %dma_wait3A_1021 = arith.constant 0 : i32
        %dma_wait3A_1022 = arith.constant 0 : i32
        %dma_wait3A_1023 = tpu.memref_slice %arg11[%dma_wait3A_1021, %dma_wait3A_1022] : memref<10240x128xf32, #tpu.memory_space<vmem_shared>> -> memref<10240x128xf32, #tpu.memory_space<vmem_shared>>
        tpu.wait_indirect_dma semaphore(%arg23 : memref<!tpu.dma_semaphore, #tpu.memory_space<semaphore_mem>>) src(%dma_wait3A_1017 : memref<128x128xf32, #tpu.memory_space<vmem>>) dst(%dma_wait3A_1023 : memref<10240x128xf32, #tpu.memory_space<vmem_shared>>)
      } else {
      }
      %add3A_373 = arith.constant 1 : i32
      %add3A_374 = arith.addi %add3A_348, %add3A_373 : i32
      %lt3A_375 = arith.constant 80 : i32
      %lt3A_376 = arith.cmpi slt, %add3A_374, %lt3A_375 : i32
      %convert_element_type3A_377 = arith.extui %lt3A_376 : i1 to i32
      %cond3A_378 = arith.constant 0 : i32
      %cond3A_379 = arith.cmpi ne, %convert_element_type3A_377, %cond3A_378 : i32
      scf.if %cond3A_379 {
        %dma_start3A_1011 = arith.constant 2 : i32
        %dma_start3A_1012 = arith.constant 0 : i32
        %dma_start3A_1013 = arith.constant 0 : i32
        %dma_start3A_1014 = arith.constant 0 : i32
        %dma_start3A_1015 = arith.constant 0 : i32
        %dma_start3A_1016 = tpu.memref_slice %arg8[%dma_start3A_1013, %dma_start3A_1014, %dma_start3A_1015] : memref<2x128x128xf32, #tpu.memory_space<vmem>> -> memref<1x128x128xf32, #tpu.memory_space<vmem>>
        %dma_start3A_1017 = tpu.memref_squeeze %dma_start3A_1016 : memref<1x128x128xf32, #tpu.memory_space<vmem>> -> memref<128x128xf32, #tpu.memory_space<vmem>>
        %dma_start3A_1018 = arith.constant 0 : i32
        %dma_start3A_1019 = tpu.memref_slice %arg7[%dma_start3A_1011, %dma_start3A_1012, %dma_start3A_1018] : memref<8x2x128xi32, #tpu.memory_space<vmem>> -> memref<1x1x128xi32, #tpu.memory_space<vmem>>
        %dma_start3A_1020 = tpu.memref_squeeze %dma_start3A_1019 : memref<1x1x128xi32, #tpu.memory_space<vmem>> -> memref<128xi32, #tpu.memory_space<vmem>>
        %dma_start3A_1021 = arith.constant 0 : i32
        %dma_start3A_1022 = arith.constant 0 : i32
        %dma_start3A_1023 = tpu.memref_slice %arg3[%dma_start3A_1021, %dma_start3A_1022] : memref<10240x128xf32, #tpu.memory_space<hbm>> -> memref<10240x128xf32, #tpu.memory_space<hbm>>
        tpu.enqueue_indirect_dma source(%dma_start3A_1023 : memref<10240x128xf32, #tpu.memory_space<hbm>>) target(%dma_start3A_1017 : memref<128x128xf32, #tpu.memory_space<vmem>>) offsets(%dma_start3A_1020 : memref<128xi32, #tpu.memory_space<vmem>>) semaphore(%arg21 : memref<!tpu.dma_semaphore, #tpu.memory_space<semaphore_mem>>)
      } else {
      }
      %dma_wait3A_380 = arith.constant 1 : i32
      %dma_wait3A_381 = arith.constant 0 : i32
      %dma_wait3A_382 = arith.constant 1 : i32
      %dma_wait3A_383 = arith.constant 0 : i32
      %dma_wait3A_384 = arith.constant 0 : i32
      %dma_wait3A_385 = tpu.memref_slice %arg8[%dma_wait3A_382, %dma_wait3A_383, %dma_wait3A_384] : memref<2x128x128xf32, #tpu.memory_space<vmem>> -> memref<1x128x128xf32, #tpu.memory_space<vmem>>
      %dma_wait3A_386 = tpu.memref_squeeze %dma_wait3A_385 : memref<1x128x128xf32, #tpu.memory_space<vmem>> -> memref<128x128xf32, #tpu.memory_space<vmem>>
      %dma_wait3A_387 = arith.constant 0 : i32
      %dma_wait3A_388 = tpu.memref_slice %arg7[%dma_wait3A_380, %dma_wait3A_381, %dma_wait3A_387] : memref<8x2x128xi32, #tpu.memory_space<vmem>> -> memref<1x1x128xi32, #tpu.memory_space<vmem>>
      %dma_wait3A_389 = tpu.memref_squeeze %dma_wait3A_388 : memref<1x1x128xi32, #tpu.memory_space<vmem>> -> memref<128xi32, #tpu.memory_space<vmem>>
      %dma_wait3A_390 = arith.constant 0 : i32
      %dma_wait3A_391 = arith.constant 0 : i32
      %dma_wait3A_392 = tpu.memref_slice %arg3[%dma_wait3A_390, %dma_wait3A_391] : memref<10240x128xf32, #tpu.memory_space<hbm>> -> memref<10240x128xf32, #tpu.memory_space<hbm>>
      tpu.wait_indirect_dma semaphore(%arg22 : memref<!tpu.dma_semaphore, #tpu.memory_space<semaphore_mem>>) src(%dma_wait3A_392 : memref<10240x128xf32, #tpu.memory_space<hbm>>) dst(%dma_wait3A_386 : memref<128x128xf32, #tpu.memory_space<vmem>>)
      %dma_start3A_393 = arith.constant 1 : i32
      %dma_start3A_394 = arith.constant 1 : i32
      %dma_start3A_395 = arith.constant 1 : i32
      %dma_start3A_396 = arith.constant 0 : i32
      %dma_start3A_397 = arith.constant 0 : i32
      %dma_start3A_398 = tpu.memref_slice %arg8[%dma_start3A_393, %dma_start3A_396, %dma_start3A_397] : memref<2x128x128xf32, #tpu.memory_space<vmem>> -> memref<1x128x128xf32, #tpu.memory_space<vmem>>
      %dma_start3A_399 = tpu.memref_squeeze %dma_start3A_398 : memref<1x128x128xf32, #tpu.memory_space<vmem>> -> memref<128x128xf32, #tpu.memory_space<vmem>>
      %dma_start3A_400 = arith.constant 0 : i32
      %dma_start3A_401 = tpu.memref_slice %arg7[%dma_start3A_394, %dma_start3A_395, %dma_start3A_400] : memref<8x2x128xi32, #tpu.memory_space<vmem>> -> memref<1x1x128xi32, #tpu.memory_space<vmem>>
      %dma_start3A_402 = tpu.memref_squeeze %dma_start3A_401 : memref<1x1x128xi32, #tpu.memory_space<vmem>> -> memref<128xi32, #tpu.memory_space<vmem>>
      %dma_start3A_403 = arith.constant 0 : i32
      %dma_start3A_404 = arith.constant 0 : i32
      %dma_start3A_405 = tpu.memref_slice %arg11[%dma_start3A_403, %dma_start3A_404] : memref<10240x128xf32, #tpu.memory_space<vmem_shared>> -> memref<10240x128xf32, #tpu.memory_space<vmem_shared>>
      tpu.enqueue_indirect_dma source(%dma_start3A_399 : memref<128x128xf32, #tpu.memory_space<vmem>>) target(%dma_start3A_405 : memref<10240x128xf32, #tpu.memory_space<vmem_shared>>) offsets(%dma_start3A_402 : memref<128xi32, #tpu.memory_space<vmem>>) semaphore(%arg24 : memref<!tpu.dma_semaphore, #tpu.memory_space<semaphore_mem>>) {add = true}
      %dma_wait3A_406 = arith.constant 1 : i32
      %dma_wait3A_407 = arith.constant 1 : i32
      %dma_wait3A_408 = arith.constant 1 : i32
      %dma_wait3A_409 = arith.constant 0 : i32
      %dma_wait3A_410 = tpu.memref_slice %arg9[%dma_wait3A_408, %dma_wait3A_409] : memref<4x128xf32, #tpu.memory_space<vmem>> -> memref<1x128xf32, #tpu.memory_space<vmem>>
      %dma_wait3A_411 = tpu.memref_squeeze %dma_wait3A_410 : memref<1x128xf32, #tpu.memory_space<vmem>> -> memref<128xf32, #tpu.memory_space<vmem>>
      %dma_wait3A_412 = arith.constant 0 : i32
      %dma_wait3A_413 = tpu.memref_slice %arg7[%dma_wait3A_406, %dma_wait3A_407, %dma_wait3A_412] : memref<8x2x128xi32, #tpu.memory_space<vmem>> -> memref<1x1x128xi32, #tpu.memory_space<vmem>>
      %dma_wait3A_414 = tpu.memref_squeeze %dma_wait3A_413 : memref<1x1x128xi32, #tpu.memory_space<vmem>> -> memref<128xi32, #tpu.memory_space<vmem>>
      %dma_wait3A_415 = arith.constant 0 : i32
      %dma_wait3A_416 = tpu.memref_slice %arg4[%dma_wait3A_415] : memref<10240xf32, #tpu.memory_space<hbm>> -> memref<10240xf32, #tpu.memory_space<hbm>>
      tpu.wait_indirect_dma semaphore(%arg26 : memref<!tpu.dma_semaphore, #tpu.memory_space<semaphore_mem>>) src(%dma_wait3A_416 : memref<10240xf32, #tpu.memory_space<hbm>>) dst(%dma_wait3A_411 : memref<128xf32, #tpu.memory_space<vmem>>)
      %dma_start3A_417 = arith.constant 1 : i32
      %dma_start3A_418 = arith.constant 1 : i32
      %dma_start3A_419 = arith.constant 0 : i32
      %dma_start3A_420 = arith.constant 0 : i32
      %dma_start3A_421 = tpu.memref_slice %arg9[%dma_start3A_417, %dma_start3A_420] : memref<4x128xf32, #tpu.memory_space<vmem>> -> memref<1x128xf32, #tpu.memory_space<vmem>>
      %dma_start3A_422 = tpu.memref_squeeze %dma_start3A_421 : memref<1x128xf32, #tpu.memory_space<vmem>> -> memref<128xf32, #tpu.memory_space<vmem>>
      %dma_start3A_423 = arith.constant 0 : i32
      %dma_start3A_424 = tpu.memref_slice %arg7[%dma_start3A_418, %dma_start3A_419, %dma_start3A_423] : memref<8x2x128xi32, #tpu.memory_space<vmem>> -> memref<1x1x128xi32, #tpu.memory_space<vmem>>
      %dma_start3A_425 = tpu.memref_squeeze %dma_start3A_424 : memref<1x1x128xi32, #tpu.memory_space<vmem>> -> memref<128xi32, #tpu.memory_space<vmem>>
      %dma_start3A_426 = arith.constant 0 : i32
      %dma_start3A_427 = tpu.memref_slice %arg12[%dma_start3A_426] : memref<10240xf32, #tpu.memory_space<vmem_shared>> -> memref<10240xf32, #tpu.memory_space<vmem_shared>>
      tpu.enqueue_indirect_dma source(%dma_start3A_422 : memref<128xf32, #tpu.memory_space<vmem>>) target(%dma_start3A_427 : memref<10240xf32, #tpu.memory_space<vmem_shared>>) offsets(%dma_start3A_425 : memref<128xi32, #tpu.memory_space<vmem>>) semaphore(%arg30 : memref<!tpu.dma_semaphore, #tpu.memory_space<semaphore_mem>>) {add = true}
      %ge3A_428 = arith.constant 2 : i32
      %ge3A_429 = arith.cmpi sge, %add3A_348, %ge3A_428 : i32
      %convert_element_type3A_430 = arith.extui %ge3A_429 : i1 to i32
      %cond3A_431 = arith.constant 0 : i32
      %cond3A_432 = arith.cmpi ne, %convert_element_type3A_430, %cond3A_431 : i32
      scf.if %cond3A_432 {
        %dma_wait3A_1011 = arith.constant 3 : i32
        %dma_wait3A_1012 = arith.constant 1 : i32
        %dma_wait3A_1013 = arith.constant 0 : i32
        %dma_wait3A_1014 = arith.constant 0 : i32
        %dma_wait3A_1015 = tpu.memref_slice %arg9[%dma_wait3A_1011, %dma_wait3A_1014] : memref<4x128xf32, #tpu.memory_space<vmem>> -> memref<1x128xf32, #tpu.memory_space<vmem>>
        %dma_wait3A_1016 = tpu.memref_squeeze %dma_wait3A_1015 : memref<1x128xf32, #tpu.memory_space<vmem>> -> memref<128xf32, #tpu.memory_space<vmem>>
        %dma_wait3A_1017 = arith.constant 0 : i32
        %dma_wait3A_1018 = tpu.memref_slice %arg7[%dma_wait3A_1012, %dma_wait3A_1013, %dma_wait3A_1017] : memref<8x2x128xi32, #tpu.memory_space<vmem>> -> memref<1x1x128xi32, #tpu.memory_space<vmem>>
        %dma_wait3A_1019 = tpu.memref_squeeze %dma_wait3A_1018 : memref<1x1x128xi32, #tpu.memory_space<vmem>> -> memref<128xi32, #tpu.memory_space<vmem>>
        %dma_wait3A_1020 = arith.constant 0 : i32
        %dma_wait3A_1021 = tpu.memref_slice %arg12[%dma_wait3A_1020] : memref<10240xf32, #tpu.memory_space<vmem_shared>> -> memref<10240xf32, #tpu.memory_space<vmem_shared>>
        tpu.wait_indirect_dma semaphore(%arg32 : memref<!tpu.dma_semaphore, #tpu.memory_space<semaphore_mem>>) src(%dma_wait3A_1016 : memref<128xf32, #tpu.memory_space<vmem>>) dst(%dma_wait3A_1021 : memref<10240xf32, #tpu.memory_space<vmem_shared>>)
      } else {
      }
      %add3A_433 = arith.constant 2 : i32
      %add3A_434 = arith.addi %add3A_348, %add3A_433 : i32
      %lt3A_435 = arith.constant 80 : i32
      %lt3A_436 = arith.cmpi slt, %add3A_434, %lt3A_435 : i32
      %convert_element_type3A_437 = arith.extui %lt3A_436 : i1 to i32
      %cond3A_438 = arith.constant 0 : i32
      %cond3A_439 = arith.cmpi ne, %convert_element_type3A_437, %cond3A_438 : i32
      scf.if %cond3A_439 {
        %dma_start3A_1011 = arith.constant 3 : i32
        %dma_start3A_1012 = arith.constant 1 : i32
        %dma_start3A_1013 = arith.constant 3 : i32
        %dma_start3A_1014 = arith.constant 0 : i32
        %dma_start3A_1015 = tpu.memref_slice %arg9[%dma_start3A_1013, %dma_start3A_1014] : memref<4x128xf32, #tpu.memory_space<vmem>> -> memref<1x128xf32, #tpu.memory_space<vmem>>
        %dma_start3A_1016 = tpu.memref_squeeze %dma_start3A_1015 : memref<1x128xf32, #tpu.memory_space<vmem>> -> memref<128xf32, #tpu.memory_space<vmem>>
        %dma_start3A_1017 = arith.constant 0 : i32
        %dma_start3A_1018 = tpu.memref_slice %arg7[%dma_start3A_1011, %dma_start3A_1012, %dma_start3A_1017] : memref<8x2x128xi32, #tpu.memory_space<vmem>> -> memref<1x1x128xi32, #tpu.memory_space<vmem>>
        %dma_start3A_1019 = tpu.memref_squeeze %dma_start3A_1018 : memref<1x1x128xi32, #tpu.memory_space<vmem>> -> memref<128xi32, #tpu.memory_space<vmem>>
        %dma_start3A_1020 = arith.constant 0 : i32
        %dma_start3A_1021 = tpu.memref_slice %arg4[%dma_start3A_1020] : memref<10240xf32, #tpu.memory_space<hbm>> -> memref<10240xf32, #tpu.memory_space<hbm>>
        tpu.enqueue_indirect_dma source(%dma_start3A_1021 : memref<10240xf32, #tpu.memory_space<hbm>>) target(%dma_start3A_1016 : memref<128xf32, #tpu.memory_space<vmem>>) offsets(%dma_start3A_1019 : memref<128xi32, #tpu.memory_space<vmem>>) semaphore(%arg28 : memref<!tpu.dma_semaphore, #tpu.memory_space<semaphore_mem>>)
      } else {
      }
      %mul3A_440 = arith.constant 8 : i32
      %mul3A_441 = arith.muli %scan3A_253, %mul3A_440 : i32
      %add3A_442 = arith.constant 2 : i32
      %add3A_443 = arith.addi %mul3A_441, %add3A_442 : i32
      %add3A_444 = arith.constant 4 : i32
      %add3A_445 = arith.addi %add3A_443, %add3A_444 : i32
      %lt3A_446 = arith.constant 80 : i32
      %lt3A_447 = arith.cmpi slt, %add3A_445, %lt3A_446 : i32
      %convert_element_type3A_448 = arith.extui %lt3A_447 : i1 to i32
      %cond3A_449 = arith.constant 0 : i32
      %cond3A_450 = arith.cmpi ne, %convert_element_type3A_448, %cond3A_449 : i32
      scf.if %cond3A_450 {
        %add3A_1011 = arith.constant 4 : i32
        %add3A_1012 = arith.addi %add3A_443, %add3A_1011 : i32
        %dma_start3A_1013 = arith.constant 6 : i32
        %dma_start3A_1014 = arith.constant 0 : i32
        %dma_start3A_1015 = arith.constant 0 : i32
        %dma_start3A_1016 = tpu.memref_slice %arg7[%dma_start3A_1013, %dma_start3A_1014, %dma_start3A_1015] : memref<8x2x128xi32, #tpu.memory_space<vmem>> -> memref<1x2x128xi32, #tpu.memory_space<vmem>>
        %dma_start3A_1017 = tpu.memref_squeeze %dma_start3A_1016 : memref<1x2x128xi32, #tpu.memory_space<vmem>> -> memref<2x128xi32, #tpu.memory_space<vmem>>
        %dma_start3A_1018 = arith.constant 0 : i32
        %dma_start3A_1019 = arith.constant 0 : i32
        %dma_start3A_1020 = tpu.memref_slice %arg2[%add3A, %add3A_1012, %dma_start3A_1018, %dma_start3A_1019] : memref<32x80x2x128xi32, #tpu.memory_space<hbm>> -> memref<1x1x2x128xi32, #tpu.memory_space<hbm>>
        %dma_start3A_1021 = tpu.memref_squeeze %dma_start3A_1020 : memref<1x1x2x128xi32, #tpu.memory_space<hbm>> -> memref<2x128xi32, #tpu.memory_space<hbm>>
        %dma_start3A_1022 = arith.constant 0 : i32
        %dma_start3A_1023 = arith.constant 0 : i32
        %dma_start3A_1024 = tpu.memref_slice %arg7[%dma_start3A_1013, %dma_start3A_1022, %dma_start3A_1023] : memref<8x2x128xi32, #tpu.memory_space<vmem>> -> memref<1x2x128xi32, #tpu.memory_space<vmem>>
        %dma_start3A_1025 = tpu.memref_squeeze %dma_start3A_1024 : memref<1x2x128xi32, #tpu.memory_space<vmem>> -> memref<2x128xi32, #tpu.memory_space<vmem>>
        %dma_start3A_1026 = arith.constant 0 : i32
        %dma_start3A_1027 = arith.constant 0 : i32
        %dma_start3A_1028 = tpu.memref_slice %arg2[%add3A, %add3A_1012, %dma_start3A_1026, %dma_start3A_1027] : memref<32x80x2x128xi32, #tpu.memory_space<hbm>> -> memref<1x1x2x128xi32, #tpu.memory_space<hbm>>
        %dma_start3A_1029 = tpu.memref_squeeze %dma_start3A_1028 : memref<1x1x2x128xi32, #tpu.memory_space<hbm>> -> memref<2x128xi32, #tpu.memory_space<hbm>>
        tpu.enqueue_dma source(%dma_start3A_1029 : memref<2x128xi32, #tpu.memory_space<hbm>>) target(%dma_start3A_1025 : memref<2x128xi32, #tpu.memory_space<vmem>>) target_semaphore(%arg19 : memref<!tpu.dma_semaphore, #tpu.memory_space<semaphore_mem>>)
      } else {
      }
      %add3A_451 = arith.constant 2 : i32
      %add3A_452 = arith.addi %add3A_443, %add3A_451 : i32
      %lt3A_453 = arith.constant 80 : i32
      %lt3A_454 = arith.cmpi slt, %add3A_452, %lt3A_453 : i32
      %convert_element_type3A_455 = arith.extui %lt3A_454 : i1 to i32
      %cond3A_456 = arith.constant 0 : i32
      %cond3A_457 = arith.cmpi ne, %convert_element_type3A_455, %cond3A_456 : i32
      scf.if %cond3A_457 {
        %add3A_1011 = arith.constant 2 : i32
        %add3A_1012 = arith.addi %add3A_443, %add3A_1011 : i32
        %dma_wait3A_1013 = arith.constant 4 : i32
        %dma_wait3A_1014 = arith.constant 0 : i32
        %dma_wait3A_1015 = arith.constant 0 : i32
        %dma_wait3A_1016 = tpu.memref_slice %arg7[%dma_wait3A_1013, %dma_wait3A_1014, %dma_wait3A_1015] : memref<8x2x128xi32, #tpu.memory_space<vmem>> -> memref<1x2x128xi32, #tpu.memory_space<vmem>>
        %dma_wait3A_1017 = tpu.memref_squeeze %dma_wait3A_1016 : memref<1x2x128xi32, #tpu.memory_space<vmem>> -> memref<2x128xi32, #tpu.memory_space<vmem>>
        %dma_wait3A_1018 = arith.constant 0 : i32
        %dma_wait3A_1019 = arith.constant 0 : i32
        %dma_wait3A_1020 = tpu.memref_slice %arg2[%add3A, %add3A_1012, %dma_wait3A_1018, %dma_wait3A_1019] : memref<32x80x2x128xi32, #tpu.memory_space<hbm>> -> memref<1x1x2x128xi32, #tpu.memory_space<hbm>>
        %dma_wait3A_1021 = tpu.memref_squeeze %dma_wait3A_1020 : memref<1x1x2x128xi32, #tpu.memory_space<hbm>> -> memref<2x128xi32, #tpu.memory_space<hbm>>
        %dma_wait3A_1022 = arith.constant 0 : i32
        %dma_wait3A_1023 = arith.constant 0 : i32
        %dma_wait3A_1024 = tpu.memref_slice %arg7[%dma_wait3A_1013, %dma_wait3A_1022, %dma_wait3A_1023] : memref<8x2x128xi32, #tpu.memory_space<vmem>> -> memref<1x2x128xi32, #tpu.memory_space<vmem>>
        %dma_wait3A_1025 = tpu.memref_squeeze %dma_wait3A_1024 : memref<1x2x128xi32, #tpu.memory_space<vmem>> -> memref<2x128xi32, #tpu.memory_space<vmem>>
        %dma_wait3A_1026 = arith.constant 0 : i32
        %dma_wait3A_1027 = arith.constant 0 : i32
        %dma_wait3A_1028 = tpu.memref_slice %arg2[%add3A, %add3A_1012, %dma_wait3A_1026, %dma_wait3A_1027] : memref<32x80x2x128xi32, #tpu.memory_space<hbm>> -> memref<1x1x2x128xi32, #tpu.memory_space<hbm>>
        %dma_wait3A_1029 = tpu.memref_squeeze %dma_wait3A_1028 : memref<1x1x2x128xi32, #tpu.memory_space<hbm>> -> memref<2x128xi32, #tpu.memory_space<hbm>>
        tpu.wait_dma2 semaphore(%arg17 : memref<!tpu.dma_semaphore, #tpu.memory_space<semaphore_mem>>) src(%dma_wait3A_1029 : memref<2x128xi32, #tpu.memory_space<hbm>>) dst(%dma_wait3A_1025 : memref<2x128xi32, #tpu.memory_space<vmem>>)
      } else {
      }
      %ge3A_458 = arith.constant 1 : i32
      %ge3A_459 = arith.cmpi sge, %add3A_443, %ge3A_458 : i32
      %add3A_460 = arith.constant 1 : i32
      %add3A_461 = arith.addi %add3A_443, %add3A_460 : i32
      %lt3A_462 = arith.constant 80 : i32
      %lt3A_463 = arith.cmpi slt, %add3A_461, %lt3A_462 : i32
      %and3A_464 = arith.andi %ge3A_459, %lt3A_463 : i1
      %convert_element_type3A_465 = arith.extui %and3A_464 : i1 to i32
      %cond3A_466 = arith.constant 0 : i32
      %cond3A_467 = arith.cmpi ne, %convert_element_type3A_465, %cond3A_466 : i32
      scf.if %cond3A_467 {
        %dma_wait3A_1011 = arith.constant 1 : i32
        %dma_wait3A_1012 = arith.constant 3 : i32
        %dma_wait3A_1013 = arith.constant 1 : i32
        %dma_wait3A_1014 = arith.constant 0 : i32
        %dma_wait3A_1015 = arith.constant 0 : i32
        %dma_wait3A_1016 = tpu.memref_slice %arg8[%dma_wait3A_1011, %dma_wait3A_1014, %dma_wait3A_1015] : memref<2x128x128xf32, #tpu.memory_space<vmem>> -> memref<1x128x128xf32, #tpu.memory_space<vmem>>
        %dma_wait3A_1017 = tpu.memref_squeeze %dma_wait3A_1016 : memref<1x128x128xf32, #tpu.memory_space<vmem>> -> memref<128x128xf32, #tpu.memory_space<vmem>>
        %dma_wait3A_1018 = arith.constant 0 : i32
        %dma_wait3A_1019 = tpu.memref_slice %arg7[%dma_wait3A_1012, %dma_wait3A_1013, %dma_wait3A_1018] : memref<8x2x128xi32, #tpu.memory_space<vmem>> -> memref<1x1x128xi32, #tpu.memory_space<vmem>>
        %dma_wait3A_1020 = tpu.memref_squeeze %dma_wait3A_1019 : memref<1x1x128xi32, #tpu.memory_space<vmem>> -> memref<128xi32, #tpu.memory_space<vmem>>
        %dma_wait3A_1021 = arith.constant 0 : i32
        %dma_wait3A_1022 = arith.constant 0 : i32
        %dma_wait3A_1023 = tpu.memref_slice %arg11[%dma_wait3A_1021, %dma_wait3A_1022] : memref<10240x128xf32, #tpu.memory_space<vmem_shared>> -> memref<10240x128xf32, #tpu.memory_space<vmem_shared>>
        tpu.wait_indirect_dma semaphore(%arg24 : memref<!tpu.dma_semaphore, #tpu.memory_space<semaphore_mem>>) src(%dma_wait3A_1017 : memref<128x128xf32, #tpu.memory_space<vmem>>) dst(%dma_wait3A_1023 : memref<10240x128xf32, #tpu.memory_space<vmem_shared>>)
      } else {
      }
      %add3A_468 = arith.constant 1 : i32
      %add3A_469 = arith.addi %add3A_443, %add3A_468 : i32
      %lt3A_470 = arith.constant 80 : i32
      %lt3A_471 = arith.cmpi slt, %add3A_469, %lt3A_470 : i32
      %convert_element_type3A_472 = arith.extui %lt3A_471 : i1 to i32
      %cond3A_473 = arith.constant 0 : i32
      %cond3A_474 = arith.cmpi ne, %convert_element_type3A_472, %cond3A_473 : i32
      scf.if %cond3A_474 {
        %dma_start3A_1011 = arith.constant 3 : i32
        %dma_start3A_1012 = arith.constant 0 : i32
        %dma_start3A_1013 = arith.constant 1 : i32
        %dma_start3A_1014 = arith.constant 0 : i32
        %dma_start3A_1015 = arith.constant 0 : i32
        %dma_start3A_1016 = tpu.memref_slice %arg8[%dma_start3A_1013, %dma_start3A_1014, %dma_start3A_1015] : memref<2x128x128xf32, #tpu.memory_space<vmem>> -> memref<1x128x128xf32, #tpu.memory_space<vmem>>
        %dma_start3A_1017 = tpu.memref_squeeze %dma_start3A_1016 : memref<1x128x128xf32, #tpu.memory_space<vmem>> -> memref<128x128xf32, #tpu.memory_space<vmem>>
        %dma_start3A_1018 = arith.constant 0 : i32
        %dma_start3A_1019 = tpu.memref_slice %arg7[%dma_start3A_1011, %dma_start3A_1012, %dma_start3A_1018] : memref<8x2x128xi32, #tpu.memory_space<vmem>> -> memref<1x1x128xi32, #tpu.memory_space<vmem>>
        %dma_start3A_1020 = tpu.memref_squeeze %dma_start3A_1019 : memref<1x1x128xi32, #tpu.memory_space<vmem>> -> memref<128xi32, #tpu.memory_space<vmem>>
        %dma_start3A_1021 = arith.constant 0 : i32
        %dma_start3A_1022 = arith.constant 0 : i32
        %dma_start3A_1023 = tpu.memref_slice %arg3[%dma_start3A_1021, %dma_start3A_1022] : memref<10240x128xf32, #tpu.memory_space<hbm>> -> memref<10240x128xf32, #tpu.memory_space<hbm>>
        tpu.enqueue_indirect_dma source(%dma_start3A_1023 : memref<10240x128xf32, #tpu.memory_space<hbm>>) target(%dma_start3A_1017 : memref<128x128xf32, #tpu.memory_space<vmem>>) offsets(%dma_start3A_1020 : memref<128xi32, #tpu.memory_space<vmem>>) semaphore(%arg22 : memref<!tpu.dma_semaphore, #tpu.memory_space<semaphore_mem>>)
      } else {
      }
      %dma_wait3A_475 = arith.constant 2 : i32
      %dma_wait3A_476 = arith.constant 0 : i32
      %dma_wait3A_477 = arith.constant 0 : i32
      %dma_wait3A_478 = arith.constant 0 : i32
      %dma_wait3A_479 = arith.constant 0 : i32
      %dma_wait3A_480 = tpu.memref_slice %arg8[%dma_wait3A_477, %dma_wait3A_478, %dma_wait3A_479] : memref<2x128x128xf32, #tpu.memory_space<vmem>> -> memref<1x128x128xf32, #tpu.memory_space<vmem>>
      %dma_wait3A_481 = tpu.memref_squeeze %dma_wait3A_480 : memref<1x128x128xf32, #tpu.memory_space<vmem>> -> memref<128x128xf32, #tpu.memory_space<vmem>>
      %dma_wait3A_482 = arith.constant 0 : i32
      %dma_wait3A_483 = tpu.memref_slice %arg7[%dma_wait3A_475, %dma_wait3A_476, %dma_wait3A_482] : memref<8x2x128xi32, #tpu.memory_space<vmem>> -> memref<1x1x128xi32, #tpu.memory_space<vmem>>
      %dma_wait3A_484 = tpu.memref_squeeze %dma_wait3A_483 : memref<1x1x128xi32, #tpu.memory_space<vmem>> -> memref<128xi32, #tpu.memory_space<vmem>>
      %dma_wait3A_485 = arith.constant 0 : i32
      %dma_wait3A_486 = arith.constant 0 : i32
      %dma_wait3A_487 = tpu.memref_slice %arg3[%dma_wait3A_485, %dma_wait3A_486] : memref<10240x128xf32, #tpu.memory_space<hbm>> -> memref<10240x128xf32, #tpu.memory_space<hbm>>
      tpu.wait_indirect_dma semaphore(%arg21 : memref<!tpu.dma_semaphore, #tpu.memory_space<semaphore_mem>>) src(%dma_wait3A_487 : memref<10240x128xf32, #tpu.memory_space<hbm>>) dst(%dma_wait3A_481 : memref<128x128xf32, #tpu.memory_space<vmem>>)
      %dma_start3A_488 = arith.constant 0 : i32
      %dma_start3A_489 = arith.constant 2 : i32
      %dma_start3A_490 = arith.constant 1 : i32
      %dma_start3A_491 = arith.constant 0 : i32
      %dma_start3A_492 = arith.constant 0 : i32
      %dma_start3A_493 = tpu.memref_slice %arg8[%dma_start3A_488, %dma_start3A_491, %dma_start3A_492] : memref<2x128x128xf32, #tpu.memory_space<vmem>> -> memref<1x128x128xf32, #tpu.memory_space<vmem>>
      %dma_start3A_494 = tpu.memref_squeeze %dma_start3A_493 : memref<1x128x128xf32, #tpu.memory_space<vmem>> -> memref<128x128xf32, #tpu.memory_space<vmem>>
      %dma_start3A_495 = arith.constant 0 : i32
      %dma_start3A_496 = tpu.memref_slice %arg7[%dma_start3A_489, %dma_start3A_490, %dma_start3A_495] : memref<8x2x128xi32, #tpu.memory_space<vmem>> -> memref<1x1x128xi32, #tpu.memory_space<vmem>>
      %dma_start3A_497 = tpu.memref_squeeze %dma_start3A_496 : memref<1x1x128xi32, #tpu.memory_space<vmem>> -> memref<128xi32, #tpu.memory_space<vmem>>
      %dma_start3A_498 = arith.constant 0 : i32
      %dma_start3A_499 = arith.constant 0 : i32
      %dma_start3A_500 = tpu.memref_slice %arg11[%dma_start3A_498, %dma_start3A_499] : memref<10240x128xf32, #tpu.memory_space<vmem_shared>> -> memref<10240x128xf32, #tpu.memory_space<vmem_shared>>
      tpu.enqueue_indirect_dma source(%dma_start3A_494 : memref<128x128xf32, #tpu.memory_space<vmem>>) target(%dma_start3A_500 : memref<10240x128xf32, #tpu.memory_space<vmem_shared>>) offsets(%dma_start3A_497 : memref<128xi32, #tpu.memory_space<vmem>>) semaphore(%arg23 : memref<!tpu.dma_semaphore, #tpu.memory_space<semaphore_mem>>) {add = true}
      %dma_wait3A_501 = arith.constant 2 : i32
      %dma_wait3A_502 = arith.constant 1 : i32
      %dma_wait3A_503 = arith.constant 2 : i32
      %dma_wait3A_504 = arith.constant 0 : i32
      %dma_wait3A_505 = tpu.memref_slice %arg9[%dma_wait3A_503, %dma_wait3A_504] : memref<4x128xf32, #tpu.memory_space<vmem>> -> memref<1x128xf32, #tpu.memory_space<vmem>>
      %dma_wait3A_506 = tpu.memref_squeeze %dma_wait3A_505 : memref<1x128xf32, #tpu.memory_space<vmem>> -> memref<128xf32, #tpu.memory_space<vmem>>
      %dma_wait3A_507 = arith.constant 0 : i32
      %dma_wait3A_508 = tpu.memref_slice %arg7[%dma_wait3A_501, %dma_wait3A_502, %dma_wait3A_507] : memref<8x2x128xi32, #tpu.memory_space<vmem>> -> memref<1x1x128xi32, #tpu.memory_space<vmem>>
      %dma_wait3A_509 = tpu.memref_squeeze %dma_wait3A_508 : memref<1x1x128xi32, #tpu.memory_space<vmem>> -> memref<128xi32, #tpu.memory_space<vmem>>
      %dma_wait3A_510 = arith.constant 0 : i32
      %dma_wait3A_511 = tpu.memref_slice %arg4[%dma_wait3A_510] : memref<10240xf32, #tpu.memory_space<hbm>> -> memref<10240xf32, #tpu.memory_space<hbm>>
      tpu.wait_indirect_dma semaphore(%arg27 : memref<!tpu.dma_semaphore, #tpu.memory_space<semaphore_mem>>) src(%dma_wait3A_511 : memref<10240xf32, #tpu.memory_space<hbm>>) dst(%dma_wait3A_506 : memref<128xf32, #tpu.memory_space<vmem>>)
      %dma_start3A_512 = arith.constant 2 : i32
      %dma_start3A_513 = arith.constant 2 : i32
      %dma_start3A_514 = arith.constant 0 : i32
      %dma_start3A_515 = arith.constant 0 : i32
      %dma_start3A_516 = tpu.memref_slice %arg9[%dma_start3A_512, %dma_start3A_515] : memref<4x128xf32, #tpu.memory_space<vmem>> -> memref<1x128xf32, #tpu.memory_space<vmem>>
      %dma_start3A_517 = tpu.memref_squeeze %dma_start3A_516 : memref<1x128xf32, #tpu.memory_space<vmem>> -> memref<128xf32, #tpu.memory_space<vmem>>
      %dma_start3A_518 = arith.constant 0 : i32
      %dma_start3A_519 = tpu.memref_slice %arg7[%dma_start3A_513, %dma_start3A_514, %dma_start3A_518] : memref<8x2x128xi32, #tpu.memory_space<vmem>> -> memref<1x1x128xi32, #tpu.memory_space<vmem>>
      %dma_start3A_520 = tpu.memref_squeeze %dma_start3A_519 : memref<1x1x128xi32, #tpu.memory_space<vmem>> -> memref<128xi32, #tpu.memory_space<vmem>>
      %dma_start3A_521 = arith.constant 0 : i32
      %dma_start3A_522 = tpu.memref_slice %arg12[%dma_start3A_521] : memref<10240xf32, #tpu.memory_space<vmem_shared>> -> memref<10240xf32, #tpu.memory_space<vmem_shared>>
      tpu.enqueue_indirect_dma source(%dma_start3A_517 : memref<128xf32, #tpu.memory_space<vmem>>) target(%dma_start3A_522 : memref<10240xf32, #tpu.memory_space<vmem_shared>>) offsets(%dma_start3A_520 : memref<128xi32, #tpu.memory_space<vmem>>) semaphore(%arg31 : memref<!tpu.dma_semaphore, #tpu.memory_space<semaphore_mem>>) {add = true}
      %ge3A_523 = arith.constant 2 : i32
      %ge3A_524 = arith.cmpi sge, %add3A_443, %ge3A_523 : i32
      %convert_element_type3A_525 = arith.extui %ge3A_524 : i1 to i32
      %cond3A_526 = arith.constant 0 : i32
      %cond3A_527 = arith.cmpi ne, %convert_element_type3A_525, %cond3A_526 : i32
      scf.if %cond3A_527 {
        %dma_wait3A_1011 = arith.constant 0 : i32
        %dma_wait3A_1012 = arith.constant 2 : i32
        %dma_wait3A_1013 = arith.constant 0 : i32
        %dma_wait3A_1014 = arith.constant 0 : i32
        %dma_wait3A_1015 = tpu.memref_slice %arg9[%dma_wait3A_1011, %dma_wait3A_1014] : memref<4x128xf32, #tpu.memory_space<vmem>> -> memref<1x128xf32, #tpu.memory_space<vmem>>
        %dma_wait3A_1016 = tpu.memref_squeeze %dma_wait3A_1015 : memref<1x128xf32, #tpu.memory_space<vmem>> -> memref<128xf32, #tpu.memory_space<vmem>>
        %dma_wait3A_1017 = arith.constant 0 : i32
        %dma_wait3A_1018 = tpu.memref_slice %arg7[%dma_wait3A_1012, %dma_wait3A_1013, %dma_wait3A_1017] : memref<8x2x128xi32, #tpu.memory_space<vmem>> -> memref<1x1x128xi32, #tpu.memory_space<vmem>>
        %dma_wait3A_1019 = tpu.memref_squeeze %dma_wait3A_1018 : memref<1x1x128xi32, #tpu.memory_space<vmem>> -> memref<128xi32, #tpu.memory_space<vmem>>
        %dma_wait3A_1020 = arith.constant 0 : i32
        %dma_wait3A_1021 = tpu.memref_slice %arg12[%dma_wait3A_1020] : memref<10240xf32, #tpu.memory_space<vmem_shared>> -> memref<10240xf32, #tpu.memory_space<vmem_shared>>
        tpu.wait_indirect_dma semaphore(%arg29 : memref<!tpu.dma_semaphore, #tpu.memory_space<semaphore_mem>>) src(%dma_wait3A_1016 : memref<128xf32, #tpu.memory_space<vmem>>) dst(%dma_wait3A_1021 : memref<10240xf32, #tpu.memory_space<vmem_shared>>)
      } else {
      }
      %add3A_528 = arith.constant 2 : i32
      %add3A_529 = arith.addi %add3A_443, %add3A_528 : i32
      %lt3A_530 = arith.constant 80 : i32
      %lt3A_531 = arith.cmpi slt, %add3A_529, %lt3A_530 : i32
      %convert_element_type3A_532 = arith.extui %lt3A_531 : i1 to i32
      %cond3A_533 = arith.constant 0 : i32
      %cond3A_534 = arith.cmpi ne, %convert_element_type3A_532, %cond3A_533 : i32
      scf.if %cond3A_534 {
        %dma_start3A_1011 = arith.constant 4 : i32
        %dma_start3A_1012 = arith.constant 1 : i32
        %dma_start3A_1013 = arith.constant 0 : i32
        %dma_start3A_1014 = arith.constant 0 : i32
        %dma_start3A_1015 = tpu.memref_slice %arg9[%dma_start3A_1013, %dma_start3A_1014] : memref<4x128xf32, #tpu.memory_space<vmem>> -> memref<1x128xf32, #tpu.memory_space<vmem>>
        %dma_start3A_1016 = tpu.memref_squeeze %dma_start3A_1015 : memref<1x128xf32, #tpu.memory_space<vmem>> -> memref<128xf32, #tpu.memory_space<vmem>>
        %dma_start3A_1017 = arith.constant 0 : i32
        %dma_start3A_1018 = tpu.memref_slice %arg7[%dma_start3A_1011, %dma_start3A_1012, %dma_start3A_1017] : memref<8x2x128xi32, #tpu.memory_space<vmem>> -> memref<1x1x128xi32, #tpu.memory_space<vmem>>
        %dma_start3A_1019 = tpu.memref_squeeze %dma_start3A_1018 : memref<1x1x128xi32, #tpu.memory_space<vmem>> -> memref<128xi32, #tpu.memory_space<vmem>>
        %dma_start3A_1020 = arith.constant 0 : i32
        %dma_start3A_1021 = tpu.memref_slice %arg4[%dma_start3A_1020] : memref<10240xf32, #tpu.memory_space<hbm>> -> memref<10240xf32, #tpu.memory_space<hbm>>
        tpu.enqueue_indirect_dma source(%dma_start3A_1021 : memref<10240xf32, #tpu.memory_space<hbm>>) target(%dma_start3A_1016 : memref<128xf32, #tpu.memory_space<vmem>>) offsets(%dma_start3A_1019 : memref<128xi32, #tpu.memory_space<vmem>>) semaphore(%arg25 : memref<!tpu.dma_semaphore, #tpu.memory_space<semaphore_mem>>)
      } else {
      }
      %mul3A_535 = arith.constant 8 : i32
      %mul3A_536 = arith.muli %scan3A_253, %mul3A_535 : i32
      %add3A_537 = arith.constant 3 : i32
      %add3A_538 = arith.addi %mul3A_536, %add3A_537 : i32
      %add3A_539 = arith.constant 4 : i32
      %add3A_540 = arith.addi %add3A_538, %add3A_539 : i32
      %lt3A_541 = arith.constant 80 : i32
      %lt3A_542 = arith.cmpi slt, %add3A_540, %lt3A_541 : i32
      %convert_element_type3A_543 = arith.extui %lt3A_542 : i1 to i32
      %cond3A_544 = arith.constant 0 : i32
      %cond3A_545 = arith.cmpi ne, %convert_element_type3A_543, %cond3A_544 : i32
      scf.if %cond3A_545 {
        %add3A_1011 = arith.constant 4 : i32
        %add3A_1012 = arith.addi %add3A_538, %add3A_1011 : i32
        %dma_start3A_1013 = arith.constant 7 : i32
        %dma_start3A_1014 = arith.constant 0 : i32
        %dma_start3A_1015 = arith.constant 0 : i32
        %dma_start3A_1016 = tpu.memref_slice %arg7[%dma_start3A_1013, %dma_start3A_1014, %dma_start3A_1015] : memref<8x2x128xi32, #tpu.memory_space<vmem>> -> memref<1x2x128xi32, #tpu.memory_space<vmem>>
        %dma_start3A_1017 = tpu.memref_squeeze %dma_start3A_1016 : memref<1x2x128xi32, #tpu.memory_space<vmem>> -> memref<2x128xi32, #tpu.memory_space<vmem>>
        %dma_start3A_1018 = arith.constant 0 : i32
        %dma_start3A_1019 = arith.constant 0 : i32
        %dma_start3A_1020 = tpu.memref_slice %arg2[%add3A, %add3A_1012, %dma_start3A_1018, %dma_start3A_1019] : memref<32x80x2x128xi32, #tpu.memory_space<hbm>> -> memref<1x1x2x128xi32, #tpu.memory_space<hbm>>
        %dma_start3A_1021 = tpu.memref_squeeze %dma_start3A_1020 : memref<1x1x2x128xi32, #tpu.memory_space<hbm>> -> memref<2x128xi32, #tpu.memory_space<hbm>>
        %dma_start3A_1022 = arith.constant 0 : i32
        %dma_start3A_1023 = arith.constant 0 : i32
        %dma_start3A_1024 = tpu.memref_slice %arg7[%dma_start3A_1013, %dma_start3A_1022, %dma_start3A_1023] : memref<8x2x128xi32, #tpu.memory_space<vmem>> -> memref<1x2x128xi32, #tpu.memory_space<vmem>>
        %dma_start3A_1025 = tpu.memref_squeeze %dma_start3A_1024 : memref<1x2x128xi32, #tpu.memory_space<vmem>> -> memref<2x128xi32, #tpu.memory_space<vmem>>
        %dma_start3A_1026 = arith.constant 0 : i32
        %dma_start3A_1027 = arith.constant 0 : i32
        %dma_start3A_1028 = tpu.memref_slice %arg2[%add3A, %add3A_1012, %dma_start3A_1026, %dma_start3A_1027] : memref<32x80x2x128xi32, #tpu.memory_space<hbm>> -> memref<1x1x2x128xi32, #tpu.memory_space<hbm>>
        %dma_start3A_1029 = tpu.memref_squeeze %dma_start3A_1028 : memref<1x1x2x128xi32, #tpu.memory_space<hbm>> -> memref<2x128xi32, #tpu.memory_space<hbm>>
        tpu.enqueue_dma source(%dma_start3A_1029 : memref<2x128xi32, #tpu.memory_space<hbm>>) target(%dma_start3A_1025 : memref<2x128xi32, #tpu.memory_space<vmem>>) target_semaphore(%arg20 : memref<!tpu.dma_semaphore, #tpu.memory_space<semaphore_mem>>)
      } else {
      }
      %add3A_546 = arith.constant 2 : i32
      %add3A_547 = arith.addi %add3A_538, %add3A_546 : i32
      %lt3A_548 = arith.constant 80 : i32
      %lt3A_549 = arith.cmpi slt, %add3A_547, %lt3A_548 : i32
      %convert_element_type3A_550 = arith.extui %lt3A_549 : i1 to i32
      %cond3A_551 = arith.constant 0 : i32
      %cond3A_552 = arith.cmpi ne, %convert_element_type3A_550, %cond3A_551 : i32
      scf.if %cond3A_552 {
        %add3A_1011 = arith.constant 2 : i32
        %add3A_1012 = arith.addi %add3A_538, %add3A_1011 : i32
        %dma_wait3A_1013 = arith.constant 5 : i32
        %dma_wait3A_1014 = arith.constant 0 : i32
        %dma_wait3A_1015 = arith.constant 0 : i32
        %dma_wait3A_1016 = tpu.memref_slice %arg7[%dma_wait3A_1013, %dma_wait3A_1014, %dma_wait3A_1015] : memref<8x2x128xi32, #tpu.memory_space<vmem>> -> memref<1x2x128xi32, #tpu.memory_space<vmem>>
        %dma_wait3A_1017 = tpu.memref_squeeze %dma_wait3A_1016 : memref<1x2x128xi32, #tpu.memory_space<vmem>> -> memref<2x128xi32, #tpu.memory_space<vmem>>
        %dma_wait3A_1018 = arith.constant 0 : i32
        %dma_wait3A_1019 = arith.constant 0 : i32
        %dma_wait3A_1020 = tpu.memref_slice %arg2[%add3A, %add3A_1012, %dma_wait3A_1018, %dma_wait3A_1019] : memref<32x80x2x128xi32, #tpu.memory_space<hbm>> -> memref<1x1x2x128xi32, #tpu.memory_space<hbm>>
        %dma_wait3A_1021 = tpu.memref_squeeze %dma_wait3A_1020 : memref<1x1x2x128xi32, #tpu.memory_space<hbm>> -> memref<2x128xi32, #tpu.memory_space<hbm>>
        %dma_wait3A_1022 = arith.constant 0 : i32
        %dma_wait3A_1023 = arith.constant 0 : i32
        %dma_wait3A_1024 = tpu.memref_slice %arg7[%dma_wait3A_1013, %dma_wait3A_1022, %dma_wait3A_1023] : memref<8x2x128xi32, #tpu.memory_space<vmem>> -> memref<1x2x128xi32, #tpu.memory_space<vmem>>
        %dma_wait3A_1025 = tpu.memref_squeeze %dma_wait3A_1024 : memref<1x2x128xi32, #tpu.memory_space<vmem>> -> memref<2x128xi32, #tpu.memory_space<vmem>>
        %dma_wait3A_1026 = arith.constant 0 : i32
        %dma_wait3A_1027 = arith.constant 0 : i32
        %dma_wait3A_1028 = tpu.memref_slice %arg2[%add3A, %add3A_1012, %dma_wait3A_1026, %dma_wait3A_1027] : memref<32x80x2x128xi32, #tpu.memory_space<hbm>> -> memref<1x1x2x128xi32, #tpu.memory_space<hbm>>
        %dma_wait3A_1029 = tpu.memref_squeeze %dma_wait3A_1028 : memref<1x1x2x128xi32, #tpu.memory_space<hbm>> -> memref<2x128xi32, #tpu.memory_space<hbm>>
        tpu.wait_dma2 semaphore(%arg18 : memref<!tpu.dma_semaphore, #tpu.memory_space<semaphore_mem>>) src(%dma_wait3A_1029 : memref<2x128xi32, #tpu.memory_space<hbm>>) dst(%dma_wait3A_1025 : memref<2x128xi32, #tpu.memory_space<vmem>>)
      } else {
      }
      %ge3A_553 = arith.constant 1 : i32
      %ge3A_554 = arith.cmpi sge, %add3A_538, %ge3A_553 : i32
      %add3A_555 = arith.constant 1 : i32
      %add3A_556 = arith.addi %add3A_538, %add3A_555 : i32
      %lt3A_557 = arith.constant 80 : i32
      %lt3A_558 = arith.cmpi slt, %add3A_556, %lt3A_557 : i32
      %and3A_559 = arith.andi %ge3A_554, %lt3A_558 : i1
      %convert_element_type3A_560 = arith.extui %and3A_559 : i1 to i32
      %cond3A_561 = arith.constant 0 : i32
      %cond3A_562 = arith.cmpi ne, %convert_element_type3A_560, %cond3A_561 : i32
      scf.if %cond3A_562 {
        %dma_wait3A_1011 = arith.constant 0 : i32
        %dma_wait3A_1012 = arith.constant 4 : i32
        %dma_wait3A_1013 = arith.constant 1 : i32
        %dma_wait3A_1014 = arith.constant 0 : i32
        %dma_wait3A_1015 = arith.constant 0 : i32
        %dma_wait3A_1016 = tpu.memref_slice %arg8[%dma_wait3A_1011, %dma_wait3A_1014, %dma_wait3A_1015] : memref<2x128x128xf32, #tpu.memory_space<vmem>> -> memref<1x128x128xf32, #tpu.memory_space<vmem>>
        %dma_wait3A_1017 = tpu.memref_squeeze %dma_wait3A_1016 : memref<1x128x128xf32, #tpu.memory_space<vmem>> -> memref<128x128xf32, #tpu.memory_space<vmem>>
        %dma_wait3A_1018 = arith.constant 0 : i32
        %dma_wait3A_1019 = tpu.memref_slice %arg7[%dma_wait3A_1012, %dma_wait3A_1013, %dma_wait3A_1018] : memref<8x2x128xi32, #tpu.memory_space<vmem>> -> memref<1x1x128xi32, #tpu.memory_space<vmem>>
        %dma_wait3A_1020 = tpu.memref_squeeze %dma_wait3A_1019 : memref<1x1x128xi32, #tpu.memory_space<vmem>> -> memref<128xi32, #tpu.memory_space<vmem>>
        %dma_wait3A_1021 = arith.constant 0 : i32
        %dma_wait3A_1022 = arith.constant 0 : i32
        %dma_wait3A_1023 = tpu.memref_slice %arg11[%dma_wait3A_1021, %dma_wait3A_1022] : memref<10240x128xf32, #tpu.memory_space<vmem_shared>> -> memref<10240x128xf32, #tpu.memory_space<vmem_shared>>
        tpu.wait_indirect_dma semaphore(%arg23 : memref<!tpu.dma_semaphore, #tpu.memory_space<semaphore_mem>>) src(%dma_wait3A_1017 : memref<128x128xf32, #tpu.memory_space<vmem>>) dst(%dma_wait3A_1023 : memref<10240x128xf32, #tpu.memory_space<vmem_shared>>)
      } else {
      }
      %add3A_563 = arith.constant 1 : i32
      %add3A_564 = arith.addi %add3A_538, %add3A_563 : i32
      %lt3A_565 = arith.constant 80 : i32
      %lt3A_566 = arith.cmpi slt, %add3A_564, %lt3A_565 : i32
      %convert_element_type3A_567 = arith.extui %lt3A_566 : i1 to i32
      %cond3A_568 = arith.constant 0 : i32
      %cond3A_569 = arith.cmpi ne, %convert_element_type3A_567, %cond3A_568 : i32
      scf.if %cond3A_569 {
        %dma_start3A_1011 = arith.constant 4 : i32
        %dma_start3A_1012 = arith.constant 0 : i32
        %dma_start3A_1013 = arith.constant 0 : i32
        %dma_start3A_1014 = arith.constant 0 : i32
        %dma_start3A_1015 = arith.constant 0 : i32
        %dma_start3A_1016 = tpu.memref_slice %arg8[%dma_start3A_1013, %dma_start3A_1014, %dma_start3A_1015] : memref<2x128x128xf32, #tpu.memory_space<vmem>> -> memref<1x128x128xf32, #tpu.memory_space<vmem>>
        %dma_start3A_1017 = tpu.memref_squeeze %dma_start3A_1016 : memref<1x128x128xf32, #tpu.memory_space<vmem>> -> memref<128x128xf32, #tpu.memory_space<vmem>>
        %dma_start3A_1018 = arith.constant 0 : i32
        %dma_start3A_1019 = tpu.memref_slice %arg7[%dma_start3A_1011, %dma_start3A_1012, %dma_start3A_1018] : memref<8x2x128xi32, #tpu.memory_space<vmem>> -> memref<1x1x128xi32, #tpu.memory_space<vmem>>
        %dma_start3A_1020 = tpu.memref_squeeze %dma_start3A_1019 : memref<1x1x128xi32, #tpu.memory_space<vmem>> -> memref<128xi32, #tpu.memory_space<vmem>>
        %dma_start3A_1021 = arith.constant 0 : i32
        %dma_start3A_1022 = arith.constant 0 : i32
        %dma_start3A_1023 = tpu.memref_slice %arg3[%dma_start3A_1021, %dma_start3A_1022] : memref<10240x128xf32, #tpu.memory_space<hbm>> -> memref<10240x128xf32, #tpu.memory_space<hbm>>
        tpu.enqueue_indirect_dma source(%dma_start3A_1023 : memref<10240x128xf32, #tpu.memory_space<hbm>>) target(%dma_start3A_1017 : memref<128x128xf32, #tpu.memory_space<vmem>>) offsets(%dma_start3A_1020 : memref<128xi32, #tpu.memory_space<vmem>>) semaphore(%arg21 : memref<!tpu.dma_semaphore, #tpu.memory_space<semaphore_mem>>)
      } else {
      }
      %dma_wait3A_570 = arith.constant 3 : i32
      %dma_wait3A_571 = arith.constant 0 : i32
      %dma_wait3A_572 = arith.constant 1 : i32
      %dma_wait3A_573 = arith.constant 0 : i32
      %dma_wait3A_574 = arith.constant 0 : i32
      %dma_wait3A_575 = tpu.memref_slice %arg8[%dma_wait3A_572, %dma_wait3A_573, %dma_wait3A_574] : memref<2x128x128xf32, #tpu.memory_space<vmem>> -> memref<1x128x128xf32, #tpu.memory_space<vmem>>
      %dma_wait3A_576 = tpu.memref_squeeze %dma_wait3A_575 : memref<1x128x128xf32, #tpu.memory_space<vmem>> -> memref<128x128xf32, #tpu.memory_space<vmem>>
      %dma_wait3A_577 = arith.constant 0 : i32
      %dma_wait3A_578 = tpu.memref_slice %arg7[%dma_wait3A_570, %dma_wait3A_571, %dma_wait3A_577] : memref<8x2x128xi32, #tpu.memory_space<vmem>> -> memref<1x1x128xi32, #tpu.memory_space<vmem>>
      %dma_wait3A_579 = tpu.memref_squeeze %dma_wait3A_578 : memref<1x1x128xi32, #tpu.memory_space<vmem>> -> memref<128xi32, #tpu.memory_space<vmem>>
      %dma_wait3A_580 = arith.constant 0 : i32
      %dma_wait3A_581 = arith.constant 0 : i32
      %dma_wait3A_582 = tpu.memref_slice %arg3[%dma_wait3A_580, %dma_wait3A_581] : memref<10240x128xf32, #tpu.memory_space<hbm>> -> memref<10240x128xf32, #tpu.memory_space<hbm>>
      tpu.wait_indirect_dma semaphore(%arg22 : memref<!tpu.dma_semaphore, #tpu.memory_space<semaphore_mem>>) src(%dma_wait3A_582 : memref<10240x128xf32, #tpu.memory_space<hbm>>) dst(%dma_wait3A_576 : memref<128x128xf32, #tpu.memory_space<vmem>>)
      %dma_start3A_583 = arith.constant 1 : i32
      %dma_start3A_584 = arith.constant 3 : i32
      %dma_start3A_585 = arith.constant 1 : i32
      %dma_start3A_586 = arith.constant 0 : i32
      %dma_start3A_587 = arith.constant 0 : i32
      %dma_start3A_588 = tpu.memref_slice %arg8[%dma_start3A_583, %dma_start3A_586, %dma_start3A_587] : memref<2x128x128xf32, #tpu.memory_space<vmem>> -> memref<1x128x128xf32, #tpu.memory_space<vmem>>
      %dma_start3A_589 = tpu.memref_squeeze %dma_start3A_588 : memref<1x128x128xf32, #tpu.memory_space<vmem>> -> memref<128x128xf32, #tpu.memory_space<vmem>>
      %dma_start3A_590 = arith.constant 0 : i32
      %dma_start3A_591 = tpu.memref_slice %arg7[%dma_start3A_584, %dma_start3A_585, %dma_start3A_590] : memref<8x2x128xi32, #tpu.memory_space<vmem>> -> memref<1x1x128xi32, #tpu.memory_space<vmem>>
      %dma_start3A_592 = tpu.memref_squeeze %dma_start3A_591 : memref<1x1x128xi32, #tpu.memory_space<vmem>> -> memref<128xi32, #tpu.memory_space<vmem>>
      %dma_start3A_593 = arith.constant 0 : i32
      %dma_start3A_594 = arith.constant 0 : i32
      %dma_start3A_595 = tpu.memref_slice %arg11[%dma_start3A_593, %dma_start3A_594] : memref<10240x128xf32, #tpu.memory_space<vmem_shared>> -> memref<10240x128xf32, #tpu.memory_space<vmem_shared>>
      tpu.enqueue_indirect_dma source(%dma_start3A_589 : memref<128x128xf32, #tpu.memory_space<vmem>>) target(%dma_start3A_595 : memref<10240x128xf32, #tpu.memory_space<vmem_shared>>) offsets(%dma_start3A_592 : memref<128xi32, #tpu.memory_space<vmem>>) semaphore(%arg24 : memref<!tpu.dma_semaphore, #tpu.memory_space<semaphore_mem>>) {add = true}
      %dma_wait3A_596 = arith.constant 3 : i32
      %dma_wait3A_597 = arith.constant 1 : i32
      %dma_wait3A_598 = arith.constant 3 : i32
      %dma_wait3A_599 = arith.constant 0 : i32
      %dma_wait3A_600 = tpu.memref_slice %arg9[%dma_wait3A_598, %dma_wait3A_599] : memref<4x128xf32, #tpu.memory_space<vmem>> -> memref<1x128xf32, #tpu.memory_space<vmem>>
      %dma_wait3A_601 = tpu.memref_squeeze %dma_wait3A_600 : memref<1x128xf32, #tpu.memory_space<vmem>> -> memref<128xf32, #tpu.memory_space<vmem>>
      %dma_wait3A_602 = arith.constant 0 : i32
      %dma_wait3A_603 = tpu.memref_slice %arg7[%dma_wait3A_596, %dma_wait3A_597, %dma_wait3A_602] : memref<8x2x128xi32, #tpu.memory_space<vmem>> -> memref<1x1x128xi32, #tpu.memory_space<vmem>>
      %dma_wait3A_604 = tpu.memref_squeeze %dma_wait3A_603 : memref<1x1x128xi32, #tpu.memory_space<vmem>> -> memref<128xi32, #tpu.memory_space<vmem>>
      %dma_wait3A_605 = arith.constant 0 : i32
      %dma_wait3A_606 = tpu.memref_slice %arg4[%dma_wait3A_605] : memref<10240xf32, #tpu.memory_space<hbm>> -> memref<10240xf32, #tpu.memory_space<hbm>>
      tpu.wait_indirect_dma semaphore(%arg28 : memref<!tpu.dma_semaphore, #tpu.memory_space<semaphore_mem>>) src(%dma_wait3A_606 : memref<10240xf32, #tpu.memory_space<hbm>>) dst(%dma_wait3A_601 : memref<128xf32, #tpu.memory_space<vmem>>)
      %dma_start3A_607 = arith.constant 3 : i32
      %dma_start3A_608 = arith.constant 3 : i32
      %dma_start3A_609 = arith.constant 0 : i32
      %dma_start3A_610 = arith.constant 0 : i32
      %dma_start3A_611 = tpu.memref_slice %arg9[%dma_start3A_607, %dma_start3A_610] : memref<4x128xf32, #tpu.memory_space<vmem>> -> memref<1x128xf32, #tpu.memory_space<vmem>>
      %dma_start3A_612 = tpu.memref_squeeze %dma_start3A_611 : memref<1x128xf32, #tpu.memory_space<vmem>> -> memref<128xf32, #tpu.memory_space<vmem>>
      %dma_start3A_613 = arith.constant 0 : i32
      %dma_start3A_614 = tpu.memref_slice %arg7[%dma_start3A_608, %dma_start3A_609, %dma_start3A_613] : memref<8x2x128xi32, #tpu.memory_space<vmem>> -> memref<1x1x128xi32, #tpu.memory_space<vmem>>
      %dma_start3A_615 = tpu.memref_squeeze %dma_start3A_614 : memref<1x1x128xi32, #tpu.memory_space<vmem>> -> memref<128xi32, #tpu.memory_space<vmem>>
      %dma_start3A_616 = arith.constant 0 : i32
      %dma_start3A_617 = tpu.memref_slice %arg12[%dma_start3A_616] : memref<10240xf32, #tpu.memory_space<vmem_shared>> -> memref<10240xf32, #tpu.memory_space<vmem_shared>>
      tpu.enqueue_indirect_dma source(%dma_start3A_612 : memref<128xf32, #tpu.memory_space<vmem>>) target(%dma_start3A_617 : memref<10240xf32, #tpu.memory_space<vmem_shared>>) offsets(%dma_start3A_615 : memref<128xi32, #tpu.memory_space<vmem>>) semaphore(%arg32 : memref<!tpu.dma_semaphore, #tpu.memory_space<semaphore_mem>>) {add = true}
      %ge3A_618 = arith.constant 2 : i32
      %ge3A_619 = arith.cmpi sge, %add3A_538, %ge3A_618 : i32
      %convert_element_type3A_620 = arith.extui %ge3A_619 : i1 to i32
      %cond3A_621 = arith.constant 0 : i32
      %cond3A_622 = arith.cmpi ne, %convert_element_type3A_620, %cond3A_621 : i32
      scf.if %cond3A_622 {
        %dma_wait3A_1011 = arith.constant 1 : i32
        %dma_wait3A_1012 = arith.constant 3 : i32
        %dma_wait3A_1013 = arith.constant 0 : i32
        %dma_wait3A_1014 = arith.constant 0 : i32
        %dma_wait3A_1015 = tpu.memref_slice %arg9[%dma_wait3A_1011, %dma_wait3A_1014] : memref<4x128xf32, #tpu.memory_space<vmem>> -> memref<1x128xf32, #tpu.memory_space<vmem>>
        %dma_wait3A_1016 = tpu.memref_squeeze %dma_wait3A_1015 : memref<1x128xf32, #tpu.memory_space<vmem>> -> memref<128xf32, #tpu.memory_space<vmem>>
        %dma_wait3A_1017 = arith.constant 0 : i32
        %dma_wait3A_1018 = tpu.memref_slice %arg7[%dma_wait3A_1012, %dma_wait3A_1013, %dma_wait3A_1017] : memref<8x2x128xi32, #tpu.memory_space<vmem>> -> memref<1x1x128xi32, #tpu.memory_space<vmem>>
        %dma_wait3A_1019 = tpu.memref_squeeze %dma_wait3A_1018 : memref<1x1x128xi32, #tpu.memory_space<vmem>> -> memref<128xi32, #tpu.memory_space<vmem>>
        %dma_wait3A_1020 = arith.constant 0 : i32
        %dma_wait3A_1021 = tpu.memref_slice %arg12[%dma_wait3A_1020] : memref<10240xf32, #tpu.memory_space<vmem_shared>> -> memref<10240xf32, #tpu.memory_space<vmem_shared>>
        tpu.wait_indirect_dma semaphore(%arg30 : memref<!tpu.dma_semaphore, #tpu.memory_space<semaphore_mem>>) src(%dma_wait3A_1016 : memref<128xf32, #tpu.memory_space<vmem>>) dst(%dma_wait3A_1021 : memref<10240xf32, #tpu.memory_space<vmem_shared>>)
      } else {
      }
      %add3A_623 = arith.constant 2 : i32
      %add3A_624 = arith.addi %add3A_538, %add3A_623 : i32
      %lt3A_625 = arith.constant 80 : i32
      %lt3A_626 = arith.cmpi slt, %add3A_624, %lt3A_625 : i32
      %convert_element_type3A_627 = arith.extui %lt3A_626 : i1 to i32
      %cond3A_628 = arith.constant 0 : i32
      %cond3A_629 = arith.cmpi ne, %convert_element_type3A_627, %cond3A_628 : i32
      scf.if %cond3A_629 {
        %dma_start3A_1011 = arith.constant 5 : i32
        %dma_start3A_1012 = arith.constant 1 : i32
        %dma_start3A_1013 = arith.constant 1 : i32
        %dma_start3A_1014 = arith.constant 0 : i32
        %dma_start3A_1015 = tpu.memref_slice %arg9[%dma_start3A_1013, %dma_start3A_1014] : memref<4x128xf32, #tpu.memory_space<vmem>> -> memref<1x128xf32, #tpu.memory_space<vmem>>
        %dma_start3A_1016 = tpu.memref_squeeze %dma_start3A_1015 : memref<1x128xf32, #tpu.memory_space<vmem>> -> memref<128xf32, #tpu.memory_space<vmem>>
        %dma_start3A_1017 = arith.constant 0 : i32
        %dma_start3A_1018 = tpu.memref_slice %arg7[%dma_start3A_1011, %dma_start3A_1012, %dma_start3A_1017] : memref<8x2x128xi32, #tpu.memory_space<vmem>> -> memref<1x1x128xi32, #tpu.memory_space<vmem>>
        %dma_start3A_1019 = tpu.memref_squeeze %dma_start3A_1018 : memref<1x1x128xi32, #tpu.memory_space<vmem>> -> memref<128xi32, #tpu.memory_space<vmem>>
        %dma_start3A_1020 = arith.constant 0 : i32
        %dma_start3A_1021 = tpu.memref_slice %arg4[%dma_start3A_1020] : memref<10240xf32, #tpu.memory_space<hbm>> -> memref<10240xf32, #tpu.memory_space<hbm>>
        tpu.enqueue_indirect_dma source(%dma_start3A_1021 : memref<10240xf32, #tpu.memory_space<hbm>>) target(%dma_start3A_1016 : memref<128xf32, #tpu.memory_space<vmem>>) offsets(%dma_start3A_1019 : memref<128xi32, #tpu.memory_space<vmem>>) semaphore(%arg26 : memref<!tpu.dma_semaphore, #tpu.memory_space<semaphore_mem>>)
      } else {
      }
      %mul3A_630 = arith.constant 8 : i32
      %mul3A_631 = arith.muli %scan3A_253, %mul3A_630 : i32
      %add3A_632 = arith.constant 4 : i32
      %add3A_633 = arith.addi %mul3A_631, %add3A_632 : i32
      %add3A_634 = arith.constant 4 : i32
      %add3A_635 = arith.addi %add3A_633, %add3A_634 : i32
      %lt3A_636 = arith.constant 80 : i32
      %lt3A_637 = arith.cmpi slt, %add3A_635, %lt3A_636 : i32
      %convert_element_type3A_638 = arith.extui %lt3A_637 : i1 to i32
      %cond3A_639 = arith.constant 0 : i32
      %cond3A_640 = arith.cmpi ne, %convert_element_type3A_638, %cond3A_639 : i32
      scf.if %cond3A_640 {
        %add3A_1011 = arith.constant 4 : i32
        %add3A_1012 = arith.addi %add3A_633, %add3A_1011 : i32
        %dma_start3A_1013 = arith.constant 0 : i32
        %dma_start3A_1014 = arith.constant 0 : i32
        %dma_start3A_1015 = arith.constant 0 : i32
        %dma_start3A_1016 = tpu.memref_slice %arg7[%dma_start3A_1013, %dma_start3A_1014, %dma_start3A_1015] : memref<8x2x128xi32, #tpu.memory_space<vmem>> -> memref<1x2x128xi32, #tpu.memory_space<vmem>>
        %dma_start3A_1017 = tpu.memref_squeeze %dma_start3A_1016 : memref<1x2x128xi32, #tpu.memory_space<vmem>> -> memref<2x128xi32, #tpu.memory_space<vmem>>
        %dma_start3A_1018 = arith.constant 0 : i32
        %dma_start3A_1019 = arith.constant 0 : i32
        %dma_start3A_1020 = tpu.memref_slice %arg2[%add3A, %add3A_1012, %dma_start3A_1018, %dma_start3A_1019] : memref<32x80x2x128xi32, #tpu.memory_space<hbm>> -> memref<1x1x2x128xi32, #tpu.memory_space<hbm>>
        %dma_start3A_1021 = tpu.memref_squeeze %dma_start3A_1020 : memref<1x1x2x128xi32, #tpu.memory_space<hbm>> -> memref<2x128xi32, #tpu.memory_space<hbm>>
        %dma_start3A_1022 = arith.constant 0 : i32
        %dma_start3A_1023 = arith.constant 0 : i32
        %dma_start3A_1024 = tpu.memref_slice %arg7[%dma_start3A_1013, %dma_start3A_1022, %dma_start3A_1023] : memref<8x2x128xi32, #tpu.memory_space<vmem>> -> memref<1x2x128xi32, #tpu.memory_space<vmem>>
        %dma_start3A_1025 = tpu.memref_squeeze %dma_start3A_1024 : memref<1x2x128xi32, #tpu.memory_space<vmem>> -> memref<2x128xi32, #tpu.memory_space<vmem>>
        %dma_start3A_1026 = arith.constant 0 : i32
        %dma_start3A_1027 = arith.constant 0 : i32
        %dma_start3A_1028 = tpu.memref_slice %arg2[%add3A, %add3A_1012, %dma_start3A_1026, %dma_start3A_1027] : memref<32x80x2x128xi32, #tpu.memory_space<hbm>> -> memref<1x1x2x128xi32, #tpu.memory_space<hbm>>
        %dma_start3A_1029 = tpu.memref_squeeze %dma_start3A_1028 : memref<1x1x2x128xi32, #tpu.memory_space<hbm>> -> memref<2x128xi32, #tpu.memory_space<hbm>>
        tpu.enqueue_dma source(%dma_start3A_1029 : memref<2x128xi32, #tpu.memory_space<hbm>>) target(%dma_start3A_1025 : memref<2x128xi32, #tpu.memory_space<vmem>>) target_semaphore(%arg13 : memref<!tpu.dma_semaphore, #tpu.memory_space<semaphore_mem>>)
      } else {
      }
      %add3A_641 = arith.constant 2 : i32
      %add3A_642 = arith.addi %add3A_633, %add3A_641 : i32
      %lt3A_643 = arith.constant 80 : i32
      %lt3A_644 = arith.cmpi slt, %add3A_642, %lt3A_643 : i32
      %convert_element_type3A_645 = arith.extui %lt3A_644 : i1 to i32
      %cond3A_646 = arith.constant 0 : i32
      %cond3A_647 = arith.cmpi ne, %convert_element_type3A_645, %cond3A_646 : i32
      scf.if %cond3A_647 {
        %add3A_1011 = arith.constant 2 : i32
        %add3A_1012 = arith.addi %add3A_633, %add3A_1011 : i32
        %dma_wait3A_1013 = arith.constant 6 : i32
        %dma_wait3A_1014 = arith.constant 0 : i32
        %dma_wait3A_1015 = arith.constant 0 : i32
        %dma_wait3A_1016 = tpu.memref_slice %arg7[%dma_wait3A_1013, %dma_wait3A_1014, %dma_wait3A_1015] : memref<8x2x128xi32, #tpu.memory_space<vmem>> -> memref<1x2x128xi32, #tpu.memory_space<vmem>>
        %dma_wait3A_1017 = tpu.memref_squeeze %dma_wait3A_1016 : memref<1x2x128xi32, #tpu.memory_space<vmem>> -> memref<2x128xi32, #tpu.memory_space<vmem>>
        %dma_wait3A_1018 = arith.constant 0 : i32
        %dma_wait3A_1019 = arith.constant 0 : i32
        %dma_wait3A_1020 = tpu.memref_slice %arg2[%add3A, %add3A_1012, %dma_wait3A_1018, %dma_wait3A_1019] : memref<32x80x2x128xi32, #tpu.memory_space<hbm>> -> memref<1x1x2x128xi32, #tpu.memory_space<hbm>>
        %dma_wait3A_1021 = tpu.memref_squeeze %dma_wait3A_1020 : memref<1x1x2x128xi32, #tpu.memory_space<hbm>> -> memref<2x128xi32, #tpu.memory_space<hbm>>
        %dma_wait3A_1022 = arith.constant 0 : i32
        %dma_wait3A_1023 = arith.constant 0 : i32
        %dma_wait3A_1024 = tpu.memref_slice %arg7[%dma_wait3A_1013, %dma_wait3A_1022, %dma_wait3A_1023] : memref<8x2x128xi32, #tpu.memory_space<vmem>> -> memref<1x2x128xi32, #tpu.memory_space<vmem>>
        %dma_wait3A_1025 = tpu.memref_squeeze %dma_wait3A_1024 : memref<1x2x128xi32, #tpu.memory_space<vmem>> -> memref<2x128xi32, #tpu.memory_space<vmem>>
        %dma_wait3A_1026 = arith.constant 0 : i32
        %dma_wait3A_1027 = arith.constant 0 : i32
        %dma_wait3A_1028 = tpu.memref_slice %arg2[%add3A, %add3A_1012, %dma_wait3A_1026, %dma_wait3A_1027] : memref<32x80x2x128xi32, #tpu.memory_space<hbm>> -> memref<1x1x2x128xi32, #tpu.memory_space<hbm>>
        %dma_wait3A_1029 = tpu.memref_squeeze %dma_wait3A_1028 : memref<1x1x2x128xi32, #tpu.memory_space<hbm>> -> memref<2x128xi32, #tpu.memory_space<hbm>>
        tpu.wait_dma2 semaphore(%arg19 : memref<!tpu.dma_semaphore, #tpu.memory_space<semaphore_mem>>) src(%dma_wait3A_1029 : memref<2x128xi32, #tpu.memory_space<hbm>>) dst(%dma_wait3A_1025 : memref<2x128xi32, #tpu.memory_space<vmem>>)
      } else {
      }
      %ge3A_648 = arith.constant 1 : i32
      %ge3A_649 = arith.cmpi sge, %add3A_633, %ge3A_648 : i32
      %add3A_650 = arith.constant 1 : i32
      %add3A_651 = arith.addi %add3A_633, %add3A_650 : i32
      %lt3A_652 = arith.constant 80 : i32
      %lt3A_653 = arith.cmpi slt, %add3A_651, %lt3A_652 : i32
      %and3A_654 = arith.andi %ge3A_649, %lt3A_653 : i1
      %convert_element_type3A_655 = arith.extui %and3A_654 : i1 to i32
      %cond3A_656 = arith.constant 0 : i32
      %cond3A_657 = arith.cmpi ne, %convert_element_type3A_655, %cond3A_656 : i32
      scf.if %cond3A_657 {
        %dma_wait3A_1011 = arith.constant 1 : i32
        %dma_wait3A_1012 = arith.constant 5 : i32
        %dma_wait3A_1013 = arith.constant 1 : i32
        %dma_wait3A_1014 = arith.constant 0 : i32
        %dma_wait3A_1015 = arith.constant 0 : i32
        %dma_wait3A_1016 = tpu.memref_slice %arg8[%dma_wait3A_1011, %dma_wait3A_1014, %dma_wait3A_1015] : memref<2x128x128xf32, #tpu.memory_space<vmem>> -> memref<1x128x128xf32, #tpu.memory_space<vmem>>
        %dma_wait3A_1017 = tpu.memref_squeeze %dma_wait3A_1016 : memref<1x128x128xf32, #tpu.memory_space<vmem>> -> memref<128x128xf32, #tpu.memory_space<vmem>>
        %dma_wait3A_1018 = arith.constant 0 : i32
        %dma_wait3A_1019 = tpu.memref_slice %arg7[%dma_wait3A_1012, %dma_wait3A_1013, %dma_wait3A_1018] : memref<8x2x128xi32, #tpu.memory_space<vmem>> -> memref<1x1x128xi32, #tpu.memory_space<vmem>>
        %dma_wait3A_1020 = tpu.memref_squeeze %dma_wait3A_1019 : memref<1x1x128xi32, #tpu.memory_space<vmem>> -> memref<128xi32, #tpu.memory_space<vmem>>
        %dma_wait3A_1021 = arith.constant 0 : i32
        %dma_wait3A_1022 = arith.constant 0 : i32
        %dma_wait3A_1023 = tpu.memref_slice %arg11[%dma_wait3A_1021, %dma_wait3A_1022] : memref<10240x128xf32, #tpu.memory_space<vmem_shared>> -> memref<10240x128xf32, #tpu.memory_space<vmem_shared>>
        tpu.wait_indirect_dma semaphore(%arg24 : memref<!tpu.dma_semaphore, #tpu.memory_space<semaphore_mem>>) src(%dma_wait3A_1017 : memref<128x128xf32, #tpu.memory_space<vmem>>) dst(%dma_wait3A_1023 : memref<10240x128xf32, #tpu.memory_space<vmem_shared>>)
      } else {
      }
      %add3A_658 = arith.constant 1 : i32
      %add3A_659 = arith.addi %add3A_633, %add3A_658 : i32
      %lt3A_660 = arith.constant 80 : i32
      %lt3A_661 = arith.cmpi slt, %add3A_659, %lt3A_660 : i32
      %convert_element_type3A_662 = arith.extui %lt3A_661 : i1 to i32
      %cond3A_663 = arith.constant 0 : i32
      %cond3A_664 = arith.cmpi ne, %convert_element_type3A_662, %cond3A_663 : i32
      scf.if %cond3A_664 {
        %dma_start3A_1011 = arith.constant 5 : i32
        %dma_start3A_1012 = arith.constant 0 : i32
        %dma_start3A_1013 = arith.constant 1 : i32
        %dma_start3A_1014 = arith.constant 0 : i32
        %dma_start3A_1015 = arith.constant 0 : i32
        %dma_start3A_1016 = tpu.memref_slice %arg8[%dma_start3A_1013, %dma_start3A_1014, %dma_start3A_1015] : memref<2x128x128xf32, #tpu.memory_space<vmem>> -> memref<1x128x128xf32, #tpu.memory_space<vmem>>
        %dma_start3A_1017 = tpu.memref_squeeze %dma_start3A_1016 : memref<1x128x128xf32, #tpu.memory_space<vmem>> -> memref<128x128xf32, #tpu.memory_space<vmem>>
        %dma_start3A_1018 = arith.constant 0 : i32
        %dma_start3A_1019 = tpu.memref_slice %arg7[%dma_start3A_1011, %dma_start3A_1012, %dma_start3A_1018] : memref<8x2x128xi32, #tpu.memory_space<vmem>> -> memref<1x1x128xi32, #tpu.memory_space<vmem>>
        %dma_start3A_1020 = tpu.memref_squeeze %dma_start3A_1019 : memref<1x1x128xi32, #tpu.memory_space<vmem>> -> memref<128xi32, #tpu.memory_space<vmem>>
        %dma_start3A_1021 = arith.constant 0 : i32
        %dma_start3A_1022 = arith.constant 0 : i32
        %dma_start3A_1023 = tpu.memref_slice %arg3[%dma_start3A_1021, %dma_start3A_1022] : memref<10240x128xf32, #tpu.memory_space<hbm>> -> memref<10240x128xf32, #tpu.memory_space<hbm>>
        tpu.enqueue_indirect_dma source(%dma_start3A_1023 : memref<10240x128xf32, #tpu.memory_space<hbm>>) target(%dma_start3A_1017 : memref<128x128xf32, #tpu.memory_space<vmem>>) offsets(%dma_start3A_1020 : memref<128xi32, #tpu.memory_space<vmem>>) semaphore(%arg22 : memref<!tpu.dma_semaphore, #tpu.memory_space<semaphore_mem>>)
      } else {
      }
      %dma_wait3A_665 = arith.constant 4 : i32
      %dma_wait3A_666 = arith.constant 0 : i32
      %dma_wait3A_667 = arith.constant 0 : i32
      %dma_wait3A_668 = arith.constant 0 : i32
      %dma_wait3A_669 = arith.constant 0 : i32
      %dma_wait3A_670 = tpu.memref_slice %arg8[%dma_wait3A_667, %dma_wait3A_668, %dma_wait3A_669] : memref<2x128x128xf32, #tpu.memory_space<vmem>> -> memref<1x128x128xf32, #tpu.memory_space<vmem>>
      %dma_wait3A_671 = tpu.memref_squeeze %dma_wait3A_670 : memref<1x128x128xf32, #tpu.memory_space<vmem>> -> memref<128x128xf32, #tpu.memory_space<vmem>>
      %dma_wait3A_672 = arith.constant 0 : i32
      %dma_wait3A_673 = tpu.memref_slice %arg7[%dma_wait3A_665, %dma_wait3A_666, %dma_wait3A_672] : memref<8x2x128xi32, #tpu.memory_space<vmem>> -> memref<1x1x128xi32, #tpu.memory_space<vmem>>
      %dma_wait3A_674 = tpu.memref_squeeze %dma_wait3A_673 : memref<1x1x128xi32, #tpu.memory_space<vmem>> -> memref<128xi32, #tpu.memory_space<vmem>>
      %dma_wait3A_675 = arith.constant 0 : i32
      %dma_wait3A_676 = arith.constant 0 : i32
      %dma_wait3A_677 = tpu.memref_slice %arg3[%dma_wait3A_675, %dma_wait3A_676] : memref<10240x128xf32, #tpu.memory_space<hbm>> -> memref<10240x128xf32, #tpu.memory_space<hbm>>
      tpu.wait_indirect_dma semaphore(%arg21 : memref<!tpu.dma_semaphore, #tpu.memory_space<semaphore_mem>>) src(%dma_wait3A_677 : memref<10240x128xf32, #tpu.memory_space<hbm>>) dst(%dma_wait3A_671 : memref<128x128xf32, #tpu.memory_space<vmem>>)
      %dma_start3A_678 = arith.constant 0 : i32
      %dma_start3A_679 = arith.constant 4 : i32
      %dma_start3A_680 = arith.constant 1 : i32
      %dma_start3A_681 = arith.constant 0 : i32
      %dma_start3A_682 = arith.constant 0 : i32
      %dma_start3A_683 = tpu.memref_slice %arg8[%dma_start3A_678, %dma_start3A_681, %dma_start3A_682] : memref<2x128x128xf32, #tpu.memory_space<vmem>> -> memref<1x128x128xf32, #tpu.memory_space<vmem>>
      %dma_start3A_684 = tpu.memref_squeeze %dma_start3A_683 : memref<1x128x128xf32, #tpu.memory_space<vmem>> -> memref<128x128xf32, #tpu.memory_space<vmem>>
      %dma_start3A_685 = arith.constant 0 : i32
      %dma_start3A_686 = tpu.memref_slice %arg7[%dma_start3A_679, %dma_start3A_680, %dma_start3A_685] : memref<8x2x128xi32, #tpu.memory_space<vmem>> -> memref<1x1x128xi32, #tpu.memory_space<vmem>>
      %dma_start3A_687 = tpu.memref_squeeze %dma_start3A_686 : memref<1x1x128xi32, #tpu.memory_space<vmem>> -> memref<128xi32, #tpu.memory_space<vmem>>
      %dma_start3A_688 = arith.constant 0 : i32
      %dma_start3A_689 = arith.constant 0 : i32
      %dma_start3A_690 = tpu.memref_slice %arg11[%dma_start3A_688, %dma_start3A_689] : memref<10240x128xf32, #tpu.memory_space<vmem_shared>> -> memref<10240x128xf32, #tpu.memory_space<vmem_shared>>
      tpu.enqueue_indirect_dma source(%dma_start3A_684 : memref<128x128xf32, #tpu.memory_space<vmem>>) target(%dma_start3A_690 : memref<10240x128xf32, #tpu.memory_space<vmem_shared>>) offsets(%dma_start3A_687 : memref<128xi32, #tpu.memory_space<vmem>>) semaphore(%arg23 : memref<!tpu.dma_semaphore, #tpu.memory_space<semaphore_mem>>) {add = true}
      %dma_wait3A_691 = arith.constant 4 : i32
      %dma_wait3A_692 = arith.constant 1 : i32
      %dma_wait3A_693 = arith.constant 0 : i32
      %dma_wait3A_694 = arith.constant 0 : i32
      %dma_wait3A_695 = tpu.memref_slice %arg9[%dma_wait3A_693, %dma_wait3A_694] : memref<4x128xf32, #tpu.memory_space<vmem>> -> memref<1x128xf32, #tpu.memory_space<vmem>>
      %dma_wait3A_696 = tpu.memref_squeeze %dma_wait3A_695 : memref<1x128xf32, #tpu.memory_space<vmem>> -> memref<128xf32, #tpu.memory_space<vmem>>
      %dma_wait3A_697 = arith.constant 0 : i32
      %dma_wait3A_698 = tpu.memref_slice %arg7[%dma_wait3A_691, %dma_wait3A_692, %dma_wait3A_697] : memref<8x2x128xi32, #tpu.memory_space<vmem>> -> memref<1x1x128xi32, #tpu.memory_space<vmem>>
      %dma_wait3A_699 = tpu.memref_squeeze %dma_wait3A_698 : memref<1x1x128xi32, #tpu.memory_space<vmem>> -> memref<128xi32, #tpu.memory_space<vmem>>
      %dma_wait3A_700 = arith.constant 0 : i32
      %dma_wait3A_701 = tpu.memref_slice %arg4[%dma_wait3A_700] : memref<10240xf32, #tpu.memory_space<hbm>> -> memref<10240xf32, #tpu.memory_space<hbm>>
      tpu.wait_indirect_dma semaphore(%arg25 : memref<!tpu.dma_semaphore, #tpu.memory_space<semaphore_mem>>) src(%dma_wait3A_701 : memref<10240xf32, #tpu.memory_space<hbm>>) dst(%dma_wait3A_696 : memref<128xf32, #tpu.memory_space<vmem>>)
      %dma_start3A_702 = arith.constant 0 : i32
      %dma_start3A_703 = arith.constant 4 : i32
      %dma_start3A_704 = arith.constant 0 : i32
      %dma_start3A_705 = arith.constant 0 : i32
      %dma_start3A_706 = tpu.memref_slice %arg9[%dma_start3A_702, %dma_start3A_705] : memref<4x128xf32, #tpu.memory_space<vmem>> -> memref<1x128xf32, #tpu.memory_space<vmem>>
      %dma_start3A_707 = tpu.memref_squeeze %dma_start3A_706 : memref<1x128xf32, #tpu.memory_space<vmem>> -> memref<128xf32, #tpu.memory_space<vmem>>
      %dma_start3A_708 = arith.constant 0 : i32
      %dma_start3A_709 = tpu.memref_slice %arg7[%dma_start3A_703, %dma_start3A_704, %dma_start3A_708] : memref<8x2x128xi32, #tpu.memory_space<vmem>> -> memref<1x1x128xi32, #tpu.memory_space<vmem>>
      %dma_start3A_710 = tpu.memref_squeeze %dma_start3A_709 : memref<1x1x128xi32, #tpu.memory_space<vmem>> -> memref<128xi32, #tpu.memory_space<vmem>>
      %dma_start3A_711 = arith.constant 0 : i32
      %dma_start3A_712 = tpu.memref_slice %arg12[%dma_start3A_711] : memref<10240xf32, #tpu.memory_space<vmem_shared>> -> memref<10240xf32, #tpu.memory_space<vmem_shared>>
      tpu.enqueue_indirect_dma source(%dma_start3A_707 : memref<128xf32, #tpu.memory_space<vmem>>) target(%dma_start3A_712 : memref<10240xf32, #tpu.memory_space<vmem_shared>>) offsets(%dma_start3A_710 : memref<128xi32, #tpu.memory_space<vmem>>) semaphore(%arg29 : memref<!tpu.dma_semaphore, #tpu.memory_space<semaphore_mem>>) {add = true}
      %ge3A_713 = arith.constant 2 : i32
      %ge3A_714 = arith.cmpi sge, %add3A_633, %ge3A_713 : i32
      %convert_element_type3A_715 = arith.extui %ge3A_714 : i1 to i32
      %cond3A_716 = arith.constant 0 : i32
      %cond3A_717 = arith.cmpi ne, %convert_element_type3A_715, %cond3A_716 : i32
      scf.if %cond3A_717 {
        %dma_wait3A_1011 = arith.constant 2 : i32
        %dma_wait3A_1012 = arith.constant 4 : i32
        %dma_wait3A_1013 = arith.constant 0 : i32
        %dma_wait3A_1014 = arith.constant 0 : i32
        %dma_wait3A_1015 = tpu.memref_slice %arg9[%dma_wait3A_1011, %dma_wait3A_1014] : memref<4x128xf32, #tpu.memory_space<vmem>> -> memref<1x128xf32, #tpu.memory_space<vmem>>
        %dma_wait3A_1016 = tpu.memref_squeeze %dma_wait3A_1015 : memref<1x128xf32, #tpu.memory_space<vmem>> -> memref<128xf32, #tpu.memory_space<vmem>>
        %dma_wait3A_1017 = arith.constant 0 : i32
        %dma_wait3A_1018 = tpu.memref_slice %arg7[%dma_wait3A_1012, %dma_wait3A_1013, %dma_wait3A_1017] : memref<8x2x128xi32, #tpu.memory_space<vmem>> -> memref<1x1x128xi32, #tpu.memory_space<vmem>>
        %dma_wait3A_1019 = tpu.memref_squeeze %dma_wait3A_1018 : memref<1x1x128xi32, #tpu.memory_space<vmem>> -> memref<128xi32, #tpu.memory_space<vmem>>
        %dma_wait3A_1020 = arith.constant 0 : i32
        %dma_wait3A_1021 = tpu.memref_slice %arg12[%dma_wait3A_1020] : memref<10240xf32, #tpu.memory_space<vmem_shared>> -> memref<10240xf32, #tpu.memory_space<vmem_shared>>
        tpu.wait_indirect_dma semaphore(%arg31 : memref<!tpu.dma_semaphore, #tpu.memory_space<semaphore_mem>>) src(%dma_wait3A_1016 : memref<128xf32, #tpu.memory_space<vmem>>) dst(%dma_wait3A_1021 : memref<10240xf32, #tpu.memory_space<vmem_shared>>)
      } else {
      }
      %add3A_718 = arith.constant 2 : i32
      %add3A_719 = arith.addi %add3A_633, %add3A_718 : i32
      %lt3A_720 = arith.constant 80 : i32
      %lt3A_721 = arith.cmpi slt, %add3A_719, %lt3A_720 : i32
      %convert_element_type3A_722 = arith.extui %lt3A_721 : i1 to i32
      %cond3A_723 = arith.constant 0 : i32
      %cond3A_724 = arith.cmpi ne, %convert_element_type3A_722, %cond3A_723 : i32
      scf.if %cond3A_724 {
        %dma_start3A_1011 = arith.constant 6 : i32
        %dma_start3A_1012 = arith.constant 1 : i32
        %dma_start3A_1013 = arith.constant 2 : i32
        %dma_start3A_1014 = arith.constant 0 : i32
        %dma_start3A_1015 = tpu.memref_slice %arg9[%dma_start3A_1013, %dma_start3A_1014] : memref<4x128xf32, #tpu.memory_space<vmem>> -> memref<1x128xf32, #tpu.memory_space<vmem>>
        %dma_start3A_1016 = tpu.memref_squeeze %dma_start3A_1015 : memref<1x128xf32, #tpu.memory_space<vmem>> -> memref<128xf32, #tpu.memory_space<vmem>>
        %dma_start3A_1017 = arith.constant 0 : i32
        %dma_start3A_1018 = tpu.memref_slice %arg7[%dma_start3A_1011, %dma_start3A_1012, %dma_start3A_1017] : memref<8x2x128xi32, #tpu.memory_space<vmem>> -> memref<1x1x128xi32, #tpu.memory_space<vmem>>
        %dma_start3A_1019 = tpu.memref_squeeze %dma_start3A_1018 : memref<1x1x128xi32, #tpu.memory_space<vmem>> -> memref<128xi32, #tpu.memory_space<vmem>>
        %dma_start3A_1020 = arith.constant 0 : i32
        %dma_start3A_1021 = tpu.memref_slice %arg4[%dma_start3A_1020] : memref<10240xf32, #tpu.memory_space<hbm>> -> memref<10240xf32, #tpu.memory_space<hbm>>
        tpu.enqueue_indirect_dma source(%dma_start3A_1021 : memref<10240xf32, #tpu.memory_space<hbm>>) target(%dma_start3A_1016 : memref<128xf32, #tpu.memory_space<vmem>>) offsets(%dma_start3A_1019 : memref<128xi32, #tpu.memory_space<vmem>>) semaphore(%arg27 : memref<!tpu.dma_semaphore, #tpu.memory_space<semaphore_mem>>)
      } else {
      }
      %mul3A_725 = arith.constant 8 : i32
      %mul3A_726 = arith.muli %scan3A_253, %mul3A_725 : i32
      %add3A_727 = arith.constant 5 : i32
      %add3A_728 = arith.addi %mul3A_726, %add3A_727 : i32
      %add3A_729 = arith.constant 4 : i32
      %add3A_730 = arith.addi %add3A_728, %add3A_729 : i32
      %lt3A_731 = arith.constant 80 : i32
      %lt3A_732 = arith.cmpi slt, %add3A_730, %lt3A_731 : i32
      %convert_element_type3A_733 = arith.extui %lt3A_732 : i1 to i32
      %cond3A_734 = arith.constant 0 : i32
      %cond3A_735 = arith.cmpi ne, %convert_element_type3A_733, %cond3A_734 : i32
      scf.if %cond3A_735 {
        %add3A_1011 = arith.constant 4 : i32
        %add3A_1012 = arith.addi %add3A_728, %add3A_1011 : i32
        %dma_start3A_1013 = arith.constant 1 : i32
        %dma_start3A_1014 = arith.constant 0 : i32
        %dma_start3A_1015 = arith.constant 0 : i32
        %dma_start3A_1016 = tpu.memref_slice %arg7[%dma_start3A_1013, %dma_start3A_1014, %dma_start3A_1015] : memref<8x2x128xi32, #tpu.memory_space<vmem>> -> memref<1x2x128xi32, #tpu.memory_space<vmem>>
        %dma_start3A_1017 = tpu.memref_squeeze %dma_start3A_1016 : memref<1x2x128xi32, #tpu.memory_space<vmem>> -> memref<2x128xi32, #tpu.memory_space<vmem>>
        %dma_start3A_1018 = arith.constant 0 : i32
        %dma_start3A_1019 = arith.constant 0 : i32
        %dma_start3A_1020 = tpu.memref_slice %arg2[%add3A, %add3A_1012, %dma_start3A_1018, %dma_start3A_1019] : memref<32x80x2x128xi32, #tpu.memory_space<hbm>> -> memref<1x1x2x128xi32, #tpu.memory_space<hbm>>
        %dma_start3A_1021 = tpu.memref_squeeze %dma_start3A_1020 : memref<1x1x2x128xi32, #tpu.memory_space<hbm>> -> memref<2x128xi32, #tpu.memory_space<hbm>>
        %dma_start3A_1022 = arith.constant 0 : i32
        %dma_start3A_1023 = arith.constant 0 : i32
        %dma_start3A_1024 = tpu.memref_slice %arg7[%dma_start3A_1013, %dma_start3A_1022, %dma_start3A_1023] : memref<8x2x128xi32, #tpu.memory_space<vmem>> -> memref<1x2x128xi32, #tpu.memory_space<vmem>>
        %dma_start3A_1025 = tpu.memref_squeeze %dma_start3A_1024 : memref<1x2x128xi32, #tpu.memory_space<vmem>> -> memref<2x128xi32, #tpu.memory_space<vmem>>
        %dma_start3A_1026 = arith.constant 0 : i32
        %dma_start3A_1027 = arith.constant 0 : i32
        %dma_start3A_1028 = tpu.memref_slice %arg2[%add3A, %add3A_1012, %dma_start3A_1026, %dma_start3A_1027] : memref<32x80x2x128xi32, #tpu.memory_space<hbm>> -> memref<1x1x2x128xi32, #tpu.memory_space<hbm>>
        %dma_start3A_1029 = tpu.memref_squeeze %dma_start3A_1028 : memref<1x1x2x128xi32, #tpu.memory_space<hbm>> -> memref<2x128xi32, #tpu.memory_space<hbm>>
        tpu.enqueue_dma source(%dma_start3A_1029 : memref<2x128xi32, #tpu.memory_space<hbm>>) target(%dma_start3A_1025 : memref<2x128xi32, #tpu.memory_space<vmem>>) target_semaphore(%arg14 : memref<!tpu.dma_semaphore, #tpu.memory_space<semaphore_mem>>)
      } else {
      }
      %add3A_736 = arith.constant 2 : i32
      %add3A_737 = arith.addi %add3A_728, %add3A_736 : i32
      %lt3A_738 = arith.constant 80 : i32
      %lt3A_739 = arith.cmpi slt, %add3A_737, %lt3A_738 : i32
      %convert_element_type3A_740 = arith.extui %lt3A_739 : i1 to i32
      %cond3A_741 = arith.constant 0 : i32
      %cond3A_742 = arith.cmpi ne, %convert_element_type3A_740, %cond3A_741 : i32
      scf.if %cond3A_742 {
        %add3A_1011 = arith.constant 2 : i32
        %add3A_1012 = arith.addi %add3A_728, %add3A_1011 : i32
        %dma_wait3A_1013 = arith.constant 7 : i32
        %dma_wait3A_1014 = arith.constant 0 : i32
        %dma_wait3A_1015 = arith.constant 0 : i32
        %dma_wait3A_1016 = tpu.memref_slice %arg7[%dma_wait3A_1013, %dma_wait3A_1014, %dma_wait3A_1015] : memref<8x2x128xi32, #tpu.memory_space<vmem>> -> memref<1x2x128xi32, #tpu.memory_space<vmem>>
        %dma_wait3A_1017 = tpu.memref_squeeze %dma_wait3A_1016 : memref<1x2x128xi32, #tpu.memory_space<vmem>> -> memref<2x128xi32, #tpu.memory_space<vmem>>
        %dma_wait3A_1018 = arith.constant 0 : i32
        %dma_wait3A_1019 = arith.constant 0 : i32
        %dma_wait3A_1020 = tpu.memref_slice %arg2[%add3A, %add3A_1012, %dma_wait3A_1018, %dma_wait3A_1019] : memref<32x80x2x128xi32, #tpu.memory_space<hbm>> -> memref<1x1x2x128xi32, #tpu.memory_space<hbm>>
        %dma_wait3A_1021 = tpu.memref_squeeze %dma_wait3A_1020 : memref<1x1x2x128xi32, #tpu.memory_space<hbm>> -> memref<2x128xi32, #tpu.memory_space<hbm>>
        %dma_wait3A_1022 = arith.constant 0 : i32
        %dma_wait3A_1023 = arith.constant 0 : i32
        %dma_wait3A_1024 = tpu.memref_slice %arg7[%dma_wait3A_1013, %dma_wait3A_1022, %dma_wait3A_1023] : memref<8x2x128xi32, #tpu.memory_space<vmem>> -> memref<1x2x128xi32, #tpu.memory_space<vmem>>
        %dma_wait3A_1025 = tpu.memref_squeeze %dma_wait3A_1024 : memref<1x2x128xi32, #tpu.memory_space<vmem>> -> memref<2x128xi32, #tpu.memory_space<vmem>>
        %dma_wait3A_1026 = arith.constant 0 : i32
        %dma_wait3A_1027 = arith.constant 0 : i32
        %dma_wait3A_1028 = tpu.memref_slice %arg2[%add3A, %add3A_1012, %dma_wait3A_1026, %dma_wait3A_1027] : memref<32x80x2x128xi32, #tpu.memory_space<hbm>> -> memref<1x1x2x128xi32, #tpu.memory_space<hbm>>
        %dma_wait3A_1029 = tpu.memref_squeeze %dma_wait3A_1028 : memref<1x1x2x128xi32, #tpu.memory_space<hbm>> -> memref<2x128xi32, #tpu.memory_space<hbm>>
        tpu.wait_dma2 semaphore(%arg20 : memref<!tpu.dma_semaphore, #tpu.memory_space<semaphore_mem>>) src(%dma_wait3A_1029 : memref<2x128xi32, #tpu.memory_space<hbm>>) dst(%dma_wait3A_1025 : memref<2x128xi32, #tpu.memory_space<vmem>>)
      } else {
      }
      %ge3A_743 = arith.constant 1 : i32
      %ge3A_744 = arith.cmpi sge, %add3A_728, %ge3A_743 : i32
      %add3A_745 = arith.constant 1 : i32
      %add3A_746 = arith.addi %add3A_728, %add3A_745 : i32
      %lt3A_747 = arith.constant 80 : i32
      %lt3A_748 = arith.cmpi slt, %add3A_746, %lt3A_747 : i32
      %and3A_749 = arith.andi %ge3A_744, %lt3A_748 : i1
      %convert_element_type3A_750 = arith.extui %and3A_749 : i1 to i32
      %cond3A_751 = arith.constant 0 : i32
      %cond3A_752 = arith.cmpi ne, %convert_element_type3A_750, %cond3A_751 : i32
      scf.if %cond3A_752 {
        %dma_wait3A_1011 = arith.constant 0 : i32
        %dma_wait3A_1012 = arith.constant 6 : i32
        %dma_wait3A_1013 = arith.constant 1 : i32
        %dma_wait3A_1014 = arith.constant 0 : i32
        %dma_wait3A_1015 = arith.constant 0 : i32
        %dma_wait3A_1016 = tpu.memref_slice %arg8[%dma_wait3A_1011, %dma_wait3A_1014, %dma_wait3A_1015] : memref<2x128x128xf32, #tpu.memory_space<vmem>> -> memref<1x128x128xf32, #tpu.memory_space<vmem>>
        %dma_wait3A_1017 = tpu.memref_squeeze %dma_wait3A_1016 : memref<1x128x128xf32, #tpu.memory_space<vmem>> -> memref<128x128xf32, #tpu.memory_space<vmem>>
        %dma_wait3A_1018 = arith.constant 0 : i32
        %dma_wait3A_1019 = tpu.memref_slice %arg7[%dma_wait3A_1012, %dma_wait3A_1013, %dma_wait3A_1018] : memref<8x2x128xi32, #tpu.memory_space<vmem>> -> memref<1x1x128xi32, #tpu.memory_space<vmem>>
        %dma_wait3A_1020 = tpu.memref_squeeze %dma_wait3A_1019 : memref<1x1x128xi32, #tpu.memory_space<vmem>> -> memref<128xi32, #tpu.memory_space<vmem>>
        %dma_wait3A_1021 = arith.constant 0 : i32
        %dma_wait3A_1022 = arith.constant 0 : i32
        %dma_wait3A_1023 = tpu.memref_slice %arg11[%dma_wait3A_1021, %dma_wait3A_1022] : memref<10240x128xf32, #tpu.memory_space<vmem_shared>> -> memref<10240x128xf32, #tpu.memory_space<vmem_shared>>
        tpu.wait_indirect_dma semaphore(%arg23 : memref<!tpu.dma_semaphore, #tpu.memory_space<semaphore_mem>>) src(%dma_wait3A_1017 : memref<128x128xf32, #tpu.memory_space<vmem>>) dst(%dma_wait3A_1023 : memref<10240x128xf32, #tpu.memory_space<vmem_shared>>)
      } else {
      }
      %add3A_753 = arith.constant 1 : i32
      %add3A_754 = arith.addi %add3A_728, %add3A_753 : i32
      %lt3A_755 = arith.constant 80 : i32
      %lt3A_756 = arith.cmpi slt, %add3A_754, %lt3A_755 : i32
      %convert_element_type3A_757 = arith.extui %lt3A_756 : i1 to i32
      %cond3A_758 = arith.constant 0 : i32
      %cond3A_759 = arith.cmpi ne, %convert_element_type3A_757, %cond3A_758 : i32
      scf.if %cond3A_759 {
        %dma_start3A_1011 = arith.constant 6 : i32
        %dma_start3A_1012 = arith.constant 0 : i32
        %dma_start3A_1013 = arith.constant 0 : i32
        %dma_start3A_1014 = arith.constant 0 : i32
        %dma_start3A_1015 = arith.constant 0 : i32
        %dma_start3A_1016 = tpu.memref_slice %arg8[%dma_start3A_1013, %dma_start3A_1014, %dma_start3A_1015] : memref<2x128x128xf32, #tpu.memory_space<vmem>> -> memref<1x128x128xf32, #tpu.memory_space<vmem>>
        %dma_start3A_1017 = tpu.memref_squeeze %dma_start3A_1016 : memref<1x128x128xf32, #tpu.memory_space<vmem>> -> memref<128x128xf32, #tpu.memory_space<vmem>>
        %dma_start3A_1018 = arith.constant 0 : i32
        %dma_start3A_1019 = tpu.memref_slice %arg7[%dma_start3A_1011, %dma_start3A_1012, %dma_start3A_1018] : memref<8x2x128xi32, #tpu.memory_space<vmem>> -> memref<1x1x128xi32, #tpu.memory_space<vmem>>
        %dma_start3A_1020 = tpu.memref_squeeze %dma_start3A_1019 : memref<1x1x128xi32, #tpu.memory_space<vmem>> -> memref<128xi32, #tpu.memory_space<vmem>>
        %dma_start3A_1021 = arith.constant 0 : i32
        %dma_start3A_1022 = arith.constant 0 : i32
        %dma_start3A_1023 = tpu.memref_slice %arg3[%dma_start3A_1021, %dma_start3A_1022] : memref<10240x128xf32, #tpu.memory_space<hbm>> -> memref<10240x128xf32, #tpu.memory_space<hbm>>
        tpu.enqueue_indirect_dma source(%dma_start3A_1023 : memref<10240x128xf32, #tpu.memory_space<hbm>>) target(%dma_start3A_1017 : memref<128x128xf32, #tpu.memory_space<vmem>>) offsets(%dma_start3A_1020 : memref<128xi32, #tpu.memory_space<vmem>>) semaphore(%arg21 : memref<!tpu.dma_semaphore, #tpu.memory_space<semaphore_mem>>)
      } else {
      }
      %dma_wait3A_760 = arith.constant 5 : i32
      %dma_wait3A_761 = arith.constant 0 : i32
      %dma_wait3A_762 = arith.constant 1 : i32
      %dma_wait3A_763 = arith.constant 0 : i32
      %dma_wait3A_764 = arith.constant 0 : i32
      %dma_wait3A_765 = tpu.memref_slice %arg8[%dma_wait3A_762, %dma_wait3A_763, %dma_wait3A_764] : memref<2x128x128xf32, #tpu.memory_space<vmem>> -> memref<1x128x128xf32, #tpu.memory_space<vmem>>
      %dma_wait3A_766 = tpu.memref_squeeze %dma_wait3A_765 : memref<1x128x128xf32, #tpu.memory_space<vmem>> -> memref<128x128xf32, #tpu.memory_space<vmem>>
      %dma_wait3A_767 = arith.constant 0 : i32
      %dma_wait3A_768 = tpu.memref_slice %arg7[%dma_wait3A_760, %dma_wait3A_761, %dma_wait3A_767] : memref<8x2x128xi32, #tpu.memory_space<vmem>> -> memref<1x1x128xi32, #tpu.memory_space<vmem>>
      %dma_wait3A_769 = tpu.memref_squeeze %dma_wait3A_768 : memref<1x1x128xi32, #tpu.memory_space<vmem>> -> memref<128xi32, #tpu.memory_space<vmem>>
      %dma_wait3A_770 = arith.constant 0 : i32
      %dma_wait3A_771 = arith.constant 0 : i32
      %dma_wait3A_772 = tpu.memref_slice %arg3[%dma_wait3A_770, %dma_wait3A_771] : memref<10240x128xf32, #tpu.memory_space<hbm>> -> memref<10240x128xf32, #tpu.memory_space<hbm>>
      tpu.wait_indirect_dma semaphore(%arg22 : memref<!tpu.dma_semaphore, #tpu.memory_space<semaphore_mem>>) src(%dma_wait3A_772 : memref<10240x128xf32, #tpu.memory_space<hbm>>) dst(%dma_wait3A_766 : memref<128x128xf32, #tpu.memory_space<vmem>>)
      %dma_start3A_773 = arith.constant 1 : i32
      %dma_start3A_774 = arith.constant 5 : i32
      %dma_start3A_775 = arith.constant 1 : i32
      %dma_start3A_776 = arith.constant 0 : i32
      %dma_start3A_777 = arith.constant 0 : i32
      %dma_start3A_778 = tpu.memref_slice %arg8[%dma_start3A_773, %dma_start3A_776, %dma_start3A_777] : memref<2x128x128xf32, #tpu.memory_space<vmem>> -> memref<1x128x128xf32, #tpu.memory_space<vmem>>
      %dma_start3A_779 = tpu.memref_squeeze %dma_start3A_778 : memref<1x128x128xf32, #tpu.memory_space<vmem>> -> memref<128x128xf32, #tpu.memory_space<vmem>>
      %dma_start3A_780 = arith.constant 0 : i32
      %dma_start3A_781 = tpu.memref_slice %arg7[%dma_start3A_774, %dma_start3A_775, %dma_start3A_780] : memref<8x2x128xi32, #tpu.memory_space<vmem>> -> memref<1x1x128xi32, #tpu.memory_space<vmem>>
      %dma_start3A_782 = tpu.memref_squeeze %dma_start3A_781 : memref<1x1x128xi32, #tpu.memory_space<vmem>> -> memref<128xi32, #tpu.memory_space<vmem>>
      %dma_start3A_783 = arith.constant 0 : i32
      %dma_start3A_784 = arith.constant 0 : i32
      %dma_start3A_785 = tpu.memref_slice %arg11[%dma_start3A_783, %dma_start3A_784] : memref<10240x128xf32, #tpu.memory_space<vmem_shared>> -> memref<10240x128xf32, #tpu.memory_space<vmem_shared>>
      tpu.enqueue_indirect_dma source(%dma_start3A_779 : memref<128x128xf32, #tpu.memory_space<vmem>>) target(%dma_start3A_785 : memref<10240x128xf32, #tpu.memory_space<vmem_shared>>) offsets(%dma_start3A_782 : memref<128xi32, #tpu.memory_space<vmem>>) semaphore(%arg24 : memref<!tpu.dma_semaphore, #tpu.memory_space<semaphore_mem>>) {add = true}
      %dma_wait3A_786 = arith.constant 5 : i32
      %dma_wait3A_787 = arith.constant 1 : i32
      %dma_wait3A_788 = arith.constant 1 : i32
      %dma_wait3A_789 = arith.constant 0 : i32
      %dma_wait3A_790 = tpu.memref_slice %arg9[%dma_wait3A_788, %dma_wait3A_789] : memref<4x128xf32, #tpu.memory_space<vmem>> -> memref<1x128xf32, #tpu.memory_space<vmem>>
      %dma_wait3A_791 = tpu.memref_squeeze %dma_wait3A_790 : memref<1x128xf32, #tpu.memory_space<vmem>> -> memref<128xf32, #tpu.memory_space<vmem>>
      %dma_wait3A_792 = arith.constant 0 : i32
      %dma_wait3A_793 = tpu.memref_slice %arg7[%dma_wait3A_786, %dma_wait3A_787, %dma_wait3A_792] : memref<8x2x128xi32, #tpu.memory_space<vmem>> -> memref<1x1x128xi32, #tpu.memory_space<vmem>>
      %dma_wait3A_794 = tpu.memref_squeeze %dma_wait3A_793 : memref<1x1x128xi32, #tpu.memory_space<vmem>> -> memref<128xi32, #tpu.memory_space<vmem>>
      %dma_wait3A_795 = arith.constant 0 : i32
      %dma_wait3A_796 = tpu.memref_slice %arg4[%dma_wait3A_795] : memref<10240xf32, #tpu.memory_space<hbm>> -> memref<10240xf32, #tpu.memory_space<hbm>>
      tpu.wait_indirect_dma semaphore(%arg26 : memref<!tpu.dma_semaphore, #tpu.memory_space<semaphore_mem>>) src(%dma_wait3A_796 : memref<10240xf32, #tpu.memory_space<hbm>>) dst(%dma_wait3A_791 : memref<128xf32, #tpu.memory_space<vmem>>)
      %dma_start3A_797 = arith.constant 1 : i32
      %dma_start3A_798 = arith.constant 5 : i32
      %dma_start3A_799 = arith.constant 0 : i32
      %dma_start3A_800 = arith.constant 0 : i32
      %dma_start3A_801 = tpu.memref_slice %arg9[%dma_start3A_797, %dma_start3A_800] : memref<4x128xf32, #tpu.memory_space<vmem>> -> memref<1x128xf32, #tpu.memory_space<vmem>>
      %dma_start3A_802 = tpu.memref_squeeze %dma_start3A_801 : memref<1x128xf32, #tpu.memory_space<vmem>> -> memref<128xf32, #tpu.memory_space<vmem>>
      %dma_start3A_803 = arith.constant 0 : i32
      %dma_start3A_804 = tpu.memref_slice %arg7[%dma_start3A_798, %dma_start3A_799, %dma_start3A_803] : memref<8x2x128xi32, #tpu.memory_space<vmem>> -> memref<1x1x128xi32, #tpu.memory_space<vmem>>
      %dma_start3A_805 = tpu.memref_squeeze %dma_start3A_804 : memref<1x1x128xi32, #tpu.memory_space<vmem>> -> memref<128xi32, #tpu.memory_space<vmem>>
      %dma_start3A_806 = arith.constant 0 : i32
      %dma_start3A_807 = tpu.memref_slice %arg12[%dma_start3A_806] : memref<10240xf32, #tpu.memory_space<vmem_shared>> -> memref<10240xf32, #tpu.memory_space<vmem_shared>>
      tpu.enqueue_indirect_dma source(%dma_start3A_802 : memref<128xf32, #tpu.memory_space<vmem>>) target(%dma_start3A_807 : memref<10240xf32, #tpu.memory_space<vmem_shared>>) offsets(%dma_start3A_805 : memref<128xi32, #tpu.memory_space<vmem>>) semaphore(%arg30 : memref<!tpu.dma_semaphore, #tpu.memory_space<semaphore_mem>>) {add = true}
      %ge3A_808 = arith.constant 2 : i32
      %ge3A_809 = arith.cmpi sge, %add3A_728, %ge3A_808 : i32
      %convert_element_type3A_810 = arith.extui %ge3A_809 : i1 to i32
      %cond3A_811 = arith.constant 0 : i32
      %cond3A_812 = arith.cmpi ne, %convert_element_type3A_810, %cond3A_811 : i32
      scf.if %cond3A_812 {
        %dma_wait3A_1011 = arith.constant 3 : i32
        %dma_wait3A_1012 = arith.constant 5 : i32
        %dma_wait3A_1013 = arith.constant 0 : i32
        %dma_wait3A_1014 = arith.constant 0 : i32
        %dma_wait3A_1015 = tpu.memref_slice %arg9[%dma_wait3A_1011, %dma_wait3A_1014] : memref<4x128xf32, #tpu.memory_space<vmem>> -> memref<1x128xf32, #tpu.memory_space<vmem>>
        %dma_wait3A_1016 = tpu.memref_squeeze %dma_wait3A_1015 : memref<1x128xf32, #tpu.memory_space<vmem>> -> memref<128xf32, #tpu.memory_space<vmem>>
        %dma_wait3A_1017 = arith.constant 0 : i32
        %dma_wait3A_1018 = tpu.memref_slice %arg7[%dma_wait3A_1012, %dma_wait3A_1013, %dma_wait3A_1017] : memref<8x2x128xi32, #tpu.memory_space<vmem>> -> memref<1x1x128xi32, #tpu.memory_space<vmem>>
        %dma_wait3A_1019 = tpu.memref_squeeze %dma_wait3A_1018 : memref<1x1x128xi32, #tpu.memory_space<vmem>> -> memref<128xi32, #tpu.memory_space<vmem>>
        %dma_wait3A_1020 = arith.constant 0 : i32
        %dma_wait3A_1021 = tpu.memref_slice %arg12[%dma_wait3A_1020] : memref<10240xf32, #tpu.memory_space<vmem_shared>> -> memref<10240xf32, #tpu.memory_space<vmem_shared>>
        tpu.wait_indirect_dma semaphore(%arg32 : memref<!tpu.dma_semaphore, #tpu.memory_space<semaphore_mem>>) src(%dma_wait3A_1016 : memref<128xf32, #tpu.memory_space<vmem>>) dst(%dma_wait3A_1021 : memref<10240xf32, #tpu.memory_space<vmem_shared>>)
      } else {
      }
      %add3A_813 = arith.constant 2 : i32
      %add3A_814 = arith.addi %add3A_728, %add3A_813 : i32
      %lt3A_815 = arith.constant 80 : i32
      %lt3A_816 = arith.cmpi slt, %add3A_814, %lt3A_815 : i32
      %convert_element_type3A_817 = arith.extui %lt3A_816 : i1 to i32
      %cond3A_818 = arith.constant 0 : i32
      %cond3A_819 = arith.cmpi ne, %convert_element_type3A_817, %cond3A_818 : i32
      scf.if %cond3A_819 {
        %dma_start3A_1011 = arith.constant 7 : i32
        %dma_start3A_1012 = arith.constant 1 : i32
        %dma_start3A_1013 = arith.constant 3 : i32
        %dma_start3A_1014 = arith.constant 0 : i32
        %dma_start3A_1015 = tpu.memref_slice %arg9[%dma_start3A_1013, %dma_start3A_1014] : memref<4x128xf32, #tpu.memory_space<vmem>> -> memref<1x128xf32, #tpu.memory_space<vmem>>
        %dma_start3A_1016 = tpu.memref_squeeze %dma_start3A_1015 : memref<1x128xf32, #tpu.memory_space<vmem>> -> memref<128xf32, #tpu.memory_space<vmem>>
        %dma_start3A_1017 = arith.constant 0 : i32
        %dma_start3A_1018 = tpu.memref_slice %arg7[%dma_start3A_1011, %dma_start3A_1012, %dma_start3A_1017] : memref<8x2x128xi32, #tpu.memory_space<vmem>> -> memref<1x1x128xi32, #tpu.memory_space<vmem>>
        %dma_start3A_1019 = tpu.memref_squeeze %dma_start3A_1018 : memref<1x1x128xi32, #tpu.memory_space<vmem>> -> memref<128xi32, #tpu.memory_space<vmem>>
        %dma_start3A_1020 = arith.constant 0 : i32
        %dma_start3A_1021 = tpu.memref_slice %arg4[%dma_start3A_1020] : memref<10240xf32, #tpu.memory_space<hbm>> -> memref<10240xf32, #tpu.memory_space<hbm>>
        tpu.enqueue_indirect_dma source(%dma_start3A_1021 : memref<10240xf32, #tpu.memory_space<hbm>>) target(%dma_start3A_1016 : memref<128xf32, #tpu.memory_space<vmem>>) offsets(%dma_start3A_1019 : memref<128xi32, #tpu.memory_space<vmem>>) semaphore(%arg28 : memref<!tpu.dma_semaphore, #tpu.memory_space<semaphore_mem>>)
      } else {
      }
      %mul3A_820 = arith.constant 8 : i32
      %mul3A_821 = arith.muli %scan3A_253, %mul3A_820 : i32
      %add3A_822 = arith.constant 6 : i32
      %add3A_823 = arith.addi %mul3A_821, %add3A_822 : i32
      %add3A_824 = arith.constant 4 : i32
      %add3A_825 = arith.addi %add3A_823, %add3A_824 : i32
      %lt3A_826 = arith.constant 80 : i32
      %lt3A_827 = arith.cmpi slt, %add3A_825, %lt3A_826 : i32
      %convert_element_type3A_828 = arith.extui %lt3A_827 : i1 to i32
      %cond3A_829 = arith.constant 0 : i32
      %cond3A_830 = arith.cmpi ne, %convert_element_type3A_828, %cond3A_829 : i32
      scf.if %cond3A_830 {
        %add3A_1011 = arith.constant 4 : i32
        %add3A_1012 = arith.addi %add3A_823, %add3A_1011 : i32
        %dma_start3A_1013 = arith.constant 2 : i32
        %dma_start3A_1014 = arith.constant 0 : i32
        %dma_start3A_1015 = arith.constant 0 : i32
        %dma_start3A_1016 = tpu.memref_slice %arg7[%dma_start3A_1013, %dma_start3A_1014, %dma_start3A_1015] : memref<8x2x128xi32, #tpu.memory_space<vmem>> -> memref<1x2x128xi32, #tpu.memory_space<vmem>>
        %dma_start3A_1017 = tpu.memref_squeeze %dma_start3A_1016 : memref<1x2x128xi32, #tpu.memory_space<vmem>> -> memref<2x128xi32, #tpu.memory_space<vmem>>
        %dma_start3A_1018 = arith.constant 0 : i32
        %dma_start3A_1019 = arith.constant 0 : i32
        %dma_start3A_1020 = tpu.memref_slice %arg2[%add3A, %add3A_1012, %dma_start3A_1018, %dma_start3A_1019] : memref<32x80x2x128xi32, #tpu.memory_space<hbm>> -> memref<1x1x2x128xi32, #tpu.memory_space<hbm>>
        %dma_start3A_1021 = tpu.memref_squeeze %dma_start3A_1020 : memref<1x1x2x128xi32, #tpu.memory_space<hbm>> -> memref<2x128xi32, #tpu.memory_space<hbm>>
        %dma_start3A_1022 = arith.constant 0 : i32
        %dma_start3A_1023 = arith.constant 0 : i32
        %dma_start3A_1024 = tpu.memref_slice %arg7[%dma_start3A_1013, %dma_start3A_1022, %dma_start3A_1023] : memref<8x2x128xi32, #tpu.memory_space<vmem>> -> memref<1x2x128xi32, #tpu.memory_space<vmem>>
        %dma_start3A_1025 = tpu.memref_squeeze %dma_start3A_1024 : memref<1x2x128xi32, #tpu.memory_space<vmem>> -> memref<2x128xi32, #tpu.memory_space<vmem>>
        %dma_start3A_1026 = arith.constant 0 : i32
        %dma_start3A_1027 = arith.constant 0 : i32
        %dma_start3A_1028 = tpu.memref_slice %arg2[%add3A, %add3A_1012, %dma_start3A_1026, %dma_start3A_1027] : memref<32x80x2x128xi32, #tpu.memory_space<hbm>> -> memref<1x1x2x128xi32, #tpu.memory_space<hbm>>
        %dma_start3A_1029 = tpu.memref_squeeze %dma_start3A_1028 : memref<1x1x2x128xi32, #tpu.memory_space<hbm>> -> memref<2x128xi32, #tpu.memory_space<hbm>>
        tpu.enqueue_dma source(%dma_start3A_1029 : memref<2x128xi32, #tpu.memory_space<hbm>>) target(%dma_start3A_1025 : memref<2x128xi32, #tpu.memory_space<vmem>>) target_semaphore(%arg15 : memref<!tpu.dma_semaphore, #tpu.memory_space<semaphore_mem>>)
      } else {
      }
      %add3A_831 = arith.constant 2 : i32
      %add3A_832 = arith.addi %add3A_823, %add3A_831 : i32
      %lt3A_833 = arith.constant 80 : i32
      %lt3A_834 = arith.cmpi slt, %add3A_832, %lt3A_833 : i32
      %convert_element_type3A_835 = arith.extui %lt3A_834 : i1 to i32
      %cond3A_836 = arith.constant 0 : i32
      %cond3A_837 = arith.cmpi ne, %convert_element_type3A_835, %cond3A_836 : i32
      scf.if %cond3A_837 {
        %add3A_1011 = arith.constant 2 : i32
        %add3A_1012 = arith.addi %add3A_823, %add3A_1011 : i32
        %dma_wait3A_1013 = arith.constant 0 : i32
        %dma_wait3A_1014 = arith.constant 0 : i32
        %dma_wait3A_1015 = arith.constant 0 : i32
        %dma_wait3A_1016 = tpu.memref_slice %arg7[%dma_wait3A_1013, %dma_wait3A_1014, %dma_wait3A_1015] : memref<8x2x128xi32, #tpu.memory_space<vmem>> -> memref<1x2x128xi32, #tpu.memory_space<vmem>>
        %dma_wait3A_1017 = tpu.memref_squeeze %dma_wait3A_1016 : memref<1x2x128xi32, #tpu.memory_space<vmem>> -> memref<2x128xi32, #tpu.memory_space<vmem>>
        %dma_wait3A_1018 = arith.constant 0 : i32
        %dma_wait3A_1019 = arith.constant 0 : i32
        %dma_wait3A_1020 = tpu.memref_slice %arg2[%add3A, %add3A_1012, %dma_wait3A_1018, %dma_wait3A_1019] : memref<32x80x2x128xi32, #tpu.memory_space<hbm>> -> memref<1x1x2x128xi32, #tpu.memory_space<hbm>>
        %dma_wait3A_1021 = tpu.memref_squeeze %dma_wait3A_1020 : memref<1x1x2x128xi32, #tpu.memory_space<hbm>> -> memref<2x128xi32, #tpu.memory_space<hbm>>
        %dma_wait3A_1022 = arith.constant 0 : i32
        %dma_wait3A_1023 = arith.constant 0 : i32
        %dma_wait3A_1024 = tpu.memref_slice %arg7[%dma_wait3A_1013, %dma_wait3A_1022, %dma_wait3A_1023] : memref<8x2x128xi32, #tpu.memory_space<vmem>> -> memref<1x2x128xi32, #tpu.memory_space<vmem>>
        %dma_wait3A_1025 = tpu.memref_squeeze %dma_wait3A_1024 : memref<1x2x128xi32, #tpu.memory_space<vmem>> -> memref<2x128xi32, #tpu.memory_space<vmem>>
        %dma_wait3A_1026 = arith.constant 0 : i32
        %dma_wait3A_1027 = arith.constant 0 : i32
        %dma_wait3A_1028 = tpu.memref_slice %arg2[%add3A, %add3A_1012, %dma_wait3A_1026, %dma_wait3A_1027] : memref<32x80x2x128xi32, #tpu.memory_space<hbm>> -> memref<1x1x2x128xi32, #tpu.memory_space<hbm>>
        %dma_wait3A_1029 = tpu.memref_squeeze %dma_wait3A_1028 : memref<1x1x2x128xi32, #tpu.memory_space<hbm>> -> memref<2x128xi32, #tpu.memory_space<hbm>>
        tpu.wait_dma2 semaphore(%arg13 : memref<!tpu.dma_semaphore, #tpu.memory_space<semaphore_mem>>) src(%dma_wait3A_1029 : memref<2x128xi32, #tpu.memory_space<hbm>>) dst(%dma_wait3A_1025 : memref<2x128xi32, #tpu.memory_space<vmem>>)
      } else {
      }
      %ge3A_838 = arith.constant 1 : i32
      %ge3A_839 = arith.cmpi sge, %add3A_823, %ge3A_838 : i32
      %add3A_840 = arith.constant 1 : i32
      %add3A_841 = arith.addi %add3A_823, %add3A_840 : i32
      %lt3A_842 = arith.constant 80 : i32
      %lt3A_843 = arith.cmpi slt, %add3A_841, %lt3A_842 : i32
      %and3A_844 = arith.andi %ge3A_839, %lt3A_843 : i1
      %convert_element_type3A_845 = arith.extui %and3A_844 : i1 to i32
      %cond3A_846 = arith.constant 0 : i32
      %cond3A_847 = arith.cmpi ne, %convert_element_type3A_845, %cond3A_846 : i32
      scf.if %cond3A_847 {
        %dma_wait3A_1011 = arith.constant 1 : i32
        %dma_wait3A_1012 = arith.constant 7 : i32
        %dma_wait3A_1013 = arith.constant 1 : i32
        %dma_wait3A_1014 = arith.constant 0 : i32
        %dma_wait3A_1015 = arith.constant 0 : i32
        %dma_wait3A_1016 = tpu.memref_slice %arg8[%dma_wait3A_1011, %dma_wait3A_1014, %dma_wait3A_1015] : memref<2x128x128xf32, #tpu.memory_space<vmem>> -> memref<1x128x128xf32, #tpu.memory_space<vmem>>
        %dma_wait3A_1017 = tpu.memref_squeeze %dma_wait3A_1016 : memref<1x128x128xf32, #tpu.memory_space<vmem>> -> memref<128x128xf32, #tpu.memory_space<vmem>>
        %dma_wait3A_1018 = arith.constant 0 : i32
        %dma_wait3A_1019 = tpu.memref_slice %arg7[%dma_wait3A_1012, %dma_wait3A_1013, %dma_wait3A_1018] : memref<8x2x128xi32, #tpu.memory_space<vmem>> -> memref<1x1x128xi32, #tpu.memory_space<vmem>>
        %dma_wait3A_1020 = tpu.memref_squeeze %dma_wait3A_1019 : memref<1x1x128xi32, #tpu.memory_space<vmem>> -> memref<128xi32, #tpu.memory_space<vmem>>
        %dma_wait3A_1021 = arith.constant 0 : i32
        %dma_wait3A_1022 = arith.constant 0 : i32
        %dma_wait3A_1023 = tpu.memref_slice %arg11[%dma_wait3A_1021, %dma_wait3A_1022] : memref<10240x128xf32, #tpu.memory_space<vmem_shared>> -> memref<10240x128xf32, #tpu.memory_space<vmem_shared>>
        tpu.wait_indirect_dma semaphore(%arg24 : memref<!tpu.dma_semaphore, #tpu.memory_space<semaphore_mem>>) src(%dma_wait3A_1017 : memref<128x128xf32, #tpu.memory_space<vmem>>) dst(%dma_wait3A_1023 : memref<10240x128xf32, #tpu.memory_space<vmem_shared>>)
      } else {
      }
      %add3A_848 = arith.constant 1 : i32
      %add3A_849 = arith.addi %add3A_823, %add3A_848 : i32
      %lt3A_850 = arith.constant 80 : i32
      %lt3A_851 = arith.cmpi slt, %add3A_849, %lt3A_850 : i32
      %convert_element_type3A_852 = arith.extui %lt3A_851 : i1 to i32
      %cond3A_853 = arith.constant 0 : i32
      %cond3A_854 = arith.cmpi ne, %convert_element_type3A_852, %cond3A_853 : i32
      scf.if %cond3A_854 {
        %dma_start3A_1011 = arith.constant 7 : i32
        %dma_start3A_1012 = arith.constant 0 : i32
        %dma_start3A_1013 = arith.constant 1 : i32
        %dma_start3A_1014 = arith.constant 0 : i32
        %dma_start3A_1015 = arith.constant 0 : i32
        %dma_start3A_1016 = tpu.memref_slice %arg8[%dma_start3A_1013, %dma_start3A_1014, %dma_start3A_1015] : memref<2x128x128xf32, #tpu.memory_space<vmem>> -> memref<1x128x128xf32, #tpu.memory_space<vmem>>
        %dma_start3A_1017 = tpu.memref_squeeze %dma_start3A_1016 : memref<1x128x128xf32, #tpu.memory_space<vmem>> -> memref<128x128xf32, #tpu.memory_space<vmem>>
        %dma_start3A_1018 = arith.constant 0 : i32
        %dma_start3A_1019 = tpu.memref_slice %arg7[%dma_start3A_1011, %dma_start3A_1012, %dma_start3A_1018] : memref<8x2x128xi32, #tpu.memory_space<vmem>> -> memref<1x1x128xi32, #tpu.memory_space<vmem>>
        %dma_start3A_1020 = tpu.memref_squeeze %dma_start3A_1019 : memref<1x1x128xi32, #tpu.memory_space<vmem>> -> memref<128xi32, #tpu.memory_space<vmem>>
        %dma_start3A_1021 = arith.constant 0 : i32
        %dma_start3A_1022 = arith.constant 0 : i32
        %dma_start3A_1023 = tpu.memref_slice %arg3[%dma_start3A_1021, %dma_start3A_1022] : memref<10240x128xf32, #tpu.memory_space<hbm>> -> memref<10240x128xf32, #tpu.memory_space<hbm>>
        tpu.enqueue_indirect_dma source(%dma_start3A_1023 : memref<10240x128xf32, #tpu.memory_space<hbm>>) target(%dma_start3A_1017 : memref<128x128xf32, #tpu.memory_space<vmem>>) offsets(%dma_start3A_1020 : memref<128xi32, #tpu.memory_space<vmem>>) semaphore(%arg22 : memref<!tpu.dma_semaphore, #tpu.memory_space<semaphore_mem>>)
      } else {
      }
      %dma_wait3A_855 = arith.constant 6 : i32
      %dma_wait3A_856 = arith.constant 0 : i32
      %dma_wait3A_857 = arith.constant 0 : i32
      %dma_wait3A_858 = arith.constant 0 : i32
      %dma_wait3A_859 = arith.constant 0 : i32
      %dma_wait3A_860 = tpu.memref_slice %arg8[%dma_wait3A_857, %dma_wait3A_858, %dma_wait3A_859] : memref<2x128x128xf32, #tpu.memory_space<vmem>> -> memref<1x128x128xf32, #tpu.memory_space<vmem>>
      %dma_wait3A_861 = tpu.memref_squeeze %dma_wait3A_860 : memref<1x128x128xf32, #tpu.memory_space<vmem>> -> memref<128x128xf32, #tpu.memory_space<vmem>>
      %dma_wait3A_862 = arith.constant 0 : i32
      %dma_wait3A_863 = tpu.memref_slice %arg7[%dma_wait3A_855, %dma_wait3A_856, %dma_wait3A_862] : memref<8x2x128xi32, #tpu.memory_space<vmem>> -> memref<1x1x128xi32, #tpu.memory_space<vmem>>
      %dma_wait3A_864 = tpu.memref_squeeze %dma_wait3A_863 : memref<1x1x128xi32, #tpu.memory_space<vmem>> -> memref<128xi32, #tpu.memory_space<vmem>>
      %dma_wait3A_865 = arith.constant 0 : i32
      %dma_wait3A_866 = arith.constant 0 : i32
      %dma_wait3A_867 = tpu.memref_slice %arg3[%dma_wait3A_865, %dma_wait3A_866] : memref<10240x128xf32, #tpu.memory_space<hbm>> -> memref<10240x128xf32, #tpu.memory_space<hbm>>
      tpu.wait_indirect_dma semaphore(%arg21 : memref<!tpu.dma_semaphore, #tpu.memory_space<semaphore_mem>>) src(%dma_wait3A_867 : memref<10240x128xf32, #tpu.memory_space<hbm>>) dst(%dma_wait3A_861 : memref<128x128xf32, #tpu.memory_space<vmem>>)
      %dma_start3A_868 = arith.constant 0 : i32
      %dma_start3A_869 = arith.constant 6 : i32
      %dma_start3A_870 = arith.constant 1 : i32
      %dma_start3A_871 = arith.constant 0 : i32
      %dma_start3A_872 = arith.constant 0 : i32
      %dma_start3A_873 = tpu.memref_slice %arg8[%dma_start3A_868, %dma_start3A_871, %dma_start3A_872] : memref<2x128x128xf32, #tpu.memory_space<vmem>> -> memref<1x128x128xf32, #tpu.memory_space<vmem>>
      %dma_start3A_874 = tpu.memref_squeeze %dma_start3A_873 : memref<1x128x128xf32, #tpu.memory_space<vmem>> -> memref<128x128xf32, #tpu.memory_space<vmem>>
      %dma_start3A_875 = arith.constant 0 : i32
      %dma_start3A_876 = tpu.memref_slice %arg7[%dma_start3A_869, %dma_start3A_870, %dma_start3A_875] : memref<8x2x128xi32, #tpu.memory_space<vmem>> -> memref<1x1x128xi32, #tpu.memory_space<vmem>>
      %dma_start3A_877 = tpu.memref_squeeze %dma_start3A_876 : memref<1x1x128xi32, #tpu.memory_space<vmem>> -> memref<128xi32, #tpu.memory_space<vmem>>
      %dma_start3A_878 = arith.constant 0 : i32
      %dma_start3A_879 = arith.constant 0 : i32
      %dma_start3A_880 = tpu.memref_slice %arg11[%dma_start3A_878, %dma_start3A_879] : memref<10240x128xf32, #tpu.memory_space<vmem_shared>> -> memref<10240x128xf32, #tpu.memory_space<vmem_shared>>
      tpu.enqueue_indirect_dma source(%dma_start3A_874 : memref<128x128xf32, #tpu.memory_space<vmem>>) target(%dma_start3A_880 : memref<10240x128xf32, #tpu.memory_space<vmem_shared>>) offsets(%dma_start3A_877 : memref<128xi32, #tpu.memory_space<vmem>>) semaphore(%arg23 : memref<!tpu.dma_semaphore, #tpu.memory_space<semaphore_mem>>) {add = true}
      %dma_wait3A_881 = arith.constant 6 : i32
      %dma_wait3A_882 = arith.constant 1 : i32
      %dma_wait3A_883 = arith.constant 2 : i32
      %dma_wait3A_884 = arith.constant 0 : i32
      %dma_wait3A_885 = tpu.memref_slice %arg9[%dma_wait3A_883, %dma_wait3A_884] : memref<4x128xf32, #tpu.memory_space<vmem>> -> memref<1x128xf32, #tpu.memory_space<vmem>>
      %dma_wait3A_886 = tpu.memref_squeeze %dma_wait3A_885 : memref<1x128xf32, #tpu.memory_space<vmem>> -> memref<128xf32, #tpu.memory_space<vmem>>
      %dma_wait3A_887 = arith.constant 0 : i32
      %dma_wait3A_888 = tpu.memref_slice %arg7[%dma_wait3A_881, %dma_wait3A_882, %dma_wait3A_887] : memref<8x2x128xi32, #tpu.memory_space<vmem>> -> memref<1x1x128xi32, #tpu.memory_space<vmem>>
      %dma_wait3A_889 = tpu.memref_squeeze %dma_wait3A_888 : memref<1x1x128xi32, #tpu.memory_space<vmem>> -> memref<128xi32, #tpu.memory_space<vmem>>
      %dma_wait3A_890 = arith.constant 0 : i32
      %dma_wait3A_891 = tpu.memref_slice %arg4[%dma_wait3A_890] : memref<10240xf32, #tpu.memory_space<hbm>> -> memref<10240xf32, #tpu.memory_space<hbm>>
      tpu.wait_indirect_dma semaphore(%arg27 : memref<!tpu.dma_semaphore, #tpu.memory_space<semaphore_mem>>) src(%dma_wait3A_891 : memref<10240xf32, #tpu.memory_space<hbm>>) dst(%dma_wait3A_886 : memref<128xf32, #tpu.memory_space<vmem>>)
      %dma_start3A_892 = arith.constant 2 : i32
      %dma_start3A_893 = arith.constant 6 : i32
      %dma_start3A_894 = arith.constant 0 : i32
      %dma_start3A_895 = arith.constant 0 : i32
      %dma_start3A_896 = tpu.memref_slice %arg9[%dma_start3A_892, %dma_start3A_895] : memref<4x128xf32, #tpu.memory_space<vmem>> -> memref<1x128xf32, #tpu.memory_space<vmem>>
      %dma_start3A_897 = tpu.memref_squeeze %dma_start3A_896 : memref<1x128xf32, #tpu.memory_space<vmem>> -> memref<128xf32, #tpu.memory_space<vmem>>
      %dma_start3A_898 = arith.constant 0 : i32
      %dma_start3A_899 = tpu.memref_slice %arg7[%dma_start3A_893, %dma_start3A_894, %dma_start3A_898] : memref<8x2x128xi32, #tpu.memory_space<vmem>> -> memref<1x1x128xi32, #tpu.memory_space<vmem>>
      %dma_start3A_900 = tpu.memref_squeeze %dma_start3A_899 : memref<1x1x128xi32, #tpu.memory_space<vmem>> -> memref<128xi32, #tpu.memory_space<vmem>>
      %dma_start3A_901 = arith.constant 0 : i32
      %dma_start3A_902 = tpu.memref_slice %arg12[%dma_start3A_901] : memref<10240xf32, #tpu.memory_space<vmem_shared>> -> memref<10240xf32, #tpu.memory_space<vmem_shared>>
      tpu.enqueue_indirect_dma source(%dma_start3A_897 : memref<128xf32, #tpu.memory_space<vmem>>) target(%dma_start3A_902 : memref<10240xf32, #tpu.memory_space<vmem_shared>>) offsets(%dma_start3A_900 : memref<128xi32, #tpu.memory_space<vmem>>) semaphore(%arg31 : memref<!tpu.dma_semaphore, #tpu.memory_space<semaphore_mem>>) {add = true}
      %ge3A_903 = arith.constant 2 : i32
      %ge3A_904 = arith.cmpi sge, %add3A_823, %ge3A_903 : i32
      %convert_element_type3A_905 = arith.extui %ge3A_904 : i1 to i32
      %cond3A_906 = arith.constant 0 : i32
      %cond3A_907 = arith.cmpi ne, %convert_element_type3A_905, %cond3A_906 : i32
      scf.if %cond3A_907 {
        %dma_wait3A_1011 = arith.constant 0 : i32
        %dma_wait3A_1012 = arith.constant 6 : i32
        %dma_wait3A_1013 = arith.constant 0 : i32
        %dma_wait3A_1014 = arith.constant 0 : i32
        %dma_wait3A_1015 = tpu.memref_slice %arg9[%dma_wait3A_1011, %dma_wait3A_1014] : memref<4x128xf32, #tpu.memory_space<vmem>> -> memref<1x128xf32, #tpu.memory_space<vmem>>
        %dma_wait3A_1016 = tpu.memref_squeeze %dma_wait3A_1015 : memref<1x128xf32, #tpu.memory_space<vmem>> -> memref<128xf32, #tpu.memory_space<vmem>>
        %dma_wait3A_1017 = arith.constant 0 : i32
        %dma_wait3A_1018 = tpu.memref_slice %arg7[%dma_wait3A_1012, %dma_wait3A_1013, %dma_wait3A_1017] : memref<8x2x128xi32, #tpu.memory_space<vmem>> -> memref<1x1x128xi32, #tpu.memory_space<vmem>>
        %dma_wait3A_1019 = tpu.memref_squeeze %dma_wait3A_1018 : memref<1x1x128xi32, #tpu.memory_space<vmem>> -> memref<128xi32, #tpu.memory_space<vmem>>
        %dma_wait3A_1020 = arith.constant 0 : i32
        %dma_wait3A_1021 = tpu.memref_slice %arg12[%dma_wait3A_1020] : memref<10240xf32, #tpu.memory_space<vmem_shared>> -> memref<10240xf32, #tpu.memory_space<vmem_shared>>
        tpu.wait_indirect_dma semaphore(%arg29 : memref<!tpu.dma_semaphore, #tpu.memory_space<semaphore_mem>>) src(%dma_wait3A_1016 : memref<128xf32, #tpu.memory_space<vmem>>) dst(%dma_wait3A_1021 : memref<10240xf32, #tpu.memory_space<vmem_shared>>)
      } else {
      }
      %add3A_908 = arith.constant 2 : i32
      %add3A_909 = arith.addi %add3A_823, %add3A_908 : i32
      %lt3A_910 = arith.constant 80 : i32
      %lt3A_911 = arith.cmpi slt, %add3A_909, %lt3A_910 : i32
      %convert_element_type3A_912 = arith.extui %lt3A_911 : i1 to i32
      %cond3A_913 = arith.constant 0 : i32
      %cond3A_914 = arith.cmpi ne, %convert_element_type3A_912, %cond3A_913 : i32
      scf.if %cond3A_914 {
        %dma_start3A_1011 = arith.constant 0 : i32
        %dma_start3A_1012 = arith.constant 1 : i32
        %dma_start3A_1013 = arith.constant 0 : i32
        %dma_start3A_1014 = arith.constant 0 : i32
        %dma_start3A_1015 = tpu.memref_slice %arg9[%dma_start3A_1013, %dma_start3A_1014] : memref<4x128xf32, #tpu.memory_space<vmem>> -> memref<1x128xf32, #tpu.memory_space<vmem>>
        %dma_start3A_1016 = tpu.memref_squeeze %dma_start3A_1015 : memref<1x128xf32, #tpu.memory_space<vmem>> -> memref<128xf32, #tpu.memory_space<vmem>>
        %dma_start3A_1017 = arith.constant 0 : i32
        %dma_start3A_1018 = tpu.memref_slice %arg7[%dma_start3A_1011, %dma_start3A_1012, %dma_start3A_1017] : memref<8x2x128xi32, #tpu.memory_space<vmem>> -> memref<1x1x128xi32, #tpu.memory_space<vmem>>
        %dma_start3A_1019 = tpu.memref_squeeze %dma_start3A_1018 : memref<1x1x128xi32, #tpu.memory_space<vmem>> -> memref<128xi32, #tpu.memory_space<vmem>>
        %dma_start3A_1020 = arith.constant 0 : i32
        %dma_start3A_1021 = tpu.memref_slice %arg4[%dma_start3A_1020] : memref<10240xf32, #tpu.memory_space<hbm>> -> memref<10240xf32, #tpu.memory_space<hbm>>
        tpu.enqueue_indirect_dma source(%dma_start3A_1021 : memref<10240xf32, #tpu.memory_space<hbm>>) target(%dma_start3A_1016 : memref<128xf32, #tpu.memory_space<vmem>>) offsets(%dma_start3A_1019 : memref<128xi32, #tpu.memory_space<vmem>>) semaphore(%arg25 : memref<!tpu.dma_semaphore, #tpu.memory_space<semaphore_mem>>)
      } else {
      }
      %mul3A_915 = arith.constant 8 : i32
      %mul3A_916 = arith.muli %scan3A_253, %mul3A_915 : i32
      %add3A_917 = arith.constant 7 : i32
      %add3A_918 = arith.addi %mul3A_916, %add3A_917 : i32
      %add3A_919 = arith.constant 4 : i32
      %add3A_920 = arith.addi %add3A_918, %add3A_919 : i32
      %lt3A_921 = arith.constant 80 : i32
      %lt3A_922 = arith.cmpi slt, %add3A_920, %lt3A_921 : i32
      %convert_element_type3A_923 = arith.extui %lt3A_922 : i1 to i32
      %cond3A_924 = arith.constant 0 : i32
      %cond3A_925 = arith.cmpi ne, %convert_element_type3A_923, %cond3A_924 : i32
      scf.if %cond3A_925 {
        %add3A_1011 = arith.constant 4 : i32
        %add3A_1012 = arith.addi %add3A_918, %add3A_1011 : i32
        %dma_start3A_1013 = arith.constant 3 : i32
        %dma_start3A_1014 = arith.constant 0 : i32
        %dma_start3A_1015 = arith.constant 0 : i32
        %dma_start3A_1016 = tpu.memref_slice %arg7[%dma_start3A_1013, %dma_start3A_1014, %dma_start3A_1015] : memref<8x2x128xi32, #tpu.memory_space<vmem>> -> memref<1x2x128xi32, #tpu.memory_space<vmem>>
        %dma_start3A_1017 = tpu.memref_squeeze %dma_start3A_1016 : memref<1x2x128xi32, #tpu.memory_space<vmem>> -> memref<2x128xi32, #tpu.memory_space<vmem>>
        %dma_start3A_1018 = arith.constant 0 : i32
        %dma_start3A_1019 = arith.constant 0 : i32
        %dma_start3A_1020 = tpu.memref_slice %arg2[%add3A, %add3A_1012, %dma_start3A_1018, %dma_start3A_1019] : memref<32x80x2x128xi32, #tpu.memory_space<hbm>> -> memref<1x1x2x128xi32, #tpu.memory_space<hbm>>
        %dma_start3A_1021 = tpu.memref_squeeze %dma_start3A_1020 : memref<1x1x2x128xi32, #tpu.memory_space<hbm>> -> memref<2x128xi32, #tpu.memory_space<hbm>>
        %dma_start3A_1022 = arith.constant 0 : i32
        %dma_start3A_1023 = arith.constant 0 : i32
        %dma_start3A_1024 = tpu.memref_slice %arg7[%dma_start3A_1013, %dma_start3A_1022, %dma_start3A_1023] : memref<8x2x128xi32, #tpu.memory_space<vmem>> -> memref<1x2x128xi32, #tpu.memory_space<vmem>>
        %dma_start3A_1025 = tpu.memref_squeeze %dma_start3A_1024 : memref<1x2x128xi32, #tpu.memory_space<vmem>> -> memref<2x128xi32, #tpu.memory_space<vmem>>
        %dma_start3A_1026 = arith.constant 0 : i32
        %dma_start3A_1027 = arith.constant 0 : i32
        %dma_start3A_1028 = tpu.memref_slice %arg2[%add3A, %add3A_1012, %dma_start3A_1026, %dma_start3A_1027] : memref<32x80x2x128xi32, #tpu.memory_space<hbm>> -> memref<1x1x2x128xi32, #tpu.memory_space<hbm>>
        %dma_start3A_1029 = tpu.memref_squeeze %dma_start3A_1028 : memref<1x1x2x128xi32, #tpu.memory_space<hbm>> -> memref<2x128xi32, #tpu.memory_space<hbm>>
        tpu.enqueue_dma source(%dma_start3A_1029 : memref<2x128xi32, #tpu.memory_space<hbm>>) target(%dma_start3A_1025 : memref<2x128xi32, #tpu.memory_space<vmem>>) target_semaphore(%arg16 : memref<!tpu.dma_semaphore, #tpu.memory_space<semaphore_mem>>)
      } else {
      }
      %add3A_926 = arith.constant 2 : i32
      %add3A_927 = arith.addi %add3A_918, %add3A_926 : i32
      %lt3A_928 = arith.constant 80 : i32
      %lt3A_929 = arith.cmpi slt, %add3A_927, %lt3A_928 : i32
      %convert_element_type3A_930 = arith.extui %lt3A_929 : i1 to i32
      %cond3A_931 = arith.constant 0 : i32
      %cond3A_932 = arith.cmpi ne, %convert_element_type3A_930, %cond3A_931 : i32
      scf.if %cond3A_932 {
        %add3A_1011 = arith.constant 2 : i32
        %add3A_1012 = arith.addi %add3A_918, %add3A_1011 : i32
        %dma_wait3A_1013 = arith.constant 1 : i32
        %dma_wait3A_1014 = arith.constant 0 : i32
        %dma_wait3A_1015 = arith.constant 0 : i32
        %dma_wait3A_1016 = tpu.memref_slice %arg7[%dma_wait3A_1013, %dma_wait3A_1014, %dma_wait3A_1015] : memref<8x2x128xi32, #tpu.memory_space<vmem>> -> memref<1x2x128xi32, #tpu.memory_space<vmem>>
        %dma_wait3A_1017 = tpu.memref_squeeze %dma_wait3A_1016 : memref<1x2x128xi32, #tpu.memory_space<vmem>> -> memref<2x128xi32, #tpu.memory_space<vmem>>
        %dma_wait3A_1018 = arith.constant 0 : i32
        %dma_wait3A_1019 = arith.constant 0 : i32
        %dma_wait3A_1020 = tpu.memref_slice %arg2[%add3A, %add3A_1012, %dma_wait3A_1018, %dma_wait3A_1019] : memref<32x80x2x128xi32, #tpu.memory_space<hbm>> -> memref<1x1x2x128xi32, #tpu.memory_space<hbm>>
        %dma_wait3A_1021 = tpu.memref_squeeze %dma_wait3A_1020 : memref<1x1x2x128xi32, #tpu.memory_space<hbm>> -> memref<2x128xi32, #tpu.memory_space<hbm>>
        %dma_wait3A_1022 = arith.constant 0 : i32
        %dma_wait3A_1023 = arith.constant 0 : i32
        %dma_wait3A_1024 = tpu.memref_slice %arg7[%dma_wait3A_1013, %dma_wait3A_1022, %dma_wait3A_1023] : memref<8x2x128xi32, #tpu.memory_space<vmem>> -> memref<1x2x128xi32, #tpu.memory_space<vmem>>
        %dma_wait3A_1025 = tpu.memref_squeeze %dma_wait3A_1024 : memref<1x2x128xi32, #tpu.memory_space<vmem>> -> memref<2x128xi32, #tpu.memory_space<vmem>>
        %dma_wait3A_1026 = arith.constant 0 : i32
        %dma_wait3A_1027 = arith.constant 0 : i32
        %dma_wait3A_1028 = tpu.memref_slice %arg2[%add3A, %add3A_1012, %dma_wait3A_1026, %dma_wait3A_1027] : memref<32x80x2x128xi32, #tpu.memory_space<hbm>> -> memref<1x1x2x128xi32, #tpu.memory_space<hbm>>
        %dma_wait3A_1029 = tpu.memref_squeeze %dma_wait3A_1028 : memref<1x1x2x128xi32, #tpu.memory_space<hbm>> -> memref<2x128xi32, #tpu.memory_space<hbm>>
        tpu.wait_dma2 semaphore(%arg14 : memref<!tpu.dma_semaphore, #tpu.memory_space<semaphore_mem>>) src(%dma_wait3A_1029 : memref<2x128xi32, #tpu.memory_space<hbm>>) dst(%dma_wait3A_1025 : memref<2x128xi32, #tpu.memory_space<vmem>>)
      } else {
      }
      %ge3A_933 = arith.constant 1 : i32
      %ge3A_934 = arith.cmpi sge, %add3A_918, %ge3A_933 : i32
      %add3A_935 = arith.constant 1 : i32
      %add3A_936 = arith.addi %add3A_918, %add3A_935 : i32
      %lt3A_937 = arith.constant 80 : i32
      %lt3A_938 = arith.cmpi slt, %add3A_936, %lt3A_937 : i32
      %and3A_939 = arith.andi %ge3A_934, %lt3A_938 : i1
      %convert_element_type3A_940 = arith.extui %and3A_939 : i1 to i32
      %cond3A_941 = arith.constant 0 : i32
      %cond3A_942 = arith.cmpi ne, %convert_element_type3A_940, %cond3A_941 : i32
      scf.if %cond3A_942 {
        %dma_wait3A_1011 = arith.constant 0 : i32
        %dma_wait3A_1012 = arith.constant 0 : i32
        %dma_wait3A_1013 = arith.constant 1 : i32
        %dma_wait3A_1014 = arith.constant 0 : i32
        %dma_wait3A_1015 = arith.constant 0 : i32
        %dma_wait3A_1016 = tpu.memref_slice %arg8[%dma_wait3A_1011, %dma_wait3A_1014, %dma_wait3A_1015] : memref<2x128x128xf32, #tpu.memory_space<vmem>> -> memref<1x128x128xf32, #tpu.memory_space<vmem>>
        %dma_wait3A_1017 = tpu.memref_squeeze %dma_wait3A_1016 : memref<1x128x128xf32, #tpu.memory_space<vmem>> -> memref<128x128xf32, #tpu.memory_space<vmem>>
        %dma_wait3A_1018 = arith.constant 0 : i32
        %dma_wait3A_1019 = tpu.memref_slice %arg7[%dma_wait3A_1012, %dma_wait3A_1013, %dma_wait3A_1018] : memref<8x2x128xi32, #tpu.memory_space<vmem>> -> memref<1x1x128xi32, #tpu.memory_space<vmem>>
        %dma_wait3A_1020 = tpu.memref_squeeze %dma_wait3A_1019 : memref<1x1x128xi32, #tpu.memory_space<vmem>> -> memref<128xi32, #tpu.memory_space<vmem>>
        %dma_wait3A_1021 = arith.constant 0 : i32
        %dma_wait3A_1022 = arith.constant 0 : i32
        %dma_wait3A_1023 = tpu.memref_slice %arg11[%dma_wait3A_1021, %dma_wait3A_1022] : memref<10240x128xf32, #tpu.memory_space<vmem_shared>> -> memref<10240x128xf32, #tpu.memory_space<vmem_shared>>
        tpu.wait_indirect_dma semaphore(%arg23 : memref<!tpu.dma_semaphore, #tpu.memory_space<semaphore_mem>>) src(%dma_wait3A_1017 : memref<128x128xf32, #tpu.memory_space<vmem>>) dst(%dma_wait3A_1023 : memref<10240x128xf32, #tpu.memory_space<vmem_shared>>)
      } else {
      }
      %add3A_943 = arith.constant 1 : i32
      %add3A_944 = arith.addi %add3A_918, %add3A_943 : i32
      %lt3A_945 = arith.constant 80 : i32
      %lt3A_946 = arith.cmpi slt, %add3A_944, %lt3A_945 : i32
      %convert_element_type3A_947 = arith.extui %lt3A_946 : i1 to i32
      %cond3A_948 = arith.constant 0 : i32
      %cond3A_949 = arith.cmpi ne, %convert_element_type3A_947, %cond3A_948 : i32
      scf.if %cond3A_949 {
        %dma_start3A_1011 = arith.constant 0 : i32
        %dma_start3A_1012 = arith.constant 0 : i32
        %dma_start3A_1013 = arith.constant 0 : i32
        %dma_start3A_1014 = arith.constant 0 : i32
        %dma_start3A_1015 = arith.constant 0 : i32
        %dma_start3A_1016 = tpu.memref_slice %arg8[%dma_start3A_1013, %dma_start3A_1014, %dma_start3A_1015] : memref<2x128x128xf32, #tpu.memory_space<vmem>> -> memref<1x128x128xf32, #tpu.memory_space<vmem>>
        %dma_start3A_1017 = tpu.memref_squeeze %dma_start3A_1016 : memref<1x128x128xf32, #tpu.memory_space<vmem>> -> memref<128x128xf32, #tpu.memory_space<vmem>>
        %dma_start3A_1018 = arith.constant 0 : i32
        %dma_start3A_1019 = tpu.memref_slice %arg7[%dma_start3A_1011, %dma_start3A_1012, %dma_start3A_1018] : memref<8x2x128xi32, #tpu.memory_space<vmem>> -> memref<1x1x128xi32, #tpu.memory_space<vmem>>
        %dma_start3A_1020 = tpu.memref_squeeze %dma_start3A_1019 : memref<1x1x128xi32, #tpu.memory_space<vmem>> -> memref<128xi32, #tpu.memory_space<vmem>>
        %dma_start3A_1021 = arith.constant 0 : i32
        %dma_start3A_1022 = arith.constant 0 : i32
        %dma_start3A_1023 = tpu.memref_slice %arg3[%dma_start3A_1021, %dma_start3A_1022] : memref<10240x128xf32, #tpu.memory_space<hbm>> -> memref<10240x128xf32, #tpu.memory_space<hbm>>
        tpu.enqueue_indirect_dma source(%dma_start3A_1023 : memref<10240x128xf32, #tpu.memory_space<hbm>>) target(%dma_start3A_1017 : memref<128x128xf32, #tpu.memory_space<vmem>>) offsets(%dma_start3A_1020 : memref<128xi32, #tpu.memory_space<vmem>>) semaphore(%arg21 : memref<!tpu.dma_semaphore, #tpu.memory_space<semaphore_mem>>)
      } else {
      }
      %dma_wait3A_950 = arith.constant 7 : i32
      %dma_wait3A_951 = arith.constant 0 : i32
      %dma_wait3A_952 = arith.constant 1 : i32
      %dma_wait3A_953 = arith.constant 0 : i32
      %dma_wait3A_954 = arith.constant 0 : i32
      %dma_wait3A_955 = tpu.memref_slice %arg8[%dma_wait3A_952, %dma_wait3A_953, %dma_wait3A_954] : memref<2x128x128xf32, #tpu.memory_space<vmem>> -> memref<1x128x128xf32, #tpu.memory_space<vmem>>
      %dma_wait3A_956 = tpu.memref_squeeze %dma_wait3A_955 : memref<1x128x128xf32, #tpu.memory_space<vmem>> -> memref<128x128xf32, #tpu.memory_space<vmem>>
      %dma_wait3A_957 = arith.constant 0 : i32
      %dma_wait3A_958 = tpu.memref_slice %arg7[%dma_wait3A_950, %dma_wait3A_951, %dma_wait3A_957] : memref<8x2x128xi32, #tpu.memory_space<vmem>> -> memref<1x1x128xi32, #tpu.memory_space<vmem>>
      %dma_wait3A_959 = tpu.memref_squeeze %dma_wait3A_958 : memref<1x1x128xi32, #tpu.memory_space<vmem>> -> memref<128xi32, #tpu.memory_space<vmem>>
      %dma_wait3A_960 = arith.constant 0 : i32
      %dma_wait3A_961 = arith.constant 0 : i32
      %dma_wait3A_962 = tpu.memref_slice %arg3[%dma_wait3A_960, %dma_wait3A_961] : memref<10240x128xf32, #tpu.memory_space<hbm>> -> memref<10240x128xf32, #tpu.memory_space<hbm>>
      tpu.wait_indirect_dma semaphore(%arg22 : memref<!tpu.dma_semaphore, #tpu.memory_space<semaphore_mem>>) src(%dma_wait3A_962 : memref<10240x128xf32, #tpu.memory_space<hbm>>) dst(%dma_wait3A_956 : memref<128x128xf32, #tpu.memory_space<vmem>>)
      %dma_start3A_963 = arith.constant 1 : i32
      %dma_start3A_964 = arith.constant 7 : i32
      %dma_start3A_965 = arith.constant 1 : i32
      %dma_start3A_966 = arith.constant 0 : i32
      %dma_start3A_967 = arith.constant 0 : i32
      %dma_start3A_968 = tpu.memref_slice %arg8[%dma_start3A_963, %dma_start3A_966, %dma_start3A_967] : memref<2x128x128xf32, #tpu.memory_space<vmem>> -> memref<1x128x128xf32, #tpu.memory_space<vmem>>
      %dma_start3A_969 = tpu.memref_squeeze %dma_start3A_968 : memref<1x128x128xf32, #tpu.memory_space<vmem>> -> memref<128x128xf32, #tpu.memory_space<vmem>>
      %dma_start3A_970 = arith.constant 0 : i32
      %dma_start3A_971 = tpu.memref_slice %arg7[%dma_start3A_964, %dma_start3A_965, %dma_start3A_970] : memref<8x2x128xi32, #tpu.memory_space<vmem>> -> memref<1x1x128xi32, #tpu.memory_space<vmem>>
      %dma_start3A_972 = tpu.memref_squeeze %dma_start3A_971 : memref<1x1x128xi32, #tpu.memory_space<vmem>> -> memref<128xi32, #tpu.memory_space<vmem>>
      %dma_start3A_973 = arith.constant 0 : i32
      %dma_start3A_974 = arith.constant 0 : i32
      %dma_start3A_975 = tpu.memref_slice %arg11[%dma_start3A_973, %dma_start3A_974] : memref<10240x128xf32, #tpu.memory_space<vmem_shared>> -> memref<10240x128xf32, #tpu.memory_space<vmem_shared>>
      tpu.enqueue_indirect_dma source(%dma_start3A_969 : memref<128x128xf32, #tpu.memory_space<vmem>>) target(%dma_start3A_975 : memref<10240x128xf32, #tpu.memory_space<vmem_shared>>) offsets(%dma_start3A_972 : memref<128xi32, #tpu.memory_space<vmem>>) semaphore(%arg24 : memref<!tpu.dma_semaphore, #tpu.memory_space<semaphore_mem>>) {add = true}
      %dma_wait3A_976 = arith.constant 7 : i32
      %dma_wait3A_977 = arith.constant 1 : i32
      %dma_wait3A_978 = arith.constant 3 : i32
      %dma_wait3A_979 = arith.constant 0 : i32
      %dma_wait3A_980 = tpu.memref_slice %arg9[%dma_wait3A_978, %dma_wait3A_979] : memref<4x128xf32, #tpu.memory_space<vmem>> -> memref<1x128xf32, #tpu.memory_space<vmem>>
      %dma_wait3A_981 = tpu.memref_squeeze %dma_wait3A_980 : memref<1x128xf32, #tpu.memory_space<vmem>> -> memref<128xf32, #tpu.memory_space<vmem>>
      %dma_wait3A_982 = arith.constant 0 : i32
      %dma_wait3A_983 = tpu.memref_slice %arg7[%dma_wait3A_976, %dma_wait3A_977, %dma_wait3A_982] : memref<8x2x128xi32, #tpu.memory_space<vmem>> -> memref<1x1x128xi32, #tpu.memory_space<vmem>>
      %dma_wait3A_984 = tpu.memref_squeeze %dma_wait3A_983 : memref<1x1x128xi32, #tpu.memory_space<vmem>> -> memref<128xi32, #tpu.memory_space<vmem>>
      %dma_wait3A_985 = arith.constant 0 : i32
      %dma_wait3A_986 = tpu.memref_slice %arg4[%dma_wait3A_985] : memref<10240xf32, #tpu.memory_space<hbm>> -> memref<10240xf32, #tpu.memory_space<hbm>>
      tpu.wait_indirect_dma semaphore(%arg28 : memref<!tpu.dma_semaphore, #tpu.memory_space<semaphore_mem>>) src(%dma_wait3A_986 : memref<10240xf32, #tpu.memory_space<hbm>>) dst(%dma_wait3A_981 : memref<128xf32, #tpu.memory_space<vmem>>)
      %dma_start3A_987 = arith.constant 3 : i32
      %dma_start3A_988 = arith.constant 7 : i32
      %dma_start3A_989 = arith.constant 0 : i32
      %dma_start3A_990 = arith.constant 0 : i32
      %dma_start3A_991 = tpu.memref_slice %arg9[%dma_start3A_987, %dma_start3A_990] : memref<4x128xf32, #tpu.memory_space<vmem>> -> memref<1x128xf32, #tpu.memory_space<vmem>>
      %dma_start3A_992 = tpu.memref_squeeze %dma_start3A_991 : memref<1x128xf32, #tpu.memory_space<vmem>> -> memref<128xf32, #tpu.memory_space<vmem>>
      %dma_start3A_993 = arith.constant 0 : i32
      %dma_start3A_994 = tpu.memref_slice %arg7[%dma_start3A_988, %dma_start3A_989, %dma_start3A_993] : memref<8x2x128xi32, #tpu.memory_space<vmem>> -> memref<1x1x128xi32, #tpu.memory_space<vmem>>
      %dma_start3A_995 = tpu.memref_squeeze %dma_start3A_994 : memref<1x1x128xi32, #tpu.memory_space<vmem>> -> memref<128xi32, #tpu.memory_space<vmem>>
      %dma_start3A_996 = arith.constant 0 : i32
      %dma_start3A_997 = tpu.memref_slice %arg12[%dma_start3A_996] : memref<10240xf32, #tpu.memory_space<vmem_shared>> -> memref<10240xf32, #tpu.memory_space<vmem_shared>>
      tpu.enqueue_indirect_dma source(%dma_start3A_992 : memref<128xf32, #tpu.memory_space<vmem>>) target(%dma_start3A_997 : memref<10240xf32, #tpu.memory_space<vmem_shared>>) offsets(%dma_start3A_995 : memref<128xi32, #tpu.memory_space<vmem>>) semaphore(%arg32 : memref<!tpu.dma_semaphore, #tpu.memory_space<semaphore_mem>>) {add = true}
      %ge3A_998 = arith.constant 2 : i32
      %ge3A_999 = arith.cmpi sge, %add3A_918, %ge3A_998 : i32
      %convert_element_type3A_1000 = arith.extui %ge3A_999 : i1 to i32
      %cond3A_1001 = arith.constant 0 : i32
      %cond3A_1002 = arith.cmpi ne, %convert_element_type3A_1000, %cond3A_1001 : i32
      scf.if %cond3A_1002 {
        %dma_wait3A_1011 = arith.constant 1 : i32
        %dma_wait3A_1012 = arith.constant 7 : i32
        %dma_wait3A_1013 = arith.constant 0 : i32
        %dma_wait3A_1014 = arith.constant 0 : i32
        %dma_wait3A_1015 = tpu.memref_slice %arg9[%dma_wait3A_1011, %dma_wait3A_1014] : memref<4x128xf32, #tpu.memory_space<vmem>> -> memref<1x128xf32, #tpu.memory_space<vmem>>
        %dma_wait3A_1016 = tpu.memref_squeeze %dma_wait3A_1015 : memref<1x128xf32, #tpu.memory_space<vmem>> -> memref<128xf32, #tpu.memory_space<vmem>>
        %dma_wait3A_1017 = arith.constant 0 : i32
        %dma_wait3A_1018 = tpu.memref_slice %arg7[%dma_wait3A_1012, %dma_wait3A_1013, %dma_wait3A_1017] : memref<8x2x128xi32, #tpu.memory_space<vmem>> -> memref<1x1x128xi32, #tpu.memory_space<vmem>>
        %dma_wait3A_1019 = tpu.memref_squeeze %dma_wait3A_1018 : memref<1x1x128xi32, #tpu.memory_space<vmem>> -> memref<128xi32, #tpu.memory_space<vmem>>
        %dma_wait3A_1020 = arith.constant 0 : i32
        %dma_wait3A_1021 = tpu.memref_slice %arg12[%dma_wait3A_1020] : memref<10240xf32, #tpu.memory_space<vmem_shared>> -> memref<10240xf32, #tpu.memory_space<vmem_shared>>
        tpu.wait_indirect_dma semaphore(%arg30 : memref<!tpu.dma_semaphore, #tpu.memory_space<semaphore_mem>>) src(%dma_wait3A_1016 : memref<128xf32, #tpu.memory_space<vmem>>) dst(%dma_wait3A_1021 : memref<10240xf32, #tpu.memory_space<vmem_shared>>)
      } else {
      }
      %add3A_1003 = arith.constant 2 : i32
      %add3A_1004 = arith.addi %add3A_918, %add3A_1003 : i32
      %lt3A_1005 = arith.constant 80 : i32
      %lt3A_1006 = arith.cmpi slt, %add3A_1004, %lt3A_1005 : i32
      %convert_element_type3A_1007 = arith.extui %lt3A_1006 : i1 to i32
      %cond3A_1008 = arith.constant 0 : i32
      %cond3A_1009 = arith.cmpi ne, %convert_element_type3A_1007, %cond3A_1008 : i32
      scf.if %cond3A_1009 {
        %dma_start3A_1011 = arith.constant 1 : i32
        %dma_start3A_1012 = arith.constant 1 : i32
        %dma_start3A_1013 = arith.constant 1 : i32
        %dma_start3A_1014 = arith.constant 0 : i32
        %dma_start3A_1015 = tpu.memref_slice %arg9[%dma_start3A_1013, %dma_start3A_1014] : memref<4x128xf32, #tpu.memory_space<vmem>> -> memref<1x128xf32, #tpu.memory_space<vmem>>
        %dma_start3A_1016 = tpu.memref_squeeze %dma_start3A_1015 : memref<1x128xf32, #tpu.memory_space<vmem>> -> memref<128xf32, #tpu.memory_space<vmem>>
        %dma_start3A_1017 = arith.constant 0 : i32
        %dma_start3A_1018 = tpu.memref_slice %arg7[%dma_start3A_1011, %dma_start3A_1012, %dma_start3A_1017] : memref<8x2x128xi32, #tpu.memory_space<vmem>> -> memref<1x1x128xi32, #tpu.memory_space<vmem>>
        %dma_start3A_1019 = tpu.memref_squeeze %dma_start3A_1018 : memref<1x1x128xi32, #tpu.memory_space<vmem>> -> memref<128xi32, #tpu.memory_space<vmem>>
        %dma_start3A_1020 = arith.constant 0 : i32
        %dma_start3A_1021 = tpu.memref_slice %arg4[%dma_start3A_1020] : memref<10240xf32, #tpu.memory_space<hbm>> -> memref<10240xf32, #tpu.memory_space<hbm>>
        tpu.enqueue_indirect_dma source(%dma_start3A_1021 : memref<10240xf32, #tpu.memory_space<hbm>>) target(%dma_start3A_1016 : memref<128xf32, #tpu.memory_space<vmem>>) offsets(%dma_start3A_1019 : memref<128xi32, #tpu.memory_space<vmem>>) semaphore(%arg26 : memref<!tpu.dma_semaphore, #tpu.memory_space<semaphore_mem>>)
      } else {
      }
      %scan3A_1010 = arith.constant 0 : i32
      scf.yield %scan3A_1010 : i32
    }
    %scan3A_177 = arith.constant 10 : i32
    %dma_wait3A_178 = arith.constant 0 : i32
    %dma_wait3A_179 = arith.constant 6 : i32
    %dma_wait3A_180 = arith.constant 1 : i32
    %dma_wait3A_181 = arith.constant 0 : i32
    %dma_wait3A_182 = arith.constant 0 : i32
    %dma_wait3A_183 = tpu.memref_slice %arg8[%dma_wait3A_178, %dma_wait3A_181, %dma_wait3A_182] : memref<2x128x128xf32, #tpu.memory_space<vmem>> -> memref<1x128x128xf32, #tpu.memory_space<vmem>>
    %dma_wait3A_184 = tpu.memref_squeeze %dma_wait3A_183 : memref<1x128x128xf32, #tpu.memory_space<vmem>> -> memref<128x128xf32, #tpu.memory_space<vmem>>
    %dma_wait3A_185 = arith.constant 0 : i32
    %dma_wait3A_186 = tpu.memref_slice %arg7[%dma_wait3A_179, %dma_wait3A_180, %dma_wait3A_185] : memref<8x2x128xi32, #tpu.memory_space<vmem>> -> memref<1x1x128xi32, #tpu.memory_space<vmem>>
    %dma_wait3A_187 = tpu.memref_squeeze %dma_wait3A_186 : memref<1x1x128xi32, #tpu.memory_space<vmem>> -> memref<128xi32, #tpu.memory_space<vmem>>
    %dma_wait3A_188 = arith.constant 0 : i32
    %dma_wait3A_189 = arith.constant 0 : i32
    %dma_wait3A_190 = tpu.memref_slice %arg11[%dma_wait3A_188, %dma_wait3A_189] : memref<10240x128xf32, #tpu.memory_space<vmem_shared>> -> memref<10240x128xf32, #tpu.memory_space<vmem_shared>>
    tpu.wait_indirect_dma semaphore(%arg23 : memref<!tpu.dma_semaphore, #tpu.memory_space<semaphore_mem>>) src(%dma_wait3A_184 : memref<128x128xf32, #tpu.memory_space<vmem>>) dst(%dma_wait3A_190 : memref<10240x128xf32, #tpu.memory_space<vmem_shared>>)
    %dma_wait3A_191 = arith.constant 1 : i32
    %dma_wait3A_192 = arith.constant 7 : i32
    %dma_wait3A_193 = arith.constant 1 : i32
    %dma_wait3A_194 = arith.constant 0 : i32
    %dma_wait3A_195 = arith.constant 0 : i32
    %dma_wait3A_196 = tpu.memref_slice %arg8[%dma_wait3A_191, %dma_wait3A_194, %dma_wait3A_195] : memref<2x128x128xf32, #tpu.memory_space<vmem>> -> memref<1x128x128xf32, #tpu.memory_space<vmem>>
    %dma_wait3A_197 = tpu.memref_squeeze %dma_wait3A_196 : memref<1x128x128xf32, #tpu.memory_space<vmem>> -> memref<128x128xf32, #tpu.memory_space<vmem>>
    %dma_wait3A_198 = arith.constant 0 : i32
    %dma_wait3A_199 = tpu.memref_slice %arg7[%dma_wait3A_192, %dma_wait3A_193, %dma_wait3A_198] : memref<8x2x128xi32, #tpu.memory_space<vmem>> -> memref<1x1x128xi32, #tpu.memory_space<vmem>>
    %dma_wait3A_200 = tpu.memref_squeeze %dma_wait3A_199 : memref<1x1x128xi32, #tpu.memory_space<vmem>> -> memref<128xi32, #tpu.memory_space<vmem>>
    %dma_wait3A_201 = arith.constant 0 : i32
    %dma_wait3A_202 = arith.constant 0 : i32
    %dma_wait3A_203 = tpu.memref_slice %arg11[%dma_wait3A_201, %dma_wait3A_202] : memref<10240x128xf32, #tpu.memory_space<vmem_shared>> -> memref<10240x128xf32, #tpu.memory_space<vmem_shared>>
    tpu.wait_indirect_dma semaphore(%arg24 : memref<!tpu.dma_semaphore, #tpu.memory_space<semaphore_mem>>) src(%dma_wait3A_197 : memref<128x128xf32, #tpu.memory_space<vmem>>) dst(%dma_wait3A_203 : memref<10240x128xf32, #tpu.memory_space<vmem_shared>>)
    %dma_wait3A_204 = arith.constant 2 : i32
    %dma_wait3A_205 = arith.constant 6 : i32
    %dma_wait3A_206 = arith.constant 0 : i32
    %dma_wait3A_207 = arith.constant 0 : i32
    %dma_wait3A_208 = tpu.memref_slice %arg9[%dma_wait3A_204, %dma_wait3A_207] : memref<4x128xf32, #tpu.memory_space<vmem>> -> memref<1x128xf32, #tpu.memory_space<vmem>>
    %dma_wait3A_209 = tpu.memref_squeeze %dma_wait3A_208 : memref<1x128xf32, #tpu.memory_space<vmem>> -> memref<128xf32, #tpu.memory_space<vmem>>
    %dma_wait3A_210 = arith.constant 0 : i32
    %dma_wait3A_211 = tpu.memref_slice %arg7[%dma_wait3A_205, %dma_wait3A_206, %dma_wait3A_210] : memref<8x2x128xi32, #tpu.memory_space<vmem>> -> memref<1x1x128xi32, #tpu.memory_space<vmem>>
    %dma_wait3A_212 = tpu.memref_squeeze %dma_wait3A_211 : memref<1x1x128xi32, #tpu.memory_space<vmem>> -> memref<128xi32, #tpu.memory_space<vmem>>
    %dma_wait3A_213 = arith.constant 0 : i32
    %dma_wait3A_214 = tpu.memref_slice %arg12[%dma_wait3A_213] : memref<10240xf32, #tpu.memory_space<vmem_shared>> -> memref<10240xf32, #tpu.memory_space<vmem_shared>>
    tpu.wait_indirect_dma semaphore(%arg31 : memref<!tpu.dma_semaphore, #tpu.memory_space<semaphore_mem>>) src(%dma_wait3A_209 : memref<128xf32, #tpu.memory_space<vmem>>) dst(%dma_wait3A_214 : memref<10240xf32, #tpu.memory_space<vmem_shared>>)
    %dma_wait3A_215 = arith.constant 3 : i32
    %dma_wait3A_216 = arith.constant 7 : i32
    %dma_wait3A_217 = arith.constant 0 : i32
    %dma_wait3A_218 = arith.constant 0 : i32
    %dma_wait3A_219 = tpu.memref_slice %arg9[%dma_wait3A_215, %dma_wait3A_218] : memref<4x128xf32, #tpu.memory_space<vmem>> -> memref<1x128xf32, #tpu.memory_space<vmem>>
    %dma_wait3A_220 = tpu.memref_squeeze %dma_wait3A_219 : memref<1x128xf32, #tpu.memory_space<vmem>> -> memref<128xf32, #tpu.memory_space<vmem>>
    %dma_wait3A_221 = arith.constant 0 : i32
    %dma_wait3A_222 = tpu.memref_slice %arg7[%dma_wait3A_216, %dma_wait3A_217, %dma_wait3A_221] : memref<8x2x128xi32, #tpu.memory_space<vmem>> -> memref<1x1x128xi32, #tpu.memory_space<vmem>>
    %dma_wait3A_223 = tpu.memref_squeeze %dma_wait3A_222 : memref<1x1x128xi32, #tpu.memory_space<vmem>> -> memref<128xi32, #tpu.memory_space<vmem>>
    %dma_wait3A_224 = arith.constant 0 : i32
    %dma_wait3A_225 = tpu.memref_slice %arg12[%dma_wait3A_224] : memref<10240xf32, #tpu.memory_space<vmem_shared>> -> memref<10240xf32, #tpu.memory_space<vmem_shared>>
    tpu.wait_indirect_dma semaphore(%arg32 : memref<!tpu.dma_semaphore, #tpu.memory_space<semaphore_mem>>) src(%dma_wait3A_220 : memref<128xf32, #tpu.memory_space<vmem>>) dst(%dma_wait3A_225 : memref<10240xf32, #tpu.memory_space<vmem_shared>>)
    %barrier3A_226 = arith.constant 0 : index
    tpu.barrier barrier_id(%barrier3A_226)
    %mul3A_227 = arith.constant 10240 : i32
    %mul3A_228 = arith.muli %arg0, %mul3A_227 : i32
    %mul3A_229 = arith.constant 640 : i32
    %mul3A_230 = arith.muli %arg1, %mul3A_229 : i32
    %add3A_231 = arith.addi %mul3A_228, %mul3A_230 : i32
    %multiple_of3A_232 = tpu.assume_multiple %add3A_231, 128 : i32
    %add3A_233 = arith.constant 0 : i32
    %add3A_234 = arith.addi %multiple_of3A, %add3A_233 : i32
    %add3A_235 = arith.constant 0 : i32
    %add3A_236 = arith.addi %multiple_of3A_232, %add3A_235 : i32
    "tpu.region"() ({
      %run_scoped3A_253 = tpu.sem_alloc : memref<!tpu.dma_semaphore, #tpu.memory_space<semaphore_mem>>
      %dma_start3A_254 = arith.constant 0 : i32
      %dma_start3A_255 = tpu.memref_slice %arg5[%add3A_236, %dma_start3A_254] : memref<20480x128xf32, #tpu.memory_space<hbm>> -> memref<128x128xf32, #tpu.memory_space<hbm>>
      %dma_start3A_256 = arith.constant 0 : i32
      %dma_start3A_257 = tpu.memref_slice %arg11[%add3A_234, %dma_start3A_256] : memref<10240x128xf32, #tpu.memory_space<vmem_shared>> -> memref<128x128xf32, #tpu.memory_space<vmem_shared>>
      tpu.enqueue_dma source(%dma_start3A_257 : memref<128x128xf32, #tpu.memory_space<vmem_shared>>) target(%dma_start3A_255 : memref<128x128xf32, #tpu.memory_space<hbm>>) target_semaphore(%run_scoped3A_253 : memref<!tpu.dma_semaphore, #tpu.memory_space<semaphore_mem>>)
      %dma_wait3A_258 = arith.constant 0 : i32
      %dma_wait3A_259 = tpu.memref_slice %arg5[%add3A_236, %dma_wait3A_258] : memref<20480x128xf32, #tpu.memory_space<hbm>> -> memref<128x128xf32, #tpu.memory_space<hbm>>
      %dma_wait3A_260 = arith.constant 0 : i32
      %dma_wait3A_261 = tpu.memref_slice %arg11[%add3A_234, %dma_wait3A_260] : memref<10240x128xf32, #tpu.memory_space<vmem_shared>> -> memref<128x128xf32, #tpu.memory_space<vmem_shared>>
      tpu.wait_dma2 semaphore(%run_scoped3A_253 : memref<!tpu.dma_semaphore, #tpu.memory_space<semaphore_mem>>) src(%dma_wait3A_261 : memref<128x128xf32, #tpu.memory_space<vmem_shared>>) dst(%dma_wait3A_259 : memref<128x128xf32, #tpu.memory_space<hbm>>)
      tpu.yield
    }) : () -> ()
    %add3A_237 = arith.constant 128 : i32
    %add3A_238 = arith.addi %multiple_of3A, %add3A_237 : i32
    %add3A_239 = arith.constant 128 : i32
    %add3A_240 = arith.addi %multiple_of3A_232, %add3A_239 : i32
    "tpu.region"() ({
      %run_scoped3A_253 = tpu.sem_alloc : memref<!tpu.dma_semaphore, #tpu.memory_space<semaphore_mem>>
      %dma_start3A_254 = arith.constant 0 : i32
      %dma_start3A_255 = tpu.memref_slice %arg5[%add3A_240, %dma_start3A_254] : memref<20480x128xf32, #tpu.memory_space<hbm>> -> memref<128x128xf32, #tpu.memory_space<hbm>>
      %dma_start3A_256 = arith.constant 0 : i32
      %dma_start3A_257 = tpu.memref_slice %arg11[%add3A_238, %dma_start3A_256] : memref<10240x128xf32, #tpu.memory_space<vmem_shared>> -> memref<128x128xf32, #tpu.memory_space<vmem_shared>>
      tpu.enqueue_dma source(%dma_start3A_257 : memref<128x128xf32, #tpu.memory_space<vmem_shared>>) target(%dma_start3A_255 : memref<128x128xf32, #tpu.memory_space<hbm>>) target_semaphore(%run_scoped3A_253 : memref<!tpu.dma_semaphore, #tpu.memory_space<semaphore_mem>>)
      %dma_wait3A_258 = arith.constant 0 : i32
      %dma_wait3A_259 = tpu.memref_slice %arg5[%add3A_240, %dma_wait3A_258] : memref<20480x128xf32, #tpu.memory_space<hbm>> -> memref<128x128xf32, #tpu.memory_space<hbm>>
      %dma_wait3A_260 = arith.constant 0 : i32
      %dma_wait3A_261 = tpu.memref_slice %arg11[%add3A_238, %dma_wait3A_260] : memref<10240x128xf32, #tpu.memory_space<vmem_shared>> -> memref<128x128xf32, #tpu.memory_space<vmem_shared>>
      tpu.wait_dma2 semaphore(%run_scoped3A_253 : memref<!tpu.dma_semaphore, #tpu.memory_space<semaphore_mem>>) src(%dma_wait3A_261 : memref<128x128xf32, #tpu.memory_space<vmem_shared>>) dst(%dma_wait3A_259 : memref<128x128xf32, #tpu.memory_space<hbm>>)
      tpu.yield
    }) : () -> ()
    %add3A_241 = arith.constant 256 : i32
    %add3A_242 = arith.addi %multiple_of3A, %add3A_241 : i32
    %add3A_243 = arith.constant 256 : i32
    %add3A_244 = arith.addi %multiple_of3A_232, %add3A_243 : i32
    "tpu.region"() ({
      %run_scoped3A_253 = tpu.sem_alloc : memref<!tpu.dma_semaphore, #tpu.memory_space<semaphore_mem>>
      %dma_start3A_254 = arith.constant 0 : i32
      %dma_start3A_255 = tpu.memref_slice %arg5[%add3A_244, %dma_start3A_254] : memref<20480x128xf32, #tpu.memory_space<hbm>> -> memref<128x128xf32, #tpu.memory_space<hbm>>
      %dma_start3A_256 = arith.constant 0 : i32
      %dma_start3A_257 = tpu.memref_slice %arg11[%add3A_242, %dma_start3A_256] : memref<10240x128xf32, #tpu.memory_space<vmem_shared>> -> memref<128x128xf32, #tpu.memory_space<vmem_shared>>
      tpu.enqueue_dma source(%dma_start3A_257 : memref<128x128xf32, #tpu.memory_space<vmem_shared>>) target(%dma_start3A_255 : memref<128x128xf32, #tpu.memory_space<hbm>>) target_semaphore(%run_scoped3A_253 : memref<!tpu.dma_semaphore, #tpu.memory_space<semaphore_mem>>)
      %dma_wait3A_258 = arith.constant 0 : i32
      %dma_wait3A_259 = tpu.memref_slice %arg5[%add3A_244, %dma_wait3A_258] : memref<20480x128xf32, #tpu.memory_space<hbm>> -> memref<128x128xf32, #tpu.memory_space<hbm>>
      %dma_wait3A_260 = arith.constant 0 : i32
      %dma_wait3A_261 = tpu.memref_slice %arg11[%add3A_242, %dma_wait3A_260] : memref<10240x128xf32, #tpu.memory_space<vmem_shared>> -> memref<128x128xf32, #tpu.memory_space<vmem_shared>>
      tpu.wait_dma2 semaphore(%run_scoped3A_253 : memref<!tpu.dma_semaphore, #tpu.memory_space<semaphore_mem>>) src(%dma_wait3A_261 : memref<128x128xf32, #tpu.memory_space<vmem_shared>>) dst(%dma_wait3A_259 : memref<128x128xf32, #tpu.memory_space<hbm>>)
      tpu.yield
    }) : () -> ()
    %add3A_245 = arith.constant 384 : i32
    %add3A_246 = arith.addi %multiple_of3A, %add3A_245 : i32
    %add3A_247 = arith.constant 384 : i32
    %add3A_248 = arith.addi %multiple_of3A_232, %add3A_247 : i32
    "tpu.region"() ({
      %run_scoped3A_253 = tpu.sem_alloc : memref<!tpu.dma_semaphore, #tpu.memory_space<semaphore_mem>>
      %dma_start3A_254 = arith.constant 0 : i32
      %dma_start3A_255 = tpu.memref_slice %arg5[%add3A_248, %dma_start3A_254] : memref<20480x128xf32, #tpu.memory_space<hbm>> -> memref<128x128xf32, #tpu.memory_space<hbm>>
      %dma_start3A_256 = arith.constant 0 : i32
      %dma_start3A_257 = tpu.memref_slice %arg11[%add3A_246, %dma_start3A_256] : memref<10240x128xf32, #tpu.memory_space<vmem_shared>> -> memref<128x128xf32, #tpu.memory_space<vmem_shared>>
      tpu.enqueue_dma source(%dma_start3A_257 : memref<128x128xf32, #tpu.memory_space<vmem_shared>>) target(%dma_start3A_255 : memref<128x128xf32, #tpu.memory_space<hbm>>) target_semaphore(%run_scoped3A_253 : memref<!tpu.dma_semaphore, #tpu.memory_space<semaphore_mem>>)
      %dma_wait3A_258 = arith.constant 0 : i32
      %dma_wait3A_259 = tpu.memref_slice %arg5[%add3A_248, %dma_wait3A_258] : memref<20480x128xf32, #tpu.memory_space<hbm>> -> memref<128x128xf32, #tpu.memory_space<hbm>>
      %dma_wait3A_260 = arith.constant 0 : i32
      %dma_wait3A_261 = tpu.memref_slice %arg11[%add3A_246, %dma_wait3A_260] : memref<10240x128xf32, #tpu.memory_space<vmem_shared>> -> memref<128x128xf32, #tpu.memory_space<vmem_shared>>
      tpu.wait_dma2 semaphore(%run_scoped3A_253 : memref<!tpu.dma_semaphore, #tpu.memory_space<semaphore_mem>>) src(%dma_wait3A_261 : memref<128x128xf32, #tpu.memory_space<vmem_shared>>) dst(%dma_wait3A_259 : memref<128x128xf32, #tpu.memory_space<hbm>>)
      tpu.yield
    }) : () -> ()
    %add3A_249 = arith.constant 512 : i32
    %add3A_250 = arith.addi %multiple_of3A, %add3A_249 : i32
    %add3A_251 = arith.constant 512 : i32
    %add3A_252 = arith.addi %multiple_of3A_232, %add3A_251 : i32
    "tpu.region"() ({
      %run_scoped3A_253 = tpu.sem_alloc : memref<!tpu.dma_semaphore, #tpu.memory_space<semaphore_mem>>
      %dma_start3A_254 = arith.constant 0 : i32
      %dma_start3A_255 = tpu.memref_slice %arg5[%add3A_252, %dma_start3A_254] : memref<20480x128xf32, #tpu.memory_space<hbm>> -> memref<128x128xf32, #tpu.memory_space<hbm>>
      %dma_start3A_256 = arith.constant 0 : i32
      %dma_start3A_257 = tpu.memref_slice %arg11[%add3A_250, %dma_start3A_256] : memref<10240x128xf32, #tpu.memory_space<vmem_shared>> -> memref<128x128xf32, #tpu.memory_space<vmem_shared>>
      tpu.enqueue_dma source(%dma_start3A_257 : memref<128x128xf32, #tpu.memory_space<vmem_shared>>) target(%dma_start3A_255 : memref<128x128xf32, #tpu.memory_space<hbm>>) target_semaphore(%run_scoped3A_253 : memref<!tpu.dma_semaphore, #tpu.memory_space<semaphore_mem>>)
      %dma_wait3A_258 = arith.constant 0 : i32
      %dma_wait3A_259 = tpu.memref_slice %arg5[%add3A_252, %dma_wait3A_258] : memref<20480x128xf32, #tpu.memory_space<hbm>> -> memref<128x128xf32, #tpu.memory_space<hbm>>
      %dma_wait3A_260 = arith.constant 0 : i32
      %dma_wait3A_261 = tpu.memref_slice %arg11[%add3A_250, %dma_wait3A_260] : memref<10240x128xf32, #tpu.memory_space<vmem_shared>> -> memref<128x128xf32, #tpu.memory_space<vmem_shared>>
      tpu.wait_dma2 semaphore(%run_scoped3A_253 : memref<!tpu.dma_semaphore, #tpu.memory_space<semaphore_mem>>) src(%dma_wait3A_261 : memref<128x128xf32, #tpu.memory_space<vmem_shared>>) dst(%dma_wait3A_259 : memref<128x128xf32, #tpu.memory_space<hbm>>)
      tpu.yield
    }) : () -> ()
    "tpu.region"() ({
      %run_scoped3A_253 = tpu.sem_alloc : memref<!tpu.dma_semaphore, #tpu.memory_space<semaphore_mem>>
      %dma_start3A_254 = tpu.memref_slice %arg6[%multiple_of3A_232] : memref<20480xf32, #tpu.memory_space<hbm>> -> memref<640xf32, #tpu.memory_space<hbm>>
      %dma_start3A_255 = tpu.memref_slice %arg12[%multiple_of3A] : memref<10240xf32, #tpu.memory_space<vmem_shared>> -> memref<640xf32, #tpu.memory_space<vmem_shared>>
      tpu.enqueue_dma source(%dma_start3A_255 : memref<640xf32, #tpu.memory_space<vmem_shared>>) target(%dma_start3A_254 : memref<640xf32, #tpu.memory_space<hbm>>) target_semaphore(%run_scoped3A_253 : memref<!tpu.dma_semaphore, #tpu.memory_space<semaphore_mem>>)
      %dma_wait3A_256 = tpu.memref_slice %arg6[%multiple_of3A_232] : memref<20480xf32, #tpu.memory_space<hbm>> -> memref<640xf32, #tpu.memory_space<hbm>>
      %dma_wait3A_257 = tpu.memref_slice %arg12[%multiple_of3A] : memref<10240xf32, #tpu.memory_space<vmem_shared>> -> memref<640xf32, #tpu.memory_space<vmem_shared>>
      tpu.wait_dma2 semaphore(%run_scoped3A_253 : memref<!tpu.dma_semaphore, #tpu.memory_space<semaphore_mem>>) src(%dma_wait3A_257 : memref<640xf32, #tpu.memory_space<vmem_shared>>) dst(%dma_wait3A_256 : memref<640xf32, #tpu.memory_space<hbm>>)
      tpu.yield
    }) : () -> ()
    return
  }
}

module attributes {stable_mosaic.version = 14 : i64} {
  func.func @body(%arg0: i32, %arg1: memref<1024x128xf32, #tpu.memory_space<vmem>>, %arg2: memref<128x128xf32, #tpu.memory_space<vmem>>, %arg3: memref<8x128xf32, #tpu.memory_space<vmem>>, %arg4: memref<8x128xf32, #tpu.memory_space<vmem>>, %arg5: memref<1024x128xf32, #tpu.memory_space<vmem>>, %arg6: memref<8x128xf32, #tpu.memory_space<vmem>>) attributes {dimension_semantics = [#tpu.dimension_semantics<arbitrary>], iteration_bounds = array<i64: 10>, scalar_prefetch = 0 : i64, scratch_operands = 0 : i64, tpu.core_type = #tpu.core_type<tc>, window_params = [{transform_indices = @transform_0, window_bounds = array<i64: 1024, 128>}, {pipeline_mode = #tpu.pipeline_mode<synchronous>, transform_indices = @transform_1, window_bounds = array<i64: 128, 128>}, {transform_indices = @transform_2, window_bounds = array<i64: 8, 128>}, {transform_indices = @transform_3, window_bounds = array<i64: 8, 128>}, {transform_indices = @transform_4, window_bounds = array<i64: 1024, 128>}, {transform_indices = @transform_5, window_bounds = array<i64: 8, 128>}]} {
    %get3A = arith.constant 0 : index
    %get3A_0 = arith.constant 0 : index
    %get3A_1 = vector.load %arg3[%get3A, %get3A_0] : memref<8x128xf32, #tpu.memory_space<vmem>>, vector<8x128xf32>
    %add3A = arith.constant 1.000000e+00 : f32
    %add3A_2 = vector.broadcast %add3A : f32 to vector<8x128xf32>
    %add3A_3 = arith.addf %add3A_2, %get3A_1 : vector<8x128xf32>
    %get3A_4 = arith.constant 0 : index
    %get3A_5 = arith.constant 0 : index
    %get3A_6 = vector.load %arg4[%get3A_4, %get3A_5] : memref<8x128xf32, #tpu.memory_space<vmem>>, vector<8x128xf32>
    %add3A_7 = arith.addf %add3A_3, %get3A_6 : vector<8x128xf32>
    %mul3A = arith.constant 1024 : i32
    %mul3A_8 = arith.muli %arg0, %mul3A : i32
    %iota3A = tpu.iota {dimensions = array<i32: 0>} : vector<8x128xi32>
    %mul3A_9 = arith.constant 128 : i32
    %mul3A_10 = vector.broadcast %mul3A_9 : i32 to vector<8x128xi32>
    %mul3A_11 = arith.muli %iota3A, %mul3A_10 : vector<8x128xi32>
    %add3A_12 = vector.broadcast %mul3A_8 : i32 to vector<8x128xi32>
    %add3A_13 = arith.addi %add3A_12, %mul3A_11 : vector<8x128xi32>
    %iota3A_14 = tpu.iota {dimensions = array<i32: 1>} : vector<8x128xi32>
    %add3A_15 = arith.addi %add3A_13, %iota3A_14 : vector<8x128xi32>
    %lt3A = arith.constant 10000 : i32
    %lt3A_16 = vector.broadcast %lt3A : i32 to vector<8x128xi32>
    %lt3A_17 = arith.cmpi slt, %add3A_15, %lt3A_16 : vector<8x128xi32>
    %rsqrt3A = math.rsqrt %add3A_7 : vector<8x128xf32>
    %jit3A = arith.constant 0.000000e+00 : f32
    %broadcast_in_dim3A = vector.broadcast %jit3A : f32 to vector<8x128xf32>
    %select_n3A = arith.select %lt3A_17, %rsqrt3A, %broadcast_in_dim3A : vector<8x128xi1>, vector<8x128xf32>
    %get3A_18 = arith.constant 0 : index
    %get3A_19 = arith.constant 0 : index
    %get3A_20 = vector.load %arg1[%get3A_18, %get3A_19] : memref<1024x128xf32, #tpu.memory_space<vmem>>, vector<1024x128xf32>
    %get3A_21 = arith.constant 0 : index
    %get3A_22 = arith.constant 0 : index
    %get3A_23 = vector.load %arg2[%get3A_21, %get3A_22] : memref<128x128xf32, #tpu.memory_space<vmem>>, vector<128x128xf32>
    %dot_general3A = arith.constant dense<0.000000e+00> : vector<1024x128xf32>
    %dot_general3A_24 = tpu.matmul %get3A_20, %get3A_23, %dot_general3A {dimension_numbers = #tpu.dot_dimension_numbers<[1], [0], [0], [1], [0, 0, 1, 1], [], []>, transpose_lhs_hint = false} : vector<1024x128xf32>, vector<128x128xf32>, vector<1024x128xf32> -> vector<1024x128xf32>
    %slice3A = vector.extract_strided_slice %select_n3A {offsets = [0, 0], sizes = [1, 128], strides = [1, 1]} : vector<8x128xf32> to vector<1x128xf32>
    %transpose3A = tpu.transpose %slice3A, [1, 0] : vector<1x128xf32> -> vector<128x1xf32>
    %slice3A_25 = vector.extract_strided_slice %dot_general3A_24 {offsets = [0, 0], sizes = [128, 128], strides = [1, 1]} : vector<1024x128xf32> to vector<128x128xf32>
    %mul3A_26 = vector.broadcast %transpose3A : vector<128x1xf32> to vector<128x128xf32>
    %mul3A_27 = arith.mulf %slice3A_25, %mul3A_26 : vector<128x128xf32>
    %swap3A = arith.constant 0 : index
    %swap3A_28 = arith.constant 0 : index
    %swap3A_29 = vector.load %arg5[%swap3A, %swap3A_28] : memref<1024x128xf32, #tpu.memory_space<vmem>>, vector<128x128xf32>
    tpu.vector_store %arg5[%swap3A, %swap3A_28], %mul3A_27 {strides = array<i32>} : memref<1024x128xf32, #tpu.memory_space<vmem>>, vector<128x128xf32>,
    %slice3A_30 = vector.extract_strided_slice %select_n3A {offsets = [1, 0], sizes = [1, 128], strides = [1, 1]} : vector<8x128xf32> to vector<1x128xf32>
    %transpose3A_31 = tpu.transpose %slice3A_30, [1, 0] : vector<1x128xf32> -> vector<128x1xf32>
    %slice3A_32 = vector.extract_strided_slice %dot_general3A_24 {offsets = [128, 0], sizes = [128, 128], strides = [1, 1]} : vector<1024x128xf32> to vector<128x128xf32>
    %mul3A_33 = vector.broadcast %transpose3A_31 : vector<128x1xf32> to vector<128x128xf32>
    %mul3A_34 = arith.mulf %slice3A_32, %mul3A_33 : vector<128x128xf32>
    %swap3A_35 = arith.constant 128 : index
    %swap3A_36 = arith.constant 0 : index
    %swap3A_37 = vector.load %arg5[%swap3A_35, %swap3A_36] : memref<1024x128xf32, #tpu.memory_space<vmem>>, vector<128x128xf32>
    tpu.vector_store %arg5[%swap3A_35, %swap3A_36], %mul3A_34 {strides = array<i32>} : memref<1024x128xf32, #tpu.memory_space<vmem>>, vector<128x128xf32>,
    %slice3A_38 = vector.extract_strided_slice %select_n3A {offsets = [2, 0], sizes = [1, 128], strides = [1, 1]} : vector<8x128xf32> to vector<1x128xf32>
    %transpose3A_39 = tpu.transpose %slice3A_38, [1, 0] : vector<1x128xf32> -> vector<128x1xf32>
    %slice3A_40 = vector.extract_strided_slice %dot_general3A_24 {offsets = [256, 0], sizes = [128, 128], strides = [1, 1]} : vector<1024x128xf32> to vector<128x128xf32>
    %mul3A_41 = vector.broadcast %transpose3A_39 : vector<128x1xf32> to vector<128x128xf32>
    %mul3A_42 = arith.mulf %slice3A_40, %mul3A_41 : vector<128x128xf32>
    %swap3A_43 = arith.constant 256 : index
    %swap3A_44 = arith.constant 0 : index
    %swap3A_45 = vector.load %arg5[%swap3A_43, %swap3A_44] : memref<1024x128xf32, #tpu.memory_space<vmem>>, vector<128x128xf32>
    tpu.vector_store %arg5[%swap3A_43, %swap3A_44], %mul3A_42 {strides = array<i32>} : memref<1024x128xf32, #tpu.memory_space<vmem>>, vector<128x128xf32>,
    %slice3A_46 = vector.extract_strided_slice %select_n3A {offsets = [3, 0], sizes = [1, 128], strides = [1, 1]} : vector<8x128xf32> to vector<1x128xf32>
    %transpose3A_47 = tpu.transpose %slice3A_46, [1, 0] : vector<1x128xf32> -> vector<128x1xf32>
    %slice3A_48 = vector.extract_strided_slice %dot_general3A_24 {offsets = [384, 0], sizes = [128, 128], strides = [1, 1]} : vector<1024x128xf32> to vector<128x128xf32>
    %mul3A_49 = vector.broadcast %transpose3A_47 : vector<128x1xf32> to vector<128x128xf32>
    %mul3A_50 = arith.mulf %slice3A_48, %mul3A_49 : vector<128x128xf32>
    %swap3A_51 = arith.constant 384 : index
    %swap3A_52 = arith.constant 0 : index
    %swap3A_53 = vector.load %arg5[%swap3A_51, %swap3A_52] : memref<1024x128xf32, #tpu.memory_space<vmem>>, vector<128x128xf32>
    tpu.vector_store %arg5[%swap3A_51, %swap3A_52], %mul3A_50 {strides = array<i32>} : memref<1024x128xf32, #tpu.memory_space<vmem>>, vector<128x128xf32>,
    %slice3A_54 = vector.extract_strided_slice %select_n3A {offsets = [4, 0], sizes = [1, 128], strides = [1, 1]} : vector<8x128xf32> to vector<1x128xf32>
    %transpose3A_55 = tpu.transpose %slice3A_54, [1, 0] : vector<1x128xf32> -> vector<128x1xf32>
    %slice3A_56 = vector.extract_strided_slice %dot_general3A_24 {offsets = [512, 0], sizes = [128, 128], strides = [1, 1]} : vector<1024x128xf32> to vector<128x128xf32>
    %mul3A_57 = vector.broadcast %transpose3A_55 : vector<128x1xf32> to vector<128x128xf32>
    %mul3A_58 = arith.mulf %slice3A_56, %mul3A_57 : vector<128x128xf32>
    %swap3A_59 = arith.constant 512 : index
    %swap3A_60 = arith.constant 0 : index
    %swap3A_61 = vector.load %arg5[%swap3A_59, %swap3A_60] : memref<1024x128xf32, #tpu.memory_space<vmem>>, vector<128x128xf32>
    tpu.vector_store %arg5[%swap3A_59, %swap3A_60], %mul3A_58 {strides = array<i32>} : memref<1024x128xf32, #tpu.memory_space<vmem>>, vector<128x128xf32>,
    %slice3A_62 = vector.extract_strided_slice %select_n3A {offsets = [5, 0], sizes = [1, 128], strides = [1, 1]} : vector<8x128xf32> to vector<1x128xf32>
    %transpose3A_63 = tpu.transpose %slice3A_62, [1, 0] : vector<1x128xf32> -> vector<128x1xf32>
    %slice3A_64 = vector.extract_strided_slice %dot_general3A_24 {offsets = [640, 0], sizes = [128, 128], strides = [1, 1]} : vector<1024x128xf32> to vector<128x128xf32>
    %mul3A_65 = vector.broadcast %transpose3A_63 : vector<128x1xf32> to vector<128x128xf32>
    %mul3A_66 = arith.mulf %slice3A_64, %mul3A_65 : vector<128x128xf32>
    %swap3A_67 = arith.constant 640 : index
    %swap3A_68 = arith.constant 0 : index
    %swap3A_69 = vector.load %arg5[%swap3A_67, %swap3A_68] : memref<1024x128xf32, #tpu.memory_space<vmem>>, vector<128x128xf32>
    tpu.vector_store %arg5[%swap3A_67, %swap3A_68], %mul3A_66 {strides = array<i32>} : memref<1024x128xf32, #tpu.memory_space<vmem>>, vector<128x128xf32>,
    %slice3A_70 = vector.extract_strided_slice %select_n3A {offsets = [6, 0], sizes = [1, 128], strides = [1, 1]} : vector<8x128xf32> to vector<1x128xf32>
    %transpose3A_71 = tpu.transpose %slice3A_70, [1, 0] : vector<1x128xf32> -> vector<128x1xf32>
    %slice3A_72 = vector.extract_strided_slice %dot_general3A_24 {offsets = [768, 0], sizes = [128, 128], strides = [1, 1]} : vector<1024x128xf32> to vector<128x128xf32>
    %mul3A_73 = vector.broadcast %transpose3A_71 : vector<128x1xf32> to vector<128x128xf32>
    %mul3A_74 = arith.mulf %slice3A_72, %mul3A_73 : vector<128x128xf32>
    %swap3A_75 = arith.constant 768 : index
    %swap3A_76 = arith.constant 0 : index
    %swap3A_77 = vector.load %arg5[%swap3A_75, %swap3A_76] : memref<1024x128xf32, #tpu.memory_space<vmem>>, vector<128x128xf32>
    tpu.vector_store %arg5[%swap3A_75, %swap3A_76], %mul3A_74 {strides = array<i32>} : memref<1024x128xf32, #tpu.memory_space<vmem>>, vector<128x128xf32>,
    %slice3A_78 = vector.extract_strided_slice %select_n3A {offsets = [7, 0], sizes = [1, 128], strides = [1, 1]} : vector<8x128xf32> to vector<1x128xf32>
    %transpose3A_79 = tpu.transpose %slice3A_78, [1, 0] : vector<1x128xf32> -> vector<128x1xf32>
    %slice3A_80 = vector.extract_strided_slice %dot_general3A_24 {offsets = [896, 0], sizes = [128, 128], strides = [1, 1]} : vector<1024x128xf32> to vector<128x128xf32>
    %mul3A_81 = vector.broadcast %transpose3A_79 : vector<128x1xf32> to vector<128x128xf32>
    %mul3A_82 = arith.mulf %slice3A_80, %mul3A_81 : vector<128x128xf32>
    %swap3A_83 = arith.constant 896 : index
    %swap3A_84 = arith.constant 0 : index
    %swap3A_85 = vector.load %arg5[%swap3A_83, %swap3A_84] : memref<1024x128xf32, #tpu.memory_space<vmem>>, vector<128x128xf32>
    tpu.vector_store %arg5[%swap3A_83, %swap3A_84], %mul3A_82 {strides = array<i32>} : memref<1024x128xf32, #tpu.memory_space<vmem>>, vector<128x128xf32>,
    %swap3A_86 = arith.constant 0 : index
    %swap3A_87 = arith.constant 0 : index
    %swap3A_88 = vector.load %arg6[%swap3A_86, %swap3A_87] : memref<8x128xf32, #tpu.memory_space<vmem>>, vector<8x128xf32>
    tpu.vector_store %arg6[%swap3A_86, %swap3A_87], %select_n3A {strides = array<i32>} : memref<8x128xf32, #tpu.memory_space<vmem>>, vector<8x128xf32>,
    return
  }
  func.func @transform_0(%arg0: i32) -> (i32, i32) {
    %c0_i32 = arith.constant 0 : i32
    %c0_i32_0 = arith.constant 0 : i32
    return %arg0, %c0_i32 : i32, i32
  }
  func.func @transform_1(%arg0: i32) -> (i32, i32) {
    %c0_i32 = arith.constant 0 : i32
    %c0_i32_0 = arith.constant 0 : i32
    %c0_i32_1 = arith.constant 0 : i32
    return %c0_i32, %c0_i32_0 : i32, i32
  }
  func.func @transform_2(%arg0: i32) -> (i32, i32) {
    %c0_i32 = arith.constant 0 : i32
    %c0_i32_0 = arith.constant 0 : i32
    return %arg0, %c0_i32 : i32, i32
  }
  func.func @transform_3(%arg0: i32) -> (i32, i32) {
    %add3A = arith.constant 10 : i32
    %add3A_0 = arith.addi %add3A, %arg0 : i32
    %c0_i32 = arith.constant 0 : i32
    %c0_i32_1 = arith.constant 0 : i32
    return %add3A_0, %c0_i32 : i32, i32
  }
  func.func @transform_4(%arg0: i32) -> (i32, i32) {
    %c0_i32 = arith.constant 0 : i32
    %c0_i32_0 = arith.constant 0 : i32
    return %arg0, %c0_i32 : i32, i32
  }
  func.func @transform_5(%arg0: i32) -> (i32, i32) {
    %c0_i32 = arith.constant 0 : i32
    %c0_i32_0 = arith.constant 0 : i32
    return %arg0, %c0_i32 : i32, i32
  }
}

module attributes {stable_mosaic.version = 14 : i64} {
  func.func @body(%arg0: i32, %arg1: memref<1024x128xf32, #tpu.memory_space<vmem>>, %arg2: memref<1024x128xf32, #tpu.memory_space<vmem>>, %arg3: memref<1024x128xf32, #tpu.memory_space<vmem>>, %arg4: memref<8x128xf32, #tpu.memory_space<vmem>>, %arg5: memref<8x128xf32, #tpu.memory_space<vmem>>, %arg6: memref<8x128xf32, #tpu.memory_space<vmem>>, %arg7: memref<1x128xf32, #tpu.memory_space<vmem>>, %arg8: memref<128x64xf32, #tpu.memory_space<vmem>>, %arg9: memref<1x64xf32, #tpu.memory_space<vmem>>, %arg10: memref<128x64xf32, #tpu.memory_space<vmem>>, %arg11: memref<1x64xf32, #tpu.memory_space<vmem>>, %arg12: memref<1x64xf32, #tpu.memory_space<vmem>>, %arg13: memref<1x64xf32, #tpu.memory_space<vmem>>, %arg14: memref<1x128xf32, #tpu.memory_space<vmem>>) attributes {dimension_semantics = [#tpu.dimension_semantics<arbitrary>], iteration_bounds = array<i64: 10>, scalar_prefetch = 0 : i64, scratch_operands = 1 : i64, tpu.core_type = #tpu.core_type<tc>, window_params = [{transform_indices = @transform_0, window_bounds = array<i64: 1024, 128>}, {transform_indices = @transform_1, window_bounds = array<i64: 1024, 128>}, {transform_indices = @transform_2, window_bounds = array<i64: 1024, 128>}, {transform_indices = @transform_3, window_bounds = array<i64: 8, 128>}, {transform_indices = @transform_4, window_bounds = array<i64: 8, 128>}, {transform_indices = @transform_5, window_bounds = array<i64: 8, 128>}, {pipeline_mode = #tpu.pipeline_mode<synchronous>, transform_indices = @transform_6, window_bounds = array<i64: 1, 128>}, {pipeline_mode = #tpu.pipeline_mode<synchronous>, transform_indices = @transform_7, window_bounds = array<i64: 128, 64>}, {pipeline_mode = #tpu.pipeline_mode<synchronous>, transform_indices = @transform_8, window_bounds = array<i64: 1, 64>}, {pipeline_mode = #tpu.pipeline_mode<synchronous>, transform_indices = @transform_9, window_bounds = array<i64: 128, 64>}, {pipeline_mode = #tpu.pipeline_mode<synchronous>, transform_indices = @transform_10, window_bounds = array<i64: 1, 64>}, {pipeline_mode = #tpu.pipeline_mode<synchronous>, transform_indices = @transform_11, window_bounds = array<i64: 1, 64>}, {pipeline_mode = #tpu.pipeline_mode<synchronous>, transform_indices = @transform_12, window_bounds = array<i64: 1, 64>}]} {
    %get3A = arith.constant 0 : index
    %get3A_0 = arith.constant 0 : index
    %get3A_1 = vector.load %arg1[%get3A, %get3A_0] : memref<1024x128xf32, #tpu.memory_space<vmem>>, vector<1024x128xf32>
    %get3A_2 = arith.constant 0 : index
    %get3A_3 = arith.constant 0 : index
    %get3A_4 = vector.load %arg2[%get3A_2, %get3A_3] : memref<1024x128xf32, #tpu.memory_space<vmem>>, vector<1024x128xf32>
    %add3A = arith.addf %get3A_1, %get3A_4 : vector<1024x128xf32>
    %get3A_5 = arith.constant 0 : index
    %get3A_6 = arith.constant 0 : index
    %get3A_7 = vector.load %arg4[%get3A_5, %get3A_6] : memref<8x128xf32, #tpu.memory_space<vmem>>, vector<8x128xf32>
    %get3A_8 = arith.constant 0 : index
    %get3A_9 = arith.constant 0 : index
    %get3A_10 = vector.load %arg5[%get3A_8, %get3A_9] : memref<8x128xf32, #tpu.memory_space<vmem>>, vector<8x128xf32>
    %get3A_11 = arith.constant 0 : index
    %get3A_12 = arith.constant 0 : index
    %get3A_13 = vector.load %arg6[%get3A_11, %get3A_12] : memref<8x128xf32, #tpu.memory_space<vmem>>, vector<8x128xf32>
    %add3A_14 = arith.addf %get3A_10, %get3A_13 : vector<8x128xf32>
    %add3A_15 = arith.addf %add3A_14, %get3A_7 : vector<8x128xf32>
    %mul3A = arith.mulf %get3A_7, %add3A_15 : vector<8x128xf32>
    %get3A_16 = arith.constant 0 : index
    %get3A_17 = arith.constant 0 : index
    %get3A_18 = vector.load %arg3[%get3A_16, %get3A_17] : memref<1024x128xf32, #tpu.memory_space<vmem>>, vector<1024x128xf32>
    %get3A_19 = arith.constant 0 : index
    %get3A_20 = arith.constant 0 : index
    %get3A_21 = vector.load %arg7[%get3A_19, %get3A_20] : memref<1x128xf32, #tpu.memory_space<vmem>>, vector<1x128xf32>
    %broadcast_in_dim3A = arith.constant 0.000000e+00 : f32
    %broadcast_in_dim3A_22 = vector.broadcast %broadcast_in_dim3A : f32 to vector<1x128xf32>
    %slice3A = vector.extract_strided_slice %get3A_7 {offsets = [0, 0], sizes = [1, 128], strides = [1, 1]} : vector<8x128xf32> to vector<1x128xf32>
    %transpose3A = tpu.transpose %slice3A, [1, 0] : vector<1x128xf32> -> vector<128x1xf32>
    %slice3A_23 = vector.extract_strided_slice %add3A {offsets = [0, 0], sizes = [128, 128], strides = [1, 1]} : vector<1024x128xf32> to vector<128x128xf32>
    %slice3A_24 = vector.extract_strided_slice %get3A_18 {offsets = [0, 0], sizes = [128, 128], strides = [1, 1]} : vector<1024x128xf32> to vector<128x128xf32>
    %add3A_25 = arith.addf %slice3A_23, %slice3A_24 : vector<128x128xf32>
    %mul3A_26 = vector.broadcast %transpose3A : vector<128x1xf32> to vector<128x128xf32>
    %mul3A_27 = arith.mulf %mul3A_26, %add3A_25 : vector<128x128xf32>
    %add3A_28 = vector.broadcast %get3A_21 : vector<1x128xf32> to vector<128x128xf32>
    %add3A_29 = arith.addf %mul3A_27, %add3A_28 : vector<128x128xf32>
    %max3A = arith.constant 0.000000e+00 : f32
    %max3A_30 = vector.broadcast %max3A : f32 to vector<128x128xf32>
    %max3A_31 = arith.maximumf %add3A_29, %max3A_30 : vector<128x128xf32>
    %slice3A_32 = vector.extract_strided_slice %mul3A {offsets = [0, 0], sizes = [1, 128], strides = [1, 1]} : vector<8x128xf32> to vector<1x128xf32>
    %dot_general3A = arith.constant dense<0.000000e+00> : vector<1x128xf32>
    %dot_general3A_33 = tpu.matmul %slice3A_32, %max3A_31, %dot_general3A {dimension_numbers = #tpu.dot_dimension_numbers<[1], [0], [0], [1], [0, 0, 1, 1], [], []>, transpose_lhs_hint = false} : vector<1x128xf32>, vector<128x128xf32>, vector<1x128xf32> -> vector<1x128xf32>
    %add3A_34 = arith.addf %broadcast_in_dim3A_22, %dot_general3A_33 : vector<1x128xf32>
    %slice3A_35 = vector.extract_strided_slice %get3A_7 {offsets = [1, 0], sizes = [1, 128], strides = [1, 1]} : vector<8x128xf32> to vector<1x128xf32>
    %transpose3A_36 = tpu.transpose %slice3A_35, [1, 0] : vector<1x128xf32> -> vector<128x1xf32>
    %slice3A_37 = vector.extract_strided_slice %add3A {offsets = [128, 0], sizes = [128, 128], strides = [1, 1]} : vector<1024x128xf32> to vector<128x128xf32>
    %slice3A_38 = vector.extract_strided_slice %get3A_18 {offsets = [128, 0], sizes = [128, 128], strides = [1, 1]} : vector<1024x128xf32> to vector<128x128xf32>
    %add3A_39 = arith.addf %slice3A_37, %slice3A_38 : vector<128x128xf32>
    %mul3A_40 = vector.broadcast %transpose3A_36 : vector<128x1xf32> to vector<128x128xf32>
    %mul3A_41 = arith.mulf %mul3A_40, %add3A_39 : vector<128x128xf32>
    %add3A_42 = vector.broadcast %get3A_21 : vector<1x128xf32> to vector<128x128xf32>
    %add3A_43 = arith.addf %mul3A_41, %add3A_42 : vector<128x128xf32>
    %max3A_44 = arith.constant 0.000000e+00 : f32
    %max3A_45 = vector.broadcast %max3A_44 : f32 to vector<128x128xf32>
    %max3A_46 = arith.maximumf %add3A_43, %max3A_45 : vector<128x128xf32>
    %slice3A_47 = vector.extract_strided_slice %mul3A {offsets = [1, 0], sizes = [1, 128], strides = [1, 1]} : vector<8x128xf32> to vector<1x128xf32>
    %dot_general3A_48 = arith.constant dense<0.000000e+00> : vector<1x128xf32>
    %dot_general3A_49 = tpu.matmul %slice3A_47, %max3A_46, %dot_general3A_48 {dimension_numbers = #tpu.dot_dimension_numbers<[1], [0], [0], [1], [0, 0, 1, 1], [], []>, transpose_lhs_hint = false} : vector<1x128xf32>, vector<128x128xf32>, vector<1x128xf32> -> vector<1x128xf32>
    %add3A_50 = arith.addf %add3A_34, %dot_general3A_49 : vector<1x128xf32>
    %slice3A_51 = vector.extract_strided_slice %get3A_7 {offsets = [2, 0], sizes = [1, 128], strides = [1, 1]} : vector<8x128xf32> to vector<1x128xf32>
    %transpose3A_52 = tpu.transpose %slice3A_51, [1, 0] : vector<1x128xf32> -> vector<128x1xf32>
    %slice3A_53 = vector.extract_strided_slice %add3A {offsets = [256, 0], sizes = [128, 128], strides = [1, 1]} : vector<1024x128xf32> to vector<128x128xf32>
    %slice3A_54 = vector.extract_strided_slice %get3A_18 {offsets = [256, 0], sizes = [128, 128], strides = [1, 1]} : vector<1024x128xf32> to vector<128x128xf32>
    %add3A_55 = arith.addf %slice3A_53, %slice3A_54 : vector<128x128xf32>
    %mul3A_56 = vector.broadcast %transpose3A_52 : vector<128x1xf32> to vector<128x128xf32>
    %mul3A_57 = arith.mulf %mul3A_56, %add3A_55 : vector<128x128xf32>
    %add3A_58 = vector.broadcast %get3A_21 : vector<1x128xf32> to vector<128x128xf32>
    %add3A_59 = arith.addf %mul3A_57, %add3A_58 : vector<128x128xf32>
    %max3A_60 = arith.constant 0.000000e+00 : f32
    %max3A_61 = vector.broadcast %max3A_60 : f32 to vector<128x128xf32>
    %max3A_62 = arith.maximumf %add3A_59, %max3A_61 : vector<128x128xf32>
    %slice3A_63 = vector.extract_strided_slice %mul3A {offsets = [2, 0], sizes = [1, 128], strides = [1, 1]} : vector<8x128xf32> to vector<1x128xf32>
    %dot_general3A_64 = arith.constant dense<0.000000e+00> : vector<1x128xf32>
    %dot_general3A_65 = tpu.matmul %slice3A_63, %max3A_62, %dot_general3A_64 {dimension_numbers = #tpu.dot_dimension_numbers<[1], [0], [0], [1], [0, 0, 1, 1], [], []>, transpose_lhs_hint = false} : vector<1x128xf32>, vector<128x128xf32>, vector<1x128xf32> -> vector<1x128xf32>
    %add3A_66 = arith.addf %add3A_50, %dot_general3A_65 : vector<1x128xf32>
    %slice3A_67 = vector.extract_strided_slice %get3A_7 {offsets = [3, 0], sizes = [1, 128], strides = [1, 1]} : vector<8x128xf32> to vector<1x128xf32>
    %transpose3A_68 = tpu.transpose %slice3A_67, [1, 0] : vector<1x128xf32> -> vector<128x1xf32>
    %slice3A_69 = vector.extract_strided_slice %add3A {offsets = [384, 0], sizes = [128, 128], strides = [1, 1]} : vector<1024x128xf32> to vector<128x128xf32>
    %slice3A_70 = vector.extract_strided_slice %get3A_18 {offsets = [384, 0], sizes = [128, 128], strides = [1, 1]} : vector<1024x128xf32> to vector<128x128xf32>
    %add3A_71 = arith.addf %slice3A_69, %slice3A_70 : vector<128x128xf32>
    %mul3A_72 = vector.broadcast %transpose3A_68 : vector<128x1xf32> to vector<128x128xf32>
    %mul3A_73 = arith.mulf %mul3A_72, %add3A_71 : vector<128x128xf32>
    %add3A_74 = vector.broadcast %get3A_21 : vector<1x128xf32> to vector<128x128xf32>
    %add3A_75 = arith.addf %mul3A_73, %add3A_74 : vector<128x128xf32>
    %max3A_76 = arith.constant 0.000000e+00 : f32
    %max3A_77 = vector.broadcast %max3A_76 : f32 to vector<128x128xf32>
    %max3A_78 = arith.maximumf %add3A_75, %max3A_77 : vector<128x128xf32>
    %slice3A_79 = vector.extract_strided_slice %mul3A {offsets = [3, 0], sizes = [1, 128], strides = [1, 1]} : vector<8x128xf32> to vector<1x128xf32>
    %dot_general3A_80 = arith.constant dense<0.000000e+00> : vector<1x128xf32>
    %dot_general3A_81 = tpu.matmul %slice3A_79, %max3A_78, %dot_general3A_80 {dimension_numbers = #tpu.dot_dimension_numbers<[1], [0], [0], [1], [0, 0, 1, 1], [], []>, transpose_lhs_hint = false} : vector<1x128xf32>, vector<128x128xf32>, vector<1x128xf32> -> vector<1x128xf32>
    %add3A_82 = arith.addf %add3A_66, %dot_general3A_81 : vector<1x128xf32>
    %slice3A_83 = vector.extract_strided_slice %get3A_7 {offsets = [4, 0], sizes = [1, 128], strides = [1, 1]} : vector<8x128xf32> to vector<1x128xf32>
    %transpose3A_84 = tpu.transpose %slice3A_83, [1, 0] : vector<1x128xf32> -> vector<128x1xf32>
    %slice3A_85 = vector.extract_strided_slice %add3A {offsets = [512, 0], sizes = [128, 128], strides = [1, 1]} : vector<1024x128xf32> to vector<128x128xf32>
    %slice3A_86 = vector.extract_strided_slice %get3A_18 {offsets = [512, 0], sizes = [128, 128], strides = [1, 1]} : vector<1024x128xf32> to vector<128x128xf32>
    %add3A_87 = arith.addf %slice3A_85, %slice3A_86 : vector<128x128xf32>
    %mul3A_88 = vector.broadcast %transpose3A_84 : vector<128x1xf32> to vector<128x128xf32>
    %mul3A_89 = arith.mulf %mul3A_88, %add3A_87 : vector<128x128xf32>
    %add3A_90 = vector.broadcast %get3A_21 : vector<1x128xf32> to vector<128x128xf32>
    %add3A_91 = arith.addf %mul3A_89, %add3A_90 : vector<128x128xf32>
    %max3A_92 = arith.constant 0.000000e+00 : f32
    %max3A_93 = vector.broadcast %max3A_92 : f32 to vector<128x128xf32>
    %max3A_94 = arith.maximumf %add3A_91, %max3A_93 : vector<128x128xf32>
    %slice3A_95 = vector.extract_strided_slice %mul3A {offsets = [4, 0], sizes = [1, 128], strides = [1, 1]} : vector<8x128xf32> to vector<1x128xf32>
    %dot_general3A_96 = arith.constant dense<0.000000e+00> : vector<1x128xf32>
    %dot_general3A_97 = tpu.matmul %slice3A_95, %max3A_94, %dot_general3A_96 {dimension_numbers = #tpu.dot_dimension_numbers<[1], [0], [0], [1], [0, 0, 1, 1], [], []>, transpose_lhs_hint = false} : vector<1x128xf32>, vector<128x128xf32>, vector<1x128xf32> -> vector<1x128xf32>
    %add3A_98 = arith.addf %add3A_82, %dot_general3A_97 : vector<1x128xf32>
    %slice3A_99 = vector.extract_strided_slice %get3A_7 {offsets = [5, 0], sizes = [1, 128], strides = [1, 1]} : vector<8x128xf32> to vector<1x128xf32>
    %transpose3A_100 = tpu.transpose %slice3A_99, [1, 0] : vector<1x128xf32> -> vector<128x1xf32>
    %slice3A_101 = vector.extract_strided_slice %add3A {offsets = [640, 0], sizes = [128, 128], strides = [1, 1]} : vector<1024x128xf32> to vector<128x128xf32>
    %slice3A_102 = vector.extract_strided_slice %get3A_18 {offsets = [640, 0], sizes = [128, 128], strides = [1, 1]} : vector<1024x128xf32> to vector<128x128xf32>
    %add3A_103 = arith.addf %slice3A_101, %slice3A_102 : vector<128x128xf32>
    %mul3A_104 = vector.broadcast %transpose3A_100 : vector<128x1xf32> to vector<128x128xf32>
    %mul3A_105 = arith.mulf %mul3A_104, %add3A_103 : vector<128x128xf32>
    %add3A_106 = vector.broadcast %get3A_21 : vector<1x128xf32> to vector<128x128xf32>
    %add3A_107 = arith.addf %mul3A_105, %add3A_106 : vector<128x128xf32>
    %max3A_108 = arith.constant 0.000000e+00 : f32
    %max3A_109 = vector.broadcast %max3A_108 : f32 to vector<128x128xf32>
    %max3A_110 = arith.maximumf %add3A_107, %max3A_109 : vector<128x128xf32>
    %slice3A_111 = vector.extract_strided_slice %mul3A {offsets = [5, 0], sizes = [1, 128], strides = [1, 1]} : vector<8x128xf32> to vector<1x128xf32>
    %dot_general3A_112 = arith.constant dense<0.000000e+00> : vector<1x128xf32>
    %dot_general3A_113 = tpu.matmul %slice3A_111, %max3A_110, %dot_general3A_112 {dimension_numbers = #tpu.dot_dimension_numbers<[1], [0], [0], [1], [0, 0, 1, 1], [], []>, transpose_lhs_hint = false} : vector<1x128xf32>, vector<128x128xf32>, vector<1x128xf32> -> vector<1x128xf32>
    %add3A_114 = arith.addf %add3A_98, %dot_general3A_113 : vector<1x128xf32>
    %slice3A_115 = vector.extract_strided_slice %get3A_7 {offsets = [6, 0], sizes = [1, 128], strides = [1, 1]} : vector<8x128xf32> to vector<1x128xf32>
    %transpose3A_116 = tpu.transpose %slice3A_115, [1, 0] : vector<1x128xf32> -> vector<128x1xf32>
    %slice3A_117 = vector.extract_strided_slice %add3A {offsets = [768, 0], sizes = [128, 128], strides = [1, 1]} : vector<1024x128xf32> to vector<128x128xf32>
    %slice3A_118 = vector.extract_strided_slice %get3A_18 {offsets = [768, 0], sizes = [128, 128], strides = [1, 1]} : vector<1024x128xf32> to vector<128x128xf32>
    %add3A_119 = arith.addf %slice3A_117, %slice3A_118 : vector<128x128xf32>
    %mul3A_120 = vector.broadcast %transpose3A_116 : vector<128x1xf32> to vector<128x128xf32>
    %mul3A_121 = arith.mulf %mul3A_120, %add3A_119 : vector<128x128xf32>
    %add3A_122 = vector.broadcast %get3A_21 : vector<1x128xf32> to vector<128x128xf32>
    %add3A_123 = arith.addf %mul3A_121, %add3A_122 : vector<128x128xf32>
    %max3A_124 = arith.constant 0.000000e+00 : f32
    %max3A_125 = vector.broadcast %max3A_124 : f32 to vector<128x128xf32>
    %max3A_126 = arith.maximumf %add3A_123, %max3A_125 : vector<128x128xf32>
    %slice3A_127 = vector.extract_strided_slice %mul3A {offsets = [6, 0], sizes = [1, 128], strides = [1, 1]} : vector<8x128xf32> to vector<1x128xf32>
    %dot_general3A_128 = arith.constant dense<0.000000e+00> : vector<1x128xf32>
    %dot_general3A_129 = tpu.matmul %slice3A_127, %max3A_126, %dot_general3A_128 {dimension_numbers = #tpu.dot_dimension_numbers<[1], [0], [0], [1], [0, 0, 1, 1], [], []>, transpose_lhs_hint = false} : vector<1x128xf32>, vector<128x128xf32>, vector<1x128xf32> -> vector<1x128xf32>
    %add3A_130 = arith.addf %add3A_114, %dot_general3A_129 : vector<1x128xf32>
    %slice3A_131 = vector.extract_strided_slice %get3A_7 {offsets = [7, 0], sizes = [1, 128], strides = [1, 1]} : vector<8x128xf32> to vector<1x128xf32>
    %transpose3A_132 = tpu.transpose %slice3A_131, [1, 0] : vector<1x128xf32> -> vector<128x1xf32>
    %slice3A_133 = vector.extract_strided_slice %add3A {offsets = [896, 0], sizes = [128, 128], strides = [1, 1]} : vector<1024x128xf32> to vector<128x128xf32>
    %slice3A_134 = vector.extract_strided_slice %get3A_18 {offsets = [896, 0], sizes = [128, 128], strides = [1, 1]} : vector<1024x128xf32> to vector<128x128xf32>
    %add3A_135 = arith.addf %slice3A_133, %slice3A_134 : vector<128x128xf32>
    %mul3A_136 = vector.broadcast %transpose3A_132 : vector<128x1xf32> to vector<128x128xf32>
    %mul3A_137 = arith.mulf %mul3A_136, %add3A_135 : vector<128x128xf32>
    %add3A_138 = vector.broadcast %get3A_21 : vector<1x128xf32> to vector<128x128xf32>
    %add3A_139 = arith.addf %mul3A_137, %add3A_138 : vector<128x128xf32>
    %max3A_140 = arith.constant 0.000000e+00 : f32
    %max3A_141 = vector.broadcast %max3A_140 : f32 to vector<128x128xf32>
    %max3A_142 = arith.maximumf %add3A_139, %max3A_141 : vector<128x128xf32>
    %slice3A_143 = vector.extract_strided_slice %mul3A {offsets = [7, 0], sizes = [1, 128], strides = [1, 1]} : vector<8x128xf32> to vector<1x128xf32>
    %dot_general3A_144 = arith.constant dense<0.000000e+00> : vector<1x128xf32>
    %dot_general3A_145 = tpu.matmul %slice3A_143, %max3A_142, %dot_general3A_144 {dimension_numbers = #tpu.dot_dimension_numbers<[1], [0], [0], [1], [0, 0, 1, 1], [], []>, transpose_lhs_hint = false} : vector<1x128xf32>, vector<128x128xf32>, vector<1x128xf32> -> vector<1x128xf32>
    %add3A_146 = arith.addf %add3A_130, %dot_general3A_145 : vector<1x128xf32>
    %eq3A = arith.constant 0 : i32
    %eq3A_147 = arith.cmpi eq, %arg0, %eq3A : i32
    %convert_element_type3A = arith.extui %eq3A_147 : i1 to i32
    %cond3A = arith.constant 0 : i32
    %cond3A_148 = arith.cmpi ne, %convert_element_type3A, %cond3A : i32
    scf.if %cond3A_148 {
      %swap3A = arith.constant 0 : index
      %swap3A_158 = arith.constant 0 : index
      %swap3A_159 = vector.load %arg14[%swap3A, %swap3A_158] : memref<1x128xf32, #tpu.memory_space<vmem>>, vector<1x128xf32>
      tpu.vector_store %arg14[%swap3A, %swap3A_158], %add3A_146 {strides = array<i32>} : memref<1x128xf32, #tpu.memory_space<vmem>>, vector<1x128xf32>,
    } else {
    }
    %gt3A = arith.constant 0 : i32
    %gt3A_149 = arith.cmpi sgt, %arg0, %gt3A : i32
    %convert_element_type3A_150 = arith.extui %gt3A_149 : i1 to i32
    %cond3A_151 = arith.constant 0 : i32
    %cond3A_152 = arith.cmpi ne, %convert_element_type3A_150, %cond3A_151 : i32
    scf.if %cond3A_152 {
      %get3A_158 = arith.constant 0 : index
      %get3A_159 = arith.constant 0 : index
      %get3A_160 = vector.load %arg14[%get3A_158, %get3A_159] : memref<1x128xf32, #tpu.memory_space<vmem>>, vector<1x128xf32>
      %add3A_161 = arith.addf %get3A_160, %add3A_146 : vector<1x128xf32>
      %swap3A = arith.constant 0 : index
      %swap3A_162 = arith.constant 0 : index
      %swap3A_163 = vector.load %arg14[%swap3A, %swap3A_162] : memref<1x128xf32, #tpu.memory_space<vmem>>, vector<1x128xf32>
      tpu.vector_store %arg14[%swap3A, %swap3A_162], %add3A_161 {strides = array<i32>} : memref<1x128xf32, #tpu.memory_space<vmem>>, vector<1x128xf32>,
    } else {
    }
    %eq3A_153 = arith.constant 9 : i32
    %eq3A_154 = arith.cmpi eq, %arg0, %eq3A_153 : i32
    %convert_element_type3A_155 = arith.extui %eq3A_154 : i1 to i32
    %cond3A_156 = arith.constant 0 : i32
    %cond3A_157 = arith.cmpi ne, %convert_element_type3A_155, %cond3A_156 : i32
    scf.if %cond3A_157 {
      %get3A_158 = arith.constant 0 : index
      %get3A_159 = arith.constant 0 : index
      %get3A_160 = vector.load %arg14[%get3A_158, %get3A_159] : memref<1x128xf32, #tpu.memory_space<vmem>>, vector<1x128xf32>
      %mul3A_161 = arith.constant 9.99999974E-5 : f32
      %mul3A_162 = vector.broadcast %mul3A_161 : f32 to vector<1x128xf32>
      %mul3A_163 = arith.mulf %get3A_160, %mul3A_162 : vector<1x128xf32>
      %get3A_164 = arith.constant 0 : index
      %get3A_165 = arith.constant 0 : index
      %get3A_166 = vector.load %arg8[%get3A_164, %get3A_165] : memref<128x64xf32, #tpu.memory_space<vmem>>, vector<128x64xf32>
      %dot_general3A_167 = arith.constant dense<0.000000e+00> : vector<1x64xf32>
      %dot_general3A_168 = tpu.matmul %mul3A_163, %get3A_166, %dot_general3A_167 {dimension_numbers = #tpu.dot_dimension_numbers<[1], [0], [0], [1], [0, 0, 1, 1], [], []>, transpose_lhs_hint = false} : vector<1x128xf32>, vector<128x64xf32>, vector<1x64xf32> -> vector<1x64xf32>
      %get3A_169 = arith.constant 0 : index
      %get3A_170 = arith.constant 0 : index
      %get3A_171 = vector.load %arg9[%get3A_169, %get3A_170] : memref<1x64xf32, #tpu.memory_space<vmem>>, vector<1x64xf32>
      %add3A_172 = arith.addf %dot_general3A_168, %get3A_171 : vector<1x64xf32>
      %swap3A = arith.constant 0 : index
      %swap3A_173 = arith.constant 0 : index
      %swap3A_174 = vector.load %arg12[%swap3A, %swap3A_173] : memref<1x64xf32, #tpu.memory_space<vmem>>, vector<1x64xf32>
      tpu.vector_store %arg12[%swap3A, %swap3A_173], %add3A_172 {strides = array<i32>} : memref<1x64xf32, #tpu.memory_space<vmem>>, vector<1x64xf32>,
      %get3A_175 = arith.constant 0 : index
      %get3A_176 = arith.constant 0 : index
      %get3A_177 = vector.load %arg10[%get3A_175, %get3A_176] : memref<128x64xf32, #tpu.memory_space<vmem>>, vector<128x64xf32>
      %dot_general3A_178 = arith.constant dense<0.000000e+00> : vector<1x64xf32>
      %dot_general3A_179 = tpu.matmul %mul3A_163, %get3A_177, %dot_general3A_178 {dimension_numbers = #tpu.dot_dimension_numbers<[1], [0], [0], [1], [0, 0, 1, 1], [], []>, transpose_lhs_hint = false} : vector<1x128xf32>, vector<128x64xf32>, vector<1x64xf32> -> vector<1x64xf32>
      %get3A_180 = arith.constant 0 : index
      %get3A_181 = arith.constant 0 : index
      %get3A_182 = vector.load %arg11[%get3A_180, %get3A_181] : memref<1x64xf32, #tpu.memory_space<vmem>>, vector<1x64xf32>
      %add3A_183 = arith.addf %dot_general3A_179, %get3A_182 : vector<1x64xf32>
      %swap3A_184 = arith.constant 0 : index
      %swap3A_185 = arith.constant 0 : index
      %swap3A_186 = vector.load %arg13[%swap3A_184, %swap3A_185] : memref<1x64xf32, #tpu.memory_space<vmem>>, vector<1x64xf32>
      tpu.vector_store %arg13[%swap3A_184, %swap3A_185], %add3A_183 {strides = array<i32>} : memref<1x64xf32, #tpu.memory_space<vmem>>, vector<1x64xf32>,
    } else {
    }
    return
  }
  func.func @transform_0(%arg0: i32) -> (i32, i32) {
    %c0_i32 = arith.constant 0 : i32
    %c0_i32_0 = arith.constant 0 : i32
    return %arg0, %c0_i32 : i32, i32
  }
  func.func @transform_1(%arg0: i32) -> (i32, i32) {
    %add3A = arith.constant 10 : i32
    %add3A_0 = arith.addi %add3A, %arg0 : i32
    %c0_i32 = arith.constant 0 : i32
    %c0_i32_1 = arith.constant 0 : i32
    return %add3A_0, %c0_i32 : i32, i32
  }
  func.func @transform_2(%arg0: i32) -> (i32, i32) {
    %c0_i32 = arith.constant 0 : i32
    %c0_i32_0 = arith.constant 0 : i32
    return %arg0, %c0_i32 : i32, i32
  }
  func.func @transform_3(%arg0: i32) -> (i32, i32) {
    %c0_i32 = arith.constant 0 : i32
    %c0_i32_0 = arith.constant 0 : i32
    return %arg0, %c0_i32 : i32, i32
  }
  func.func @transform_4(%arg0: i32) -> (i32, i32) {
    %c0_i32 = arith.constant 0 : i32
    %c0_i32_0 = arith.constant 0 : i32
    return %arg0, %c0_i32 : i32, i32
  }
  func.func @transform_5(%arg0: i32) -> (i32, i32) {
    %add3A = arith.constant 10 : i32
    %add3A_0 = arith.addi %add3A, %arg0 : i32
    %c0_i32 = arith.constant 0 : i32
    %c0_i32_1 = arith.constant 0 : i32
    return %add3A_0, %c0_i32 : i32, i32
  }
  func.func @transform_6(%arg0: i32) -> (i32, i32) {
    %c0_i32 = arith.constant 0 : i32
    %c0_i32_0 = arith.constant 0 : i32
    %c0_i32_1 = arith.constant 0 : i32
    return %c0_i32, %c0_i32_0 : i32, i32
  }
  func.func @transform_7(%arg0: i32) -> (i32, i32) {
    %c0_i32 = arith.constant 0 : i32
    %c0_i32_0 = arith.constant 0 : i32
    %c0_i32_1 = arith.constant 0 : i32
    return %c0_i32, %c0_i32_0 : i32, i32
  }
  func.func @transform_8(%arg0: i32) -> (i32, i32) {
    %c0_i32 = arith.constant 0 : i32
    %c0_i32_0 = arith.constant 0 : i32
    %c0_i32_1 = arith.constant 0 : i32
    return %c0_i32, %c0_i32_0 : i32, i32
  }
  func.func @transform_9(%arg0: i32) -> (i32, i32) {
    %c0_i32 = arith.constant 0 : i32
    %c0_i32_0 = arith.constant 0 : i32
    %c0_i32_1 = arith.constant 0 : i32
    return %c0_i32, %c0_i32_0 : i32, i32
  }
  func.func @transform_10(%arg0: i32) -> (i32, i32) {
    %c0_i32 = arith.constant 0 : i32
    %c0_i32_0 = arith.constant 0 : i32
    %c0_i32_1 = arith.constant 0 : i32
    return %c0_i32, %c0_i32_0 : i32, i32
  }
  func.func @transform_11(%arg0: i32) -> (i32, i32) {
    %c0_i32 = arith.constant 0 : i32
    %c0_i32_0 = arith.constant 0 : i32
    %c0_i32_1 = arith.constant 0 : i32
    return %c0_i32, %c0_i32_0 : i32, i32
  }
  func.func @transform_12(%arg0: i32) -> (i32, i32) {
    %c0_i32 = arith.constant 0 : i32
    %c0_i32_0 = arith.constant 0 : i32
    %c0_i32_1 = arith.constant 0 : i32
    return %c0_i32, %c0_i32_0 : i32, i32
  }
}

</mosaic_0001>

<sc_bundles>
// kernel: kernel.6.cloned.1.call-start
scs
__scs_entry_jumppad:
0x0: {  	(pc) =	sbr.rel $0x88, $3  }
0x1: {  	(tag) =	ssettag $0x0;
	lr =	simm.s32 $0x1  }
0x2: {  	[smem:$0x3F99] =	sst lr;
	_ =	strace $0xD0000000  }
0x3: {  	_ = 	snop  }
0x4: {  	_ = 	snop  }
0x5: {  	_ = 	snop  }
0x6: {  	_ = 	snop  }
0x7: {  	_ = 	snop  }
__scs_overlays_trampoline_lowered:
0x8: {  	[smem:$0x3FA8] =	sst s0  }
0x9: {  	[smem:$0x3FA9] =	sst s1  }
0xa: {  	[smem:$0x3FAA] =	sst s2  }
0xb: {  	[smem:$0x3FAB] =	sst s3  }
0xc: {  	[smem:$0x3FAC] =	sst s4  }
0xd: {  	[smem:$0x3FAD] =	sst s5  }
0xe: {  	[smem:$0x3FAE] =	sst s6  }
0xf: {  	[smem:$0x3FAF] =	sst s7  }
0x10: {  	[smem:$0x3FB0] =	sst s8  }
0x11: {  	[smem:$0x3FB1] =	sst s9;
	s0 =	simm.s32 @!p0 $0x0  }
0x12: {  	s1 =	sld [smem:$0x3F97];
	s0 =	simm.s32 @p0 $0x1  }
0x13: {  	[smem:$0x3FB2] =	sst s0;
	s0 =	simm.s32 @!p1 $0x0  }
0x14: {  	s2 =	sld [smem:$0x3F96];
	s0 =	simm.s32 @p1 $0x1  }
0x15: {  	[smem:$0x3FB3] =	sst s0;
	s0 =	simm.s32 @!p2 $0x0  }
0x16: {  	s3 =	sld [smem:$0x3FDB];
	s0 =	simm.s32 @p2 $0x1  }
0x17: {  	s4 =	simm.s32 $0x1BF5;
	[smem:$0x3FB5] =	sst s0  }
0x18: {  	s0 =	sld [smem:$0x3F98];
	_ =	swait.ge [sflag:s4], $0x0  }
0x19: {  	s7 =	sld [smem:$0x3F99]  }
0x1a: {  	s8 =	sadd.s32 $0xFFFFE003, lr  }
0x1b: {  	s9 =	sadd.s32 $0xFFFFFEF7, lr;
	s5 =	simm.s32 $0xFFFFFFFF;
	p2 =	slt.u32 s8, $0xFFFFF086  }
0x1c: {  	p1 =	slt.u32 s9, $0xF7A;
	s5 =	simm.s32 @!p2 $0x0  }
0x1d: {  	s5 =	simm.s32 @p1 $0x1;
	p0 =	seq.s32 s7, s2  }
0x1e: {  	s7 =	smul.u32 @!p0 $0xF7A, s2;
	p2 =	seq.s32 @!p0 s5, $0x0  }
0x1f: {  	s9 =	smul.u32 $0xF7A, s1;
	s8 =	simm.s32 @!p0 $0x1BF5;
	p2 =	por !p2, p0  }
0x20: {  	[sflag:s8] =	ssyncset.s32 @!p0 $0xFFFFF086;
	s6 =	sadd.s32 @!p0 s3, s7;
	s7 =	simm.s32 @!p0 $0x108  }
0x21: {  	s3 =	sadd.s32 s3, s9;
	s6 =	sadd.s32 @!p0 $0x88, s6;
	s7 =	simm.s32 @p2 $0x1082  }
0x22: {  	[simem:s7], [sflag:s8] =	dma.local @!p0 [hbm:s6], $0xF7A  }
0x23: {  	s9 =	sor.u32 $0xD0000000, s2;
	s6 =	simm.s32 $0x108;
	_ =	swait.ge @!p0 [sflag:s8], $0x0  }
0x24: {  	s3 =	sadd.s32 $0x88, s3;
	s6 =	simm.s32 @!p1 $0x1082;
	[sflag:s4] =	ssyncset.s32 $0xFFFFF086  }
0x25: {  	[simem:s6], [sflag:s4] =	dma.local [hbm:s3], $0xF7A  }
0x26: {  	[smem:$0x3F99] =	sst s1;
	(tag) =	ssettag s2;
	_ =	strace s9  }
0x27: {  	s1 =	sld [smem:$0x3FA9]  }
0x28: {  	s2 =	sld [smem:$0x3FAA]  }
0x29: {  	s4 =	sld [smem:$0x3FAC]  }
0x2a: {  	p0 =	seq.s32 s5, $0x0;
	s5 =	sld [smem:$0x3FAD]  }
0x2b: {  	s6 =	sld [smem:$0x3FAE]  }
0x2c: {  	s7 =	sld [smem:$0x3FAF]  }
0x2d: {  	s3 =	simm.s32 $0x108;
	s8 =	sld [smem:$0x3FB0]  }
0x2e: {  	s3 =	simm.s32 @!p0 $0x1082;
	s9 =	sld [smem:$0x3FB1]  }
0x2f: {  	lr =	sadd.s32 s0, s3;
	s0 =	sld [smem:$0x3FA8]  }
0x30: {  	s3 =	sld [smem:$0x3FAB]  }
0x31: {  	[smem:$0x3FB4] =	sst s10  }
0x32: {  	s10 =	sld [smem:$0x3FB2];
	_ =	sdelay $0x3  }
0x33: {  	p0 =	seq.s32 s10, $0x1;
	s10 =	sld [smem:$0x3FB4];
	_ =	sdelay $0x3  }
0x34: {  	[smem:$0x3FB4] =	sst s10  }
0x35: {  	s10 =	sld [smem:$0x3FB3];
	_ =	sdelay $0x3  }
0x36: {  	p1 =	seq.s32 s10, $0x1;
	s10 =	sld [smem:$0x3FB4];
	_ =	sdelay $0x3  }
0x37: {  	[smem:$0x3FB4] =	sst s10  }
0x38: {  	s10 =	sld [smem:$0x3FB5]  }
0x39: {  	_ = 	snop;
	(pc) =	sbr.ind lr, $3  }
0x3a: {  	_ = 	snop  }
0x3b: {  	_ = 	snop  }
0x3c: {  	p2 =	seq.s32 s10, $0x1;
	s10 =	sld [smem:$0x3FB4]  }
0x3d: {  	_ =	shalt  }
0x3e: {  	_ =	shalt  }
0x3f: {  	_ =	shalt  }
0x40: {  	_ =	shalt  }
0x41: {  	_ =	shalt  }
0x42: {  	_ =	shalt  }
0x43: {  	_ =	shalt  }
0x44: {  	_ =	shalt  }
0x45: {  	_ =	shalt  }
0x46: {  	_ =	shalt  }
0x47: {  	_ =	shalt  }
0x48: {  	_ =	shalt  }
0x49: {  	_ =	shalt  }
0x4a: {  	_ =	shalt  }
0x4b: {  	_ =	shalt  }
0x4c: {  	_ =	shalt  }
0x4d: {  	_ =	shalt  }
0x4e: {  	_ =	shalt  }
0x4f: {  	_ =	shalt  }
0x50: {  	_ =	shalt  }
0x51: {  	_ =	shalt  }
0x52: {  	_ =	shalt  }
0x53: {  	_ =	shalt  }
0x54: {  	_ =	shalt  }
0x55: {  	_ =	shalt  }
0x56: {  	_ =	shalt  }
0x57: {  	_ =	shalt  }
0x58: {  	_ =	shalt  }
0x59: {  	_ =	shalt  }
0x5a: {  	_ =	shalt  }
0x5b: {  	_ =	shalt  }
0x5c: {  	_ =	shalt  }
0x5d: {  	_ =	shalt  }
0x5e: {  	_ =	shalt  }
0x5f: {  	_ =	shalt  }
0x60: {  	_ =	shalt  }
0x61: {  	_ =	shalt  }
0x62: {  	_ =	shalt  }
0x63: {  	_ =	shalt  }
0x64: {  	_ =	shalt  }
0x65: {  	_ =	shalt  }
0x66: {  	_ =	shalt  }
0x67: {  	_ =	shalt  }
0x68: {  	_ =	shalt  }
0x69: {  	_ =	shalt  }
0x6a: {  	_ =	shalt  }
0x6b: {  	_ =	shalt  }
0x6c: {  	_ =	shalt  }
0x6d: {  	_ =	shalt  }
0x6e: {  	_ =	shalt  }
0x6f: {  	_ =	shalt  }
0x70: {  	_ =	shalt  }
0x71: {  	_ =	shalt  }
0x72: {  	_ =	shalt  }
0x73: {  	_ =	shalt  }
0x74: {  	_ =	shalt  }
0x75: {  	_ =	shalt  }
0x76: {  	_ =	shalt  }
0x77: {  	_ =	shalt  }
0x78: {  	_ =	shalt  }
0x79: {  	_ =	shalt  }
0x7a: {  	_ =	shalt  }
0x7b: {  	_ =	shalt  }
0x7c: {  	_ =	shalt  }
0x7d: {  	_ =	shalt  }
0x7e: {  	_ =	shalt  }
0x7f: {  	_ =	shalt  }
0x80: {  	_ =	shalt  }
0x81: {  	_ =	shalt  }
0x82: {  	_ =	shalt  }
0x83: {  	_ =	shalt  }
0x84: {  	_ =	shalt  }
0x85: {  	_ =	shalt  }
0x86: {  	_ =	shalt  }
0x87: {  	_ =	shalt  }
.Lfunc_end0:
.L_simem_size_0:
called_computation_lowered:
.L_overlay_start_0:
0x88: {  	s2 =	sld [smem:$0x3FD9]  }
0x89: {  	s3 =	sld [smem:$0x3FFE];
	_ =	sdelay $0x1  }
0x8a: {  	s1 =	srdreg.scid  }
0x8b: {  	s0 =	sand.u32 $0x1, s1  }
0x8c: {  	s14 =	sshll.u32 s0, $0xA;
	s2 =	sadd.s32 s3, s2  }
0x8d: {  	s2 =	sadd.s32 s2, s14  }
0x8e: {  	[smem:$0x3FC0] =	sst s2  }
0x8f: {  	_ = 	snop  }
0x90: {  	s2 =	sld [smem:$0x3FD0];
	_ =	sdelay $0x2  }
0x91: {  	s15 =	simm.s32 $0xA;
	s4 =	simm.s32 $0x10  }
0x92: {  	[smem:s4], [sflag:s15] =	dma.local [hbm:s2], $0x1  }
0x93: {  	_ =	swait.eq [sflag:s15], $0x1  }
0x94: {  	[sflag:s15] =	ssyncset.done $0x0  }
0x95: {  	[sflag:s15] =	ssyncadd.s32 $0xFFFFFFFF  }
0x96: {  	s16 =	sld [smem:$0x11];
	(tm) =	ssettm $0x1  }
0x97: {  	s17 =	sld [smem:$0x3FFB];
	_ =	sdelay $0x3  }
0x98: {  	_ =	strace s17  }
0x99: {  	s3 =	sld [smem:$0x3FFC];
	_ =	sdelay $0x3  }
0x9a: {  	_ =	strace s3  }
0x9b: {  	s3 =	sld [smem:$0x3FFD];
	_ =	sdelay $0x3  }
0x9c: {  	_ =	strace s3  }
0x9d: {  	_ =	strace $0x8FFFFFFF  }
0x9e: {  	s18 =	sld [smem:$0x3FDB];
	_ =	sdelay $0x1  }
0x9f: {  	s19 =	simm.s32 $_scs_section_size  }
0xa0: {  	s5 =	simm.s32 $_size__tile_overlayer_lowered;
	s6 =	simm.s32 $_tile_overlayer_lowered  }
0xa1: {  	s22 =	simm.s32 $0x1BFF;
	s21 =	sshll.u32 s6, $0x1;
	s3 =	sadd.s32 s19, s18  }
0xa2: {  	s7 =	simm.s32 $0x0;
	s20 =	sshll.u32 s5, $0x1;
	s5 =	sadd.s32 s21, s3  }
0xa3: {  	[timem:s7], [sflag:s22] =	dma.local [hbm:s5], s20  }
0xa4: {  	_ =	swait.ge [sflag:s22], s20  }
0xa5: {  	s4 =	ssub.s32 $0x0, s20;
	[sflag:s22] =	ssyncset.done $0x0  }
0xa6: {  	[sflag:s22] =	ssyncadd.s32 s4;
	_ =	sdelay $0x1  }
0xa7: {  	s23 =	simm.s32 $0x1B8B  }
0xa8: {  	_ =	swait.ge [sflag:s23], $0x1  }
0xa9: {  	[sflag:s23] =	ssyncset.done $0x0  }
0xaa: {  	s25 =	simm.s32 $0x1B8E;
	s24 =	sld [smem:$0x3FFE];
	[sflag:s23] =	ssyncadd.s32 $0xFFFFFFFF  }
0xab: {  	s26 =	simm.s32 $execute0_lowered;
	[smem:$0x3FD2] =	sst s25  }
0xac: {  	s5 =	sshll.u32 s26, $0x1;
	_ =	strace $0x80000046;
	[dreg:$0x1] =	wrdreg $0xFFFFFFFF  }
0xad: {  	s28 =	simm.s32 $_size_execute0_lowered;
	s3 =	sadd.s32 s3, s5;
	[dreg:$0x0] =	wrdreg $0x0  }
0xae: {  	s5 =	sshll.u32 s28, $0x1;
	[dreg:$0x2] =	wrdreg s3  }
0xaf: {  	[dreg:$0x3] =	wrdreg s5  }
0xb0: {  	[dreg:$0x4] =	wrdreg $0xC0  }
0xb1: {  	_ =	task [dreg:s7], $0x5FFFF  }
0xb2: {  	[dreg:$0x1] =	wrdreg $0xFFFFFFFF  }
0xb3: {  	[dreg:$0x0] =	wrdreg $0x60  }
0xb4: {  	[dreg:$0x2] =	wrdreg s24  }
0xb5: {  	[dreg:$0x3] =	wrdreg s16  }
0xb6: {  	[dreg:$0x4] =	wrdreg $0x53000  }
0xb7: {  	[dreg:$0x5] =	wrdreg $0x9  }
0xb8: {  	_ =	task.clear_ibuf [dreg:s7], $0x6FFFF;
	_ =	strace $0x90000046  }
0xb9: {  	s29 =	simm.s32 $0x9;
	_ =	strace $0x80000048  }
0xba: {  	_ =	swait.ge [sflag:s29], $0x1  }
0xbb: {  	[sflag:s29] =	ssyncadd.s32 $0xFFFFFFFF  }
0xbc: {  	_ =	strace $0x90000048  }
0xbd: {  	_ =	sfence  }
0xbe: {  	s30 =	sld [smem:$0x0];
	_ =	sdelay $0x2  }
0xbf: {  	s31 =	sshll.u32 s1, $0xD;
	s1 =	sshrl.u32 s1, $0x2  }
0xc0: {  	s3 =	sand.u32 $0x4000, s31;
	s1 =	sadd.s32 s1, s30  }
0xc1: {  	s0 =	sor.u32 s3, s0;
	s1 =	sshll.u32 s1, $0x11  }
0xc2: {  	s0 =	sor.u32 s1, s0  }
0xc3: {  	s0 =	sadd.s32 $0x8F2B, s0  }
0xc4: {  	[sflag:s0] =	ssyncadd.remote.s32 $0x1  }
0xc5: {  	_ =	sfence.sel $0xFFFF  }
0xc6: {  	[dreg:$0x0] =	wrdreg $0xFFFFFFFF;
	(pc) =	sbr.abs _section_cstart, $3  }
0xc7: {  	[dreg:$0x1] =	wrdreg $0xFFFFFFFF  }
0xc8: {  	_ =	task.clear_ibuf [dreg:s7], $0x2FFFF;
	_ =	strace $0x9FFFFFFF  }
0xc9: {  	(tm) =	ssettm $0x7FFFFFFF  }
tec
execute0_lowered:
.L_overlay_start_1:
0x0: {  	(tag) =	ssettag $0x1  }
0x1: {  	s1 =	srdreg.scid;
	s4 =	rddreg [dreg:$0x0]  }
0x2: {  	s0 =	stileid.u32;
	s6 =	rddreg [dreg:$0x1]  }
0x3: {  	s2 =	rddreg [dreg:$0x2];
	s3 =	simm.s32 $0x0;
	s10 =	simm.s32 $0x80  }
0x4: {  	s11 =	simm.s32 $0x5000;
	s12 =	simm.s32 $0x1;
	s15 =	simm.s32 $0x0  }
0x5: {  	s5 =	sand.u32 $0x1, s1;
	s30 =	sshll.u32 s0, $0x1;
	s8 =	smul.u32 $0x280, s0  }
0x6: {  	[smem:$0x7FF] =	sst s3;
	s1 =	sor.u32 s5, s30;
	s9 =	smul.u32 $0x2800, s5  }
0x7: {  	s13 =	sshll.u32 s0, $0x6;
	s5 =	ssub.s32 $0x2, s5;
	s7 =	smul.u32 $0xA00, s1  }
0x8: {  	s13 =	sor.u32 $0x1C02, s13;
	s1 =	rddreg [dreg:$0x3];
	_ =	strace $0x80000047  }
0x9: {  	s31 =	sshrl.u32 s5, $0x1;
	s9 =	sadd.s32 s8, s9;
	s4 =	sadd.s32 s7, s4  }
0xa: {  	s7 =	ssub.s32 s5, s31;
	s9 =	sshrl.u32 s9, $0x3;
	s5 =	sadd.s32 s8, s2  }
0xb: {  	s8 =	simm.s32 $0x2;
	s4 =	sadd.s32 $0x3200, s4;
	s6 =	sadd.s32 s6, s9  }
0xc: {  	v0 =	vimm.f32 $1.000000000e+00;
	v1 =	vimm.f32 $0.0e+00;
	s7 =	smax.u32 s7, $0x1;
	s9 =	simm.s32 $0x5080;
	s14 =	sshrl.u32 s5, $0x3  }
.LBB2_1:
0xd: {  	[tilespmem:s3], [sflag:$0x2] =	stream.linear.gather [hbm4b:s4+s3], $0x5000, $0x38;
	[tilespmem:$0x5580] =	vst v63  }
0xe: {  	_ =	swait.ge [sflag:s8], $0x5000  }
0xf: {  	[sflag:s8] =	ssyncset.done $0x0  }
0x10: {  	[sflag:s8] =	ssyncadd.s32 $0xFFFFB000  }
0x11: {  	[tilespmem:$0x5000] =	vst v0  }
0x12: {  	[tilespmem:$0x5010] =	vst v0  }
0x13: {  	[tilespmem:$0x5020] =	vst v0  }
0x14: {  	[tilespmem:$0x5030] =	vst v0  }
0x15: {  	[tilespmem:$0x5040] =	vst v0  }
0x16: {  	[tilespmem:$0x5050] =	vst v0  }
0x17: {  	[tilespmem:$0x5060] =	vst v0  }
0x18: {  	[tilespmem:$0x5070] =	vst v0  }
0x19: {  	[tilespmem:$0x5080] =	vst v1  }
0x1a: {  	[tilespmem:$0x5090] =	vst v1  }
0x1b: {  	[tilespmem:$0x50A0] =	vst v1  }
0x1c: {  	[tilespmem:$0x50B0] =	vst v1  }
0x1d: {  	[tilespmem:$0x50C0] =	vst v1  }
0x1e: {  	[tilespmem:$0x50D0] =	vst v1  }
0x1f: {  	[tilespmem:$0x50E0] =	vst v1  }
0x20: {  	[tilespmem:$0x50F0] =	vst v1  }
0x21: {  	[tilespmem:$0x5100] =	vst v1  }
0x22: {  	[tilespmem:$0x5110] =	vst v1  }
0x23: {  	[tilespmem:$0x5120] =	vst v1  }
0x24: {  	[tilespmem:$0x5130] =	vst v1  }
0x25: {  	[tilespmem:$0x5140] =	vst v1  }
0x26: {  	[tilespmem:$0x5150] =	vst v1  }
0x27: {  	[tilespmem:$0x5160] =	vst v1  }
0x28: {  	[tilespmem:$0x5170] =	vst v1  }
0x29: {  	[tilespmem:$0x5180] =	vst v1  }
0x2a: {  	[tilespmem:$0x5190] =	vst v1  }
0x2b: {  	[tilespmem:$0x51A0] =	vst v1  }
0x2c: {  	[tilespmem:$0x51B0] =	vst v1  }
0x2d: {  	[tilespmem:$0x51C0] =	vst v1  }
0x2e: {  	[tilespmem:$0x51D0] =	vst v1  }
0x2f: {  	[tilespmem:$0x51E0] =	vst v1  }
0x30: {  	[tilespmem:$0x51F0] =	vst v1  }
0x31: {  	[tilespmem:$0x5200] =	vst v1  }
0x32: {  	[tilespmem:$0x5210] =	vst v1  }
0x33: {  	[tilespmem:$0x5220] =	vst v1  }
0x34: {  	[tilespmem:$0x5230] =	vst v1  }
0x35: {  	[tilespmem:$0x5240] =	vst v1  }
0x36: {  	[tilespmem:$0x5250] =	vst v1  }
0x37: {  	[tilespmem:$0x5260] =	vst v1  }
0x38: {  	[tilespmem:$0x5270] =	vst v1  }
0x39: {  	[tilespmem:$0x5280] =	vst v1  }
0x3a: {  	[tilespmem:$0x5290] =	vst v1  }
0x3b: {  	[tilespmem:$0x52A0] =	vst v1  }
0x3c: {  	[tilespmem:$0x52B0] =	vst v1  }
0x3d: {  	[tilespmem:$0x52C0] =	vst v1  }
0x3e: {  	[tilespmem:$0x52D0] =	vst v1  }
0x3f: {  	[tilespmem:$0x52E0] =	vst v1  }
0x40: {  	[tilespmem:$0x52F0] =	vst v1  }
0x41: {  	[spmem:s5] =	stream.linear.scatter [tilespmem:s9], [sflag:$0x2], $0x280, $0x38;
	[tilespmem:$0x5580] =	vst v63  }
0x42: {  	_ =	swait.ge [sflag:s8], $0x280  }
0x43: {  	[sflag:s8] =	ssyncset.done $0x0  }
0x44: {  	p0 =	por $0x1, $0x1;
	[sflag:s8] =	ssyncadd.s32 $0xFFFFFD80  }
0x45: {  	s17 =	simm.s32 @!p0 $0x1;
	[bflag:$0x0] =	sbarrier.arrive $0xFFFF  }
0x46: {  	_ =	swait.ge @!p0 [sflag:s17], $0x80  }
0x47: {  	s16 =	simm.s32 $0x1;
	[sflag:s17] =	ssyncset.done @!p0 $0x0  }
0x48: {  	s18 =	simm.s32 $0x80;
	[sflag:s17] =	ssyncadd.s32 @!p0 $0xFFFFFF80;
	s17 =	simm.s32 $0x180  }
.LBB2_2:
0x49: {  	[spmem:s2] =	stream.indirect.scatter.add.f32 [tilespmem:s11], [sflag:$0x1], $0x1, s18, s10, $0xb8;
	[tilespmem:$0x5580] =	vst v63  }
0x4a: {  	p0 =	slt.u32 s16, $0x8;
	s16 =	sadd.s32 $0x1, s16  }
0x4b: {  	p1 =	sne.s32 s16, $0x50  }
.Ltmp0:
0x4c: {  	(pc) =	sbr.rel @p1 .LBB2_2-.Ltmp0, $4  }
0x4d: {  	s18 =	smov.u32 s17;
	s19 =	simm.s32 @!p0 $0x1  }
0x4e: {  	_ =	swait.ge @!p0 [sflag:s19], $0x80  }
0x4f: {  	[sflag:s19] =	ssyncset.done @!p0 $0x0  }
0x50: {  	s17 =	sadd.s32 $0x100, s17;
	[sflag:s19] =	ssyncadd.s32 @!p0 $0xFFFFFF80  }
0x51: {  	[spmem:s2] =	stream.indirect.scatter.add.f32 [tilespmem:s11], [sflag:$0x1], $0x1, s18, s10, $0xb8;
	[tilespmem:$0x5580] =	vst v63  }
0x52: {  	_ =	swait.ge [sflag:s12], $0x80  }
0x53: {  	[sflag:s12] =	ssyncset.done $0x0  }
0x54: {  	[sflag:s12] =	ssyncadd.s32 $0xFFFFFF80  }
0x55: {  	_ =	swait.ge [sflag:s12], $0x80  }
0x56: {  	[sflag:s12] =	ssyncset.done $0x0  }
0x57: {  	[sflag:s12] =	ssyncadd.s32 $0xFFFFFF80  }
0x58: {  	_ =	swait.ge [sflag:s12], $0x80  }
0x59: {  	[sflag:s12] =	ssyncset.done $0x0  }
0x5a: {  	[sflag:s12] =	ssyncadd.s32 $0xFFFFFF80  }
0x5b: {  	_ =	swait.ge [sflag:s12], $0x80  }
0x5c: {  	[sflag:s12] =	ssyncset.done $0x0  }
0x5d: {  	[sflag:s12] =	ssyncadd.s32 $0xFFFFFF80  }
0x5e: {  	_ =	swait.ge [sflag:s12], $0x80  }
0x5f: {  	[sflag:s12] =	ssyncset.done $0x0  }
0x60: {  	[sflag:s12] =	ssyncadd.s32 $0xFFFFFF80  }
0x61: {  	_ =	swait.ge [sflag:s12], $0x80  }
0x62: {  	[sflag:s12] =	ssyncset.done $0x0  }
0x63: {  	[sflag:s12] =	ssyncadd.s32 $0xFFFFFF80  }
0x64: {  	_ =	swait.ge [sflag:s12], $0x80  }
0x65: {  	[sflag:s12] =	ssyncset.done $0x0  }
0x66: {  	[sflag:s12] =	ssyncadd.s32 $0xFFFFFF80  }
0x67: {  	_ =	swait.ge [sflag:s12], $0x80  }
0x68: {  	s15 =	sadd.s32 $0x1, s15;
	[sflag:s12] =	ssyncset.done $0x0  }
0x69: {  	p0 =	sne.s32 s15, s7;
	[sflag:s12] =	ssyncadd.s32 $0xFFFFFF80  }
.Ltmp1:
0x6a: {  	[bflag:$0x0] =	sbarrier.arrive $0xFFFF;
	(pc) =	sbr.rel @p0 .LBB2_1-.Ltmp1, $4  }
0x6b: {  	[hbm:s6], [sflag:s13] =	dma.local [spmem:s14], $0x50  }
0x6c: {  	_ =	swait.ge [sflag:s8], $0x50  }
0x6d: {  	[sflag:s8] =	ssyncset.done $0x0  }
0x6e: {  	[sflag:s8] =	ssyncadd.s32 $0xFFFFFFB0  }
0x6f: {  	_ =	sfence.sel $0x180000  }
0x70: {  	[bflag:$0x0] =	sbarrier.arrive $0xFFFF  }
0x71: {  	p0 =	sne.s32 s0, $0x0;
	_ =	strace $0x90000047  }
0x72: {  	s0 =	sadd.s32 @!p0 $0x100000, s1;
	[bflag:$0x2] =	sbarrier.arrive $0xFFFF  }
0x73: {  	[sflag:s0] =	ssyncadd.tile.s32 @!p0 $0x1;
	_ =	shalt  }
.Lfunc_end2:
_tile_overlayer_lowered:
.L_overlay_start_2:
0x74: {  	(tag) =	ssettag $0x2  }
0x75: {  	s0 =	rddreg [dreg:$0x0];
	s2 =	stileid.u32  }
0x76: {  	s1 =	rddreg [dreg:$0x1];
	p0 =	sne.s32 s2, $0x0  }
0x77: {  	s3 =	rddreg [dreg:$0x2];
	[bflag:$0x3] =	sbarrier.arrive $0xFFFF;
	s2 =	simm.s32 @!p0 $0x1C02  }
0x78: {  	[timem:s3], [sflag:s2] =	dma.local @!p0 [hbm:s0], s1  }
0x79: {  	s0 =	simm.s32 @!p0 $0x2  }
0x7a: {  	_ =	swait.ge @!p0 [sflag:s0], s1  }
0x7b: {  	s1 =	ssub.s32 @!p0 $0x0, s1;
	[sflag:s0] =	ssyncset.done @!p0 $0x0  }
0x7c: {  	[sflag:s0] =	ssyncadd.s32 @!p0 s1  }
0x7d: {  	[bflag:$0x3] =	sbarrier.arrive $0xFFFF  }
0x7e: {  	_ =	shalt  }

// kernel: kernel.9.cloned.1.call-start
scs
__scs_entry_jumppad:
0x0: {  	(pc) =	sbr.rel $0x88, $3  }
0x1: {  	(tag) =	ssettag $0x0;
	lr =	simm.s32 $0x1  }
0x2: {  	[smem:$0x3F99] =	sst lr;
	_ =	strace $0xD0000000  }
0x3: {  	_ = 	snop  }
0x4: {  	_ = 	snop  }
0x5: {  	_ = 	snop  }
0x6: {  	_ = 	snop  }
0x7: {  	_ = 	snop  }
__scs_overlays_trampoline_lowered:
0x8: {  	[smem:$0x3FA8] =	sst s0  }
0x9: {  	[smem:$0x3FA9] =	sst s1  }
0xa: {  	[smem:$0x3FAA] =	sst s2  }
0xb: {  	[smem:$0x3FAB] =	sst s3  }
0xc: {  	[smem:$0x3FAC] =	sst s4  }
0xd: {  	[smem:$0x3FAD] =	sst s5  }
0xe: {  	[smem:$0x3FAE] =	sst s6  }
0xf: {  	[smem:$0x3FAF] =	sst s7  }
0x10: {  	[smem:$0x3FB0] =	sst s8  }
0x11: {  	[smem:$0x3FB1] =	sst s9;
	s0 =	simm.s32 @!p0 $0x0  }
0x12: {  	s1 =	sld [smem:$0x3F97];
	s0 =	simm.s32 @p0 $0x1  }
0x13: {  	[smem:$0x3FB2] =	sst s0;
	s0 =	simm.s32 @!p1 $0x0  }
0x14: {  	s2 =	sld [smem:$0x3F96];
	s0 =	simm.s32 @p1 $0x1  }
0x15: {  	[smem:$0x3FB3] =	sst s0;
	s0 =	simm.s32 @!p2 $0x0  }
0x16: {  	s3 =	sld [smem:$0x3FDB];
	s0 =	simm.s32 @p2 $0x1  }
0x17: {  	s4 =	simm.s32 $0x1BF5;
	[smem:$0x3FB5] =	sst s0  }
0x18: {  	s0 =	sld [smem:$0x3F98];
	_ =	swait.ge [sflag:s4], $0x0  }
0x19: {  	s7 =	sld [smem:$0x3F99]  }
0x1a: {  	s8 =	sadd.s32 $0xFFFFE003, lr  }
0x1b: {  	s9 =	sadd.s32 $0xFFFFFEF7, lr;
	s5 =	simm.s32 $0xFFFFFFFF;
	p2 =	slt.u32 s8, $0xFFFFF086  }
0x1c: {  	p1 =	slt.u32 s9, $0xF7A;
	s5 =	simm.s32 @!p2 $0x0  }
0x1d: {  	s5 =	simm.s32 @p1 $0x1;
	p0 =	seq.s32 s7, s2  }
0x1e: {  	s7 =	smul.u32 @!p0 $0xF7A, s2;
	p2 =	seq.s32 @!p0 s5, $0x0  }
0x1f: {  	s9 =	smul.u32 $0xF7A, s1;
	s8 =	simm.s32 @!p0 $0x1BF5;
	p2 =	por !p2, p0  }
0x20: {  	[sflag:s8] =	ssyncset.s32 @!p0 $0xFFFFF086;
	s6 =	sadd.s32 @!p0 s3, s7;
	s7 =	simm.s32 @!p0 $0x108  }
0x21: {  	s3 =	sadd.s32 s3, s9;
	s6 =	sadd.s32 @!p0 $0x88, s6;
	s7 =	simm.s32 @p2 $0x1082  }
0x22: {  	[simem:s7], [sflag:s8] =	dma.local @!p0 [hbm:s6], $0xF7A  }
0x23: {  	s9 =	sor.u32 $0xD0000000, s2;
	s6 =	simm.s32 $0x108;
	_ =	swait.ge @!p0 [sflag:s8], $0x0  }
0x24: {  	s3 =	sadd.s32 $0x88, s3;
	s6 =	simm.s32 @!p1 $0x1082;
	[sflag:s4] =	ssyncset.s32 $0xFFFFF086  }
0x25: {  	[simem:s6], [sflag:s4] =	dma.local [hbm:s3], $0xF7A  }
0x26: {  	[smem:$0x3F99] =	sst s1;
	(tag) =	ssettag s2;
	_ =	strace s9  }
0x27: {  	s1 =	sld [smem:$0x3FA9]  }
0x28: {  	s2 =	sld [smem:$0x3FAA]  }
0x29: {  	s4 =	sld [smem:$0x3FAC]  }
0x2a: {  	p0 =	seq.s32 s5, $0x0;
	s5 =	sld [smem:$0x3FAD]  }
0x2b: {  	s6 =	sld [smem:$0x3FAE]  }
0x2c: {  	s7 =	sld [smem:$0x3FAF]  }
0x2d: {  	s3 =	simm.s32 $0x108;
	s8 =	sld [smem:$0x3FB0]  }
0x2e: {  	s3 =	simm.s32 @!p0 $0x1082;
	s9 =	sld [smem:$0x3FB1]  }
0x2f: {  	lr =	sadd.s32 s0, s3;
	s0 =	sld [smem:$0x3FA8]  }
0x30: {  	s3 =	sld [smem:$0x3FAB]  }
0x31: {  	[smem:$0x3FB4] =	sst s10  }
0x32: {  	s10 =	sld [smem:$0x3FB2];
	_ =	sdelay $0x3  }
0x33: {  	p0 =	seq.s32 s10, $0x1;
	s10 =	sld [smem:$0x3FB4];
	_ =	sdelay $0x3  }
0x34: {  	[smem:$0x3FB4] =	sst s10  }
0x35: {  	s10 =	sld [smem:$0x3FB3];
	_ =	sdelay $0x3  }
0x36: {  	p1 =	seq.s32 s10, $0x1;
	s10 =	sld [smem:$0x3FB4];
	_ =	sdelay $0x3  }
0x37: {  	[smem:$0x3FB4] =	sst s10  }
0x38: {  	s10 =	sld [smem:$0x3FB5]  }
0x39: {  	_ = 	snop;
	(pc) =	sbr.ind lr, $3  }
0x3a: {  	_ = 	snop  }
0x3b: {  	_ = 	snop  }
0x3c: {  	p2 =	seq.s32 s10, $0x1;
	s10 =	sld [smem:$0x3FB4]  }
0x3d: {  	_ =	shalt  }
0x3e: {  	_ =	shalt  }
0x3f: {  	_ =	shalt  }
0x40: {  	_ =	shalt  }
0x41: {  	_ =	shalt  }
0x42: {  	_ =	shalt  }
0x43: {  	_ =	shalt  }
0x44: {  	_ =	shalt  }
0x45: {  	_ =	shalt  }
0x46: {  	_ =	shalt  }
0x47: {  	_ =	shalt  }
0x48: {  	_ =	shalt  }
0x49: {  	_ =	shalt  }
0x4a: {  	_ =	shalt  }
0x4b: {  	_ =	shalt  }
0x4c: {  	_ =	shalt  }
0x4d: {  	_ =	shalt  }
0x4e: {  	_ =	shalt  }
0x4f: {  	_ =	shalt  }
0x50: {  	_ =	shalt  }
0x51: {  	_ =	shalt  }
0x52: {  	_ =	shalt  }
0x53: {  	_ =	shalt  }
0x54: {  	_ =	shalt  }
0x55: {  	_ =	shalt  }
0x56: {  	_ =	shalt  }
0x57: {  	_ =	shalt  }
0x58: {  	_ =	shalt  }
0x59: {  	_ =	shalt  }
0x5a: {  	_ =	shalt  }
0x5b: {  	_ =	shalt  }
0x5c: {  	_ =	shalt  }
0x5d: {  	_ =	shalt  }
0x5e: {  	_ =	shalt  }
0x5f: {  	_ =	shalt  }
0x60: {  	_ =	shalt  }
0x61: {  	_ =	shalt  }
0x62: {  	_ =	shalt  }
0x63: {  	_ =	shalt  }
0x64: {  	_ =	shalt  }
0x65: {  	_ =	shalt  }
0x66: {  	_ =	shalt  }
0x67: {  	_ =	shalt  }
0x68: {  	_ =	shalt  }
0x69: {  	_ =	shalt  }
0x6a: {  	_ =	shalt  }
0x6b: {  	_ =	shalt  }
0x6c: {  	_ =	shalt  }
0x6d: {  	_ =	shalt  }
0x6e: {  	_ =	shalt  }
0x6f: {  	_ =	shalt  }
0x70: {  	_ =	shalt  }
0x71: {  	_ =	shalt  }
0x72: {  	_ =	shalt  }
0x73: {  	_ =	shalt  }
0x74: {  	_ =	shalt  }
0x75: {  	_ =	shalt  }
0x76: {  	_ =	shalt  }
0x77: {  	_ =	shalt  }
0x78: {  	_ =	shalt  }
0x79: {  	_ =	shalt  }
0x7a: {  	_ =	shalt  }
0x7b: {  	_ =	shalt  }
0x7c: {  	_ =	shalt  }
0x7d: {  	_ =	shalt  }
0x7e: {  	_ =	shalt  }
0x7f: {  	_ =	shalt  }
0x80: {  	_ =	shalt  }
0x81: {  	_ =	shalt  }
0x82: {  	_ =	shalt  }
0x83: {  	_ =	shalt  }
0x84: {  	_ =	shalt  }
0x85: {  	_ =	shalt  }
0x86: {  	_ =	shalt  }
0x87: {  	_ =	shalt  }
.Lfunc_end0:
.L_simem_size_0:
called_computation.1_lowered:
.L_overlay_start_0:
0x88: {  	s2 =	sld [smem:$0x3FD9]  }
0x89: {  	s3 =	sld [smem:$0x3FFE];
	_ =	sdelay $0x1  }
0x8a: {  	s1 =	srdreg.scid  }
0x8b: {  	s0 =	sand.u32 $0x1, s1  }
0x8c: {  	s14 =	sshll.u32 s0, $0xA;
	s2 =	sadd.s32 s3, s2  }
0x8d: {  	s2 =	sadd.s32 s2, s14  }
0x8e: {  	[smem:$0x3FC0] =	sst s2  }
0x8f: {  	_ = 	snop  }
0x90: {  	s2 =	sld [smem:$0x3FD0];
	_ =	sdelay $0x2  }
0x91: {  	s15 =	simm.s32 $0xA;
	s4 =	simm.s32 $0x10  }
0x92: {  	[smem:s4], [sflag:s15] =	dma.local [hbm:s2], $0x1  }
0x93: {  	_ =	swait.eq [sflag:s15], $0x1  }
0x94: {  	[sflag:s15] =	ssyncset.done $0x0  }
0x95: {  	s16 =	sld [smem:$0x10];
	[sflag:s15] =	ssyncadd.s32 $0xFFFFFFFF  }
0x96: {  	s17 =	sld [smem:$0x11];
	(tm) =	ssettm $0x1  }
0x97: {  	s18 =	sld [smem:$0x3FFB];
	_ =	sdelay $0x3  }
0x98: {  	_ =	strace s18  }
0x99: {  	s4 =	sld [smem:$0x3FFC];
	_ =	sdelay $0x3  }
0x9a: {  	_ =	strace s4  }
0x9b: {  	s4 =	sld [smem:$0x3FFD];
	_ =	sdelay $0x3  }
0x9c: {  	_ =	strace s4  }
0x9d: {  	_ =	strace $0x8FFFFFFF  }
0x9e: {  	s19 =	sld [smem:$0x3FDB];
	_ =	sdelay $0x1  }
0x9f: {  	s5 =	simm.s32 $_scs_section_size  }
0xa0: {  	s6 =	simm.s32 $_size__tile_overlayer_lowered;
	s7 =	simm.s32 $_tile_overlayer_lowered  }
0xa1: {  	s22 =	simm.s32 $0x1BFF;
	s21 =	sshll.u32 s7, $0x1;
	s4 =	sadd.s32 s5, s19  }
0xa2: {  	s8 =	simm.s32 $0x0;
	s20 =	sshll.u32 s6, $0x1;
	s6 =	sadd.s32 s21, s4  }
0xa3: {  	[timem:s8], [sflag:s22] =	dma.local [hbm:s6], s20  }
0xa4: {  	_ =	swait.ge [sflag:s22], s20  }
0xa5: {  	s5 =	ssub.s32 $0x0, s20;
	[sflag:s22] =	ssyncset.done $0x0  }
0xa6: {  	[sflag:s22] =	ssyncadd.s32 s5;
	_ =	sdelay $0x1  }
0xa7: {  	s23 =	simm.s32 $0x1B8B  }
0xa8: {  	_ =	swait.ge [sflag:s23], $0x1  }
0xa9: {  	[sflag:s23] =	ssyncset.done $0x0  }
0xaa: {  	s25 =	simm.s32 $0x1B8E;
	s24 =	sld [smem:$0x3FFE];
	[sflag:s23] =	ssyncadd.s32 $0xFFFFFFFF  }
0xab: {  	s26 =	simm.s32 $execute0_lowered;
	[smem:$0x3FD2] =	sst s25  }
0xac: {  	s6 =	sshll.u32 s26, $0x1;
	_ =	strace $0x80000049;
	[dreg:$0x1] =	wrdreg $0xFFFFFFFF  }
0xad: {  	s28 =	simm.s32 $_size_execute0_lowered;
	s4 =	sadd.s32 s4, s6;
	[dreg:$0x0] =	wrdreg $0x0  }
0xae: {  	s6 =	sshll.u32 s28, $0x1;
	[dreg:$0x2] =	wrdreg s4  }
0xaf: {  	[dreg:$0x3] =	wrdreg s6  }
0xb0: {  	[dreg:$0x4] =	wrdreg $0xC0  }
0xb1: {  	_ =	task [dreg:s8], $0x5FFFF  }
0xb2: {  	[dreg:$0x1] =	wrdreg $0xFFFFFFFF  }
0xb3: {  	[dreg:$0x0] =	wrdreg $0x60  }
0xb4: {  	[dreg:$0x2] =	wrdreg s24  }
0xb5: {  	[dreg:$0x3] =	wrdreg s16  }
0xb6: {  	[dreg:$0x4] =	wrdreg s17  }
0xb7: {  	[dreg:$0x5] =	wrdreg $0x8C800  }
0xb8: {  	[dreg:$0x6] =	wrdreg $0x1CC800  }
0xb9: {  	[dreg:$0x7] =	wrdreg $0x9  }
0xba: {  	_ =	task.clear_ibuf [dreg:s8], $0x8FFFF;
	_ =	strace $0x90000049  }
0xbb: {  	s29 =	simm.s32 $0x9;
	_ =	strace $0x8000004B  }
0xbc: {  	_ =	swait.ge [sflag:s29], $0x1  }
0xbd: {  	[sflag:s29] =	ssyncadd.s32 $0xFFFFFFFF  }
0xbe: {  	_ =	strace $0x9000004B  }
0xbf: {  	_ =	sfence  }
0xc0: {  	s30 =	sld [smem:$0x0];
	_ =	sdelay $0x2  }
0xc1: {  	s31 =	sshll.u32 s1, $0xD;
	s1 =	sshrl.u32 s1, $0x2  }
0xc2: {  	s3 =	sand.u32 $0x4000, s31;
	s1 =	sadd.s32 s1, s30  }
0xc3: {  	s0 =	sor.u32 s3, s0;
	s1 =	sshll.u32 s1, $0x11  }
0xc4: {  	s0 =	sor.u32 s1, s0  }
0xc5: {  	s0 =	sadd.s32 $0x8F2B, s0  }
0xc6: {  	[sflag:s0] =	ssyncadd.remote.s32 $0x1  }
0xc7: {  	_ =	sfence.sel $0xFFFF  }
0xc8: {  	[dreg:$0x0] =	wrdreg $0xFFFFFFFF;
	(pc) =	sbr.abs _section_cstart, $3  }
0xc9: {  	[dreg:$0x1] =	wrdreg $0xFFFFFFFF  }
0xca: {  	_ =	task.clear_ibuf [dreg:s8], $0x2FFFF;
	_ =	strace $0x9FFFFFFF  }
0xcb: {  	(tm) =	ssettm $0x7FFFFFFF  }
tec
execute0_lowered:
.L_overlay_start_1:
0x0: {  	(tag) =	ssettag $0x1  }
0x1: {  	s0 =	rddreg [dreg:$0x0]  }
0x2: {  	s20 =	rddreg [dreg:$0x1]  }
0x3: {  	s2 =	rddreg [dreg:$0x2]  }
0x4: {  	s1 =	rddreg [dreg:$0x3]  }
0x5: {  	s3 =	rddreg [dreg:$0x4]  }
0x6: {  	s6 =	srdreg.scid;
	s15 =	stileid.u32  }
0x7: {  	s5 =	simm.s32 $0x0;
	s28 =	simm.s32 $0xA;
	s8 =	smul.u32 $0x280, s15  }
0x8: {  	s29 =	simm.s32 $0xE;
	s7 =	sand.u32 $0x1, s6;
	s13 =	smul.u32 $0x50000, s15  }
0x9: {  	[smem:$0x7FF] =	sst s5;
	s11 =	sshll.u32 s15, $0x1;
	s15 =	smul.u32 $0xA000, s15  }
0xa: {  	s10 =	sadd.s32 $0x3200, s0;
	s6 =	sadd.s32 $0x17200, s0;
	s9 =	smul.u32 $0x2800, s7  }
0xb: {  	s11 =	sor.u32 s7, s11;
	s17 =	ssub.s32 $0x2, s7;
	s7 =	smul.u32 $0x5000, s7  }
0xc: {  	_ =	strace $0x8000004A;
	s11 =	smul.u32 $0x5000, s11;
	s14 =	sshrl.u32 s17, $0x1  }
0xd: {  	s13 =	sshrl.u32 s13, $0x2;
	s31 =	sadd.s32 s8, s3;
	s9 =	sadd.s32 s8, s9  }
0xe: {  	s4 =	sadd.s32 s13, s1;
	s7 =	sadd.s32 s7, s15;
	[dreg:$0x8] =	wrdreg s31  }
0xf: {  	s12 =	sshll.u32 s9, $0x4;
	s5 =	sadd.s32 $0x4000, s4;
	s18 =	sshrl.u32 s11, $0x3  }
0x10: {  	s23 =	sor.u32 $0xB00, s7;
	s9 =	sshrl.u32 s9, $0x3;
	s24 =	sor.u32 $0xA00, s7  }
0x11: {  	s30 =	sor.u32 $0x900, s7;
	s1 =	sor.u32 $0x800, s7;
	s3 =	sor.u32 $0x700, s7  }
0x12: {  	s15 =	sor.u32 $0x600, s7;
	s16 =	sor.u32 $0x500, s7;
	[dreg:$0x6] =	wrdreg s4  }
0x13: {  	s7 =	sor.u32 $0x400, s7;
	s2 =	sadd.s32 s2, s9;
	[dreg:$0x7] =	wrdreg s5  }
0x14: {  	s8 =	sshrl.u32 s23, $0x3;
	s23 =	sadd.s32 $0xC000, s4;
	[dreg:$0xd] =	wrdreg s2  }
0x15: {  	s26 =	sshrl.u32 s24, $0x3;
	s24 =	sadd.s32 $0x10000, s4;
	[dreg:$0x1a] =	wrdreg s23  }
0x16: {  	s0 =	sadd.s32 s12, s0;
	s13 =	sadd.s32 s10, s18;
	[dreg:$0x1b] =	wrdreg s24  }
0x17: {  	s12 =	ssub.s32 s17, s14;
	s19 =	sadd.s32 $0x3F200, s0;
	[dreg:$0x9] =	wrdreg s13  }
0x18: {  	s14 =	sshrl.u32 s3, $0x3;
	s21 =	sadd.s32 $0x3FA00, s0;
	[dreg:$0xa] =	wrdreg s19  }
0x19: {  	s18 =	sshrl.u32 s7, $0x3;
	s22 =	sadd.s32 $0x40200, s0;
	[dreg:$0xb] =	wrdreg s21  }
0x1a: {  	s3 =	simm.s32 $0x4800;
	s25 =	sadd.s32 s8, s10;
	[dreg:$0xc] =	wrdreg s22  }
0x1b: {  	s2 =	sadd.s32 s26, s10;
	s8 =	sshrl.u32 s1, $0x3;
	[dreg:$0xe] =	wrdreg s25  }
0x1c: {  	s26 =	sadd.s32 $0x40, s13;
	s1 =	simm.s32 $0x0;
	[dreg:$0xf] =	wrdreg s2  }
0x1d: {  	s23 =	simm.s32 $0x500;
	s11 =	sadd.s32 s8, s10;
	[dreg:$0x1d] =	wrdreg s26  }
0x1e: {  	s24 =	simm.s32 $0x10;
	s19 =	sadd.s32 $0x40A00, s0;
	[dreg:$0x11] =	wrdreg s11  }
0x1f: {  	s2 =	sshrl.u32 s30, $0x3;
	s0 =	sadd.s32 $0x41200, s0;
	[dreg:$0x16] =	wrdreg s19  }
0x20: {  	s8 =	sshrl.u32 s16, $0x3;
	s21 =	smax.u32 s12, $0x1;
	[dreg:$0x17] =	wrdreg s0  }
0x21: {  	s22 =	sadd.s32 $0x8000, s4;
	s25 =	sadd.s32 $0x20, s13;
	[dreg:$0x18] =	wrdreg s21  }
0x22: {  	s30 =	sadd.s32 $0x60, s13;
	s26 =	simm.s32 $0xB;
	[dreg:$0x19] =	wrdreg s22  }
0x23: {  	s12 =	simm.s32 $0x800;
	s2 =	sadd.s32 s2, s10;
	[dreg:$0x1c] =	wrdreg s25  }
0x24: {  	s17 =	sadd.s32 s8, s10;
	[dreg:$0x1e] =	wrdreg s30;
	s25 =	simm.s32 $0x80  }
0x25: {  	s22 =	simm.s32 $0x8800;
	s0 =	simm.s32 $0x8880;
	s19 =	simm.s32 $0x9  }
.Ltmp0:
0x26: {  	[dreg:$0x10] =	wrdreg s2;
	s2 =	sadd.s32 s14, s10;
	(pc) =	sbr.rel .LBB2_1-.Ltmp0, $4  }
0x27: {  	s21 =	simm.s32 $0xF;
	[dreg:$0x12] =	wrdreg s2;
	s2 =	sshrl.u32 s15, $0x3  }
0x28: {  	s8 =	simm.s32 $0x700;
	[dreg:$0x14] =	wrdreg s17;
	s2 =	sadd.s32 s2, s10  }
0x29: {  	s14 =	simm.s32 $0x11;
	[dreg:$0x13] =	wrdreg s2;
	s2 =	sadd.s32 s18, s10  }
0x2a: {  	v0 =	vimm.f32 $0.0e+00;
	s15 =	simm.s32 $0x8900;
	s18 =	simm.s32 $0xC;
	[dreg:$0x15] =	wrdreg s2  }
.LBB2_6:
0x2b: {  	_ =	swait.ge [sflag:s26], $0x4000  }
0x2c: {  	[sflag:s26] =	ssyncset.done $0x0  }
0x2d: {  	[sflag:s26] =	ssyncadd.s32 $0xFFFFC000  }
0x2e: {  	_ =	swait.ge [sflag:s18], $0x4000  }
0x2f: {  	[sflag:s18] =	ssyncset.done $0x0  }
0x30: {  	s1 =	simm.s32 $0x13;
	[sflag:s18] =	ssyncadd.s32 $0xFFFFC000  }
0x31: {  	_ =	swait.ge [sflag:s1], $0x80  }
0x32: {  	[sflag:s1] =	ssyncset.done $0x0  }
0x33: {  	s11 =	simm.s32 $0x14;
	[sflag:s1] =	ssyncadd.s32 $0xFFFFFF80  }
0x34: {  	_ =	swait.ge [sflag:s11], $0x80  }
0x35: {  	[sflag:s11] =	ssyncset.done $0x0  }
0x36: {  	[sflag:s11] =	ssyncadd.s32 $0xFFFFFF80  }
0x37: {  	s7 =	stileid.u32;
	[bflag:$0x0] =	sbarrier.arrive $0xFFFF  }
0x38: {  	s16 =	simm.s32 $0x15;
	s7 =	sshll.u32 s7, $0x6;
	s4 =	rddreg [dreg:$0x6]  }
0x39: {  	s7 =	sor.u32 $0x1C15, s7;
	s17 =	rddreg [dreg:$0xa];
	s9 =	sshrl.u32 s4, $0x3  }
0x3a: {  	[hbm:s17], [sflag:s7] =	dma.local [spmem:s9], $0x800  }
0x3b: {  	_ =	swait.ge [sflag:s16], $0x800  }
0x3c: {  	[sflag:s16] =	ssyncset.done $0x0;
	s5 =	rddreg [dreg:$0x7]  }
0x3d: {  	s31 =	rddreg [dreg:$0xb];
	[sflag:s16] =	ssyncadd.s32 $0xFFFFF800;
	s13 =	sshrl.u32 s5, $0x3  }
0x3e: {  	[hbm:s31], [sflag:s7] =	dma.local [spmem:s13], $0x800  }
0x3f: {  	_ =	swait.ge [sflag:s16], $0x800  }
0x40: {  	[sflag:s16] =	ssyncset.done $0x0;
	s17 =	rddreg [dreg:$0x19]  }
0x41: {  	s31 =	rddreg [dreg:$0xc];
	[sflag:s16] =	ssyncadd.s32 $0xFFFFF800;
	s9 =	sshrl.u32 s17, $0x3  }
0x42: {  	[hbm:s31], [sflag:s7] =	dma.local [spmem:s9], $0x800  }
0x43: {  	_ =	swait.ge [sflag:s16], $0x800  }
0x44: {  	[sflag:s16] =	ssyncset.done $0x0;
	s30 =	rddreg [dreg:$0x1a]  }
0x45: {  	s1 =	rddreg [dreg:$0x16];
	[sflag:s16] =	ssyncadd.s32 $0xFFFFF800;
	s9 =	sshrl.u32 s30, $0x3  }
0x46: {  	[hbm:s1], [sflag:s7] =	dma.local [spmem:s9], $0x800  }
0x47: {  	_ =	swait.ge [sflag:s16], $0x800  }
0x48: {  	[sflag:s16] =	ssyncset.done $0x0;
	s2 =	rddreg [dreg:$0x1b]  }
0x49: {  	s10 =	rddreg [dreg:$0x17];
	[sflag:s16] =	ssyncadd.s32 $0xFFFFF800;
	s9 =	sshrl.u32 s2, $0x3  }
0x4a: {  	[hbm:s10], [sflag:s7] =	dma.local [spmem:s9], $0x800  }
0x4b: {  	_ =	swait.ge [sflag:s16], $0x800  }
0x4c: {  	[sflag:s16] =	ssyncset.done $0x0;
	s31 =	rddreg [dreg:$0x8]  }
0x4d: {  	s13 =	rddreg [dreg:$0xd];
	[sflag:s16] =	ssyncadd.s32 $0xFFFFF800;
	s11 =	sshrl.u32 s31, $0x3  }
0x4e: {  	[hbm:s13], [sflag:s7] =	dma.local [spmem:s11], $0x50  }
0x4f: {  	_ =	swait.ge [sflag:s16], $0x50  }
0x50: {  	s17 =	rddreg [dreg:$0x1f]  }
0x51: {  	s30 =	rddreg [dreg:$0x18];
	s1 =	sadd.s32 $0x1, s17  }
0x52: {  	p0 =	sne.s32 s1, s30  }
.Ltmp1:
0x53: {  	_ = 	snop;
	(pc) =	sbr.rel @!p0 .LBB2_7-.Ltmp1, $3  }
0x54: {  	_ =	sdelay $0x1  }
0x55: {  	[sflag:s16] =	ssyncset.done $0x0  }
0x56: {  	[sflag:s16] =	ssyncadd.s32 $0xFFFFFFB0  }
.LBB2_1:
0x57: {  	[dreg:$0x1f] =	wrdreg s1;
	s7 =	simm.s32 $0x0;
	s9 =	simm.s32 $0x200  }
.LBB2_2:
0x58: {  	p0 =	sne.s32 s9, $0xFE00;
	[tilespmem:s7+$0x870] =	vst v0  }
0x59: {  	[tilespmem:s7+$0x800] =	vst v0  }
0x5a: {  	[tilespmem:s7+$0x810] =	vst v0  }
.Ltmp2:
0x5b: {  	[tilespmem:s7+$0x820] =	vst v0;
	(pc) =	sbr.rel @p0 .LBB2_2-.Ltmp2, $4  }
0x5c: {  	[tilespmem:s7+$0x830] =	vst v0  }
0x5d: {  	[tilespmem:s7+$0x840] =	vst v0  }
0x5e: {  	[tilespmem:s7+$0x850] =	vst v0  }
0x5f: {  	[tilespmem:s7+$0x860] =	vst v0;
	s7 =	sshra.s32 s9, $0x2;
	s9 =	sadd.s32 $0x200, s9  }
0x60: {  	[tilespmem:s7+$0x870] =	vst v0  }
0x61: {  	[tilespmem:s7+$0x800] =	vst v0  }
0x62: {  	[tilespmem:s7+$0x810] =	vst v0  }
0x63: {  	[tilespmem:s7+$0x820] =	vst v0  }
0x64: {  	[tilespmem:s7+$0x830] =	vst v0  }
0x65: {  	[tilespmem:s7+$0x840] =	vst v0  }
0x66: {  	[tilespmem:s7+$0x850] =	vst v0  }
0x67: {  	[tilespmem:s7+$0x860] =	vst v0  }
0x68: {  	[tilespmem:$0x8A00] =	vst v0  }
0x69: {  	[tilespmem:$0x8A10] =	vst v0  }
0x6a: {  	[tilespmem:$0x8A20] =	vst v0  }
0x6b: {  	[tilespmem:$0x8A30] =	vst v0  }
0x6c: {  	[tilespmem:$0x8A40] =	vst v0  }
0x6d: {  	[tilespmem:$0x8A50] =	vst v0  }
0x6e: {  	[tilespmem:$0x8A60] =	vst v0  }
0x6f: {  	[tilespmem:$0x8A70] =	vst v0  }
0x70: {  	[tilespmem:$0x8A80] =	vst v0  }
0x71: {  	[tilespmem:$0x8A90] =	vst v0  }
0x72: {  	[tilespmem:$0x8AA0] =	vst v0  }
0x73: {  	[tilespmem:$0x8AB0] =	vst v0  }
0x74: {  	[tilespmem:$0x8AC0] =	vst v0  }
0x75: {  	[tilespmem:$0x8AD0] =	vst v0  }
0x76: {  	[tilespmem:$0x8AE0] =	vst v0  }
0x77: {  	[tilespmem:$0x8AF0] =	vst v0  }
0x78: {  	[tilespmem:$0x8B00] =	vst v0  }
0x79: {  	[tilespmem:$0x8B10] =	vst v0  }
0x7a: {  	[tilespmem:$0x8B20] =	vst v0  }
0x7b: {  	[tilespmem:$0x8B30] =	vst v0  }
0x7c: {  	[tilespmem:$0x8B40] =	vst v0  }
0x7d: {  	[tilespmem:$0x8B50] =	vst v0  }
0x7e: {  	[tilespmem:$0x8B60] =	vst v0  }
0x7f: {  	[tilespmem:$0x8B70] =	vst v0  }
0x80: {  	[tilespmem:$0x8B80] =	vst v0  }
0x81: {  	[tilespmem:$0x8B90] =	vst v0  }
0x82: {  	[tilespmem:$0x8BA0] =	vst v0  }
0x83: {  	[tilespmem:$0x8BB0] =	vst v0  }
0x84: {  	[tilespmem:$0x8BC0] =	vst v0  }
0x85: {  	[tilespmem:$0x8BD0] =	vst v0  }
0x86: {  	[tilespmem:$0x8BE0] =	vst v0  }
0x87: {  	[tilespmem:$0x8BF0] =	vst v0  }
0x88: {  	[tilespmem:$0x8C00] =	vst v0  }
0x89: {  	[tilespmem:$0x8C10] =	vst v0  }
0x8a: {  	[tilespmem:$0x8C20] =	vst v0  }
0x8b: {  	[tilespmem:$0x8C30] =	vst v0  }
0x8c: {  	[tilespmem:$0x8C40] =	vst v0  }
0x8d: {  	[tilespmem:$0x8C50] =	vst v0  }
0x8e: {  	[tilespmem:$0x8C60] =	vst v0  }
0x8f: {  	s2 =	simm.s32 $0x800;
	s9 =	simm.s32 $0x15;
	[tilespmem:$0x8C70] =	vst v0  }
0x90: {  	[spmem:s4] =	stream.linear.scatter [tilespmem:s2], [sflag:$0x15], $0x4000, $0x38;
	[tilespmem:$0x1CF00] =	vst v63  }
0x91: {  	_ =	swait.ge [sflag:s9], $0x4000  }
0x92: {  	[sflag:s9] =	ssyncset.done $0x0  }
0x93: {  	[sflag:s9] =	ssyncadd.s32 $0xFFFFC000  }
0x94: {  	[spmem:s5] =	stream.linear.scatter [tilespmem:s2], [sflag:$0x15], $0x4000, $0x38;
	[tilespmem:$0x1CF00] =	vst v63  }
0x95: {  	_ =	swait.ge [sflag:s9], $0x4000  }
0x96: {  	[sflag:s9] =	ssyncset.done $0x0  }
0x97: {  	s30 =	rddreg [dreg:$0x19];
	[sflag:s9] =	ssyncadd.s32 $0xFFFFC000  }
0x98: {  	[spmem:s30] =	stream.linear.scatter [tilespmem:s2], [sflag:$0x15], $0x4000, $0x38;
	[tilespmem:$0x1CF00] =	vst v63  }
0x99: {  	_ =	swait.ge [sflag:s9], $0x4000  }
0x9a: {  	[sflag:s9] =	ssyncset.done $0x0  }
0x9b: {  	s1 =	rddreg [dreg:$0x1a];
	[sflag:s9] =	ssyncadd.s32 $0xFFFFC000  }
0x9c: {  	[spmem:s1] =	stream.linear.scatter [tilespmem:s2], [sflag:$0x15], $0x4000, $0x38;
	[tilespmem:$0x1CF00] =	vst v63  }
0x9d: {  	_ =	swait.ge [sflag:s9], $0x4000  }
0x9e: {  	[sflag:s9] =	ssyncset.done $0x0  }
0x9f: {  	s4 =	rddreg [dreg:$0x1b];
	[sflag:s9] =	ssyncadd.s32 $0xFFFFC000  }
0xa0: {  	[spmem:s4] =	stream.linear.scatter [tilespmem:s2], [sflag:$0x15], $0x4000, $0x38;
	[tilespmem:$0x1CF00] =	vst v63  }
0xa1: {  	_ =	swait.ge [sflag:s9], $0x4000  }
0xa2: {  	[sflag:s9] =	ssyncset.done $0x0  }
0xa3: {  	s5 =	simm.s32 $0x8A00;
	[sflag:s9] =	ssyncadd.s32 $0xFFFFC000  }
0xa4: {  	[spmem:s31] =	stream.linear.scatter [tilespmem:s5], [sflag:$0x15], $0x280, $0x38;
	[tilespmem:$0x1CF00] =	vst v63  }
0xa5: {  	_ =	swait.ge [sflag:s9], $0x280  }
0xa6: {  	[sflag:s9] =	ssyncset.done $0x0  }
0xa7: {  	s10 =	rddreg [dreg:$0x9];
	[sflag:s9] =	ssyncadd.s32 $0xFFFFFD80;
	s9 =	simm.s32 $0x0  }
0xa8: {  	[tilespmem:s9], [sflag:$0x1] =	stream.linear.gather [hbm4b:s10+s9], $0x100, $0x38;
	[tilespmem:$0x1CF00] =	vst v63  }
0xa9: {  	s16 =	simm.s32 $0x100;
	s11 =	rddreg [dreg:$0x1c]  }
0xaa: {  	[tilespmem:s16], [sflag:$0x2] =	stream.linear.gather [hbm4b:s11+s9], $0x100, $0x38;
	[tilespmem:$0x1CF00] =	vst v63  }
0xab: {  	s1 =	simm.s32 $0x200;
	s13 =	rddreg [dreg:$0x1d]  }
0xac: {  	[tilespmem:s1], [sflag:$0x3] =	stream.linear.gather [hbm4b:s13+s9], $0x100, $0x38;
	[tilespmem:$0x1CF00] =	vst v63  }
0xad: {  	s17 =	simm.s32 $0x300;
	s30 =	simm.s32 $0x1;
	s16 =	rddreg [dreg:$0x1e]  }
0xae: {  	[tilespmem:s17], [sflag:$0x4] =	stream.linear.gather [hbm4b:s16+s9], $0x100, $0x38;
	[tilespmem:$0x1CF00] =	vst v63  }
0xaf: {  	_ =	swait.ge [sflag:s30], $0x100  }
0xb0: {  	[sflag:s30] =	ssyncset.done $0x0  }
0xb1: {  	s31 =	simm.s32 $0x2;
	[sflag:s30] =	ssyncadd.s32 $0xFFFFFF00  }
0xb2: {  	_ =	swait.ge [sflag:s31], $0x100  }
0xb3: {  	[sflag:s31] =	ssyncset.done $0x0  }
0xb4: {  	[sflag:s31] =	ssyncadd.s32 $0xFFFFFF00  }
0xb5: {  	[tilespmem:s2], [sflag:$0x9] =	stream.indirect.gather [hbm4b:s6+s25], $0x80, s9, s25, $0xb8;
	[tilespmem:$0x1CF00] =	vst v63  }
0xb6: {  	_ = 	snop  }
0xb7: {  	[tilespmem:s22], [sflag:$0xD] =	stream.indirect.gather [hbm4b:s20+s25], $0x1, s25, s25, $0xb8;
	[tilespmem:$0x1CF00] =	vst v63  }
0xb8: {  	s10 =	simm.s32 $0x180  }
0xb9: {  	[tilespmem:s0], [sflag:$0xE] =	stream.indirect.gather [hbm4b:s20+s25], $0x1, s10, s25, $0xb8;
	[tilespmem:$0x1CF00] =	vst v63  }
0xba: {  	[bflag:$0x0] =	sbarrier.arrive $0xFFFF  }
.LBB2_4:
0xbb: {  	s7 =	rddreg [dreg:$0x15];
	s30 =	simm.s32 $0x400  }
0xbc: {  	s22 =	simm.s32 $0x0;
	s16 =	simm.s32 $0x3;
	s7 =	sadd.s32 s9, s7  }
0xbd: {  	[tilespmem:s30], [sflag:$0x5] =	stream.linear.gather [hbm4b:s7+s22], $0x100, $0x38;
	[tilespmem:$0x1CF00] =	vst v63  }
0xbe: {  	p0 =	seq.s32 s9, $0x0;
	_ =	swait.ge [sflag:s16], $0x100  }
0xbf: {  	s17 =	simm.s32 @p0 $0x4800;
	[sflag:s16] =	ssyncset.done $0x0  }
0xc0: {  	s7 =	simm.s32 @p0 $0x80;
	[sflag:s16] =	ssyncadd.s32 $0xFFFFFF00;
	s16 =	simm.s32 @p0 $0x100  }
0xc1: {  	[tilespmem:s17], [sflag:$0xA] =	stream.indirect.gather @p0 [hbm4b:s6+s7], $0x80, s16, s7, $0xb8;
	[tilespmem:$0x1CF00] =	vst v63  }
0xc2: {  	s16 =	simm.s32 @p0 $0x9  }
0xc3: {  	_ =	swait.ge @p0 [sflag:s16], $0x4000  }
0xc4: {  	[sflag:s16] =	ssyncset.done @p0 $0x0  }
0xc5: {  	[sflag:s16] =	ssyncadd.s32 @p0 $0xFFFFC000  }
0xc6: {  	s16 =	simm.s32 @p0 $0x800;
	s4 =	rddreg [dreg:$0x3]  }
0xc7: {  	[spmem:s4] =	stream.indirect.scatter.add.f32 @p0 [tilespmem:s16], [sflag:$0xB], $0x80, s7, s7, $0xb8;
	[tilespmem:$0x1CF00] =	vst v63  }
0xc8: {  	s16 =	simm.s32 @p0 $0xD  }
0xc9: {  	_ =	swait.ge @p0 [sflag:s16], $0x80  }
0xca: {  	[sflag:s16] =	ssyncset.done @p0 $0x0  }
0xcb: {  	[sflag:s16] =	ssyncadd.s32 @p0 $0xFFFFFF80  }
0xcc: {  	s17 =	simm.s32 @p0 $0x8800;
	s16 =	simm.s32 @p0 $0x0;
	s13 =	rddreg [dreg:$0x4]  }
0xcd: {  	[spmem:s13] =	stream.indirect.scatter.add.f32 @p0 [tilespmem:s17], [sflag:$0x11], $0x1, s16, s7, $0xb8;
	[tilespmem:$0x1CF00] =	vst v63  }
0xce: {  	s7 =	simm.s32 @!p0 $0xC  }
0xcf: {  	_ =	swait.ge @!p0 [sflag:s7], $0x4000  }
0xd0: {  	s16 =	simm.s32 @!p0 $0x100;
	[sflag:s7] =	ssyncset.done @!p0 $0x0  }
0xd1: {  	s17 =	simm.s32 @!p0 $0x4800;
	[sflag:s7] =	ssyncadd.s32 @!p0 $0xFFFFC000;
	s7 =	simm.s32 @!p0 $0x80  }
0xd2: {  	[tilespmem:s17], [sflag:$0xA] =	stream.indirect.gather @!p0 [hbm4b:s6+s7], $0x80, s16, s7, $0xb8;
	[tilespmem:$0x1CF00] =	vst v63  }
0xd3: {  	s16 =	simm.s32 @!p0 $0x9  }
0xd4: {  	_ =	swait.ge @!p0 [sflag:s16], $0x4000  }
0xd5: {  	[sflag:s16] =	ssyncset.done @!p0 $0x0  }
0xd6: {  	[sflag:s16] =	ssyncadd.s32 @!p0 $0xFFFFC000;
	s16 =	simm.s32 @!p0 $0x800  }
0xd7: {  	[spmem:s4] =	stream.indirect.scatter.add.f32 @!p0 [tilespmem:s16], [sflag:$0xB], $0x80, s7, s7, $0xb8;
	[tilespmem:$0x1CF00] =	vst v63  }
0xd8: {  	s16 =	simm.s32 @!p0 $0xD  }
0xd9: {  	_ =	swait.ge @!p0 [sflag:s16], $0x80  }
0xda: {  	[sflag:s16] =	ssyncset.done @!p0 $0x0  }
0xdb: {  	s17 =	simm.s32 @!p0 $0x8800;
	[sflag:s16] =	ssyncadd.s32 @!p0 $0xFFFFFF80;
	s16 =	simm.s32 @!p0 $0x0  }
0xdc: {  	[spmem:s13] =	stream.indirect.scatter.add.f32 @!p0 [tilespmem:s17], [sflag:$0x11], $0x1, s16, s7, $0xb8;
	[tilespmem:$0x1CF00] =	vst v63  }
0xdd: {  	s7 =	simm.s32 @!p0 $0x13  }
0xde: {  	_ =	swait.ge @!p0 [sflag:s7], $0x80  }
0xdf: {  	[sflag:s7] =	ssyncset.done @!p0 $0x0  }
0xe0: {  	s11 =	simm.s32 $0x280;
	s17 =	rddreg [dreg:$0x14];
	[sflag:s7] =	ssyncadd.s32 @!p0 $0xFFFFFF80  }
0xe1: {  	[tilespmem:s15], [sflag:$0xF] =	stream.indirect.gather [hbm4b:s20+s25], $0x1, s11, s25, $0xb8;
	[tilespmem:$0x1CF00] =	vst v63  }
0xe2: {  	s31 =	simm.s32 $0x4;
	s7 =	sadd.s32 s9, s17  }
0xe3: {  	[tilespmem:s23], [sflag:$0x6] =	stream.linear.gather [hbm4b:s7+s22], $0x100, $0x38;
	[tilespmem:$0x1CF00] =	vst v63  }
0xe4: {  	_ =	swait.ge [sflag:s31], $0x100  }
0xe5: {  	[sflag:s31] =	ssyncset.done $0x0  }
0xe6: {  	[sflag:s31] =	ssyncadd.s32 $0xFFFFFF00  }
0xe7: {  	_ =	swait.ge [sflag:s26], $0x4000  }
0xe8: {  	[sflag:s26] =	ssyncset.done $0x0  }
0xe9: {  	s1 =	simm.s32 $0x200;
	[sflag:s26] =	ssyncadd.s32 $0xFFFFC000  }
0xea: {  	[tilespmem:s12], [sflag:$0x9] =	stream.indirect.gather [hbm4b:s6+s25], $0x80, s1, s25, $0xb8;
	[tilespmem:$0x1CF00] =	vst v63  }
0xeb: {  	_ =	swait.ge [sflag:s28], $0x4000  }
0xec: {  	[sflag:s28] =	ssyncset.done $0x0  }
0xed: {  	[sflag:s28] =	ssyncadd.s32 $0xFFFFC000  }
0xee: {  	[spmem:s4] =	stream.indirect.scatter.add.f32 [tilespmem:s3], [sflag:$0xC], $0x80, s10, s25, $0xb8;
	[tilespmem:$0x1CF00] =	vst v63  }
0xef: {  	_ =	swait.ge [sflag:s29], $0x80  }
0xf0: {  	[sflag:s29] =	ssyncset.done $0x0  }
0xf1: {  	s17 =	simm.s32 $0x100;
	s7 =	simm.s32 @!p0 $0x14;
	[sflag:s29] =	ssyncadd.s32 $0xFFFFFF80  }
0xf2: {  	[spmem:s13] =	stream.indirect.scatter.add.f32 [tilespmem:s0], [sflag:$0x12], $0x1, s17, s25, $0xb8;
	[tilespmem:$0x1CF00] =	vst v63  }
0xf3: {  	_ =	swait.ge @!p0 [sflag:s7], $0x80  }
0xf4: {  	s2 =	simm.s32 $0x8980;
	[sflag:s7] =	ssyncset.done @!p0 $0x0  }
0xf5: {  	s10 =	simm.s32 $0x380;
	s31 =	rddreg [dreg:$0x13];
	[sflag:s7] =	ssyncadd.s32 @!p0 $0xFFFFFF80  }
0xf6: {  	[tilespmem:s2], [sflag:$0x10] =	stream.indirect.gather [hbm4b:s20+s25], $0x1, s10, s25, $0xb8;
	[tilespmem:$0x1CF00] =	vst v63  }
0xf7: {  	s5 =	simm.s32 $0x600;
	s0 =	simm.s32 $0x5;
	s7 =	sadd.s32 s9, s31  }
0xf8: {  	[tilespmem:s5], [sflag:$0x7] =	stream.linear.gather [hbm4b:s7+s22], $0x100, $0x38;
	[tilespmem:$0x1CF00] =	vst v63  }
0xf9: {  	_ =	swait.ge [sflag:s0], $0x100  }
0xfa: {  	[sflag:s0] =	ssyncset.done $0x0  }
0xfb: {  	[sflag:s0] =	ssyncadd.s32 $0xFFFFFF00  }
0xfc: {  	_ =	swait.ge [sflag:s18], $0x4000  }
0xfd: {  	[sflag:s18] =	ssyncset.done $0x0  }
0xfe: {  	s17 =	simm.s32 $0x300;
	[sflag:s18] =	ssyncadd.s32 $0xFFFFC000  }
0xff: {  	[tilespmem:s3], [sflag:$0xA] =	stream.indirect.gather [hbm4b:s6+s25], $0x80, s17, s25, $0xb8;
	[tilespmem:$0x1CF00] =	vst v63  }
0x100: {  	_ =	swait.ge [sflag:s19], $0x4000  }
0x101: {  	[sflag:s19] =	ssyncset.done $0x0  }
0x102: {  	[sflag:s19] =	ssyncadd.s32 $0xFFFFC000  }
0x103: {  	[spmem:s4] =	stream.indirect.scatter.add.f32 [tilespmem:s12], [sflag:$0xB], $0x80, s11, s25, $0xb8;
	[tilespmem:$0x1CF00] =	vst v63  }
0x104: {  	_ =	swait.ge [sflag:s21], $0x80  }
0x105: {  	[sflag:s21] =	ssyncset.done $0x0  }
0x106: {  	[sflag:s21] =	ssyncadd.s32 $0xFFFFFF80  }
0x107: {  	[spmem:s13] =	stream.indirect.scatter.add.f32 [tilespmem:s15], [sflag:$0x13], $0x1, s1, s25, $0xb8;
	[tilespmem:$0x1CF00] =	vst v63  }
0x108: {  	_ =	swait.ge [sflag:s14], $0x80  }
0x109: {  	s31 =	simm.s32 $0x8800;
	[sflag:s14] =	ssyncset.done $0x0  }
0x10a: {  	s0 =	simm.s32 $0x480;
	s1 =	rddreg [dreg:$0x12];
	[sflag:s14] =	ssyncadd.s32 $0xFFFFFF80  }
0x10b: {  	[tilespmem:s31], [sflag:$0xD] =	stream.indirect.gather [hbm4b:s20+s25], $0x1, s0, s25, $0xb8;
	[tilespmem:$0x1CF00] =	vst v63  }
0x10c: {  	s11 =	simm.s32 $0x6;
	s7 =	sadd.s32 s9, s1  }
0x10d: {  	[tilespmem:s8], [sflag:$0x8] =	stream.linear.gather [hbm4b:s7+s22], $0x100, $0x38;
	[tilespmem:$0x1CF00] =	vst v63  }
0x10e: {  	_ =	swait.ge [sflag:s11], $0x100  }
0x10f: {  	[sflag:s11] =	ssyncset.done $0x0  }
0x110: {  	[sflag:s11] =	ssyncadd.s32 $0xFFFFFF00  }
0x111: {  	_ =	swait.ge [sflag:s26], $0x4000  }
0x112: {  	[sflag:s26] =	ssyncset.done $0x0  }
0x113: {  	[sflag:s26] =	ssyncadd.s32 $0xFFFFC000  }
0x114: {  	[tilespmem:s12], [sflag:$0x9] =	stream.indirect.gather [hbm4b:s6+s25], $0x80, s30, s25, $0xb8;
	[tilespmem:$0x1CF00] =	vst v63  }
0x115: {  	_ =	swait.ge [sflag:s28], $0x4000  }
0x116: {  	[sflag:s28] =	ssyncset.done $0x0  }
0x117: {  	[sflag:s28] =	ssyncadd.s32 $0xFFFFC000  }
0x118: {  	[spmem:s4] =	stream.indirect.scatter.add.f32 [tilespmem:s3], [sflag:$0xC], $0x80, s10, s25, $0xb8;
	[tilespmem:$0x1CF00] =	vst v63  }
0x119: {  	_ =	swait.ge [sflag:s24], $0x80  }
0x11a: {  	[sflag:s24] =	ssyncset.done $0x0  }
0x11b: {  	s1 =	simm.s32 $0x12;
	[sflag:s24] =	ssyncadd.s32 $0xFFFFFF80  }
0x11c: {  	[spmem:s13] =	stream.indirect.scatter.add.f32 [tilespmem:s2], [sflag:$0x14], $0x1, s17, s25, $0xb8;
	[tilespmem:$0x1CF00] =	vst v63  }
0x11d: {  	_ =	swait.ge [sflag:s1], $0x80  }
0x11e: {  	s16 =	simm.s32 $0x8880;
	p0 =	seq.s32 s9, $0x900;
	[sflag:s1] =	ssyncset.done $0x0  }
0x11f: {  	s11 =	simm.s32 $0x580;
	s7 =	rddreg [dreg:$0x11];
	[sflag:s1] =	ssyncadd.s32 $0xFFFFFF80  }
0x120: {  	[tilespmem:s16], [sflag:$0xE] =	stream.indirect.gather [hbm4b:s20+s25], $0x1, s11, s25, $0xb8;
	[tilespmem:$0x1CF00] =	vst v63  }
0x121: {  	s17 =	simm.s32 $0x7;
	s16 =	sadd.s32 @!p0 s9, s7;
	s7 =	simm.s32 @!p0 $0x0  }
0x122: {  	[tilespmem:s7], [sflag:$0x1] =	stream.linear.gather @!p0 [hbm4b:s16+s7], $0x100, $0x38;
	[tilespmem:$0x1CF00] =	vst v63  }
0x123: {  	_ =	swait.ge [sflag:s17], $0x100  }
0x124: {  	[sflag:s17] =	ssyncset.done $0x0  }
0x125: {  	[sflag:s17] =	ssyncadd.s32 $0xFFFFFF00  }
0x126: {  	_ =	swait.ge [sflag:s18], $0x4000  }
0x127: {  	[sflag:s18] =	ssyncset.done $0x0  }
0x128: {  	[sflag:s18] =	ssyncadd.s32 $0xFFFFC000  }
0x129: {  	[tilespmem:s3], [sflag:$0xA] =	stream.indirect.gather [hbm4b:s6+s25], $0x80, s23, s25, $0xb8;
	[tilespmem:$0x1CF00] =	vst v63  }
0x12a: {  	_ =	swait.ge [sflag:s19], $0x4000  }
0x12b: {  	[sflag:s19] =	ssyncset.done $0x0  }
0x12c: {  	s22 =	simm.s32 $0xD;
	[sflag:s19] =	ssyncadd.s32 $0xFFFFC000  }
0x12d: {  	[spmem:s4] =	stream.indirect.scatter.add.f32 [tilespmem:s12], [sflag:$0xB], $0x80, s0, s25, $0xb8;
	[tilespmem:$0x1CF00] =	vst v63  }
0x12e: {  	_ =	swait.ge [sflag:s22], $0x80  }
0x12f: {  	[sflag:s22] =	ssyncset.done $0x0  }
0x130: {  	[sflag:s22] =	ssyncadd.s32 $0xFFFFFF80  }
0x131: {  	[spmem:s13] =	stream.indirect.scatter.add.f32 [tilespmem:s31], [sflag:$0x11], $0x1, s30, s25, $0xb8;
	[tilespmem:$0x1CF00] =	vst v63  }
0x132: {  	s31 =	simm.s32 $0x13  }
0x133: {  	_ =	swait.ge [sflag:s31], $0x80  }
0x134: {  	[sflag:s31] =	ssyncset.done $0x0  }
0x135: {  	s30 =	simm.s32 $0x680;
	s16 =	rddreg [dreg:$0x10];
	[sflag:s31] =	ssyncadd.s32 $0xFFFFFF80  }
0x136: {  	[tilespmem:s15], [sflag:$0xF] =	stream.indirect.gather [hbm4b:s20+s25], $0x1, s30, s25, $0xb8;
	[tilespmem:$0x1CF00] =	vst v63  }
0x137: {  	s17 =	simm.s32 @!p0 $0x100;
	s16 =	sadd.s32 @!p0 s9, s16  }
0x138: {  	[tilespmem:s17], [sflag:$0x2] =	stream.linear.gather @!p0 [hbm4b:s16+s7], $0x100, $0x38;
	[tilespmem:$0x1CF00] =	vst v63  }
0x139: {  	s17 =	simm.s32 $0x8  }
0x13a: {  	_ =	swait.ge [sflag:s17], $0x100  }
0x13b: {  	[sflag:s17] =	ssyncset.done $0x0  }
0x13c: {  	[sflag:s17] =	ssyncadd.s32 $0xFFFFFF00  }
0x13d: {  	_ =	swait.ge [sflag:s26], $0x4000  }
0x13e: {  	[sflag:s26] =	ssyncset.done $0x0  }
0x13f: {  	[sflag:s26] =	ssyncadd.s32 $0xFFFFC000  }
0x140: {  	[tilespmem:s12], [sflag:$0x9] =	stream.indirect.gather [hbm4b:s6+s25], $0x80, s5, s25, $0xb8;
	[tilespmem:$0x1CF00] =	vst v63  }
0x141: {  	_ =	swait.ge [sflag:s28], $0x4000  }
0x142: {  	[sflag:s28] =	ssyncset.done $0x0  }
0x143: {  	[sflag:s28] =	ssyncadd.s32 $0xFFFFC000  }
0x144: {  	[spmem:s4] =	stream.indirect.scatter.add.f32 [tilespmem:s3], [sflag:$0xC], $0x80, s11, s25, $0xb8;
	[tilespmem:$0x1CF00] =	vst v63  }
0x145: {  	_ =	swait.ge [sflag:s29], $0x80  }
0x146: {  	[sflag:s29] =	ssyncset.done $0x0  }
0x147: {  	s0 =	simm.s32 $0x8880;
	s31 =	simm.s32 $0x14;
	[sflag:s29] =	ssyncadd.s32 $0xFFFFFF80  }
0x148: {  	[spmem:s13] =	stream.indirect.scatter.add.f32 [tilespmem:s0], [sflag:$0x12], $0x1, s23, s25, $0xb8;
	[tilespmem:$0x1CF00] =	vst v63  }
0x149: {  	_ =	swait.ge [sflag:s31], $0x80  }
0x14a: {  	[sflag:s31] =	ssyncset.done $0x0  }
0x14b: {  	s11 =	simm.s32 $0x780;
	s16 =	rddreg [dreg:$0xf];
	[sflag:s31] =	ssyncadd.s32 $0xFFFFFF80  }
0x14c: {  	[tilespmem:s2], [sflag:$0x10] =	stream.indirect.gather [hbm4b:s20+s25], $0x1, s11, s25, $0xb8;
	[tilespmem:$0x1CF00] =	vst v63  }
0x14d: {  	s17 =	simm.s32 @!p0 $0x200;
	s16 =	sadd.s32 @!p0 s9, s16  }
0x14e: {  	[tilespmem:s17], [sflag:$0x3] =	stream.linear.gather @!p0 [hbm4b:s16+s7], $0x100, $0x38;
	[tilespmem:$0x1CF00] =	vst v63  }
0x14f: {  	s16 =	simm.s32 @!p0 $0x1  }
0x150: {  	_ =	swait.ge @!p0 [sflag:s16], $0x100  }
0x151: {  	[sflag:s16] =	ssyncset.done @!p0 $0x0  }
0x152: {  	[sflag:s16] =	ssyncadd.s32 @!p0 $0xFFFFFF00  }
0x153: {  	_ =	swait.ge [sflag:s18], $0x4000  }
0x154: {  	[sflag:s18] =	ssyncset.done $0x0  }
0x155: {  	[sflag:s18] =	ssyncadd.s32 $0xFFFFC000  }
0x156: {  	[tilespmem:s3], [sflag:$0xA] =	stream.indirect.gather [hbm4b:s6+s25], $0x80, s8, s25, $0xb8;
	[tilespmem:$0x1CF00] =	vst v63  }
0x157: {  	_ =	swait.ge [sflag:s19], $0x4000  }
0x158: {  	[sflag:s19] =	ssyncset.done $0x0  }
0x159: {  	[sflag:s19] =	ssyncadd.s32 $0xFFFFC000  }
0x15a: {  	[spmem:s4] =	stream.indirect.scatter.add.f32 [tilespmem:s12], [sflag:$0xB], $0x80, s30, s25, $0xb8;
	[tilespmem:$0x1CF00] =	vst v63  }
0x15b: {  	_ =	swait.ge [sflag:s21], $0x80  }
0x15c: {  	[sflag:s21] =	ssyncset.done $0x0  }
0x15d: {  	[sflag:s21] =	ssyncadd.s32 $0xFFFFFF80  }
0x15e: {  	[spmem:s13] =	stream.indirect.scatter.add.f32 [tilespmem:s15], [sflag:$0x13], $0x1, s5, s25, $0xb8;
	[tilespmem:$0x1CF00] =	vst v63  }
0x15f: {  	_ =	swait.ge [sflag:s14], $0x80  }
0x160: {  	[sflag:s14] =	ssyncset.done $0x0  }
0x161: {  	s17 =	simm.s32 @!p0 $0x8800;
	s16 =	simm.s32 @!p0 $0x80;
	[sflag:s14] =	ssyncadd.s32 $0xFFFFFF80  }
0x162: {  	[tilespmem:s17], [sflag:$0xD] =	stream.indirect.gather @!p0 [hbm4b:s20+s16], $0x1, s16, s16, $0xb8;
	[tilespmem:$0x1CF00] =	vst v63  }
0x163: {  	s17 =	rddreg [dreg:$0xe]  }
0x164: {  	s31 =	simm.s32 @!p0 $0x300;
	s17 =	sadd.s32 @!p0 s9, s17  }
0x165: {  	[tilespmem:s31], [sflag:$0x4] =	stream.linear.gather @!p0 [hbm4b:s17+s7], $0x100, $0x38;
	[tilespmem:$0x1CF00] =	vst v63  }
0x166: {  	s17 =	simm.s32 @!p0 $0x2  }
0x167: {  	_ =	swait.ge @!p0 [sflag:s17], $0x100  }
0x168: {  	[sflag:s17] =	ssyncset.done @!p0 $0x0  }
0x169: {  	[sflag:s17] =	ssyncadd.s32 @!p0 $0xFFFFFF00;
	s17 =	simm.s32 @!p0 $0xB  }
0x16a: {  	_ =	swait.ge @!p0 [sflag:s17], $0x4000  }
0x16b: {  	[sflag:s17] =	ssyncset.done @!p0 $0x0  }
0x16c: {  	[sflag:s17] =	ssyncadd.s32 @!p0 $0xFFFFC000;
	s17 =	simm.s32 @!p0 $0x800  }
0x16d: {  	[tilespmem:s17], [sflag:$0x9] =	stream.indirect.gather @!p0 [hbm4b:s6+s16], $0x80, s7, s16, $0xb8;
	[tilespmem:$0x1CF00] =	vst v63  }
0x16e: {  	_ =	swait.ge [sflag:s28], $0x4000  }
0x16f: {  	[sflag:s28] =	ssyncset.done $0x0  }
0x170: {  	[sflag:s28] =	ssyncadd.s32 $0xFFFFC000  }
0x171: {  	[spmem:s4] =	stream.indirect.scatter.add.f32 [tilespmem:s3], [sflag:$0xC], $0x80, s11, s25, $0xb8;
	[tilespmem:$0x1CF00] =	vst v63  }
0x172: {  	_ =	swait.ge [sflag:s24], $0x80  }
0x173: {  	[sflag:s24] =	ssyncset.done $0x0  }
.Ltmp3:
0x174: {  	[sflag:s24] =	ssyncadd.s32 $0xFFFFFF80;
	(pc) =	sbr.rel @p0 .LBB2_6-.Ltmp3, $4  }
0x175: {  	[spmem:s13] =	stream.indirect.scatter.add.f32 [tilespmem:s2], [sflag:$0x14], $0x1, s8, s25, $0xb8;
	[tilespmem:$0x1CF00] =	vst v63  }
0x176: {  	_ =	swait.ge [sflag:s1], $0x80  }
0x177: {  	[sflag:s1] =	ssyncset.done $0x0  }
0x178: {  	s10 =	simm.s32 $0x180;
	s22 =	simm.s32 $0x8800;
	[sflag:s1] =	ssyncadd.s32 $0xFFFFFF80  }
.Ltmp4:
0x179: {  	(pc) =	sbr.rel .LBB2_4-.Ltmp4, $3  }
0x17a: {  	_ =	sdelay $0x1  }
0x17b: {  	[tilespmem:s0], [sflag:$0xE] =	stream.indirect.gather [hbm4b:s20+s25], $0x1, s10, s25, $0xb8;
	[tilespmem:$0x1CF00] =	vst v63  }
0x17c: {  	s9 =	sadd.s32 $0x100, s9;
	s10 =	simm.s32 $0x180  }
.LBB2_7:
0x17d: {  	_ =	sfence.sel $0x180000  }
0x17e: {  	[bflag:$0x0] =	sbarrier.arrive $0xFFFF  }
0x17f: {  	_ =	strace $0x9000004A  }
0x180: {  	s0 =	stileid.u32;
	[bflag:$0x2] =	sbarrier.arrive $0xFFFF  }
0x181: {  	p0 =	sne.s32 s0, $0x0;
	s0 =	rddreg [dreg:$0x5]  }
0x182: {  	s0 =	sadd.s32 @!p0 $0x100000, s0  }
0x183: {  	[sflag:s0] =	ssyncadd.tile.s32 @!p0 $0x1;
	_ =	shalt  }
.Lfunc_end2:
_tile_overlayer_lowered:
.L_overlay_start_2:
0x184: {  	(tag) =	ssettag $0x2  }
0x185: {  	s0 =	rddreg [dreg:$0x0];
	s2 =	stileid.u32  }
0x186: {  	s1 =	rddreg [dreg:$0x1];
	p0 =	sne.s32 s2, $0x0  }
0x187: {  	s3 =	rddreg [dreg:$0x2];
	[bflag:$0x3] =	sbarrier.arrive $0xFFFF;
	s2 =	simm.s32 @!p0 $0x1C15  }
0x188: {  	[timem:s3], [sflag:s2] =	dma.local @!p0 [hbm:s0], s1  }
0x189: {  	s0 =	simm.s32 @!p0 $0x15  }
0x18a: {  	_ =	swait.ge @!p0 [sflag:s0], s1  }
0x18b: {  	s1 =	ssub.s32 @!p0 $0x0, s1;
	[sflag:s0] =	ssyncset.done @!p0 $0x0  }
0x18c: {  	[sflag:s0] =	ssyncadd.s32 @!p0 s1  }
0x18d: {  	[bflag:$0x3] =	sbarrier.arrive $0xFFFF  }
0x18e: {  	_ =	shalt  }

</sc_bundles>
